<compile_context>
chip_gen: v7x
topology: tpu7x:2x2x1
jax: 0.10.2.dev20260603
libtpu: 0.0.44.dev20260713+nightly
codegen_flags: <defaults>
</compile_context>

<pallas_src>
import functools

import jax
import jax.numpy as jnp
from jax import lax
from jax.experimental import pallas as pl
from jax.experimental.pallas import tpu as pltpu
from jax.experimental.pallas import tpu_sc as plsc

N = 10000
E = 320000
NFEAT = 128
NHID = 32
NCLASS = 16
BATCH = 1024

NPAD = 10240
DUMMY = N
NC = 2
NS = 16
NW = NC * NS
CHUNK = 128
CPW = 80
CPWI = 84
EPW = CPW * CHUNK
EPAD = EPW * NW
RPT = NPAD // NS


def _mesh():
    return plsc.VectorSubcoreMesh(
        core_axis_name="c", subcore_axis_name="s", num_cores=NC, num_subcores=NS
    )


def _zero_rows(ref, nrows, width):
    z = jnp.zeros((16,), jnp.float32)

    def body(i, _):
        for h in range(width // 16):
            ref[i, pl.ds(16 * h, 16)] = z
        return 0

    lax.fori_loop(0, nrows, body, 0)


def _zero_flat(ref, nwords):
    z = jnp.zeros((16,), jnp.float32)

    def body(i, _):
        ref[pl.ds(16 * i, 16)] = z
        return 0

    lax.fori_loop(0, nwords // 16, body, 0)


def _deg_body(idx_hbm, out_hbm, d0, d1, d2, d3, idx_v, ones_v, zero_v,
              s0, s1, s2, s3):
    c = lax.axis_index("c")
    s = lax.axis_index("s")
    wid = c * NS + s
    degs = [d0, d1, d2, d3]
    sems = [s0, s1, s2, s3]

    for h in range(CHUNK // 16):
        ones_v[pl.ds(16 * h, 16)] = jnp.ones((16,), jnp.float32)
    _zero_flat(zero_v, RPT)
    for k in range(4):
        pltpu.sync_copy(zero_v, degs[k].at[pl.ds(s * RPT, RPT)])
    plsc.subcore_barrier()

    for k in range(4):
        pltpu.sync_copy(idx_hbm.at[k, wid], idx_v)
        for b in range(4):
            pltpu.async_copy(ones_v, degs[k].at[idx_v.at[b]], sems[b], add=True)

        def body(i, _, k=k):
            for b in range(4):
                j = 4 * i + b
                pltpu.make_async_copy(
                    ones_v, degs[k].at[idx_v.at[j - 4]], sems[b]
                ).wait()
                pltpu.async_copy(ones_v, degs[k].at[idx_v.at[j]], sems[b],
                                 add=True)
            return 0

        lax.fori_loop(1, CPW // 4, body, 0)
        for b in range(4):
            pltpu.make_async_copy(ones_v, degs[k].at[idx_v.at[b]], sems[b]).wait()
    plsc.subcore_barrier()

    for k in range(4):
        pltpu.sync_copy(
            degs[k].at[pl.ds(s * RPT, RPT)], out_hbm.at[c, k, pl.ds(s * RPT, RPT)]
        )


def _deg_call(idx_all):
    f = pl.kernel(
        _deg_body,
        out_type=jax.ShapeDtypeStruct((NC, 4, NPAD), jnp.float32),
        mesh=_mesh(),
        scratch_types=[
            pltpu.VMEM_SHARED((NPAD,), jnp.float32),
            pltpu.VMEM_SHARED((NPAD,), jnp.float32),
            pltpu.VMEM_SHARED((NPAD,), jnp.float32),
            pltpu.VMEM_SHARED((NPAD,), jnp.float32),
            pltpu.VMEM((CPWI, CHUNK), jnp.int32),
            pltpu.VMEM((CHUNK,), jnp.float32),
            pltpu.VMEM((RPT,), jnp.float32),
            pltpu.SemaphoreType.DMA,
            pltpu.SemaphoreType.DMA,
            pltpu.SemaphoreType.DMA,
            pltpu.SemaphoreType.DMA,
        ],
        name="gcn_degrees_sc",
        compiler_params=pltpu.CompilerParams(use_tc_tiling_on_sc=False),
    )
    return f(idx_all)


def _msg_body(D, g, idx_hbm, table_hbm, out_hbm, agg, tbl_sh, src_v, dst_v,
              r0, r1, zero_v, gs0, gs1):
    c = lax.axis_index("c")
    s = lax.axis_index("s")
    wid = c * NS + s

    _zero_rows(zero_v, RPT, D)
    pltpu.sync_copy(
        table_hbm.at[g, pl.ds(s * RPT, RPT)], tbl_sh.at[pl.ds(s * RPT, RPT)]
    )
    pltpu.sync_copy(zero_v, agg.at[pl.ds(s * RPT, RPT)])
    pltpu.sync_copy(idx_hbm.at[2 * g, wid], src_v)
    pltpu.sync_copy(idx_hbm.at[2 * g + 1, wid], dst_v)
    plsc.subcore_barrier()

    hdum = table_hbm.at[g, pl.ds(0, CHUNK)]
    pltpu.async_copy(tbl_sh.at[src_v.at[0]], r0, gs0)
    pltpu.async_copy(tbl_sh.at[src_v.at[1]], r1, gs1)

    def body(i, _):
        j0 = 2 * i
        pltpu.make_async_copy(hdum, r0, gs0).wait()
        pltpu.sync_copy(r0, agg.at[dst_v.at[j0]], add=True)
        pltpu.async_copy(tbl_sh.at[src_v.at[j0 + 2]], r0, gs0)
        pltpu.make_async_copy(hdum, r1, gs1).wait()
        pltpu.sync_copy(r1, agg.at[dst_v.at[j0 + 1]], add=True)
        pltpu.async_copy(tbl_sh.at[src_v.at[j0 + 3]], r1, gs1)
        return 0

    lax.fori_loop(0, CPW // 2, body, 0)
    pltpu.make_async_copy(hdum, r0, gs0).wait()
    pltpu.make_async_copy(hdum, r1, gs1).wait()
    plsc.subcore_barrier()

    pltpu.sync_copy(
        agg.at[pl.ds(s * RPT, RPT)], out_hbm.at[c, pl.ds(s * RPT, RPT)]
    )


def _msg_call(idx_all, table, D, g, tag):
    f = pl.kernel(
        functools.partial(_msg_body, D, g),
        out_type=jax.ShapeDtypeStruct((NC, NPAD, D), jnp.float32),
        mesh=_mesh(),
        scratch_types=[
            pltpu.VMEM_SHARED((NPAD, D), jnp.float32),
            pltpu.VMEM_SHARED((NPAD, D), jnp.float32),
            pltpu.VMEM((CPWI, CHUNK), jnp.int32),
            pltpu.VMEM((CPWI, CHUNK), jnp.int32),
            pltpu.VMEM((CHUNK, D), jnp.float32),
            pltpu.VMEM((CHUNK, D), jnp.float32),
            pltpu.VMEM((RPT, D), jnp.float32),
            pltpu.SemaphoreType.DMA,
            pltpu.SemaphoreType.DMA,
        ],
        name=f"gcn_msgpass_{tag}_sc",
        compiler_params=pltpu.CompilerParams(use_tc_tiling_on_sc=False),
    )
    return f(idx_all, table)


def _h1_body(sux, sox, w1, h1_out):
    h1_out[0] = jnp.dot(sux[...], w1[...], preferred_element_type=jnp.float32)
    h1_out[1] = jnp.dot(sox[...], w1[...], preferred_element_type=jnp.float32)


def _h1_call(sux_pad, sox_pad, w1):
    return pl.pallas_call(
        _h1_body,
        out_shape=jax.ShapeDtypeStruct((2, NPAD, NHID), jnp.float32),
        name="gcn_h1_tc",
    )(sux_pad, sox_pad, w1)


def _scale1_body(h1, degp, table_out, norms_out):
    deg = degp[0] + degp[1]
    norms = jnp.where(deg > 0.0, lax.rsqrt(jnp.maximum(deg, 1e-30)), 0.0)
    norms_out[...] = norms
    table_out[0] = h1[0] * norms[0][:, None]
    table_out[1] = h1[1] * norms[2][:, None]


def _scale1_call(h1, deg_partials):
    return pl.pallas_call(
        _scale1_body,
        out_shape=(
            jax.ShapeDtypeStruct((2, NPAD, NHID), jnp.float32),
            jax.ShapeDtypeStruct((4, NPAD), jnp.float32),
        ),
        name="gcn_scale1_tc",
    )(h1, deg_partials)


def _projB_body(g, agg1, norms, b1, w2, f1_out, table2_out):
    agg = agg1[0] + agg1[1]
    f1 = jnp.maximum(agg * norms[2 * g + 1][:, None] + b1[...][None, :], 0.0)
    f1_out[...] = f1
    h2 = jnp.dot(f1, w2[...], preferred_element_type=jnp.float32)
    table2_out[g] = h2 * norms[2 * g][:, None]
    table2_out[1 - g] = jnp.zeros((NPAD, NCLASS), jnp.float32)


def _projB_call(agg1, norms, b1, w2, g, tag):
    return pl.pallas_call(
        functools.partial(_projB_body, g),
        out_shape=(
            jax.ShapeDtypeStruct((NPAD, NHID), jnp.float32),
            jax.ShapeDtypeStruct((2, NPAD, NCLASS), jnp.float32),
        ),
        name=f"gcn_proj2_{tag}_tc",
    )(agg1, norms, b1, w2)


NB = 2048


def _fin2_body(f1_su, f1_so, agg2_su, agg2_so, norms, b2, cat_out):
    b2v = b2[...]
    f_su = (agg2_su[0] + agg2_su[1]) * norms[1][:, None] + b2v[None, :]
    f_so = (agg2_so[0] + agg2_so[1]) * norms[3][:, None] + b2v[None, :]
    cat_out[0] = jnp.concatenate([f1_su[...], f_su], axis=1)
    cat_out[1] = jnp.concatenate([f1_so[...], f_so], axis=1)


def _fin2_call(f1_su, f1_so, agg2_su, agg2_so, norms, b2):
    in_specs = [
        pl.BlockSpec((NB, NHID), lambda k: (k, 0)),
        pl.BlockSpec((NB, NHID), lambda k: (k, 0)),
        pl.BlockSpec((NC, NB, NCLASS), lambda k: (0, k, 0)),
        pl.BlockSpec((NC, NB, NCLASS), lambda k: (0, k, 0)),
        pl.BlockSpec((4, NB), lambda k: (0, k)),
        pl.BlockSpec((NCLASS,), lambda k: (0,)),
    ]
    return pl.pallas_call(
        _fin2_body,
        grid=(NPAD // NB,),
        in_specs=in_specs,
        out_specs=pl.BlockSpec((2, NB, NHID + NCLASS), lambda k: (0, k, 0)),
        out_shape=jax.ShapeDtypeStruct((2, NPAD, NHID + NCLASS), jnp.float32),
        name="gcn_finish2_tc",
    )(f1_su, f1_so, agg2_su, agg2_so, norms, b2)


MB = 128


def _pool_body(l_suT, l_soT, cat, fc1w, fc1b, fc2w, fc2b, fc3w, fc3b, out):
    dn = (((0,), (0,)), ((), ()))
    p_su = lax.dot_general(l_suT[...], cat[0, :N], dn,
                           preferred_element_type=jnp.float32)
    p_so = lax.dot_general(l_soT[...], cat[1, :N], dn,
                           preferred_element_type=jnp.float32)
    data = jnp.concatenate([p_su, p_so], axis=1)
    d1 = jnp.maximum(jnp.dot(data, fc1w[...], preferred_element_type=jnp.float32)
                     + fc1b[...][None, :], 0.0)
    d2 = jnp.maximum(jnp.dot(d1, fc2w[...], preferred_element_type=jnp.float32)
                     + fc2b[...][None, :], 0.0)
    out[...] = jnp.dot(d2, fc3w[...], preferred_element_type=jnp.float32) \
        + fc3b[...][None, :]


def _pool_call(l_suT, l_soT, cat, fcs):
    in_specs = [
        pl.BlockSpec((N, MB), lambda k: (0, k)),
        pl.BlockSpec((N, MB), lambda k: (0, k)),
        pl.BlockSpec((2, NPAD, NHID + NCLASS), lambda k: (0, 0, 0)),
        pl.BlockSpec((96, 64), lambda k: (0, 0)),
        pl.BlockSpec((64,), lambda k: (0,)),
        pl.BlockSpec((64, 16), lambda k: (0, 0)),
        pl.BlockSpec((16,), lambda k: (0,)),
        pl.BlockSpec((16, 1), lambda k: (0, 0)),
        pl.BlockSpec((1,), lambda k: (0,)),
    ]
    return pl.pallas_call(
        _pool_body,
        grid=(BATCH // MB,),
        in_specs=in_specs,
        out_specs=pl.BlockSpec((MB, 1), lambda k: (k, 0)),
        out_shape=jax.ShapeDtypeStruct((BATCH, 1), jnp.float32),
        name="gcn_pool_mlp_tc",
    )(l_suT, l_soT, cat, *fcs)


def _prep_idx(edge_index):
    pad = jnp.full((2, EPAD - E), DUMMY, jnp.int32)
    idx = jnp.concatenate([edge_index.astype(jnp.int32), pad], axis=1)
    idx = idx.reshape(2, NW, CPW, CHUNK)
    look = jnp.full((2, NW, CPWI - CPW, CHUNK), DUMMY, jnp.int32)
    return jnp.concatenate([idx, look], axis=2)


def kernel(solute_x, solute_edge_index, solvent_x, solvent_edge_index,
           solute_len_matrix, solvent_len_matrix, W1, b1, W2, b2,
           fc1_W, fc1_b, fc2_W, fc2_b, fc3_W, fc3_b):
    idx_all = jnp.concatenate(
        [_prep_idx(solute_edge_index), _prep_idx(solvent_edge_index)], axis=0
    )
    sux = jnp.pad(solute_x, ((0, NPAD - N), (0, 0)))
    sox = jnp.pad(solvent_x, ((0, NPAD - N), (0, 0)))

    deg_partials = _deg_call(idx_all)
    h1 = _h1_call(sux, sox, W1)
    table1, norms = _scale1_call(h1, deg_partials)

    agg1_su = _msg_call(idx_all, table1, NHID, 0, "l1su")
    f1_su, table2_su = _projB_call(agg1_su, norms, b1, W2, 0, "su")
    agg1_so = _msg_call(idx_all, table1, NHID, 1, "l1so")
    f1_so, table2_so = _projB_call(agg1_so, norms, b1, W2, 1, "so")

    agg2_su = _msg_call(idx_all, table2_su, NCLASS, 0, "l2su")
    agg2_so = _msg_call(idx_all, table2_so, NCLASS, 1, "l2so")

    cat = _fin2_call(f1_su, f1_so, agg2_su, agg2_so, norms, b2)
    fcs = (fc1_W, fc1_b, fc2_W, fc2_b, fc3_W, fc3_b)
    return _pool_call(solute_len_matrix.T, solvent_len_matrix.T, cat, fcs)

# --- scband reference (transcript-rebuilt; emitter-appended) ---
"""Pipeline reference for scband-my-new-gcn-25890062860848 (READ-ONLY COPY).

The authoritative reference and input builder live on the scoring server;
editing this copy changes nothing except your own understanding.
"""

import jax, jax.numpy as jnp
import numpy as np

N_NODES = 10000
N_EDGES = 320000
NFEAT = 128
NHID = 32
NCLASS = 16
BATCH = 1024


def graph_conv(x, edge_index, W, b):
    # DGL GraphConv with norm='both': h = D_in^{-1/2} A (D_out^{-1/2} (X W)) + b
    N = x.shape[0]
    src = edge_index[0]
    dst = edge_index[1]
    ones = jnp.ones((src.shape[0],), dtype=x.dtype)
    deg_out = jnp.zeros((N,), dtype=x.dtype).at[src].add(ones)
    deg_in = jnp.zeros((N,), dtype=x.dtype).at[dst].add(ones)
    norm_src = jnp.where(deg_out > 0, deg_out ** -0.5, 0.0)
    norm_dst = jnp.where(deg_in > 0, deg_in ** -0.5, 0.0)
    h = x @ W
    h = h * norm_src[:, None]
    msgs = h[src]
    agg = jnp.zeros((N, h.shape[1]), dtype=h.dtype).at[dst].add(msgs)
    agg = agg * norm_dst[:, None]
    return agg + b


def setup_inputs(seed: int = 0) -> dict:
    key = jax.random.key(seed)
    ks = jax.random.split(key, 20)
    inp = {}
    inp['solute_x'] = jax.random.normal(ks[0], (N_NODES, NFEAT), dtype=jnp.float32)
    inp['solute_edge_index'] = jax.random.randint(ks[1], (2, N_EDGES), 0, N_NODES, dtype=jnp.int64 if jax.config.jax_enable_x64 else jnp.int32).astype(jnp.int32)
    inp['solvent_x'] = jax.random.normal(ks[2], (N_NODES, NFEAT), dtype=jnp.float32)
    inp['solvent_edge_index'] = jax.random.randint(ks[3], (2, N_EDGES), 0, N_NODES, dtype=jnp.int32)
    inp['solute_len_matrix'] = jax.random.uniform(ks[4], (BATCH, N_NODES), dtype=jnp.float32)
    inp['solvent_len_matrix'] = jax.random.uniform(ks[5], (BATCH, N_NODES), dtype=jnp.float32)
    # GraphConv weights (gc1: nfeat->nhid, gc2: nhid->nclass), shared across solute/solvent as in torch code
    inp['W1'] = jax.random.normal(ks[6], (NFEAT, NHID), dtype=jnp.float32) * (1.0 / np.sqrt(NFEAT))
    inp['b1'] = jnp.zeros((NHID,), dtype=jnp.float32)
    inp['W2'] = jax.random.normal(ks[7], (NHID, NCLASS), dtype=jnp.float32) * (1.0 / np.sqrt(NHID))
    inp['b2'] = jnp.zeros((NCLASS,), dtype=jnp.float32)
    inp['fc1_W'] = jax.random.normal(ks[8], (96, 64), dtype=jnp.float32) * (1.0 / np.sqrt(96))
    inp['fc1_b'] = jnp.zeros((64,), dtype=jnp.float32)
    inp['fc2_W'] = jax.random.normal(ks[9], (64, 16), dtype=jnp.float32) * (1.0 / np.sqrt(64))
    inp['fc2_b'] = jnp.zeros((16,), dtype=jnp.float32)
    inp['fc3_W'] = jax.random.normal(ks[10], (16, 1), dtype=jnp.float32) * (1.0 / np.sqrt(16))
    inp['fc3_b'] = jnp.zeros((1,), dtype=jnp.float32)
    return inp


def reference(solute_x, solute_edge_index, solvent_x, solvent_edge_index, solute_len_matrix, solvent_len_matrix, W1, b1, W2, b2, fc1_W, fc1_b, fc2_W, fc2_b, fc3_W, fc3_b):
    solute_features1 = jax.nn.relu(graph_conv(solute_x, solute_edge_index, W1, b1))
    solute_features = graph_conv(solute_features1, solute_edge_index, W2, b2)
    solvent_features1 = jax.nn.relu(graph_conv(solvent_x, solvent_edge_index, W1, b1))
    solvent_features = graph_conv(solvent_features1, solvent_edge_index, W2, b2)
    solute_features1 = solute_len_matrix @ solute_features1
    solute_features = solute_len_matrix @ solute_features
    solvent_features1 = solvent_len_matrix @ solvent_features1
    solvent_features = solvent_len_matrix @ solvent_features
    solute_cat = jnp.concatenate([solute_features1, solute_features], axis=1)
    solvent_cat = jnp.concatenate([solvent_features1, solvent_features], axis=1)
    data = jnp.concatenate([solute_cat, solvent_cat], axis=1)
    data = jax.nn.relu(data @ fc1_W + fc1_b)
    data = jax.nn.relu(data @ fc2_W + fc2_b)
    data = data @ fc3_W + fc3_b
    return data

if __name__ == "__main__":
    import jax
    _d = setup_inputs()
    print(jax.jit(kernel)(*tuple(_d.values())))

</pallas_src>

<mosaic_0001>
#map = affine_map<(d0, d1) -> (0, 0, 0, 0)>
#map1 = affine_map<(d0, d1) -> (0, 0, 0)>
module attributes {stable_mosaic.version = 14 : i64} {
  func.func @gcn_degrees_sc(%arg0: i32, %arg1: i32, %arg2: memref<4x32x84x128xi32, #tpu.memory_space<hbm>>, %arg3: memref<2x4x10240xf32, #tpu.memory_space<hbm>>, %arg4: memref<10240xf32, #tpu.memory_space<vmem_shared>>, %arg5: memref<10240xf32, #tpu.memory_space<vmem_shared>>, %arg6: memref<10240xf32, #tpu.memory_space<vmem_shared>>, %arg7: memref<10240xf32, #tpu.memory_space<vmem_shared>>, %arg8: memref<84x128xi32, #tpu.memory_space<vmem>>, %arg9: memref<128xf32, #tpu.memory_space<vmem>>, %arg10: memref<640xf32, #tpu.memory_space<vmem>>, %arg11: memref<!tpu.dma_semaphore, #tpu.memory_space<semaphore_mem>>, %arg12: memref<!tpu.dma_semaphore, #tpu.memory_space<semaphore_mem>>, %arg13: memref<!tpu.dma_semaphore, #tpu.memory_space<semaphore_mem>>, %arg14: memref<!tpu.dma_semaphore, #tpu.memory_space<semaphore_mem>>) attributes {dimension_semantics = [#tpu.dimension_semantics<core_parallel>, #tpu.dimension_semantics<subcore_parallel>], iteration_bounds = array<i64: 2, 16>, scalar_prefetch = 0 : i64, scratch_operands = 11 : i64, tpu.core_type = #tpu.core_type<sc_vector_subcore>, window_params = [{transform_indices = #map}, {transform_indices = #map1}]} {
    %mul3A = arith.constant 16 : i32
    %mul3A_0 = arith.muli %arg0, %mul3A : i32
    %add3A = arith.addi %mul3A_0, %arg1 : i32
    %broadcast_in_dim3A = arith.constant 1.000000e+00 : f32
    %broadcast_in_dim3A_1 = vector.broadcast %broadcast_in_dim3A : f32 to vector<16xf32>
    %swap3A = arith.constant 0 : index
    %swap3A_2 = tpu.vector_load %arg9[%swap3A] {strides = array<i32>} : memref<128xf32, #tpu.memory_space<vmem>>, vector<16xf32>,
    %swap3A_3 = vector.shape_cast %swap3A_2 : vector<16xf32> to vector<16xf32>
    %swap3A_4 = vector.shape_cast %broadcast_in_dim3A_1 : vector<16xf32> to vector<16xf32>
    tpu.vector_store %arg9[%swap3A], %swap3A_4 {strides = array<i32>} : memref<128xf32, #tpu.memory_space<vmem>>, vector<16xf32>,
    %broadcast_in_dim3A_5 = arith.constant 1.000000e+00 : f32
    %broadcast_in_dim3A_6 = vector.broadcast %broadcast_in_dim3A_5 : f32 to vector<16xf32>
    %swap3A_7 = arith.constant 16 : index
    %swap3A_8 = tpu.vector_load %arg9[%swap3A_7] {strides = array<i32>} : memref<128xf32, #tpu.memory_space<vmem>>, vector<16xf32>,
    %swap3A_9 = vector.shape_cast %swap3A_8 : vector<16xf32> to vector<16xf32>
    %swap3A_10 = vector.shape_cast %broadcast_in_dim3A_6 : vector<16xf32> to vector<16xf32>
    tpu.vector_store %arg9[%swap3A_7], %swap3A_10 {strides = array<i32>} : memref<128xf32, #tpu.memory_space<vmem>>, vector<16xf32>,
    %broadcast_in_dim3A_11 = arith.constant 1.000000e+00 : f32
    %broadcast_in_dim3A_12 = vector.broadcast %broadcast_in_dim3A_11 : f32 to vector<16xf32>
    %swap3A_13 = arith.constant 32 : index
    %swap3A_14 = tpu.vector_load %arg9[%swap3A_13] {strides = array<i32>} : memref<128xf32, #tpu.memory_space<vmem>>, vector<16xf32>,
    %swap3A_15 = vector.shape_cast %swap3A_14 : vector<16xf32> to vector<16xf32>
    %swap3A_16 = vector.shape_cast %broadcast_in_dim3A_12 : vector<16xf32> to vector<16xf32>
    tpu.vector_store %arg9[%swap3A_13], %swap3A_16 {strides = array<i32>} : memref<128xf32, #tpu.memory_space<vmem>>, vector<16xf32>,
    %broadcast_in_dim3A_17 = arith.constant 1.000000e+00 : f32
    %broadcast_in_dim3A_18 = vector.broadcast %broadcast_in_dim3A_17 : f32 to vector<16xf32>
    %swap3A_19 = arith.constant 48 : index
    %swap3A_20 = tpu.vector_load %arg9[%swap3A_19] {strides = array<i32>} : memref<128xf32, #tpu.memory_space<vmem>>, vector<16xf32>,
    %swap3A_21 = vector.shape_cast %swap3A_20 : vector<16xf32> to vector<16xf32>
    %swap3A_22 = vector.shape_cast %broadcast_in_dim3A_18 : vector<16xf32> to vector<16xf32>
    tpu.vector_store %arg9[%swap3A_19], %swap3A_22 {strides = array<i32>} : memref<128xf32, #tpu.memory_space<vmem>>, vector<16xf32>,
    %broadcast_in_dim3A_23 = arith.constant 1.000000e+00 : f32
    %broadcast_in_dim3A_24 = vector.broadcast %broadcast_in_dim3A_23 : f32 to vector<16xf32>
    %swap3A_25 = arith.constant 64 : index
    %swap3A_26 = tpu.vector_load %arg9[%swap3A_25] {strides = array<i32>} : memref<128xf32, #tpu.memory_space<vmem>>, vector<16xf32>,
    %swap3A_27 = vector.shape_cast %swap3A_26 : vector<16xf32> to vector<16xf32>
    %swap3A_28 = vector.shape_cast %broadcast_in_dim3A_24 : vector<16xf32> to vector<16xf32>
    tpu.vector_store %arg9[%swap3A_25], %swap3A_28 {strides = array<i32>} : memref<128xf32, #tpu.memory_space<vmem>>, vector<16xf32>,
    %broadcast_in_dim3A_29 = arith.constant 1.000000e+00 : f32
    %broadcast_in_dim3A_30 = vector.broadcast %broadcast_in_dim3A_29 : f32 to vector<16xf32>
    %swap3A_31 = arith.constant 80 : index
    %swap3A_32 = tpu.vector_load %arg9[%swap3A_31] {strides = array<i32>} : memref<128xf32, #tpu.memory_space<vmem>>, vector<16xf32>,
    %swap3A_33 = vector.shape_cast %swap3A_32 : vector<16xf32> to vector<16xf32>
    %swap3A_34 = vector.shape_cast %broadcast_in_dim3A_30 : vector<16xf32> to vector<16xf32>
    tpu.vector_store %arg9[%swap3A_31], %swap3A_34 {strides = array<i32>} : memref<128xf32, #tpu.memory_space<vmem>>, vector<16xf32>,
    %broadcast_in_dim3A_35 = arith.constant 1.000000e+00 : f32
    %broadcast_in_dim3A_36 = vector.broadcast %broadcast_in_dim3A_35 : f32 to vector<16xf32>
    %swap3A_37 = arith.constant 96 : index
    %swap3A_38 = tpu.vector_load %arg9[%swap3A_37] {strides = array<i32>} : memref<128xf32, #tpu.memory_space<vmem>>, vector<16xf32>,
    %swap3A_39 = vector.shape_cast %swap3A_38 : vector<16xf32> to vector<16xf32>
    %swap3A_40 = vector.shape_cast %broadcast_in_dim3A_36 : vector<16xf32> to vector<16xf32>
    tpu.vector_store %arg9[%swap3A_37], %swap3A_40 {strides = array<i32>} : memref<128xf32, #tpu.memory_space<vmem>>, vector<16xf32>,
    %broadcast_in_dim3A_41 = arith.constant 1.000000e+00 : f32
    %broadcast_in_dim3A_42 = vector.broadcast %broadcast_in_dim3A_41 : f32 to vector<16xf32>
    %swap3A_43 = arith.constant 112 : index
    %swap3A_44 = tpu.vector_load %arg9[%swap3A_43] {strides = array<i32>} : memref<128xf32, #tpu.memory_space<vmem>>, vector<16xf32>,
    %swap3A_45 = vector.shape_cast %swap3A_44 : vector<16xf32> to vector<16xf32>
    %swap3A_46 = vector.shape_cast %broadcast_in_dim3A_42 : vector<16xf32> to vector<16xf32>
    tpu.vector_store %arg9[%swap3A_43], %swap3A_46 {strides = array<i32>} : memref<128xf32, #tpu.memory_space<vmem>>, vector<16xf32>,
    %broadcast_in_dim3A_47 = arith.constant 0.000000e+00 : f32
    %broadcast_in_dim3A_48 = vector.broadcast %broadcast_in_dim3A_47 : f32 to vector<16xf32>
    %scan3A = arith.constant 0 : i32
    %scan3A_49 = arith.constant 0 : i32
    %scan3A_50 = arith.constant 40 : i32
    %scan3A_51 = arith.addi %scan3A_49, %scan3A_50 : i32
    %scan3A_52 = arith.constant 1 : i32
    %scan3A_53 = scf.for %scan3A_305 = %scan3A_49 to %scan3A_51 step %scan3A_52 iter_args(%scan3A_306 = %scan3A) -> (i32)  : i32 {
      %mul3A_307 = arith.constant 16 : i32
      %mul3A_308 = arith.muli %mul3A_307, %scan3A_305 : i32
      %swap3A_309 = arith.index_cast %mul3A_308 : i32 to index
      %swap3A_310 = tpu.vector_load %arg10[%swap3A_309] {strides = array<i32>} : memref<640xf32, #tpu.memory_space<vmem>>, vector<16xf32>,
      %swap3A_311 = vector.shape_cast %swap3A_310 : vector<16xf32> to vector<16xf32>
      %swap3A_312 = vector.shape_cast %broadcast_in_dim3A_48 : vector<16xf32> to vector<16xf32>
      tpu.vector_store %arg10[%swap3A_309], %swap3A_312 {strides = array<i32>} : memref<640xf32, #tpu.memory_space<vmem>>, vector<16xf32>,
      %scan3A_313 = arith.constant 0 : i32
      scf.yield %scan3A_313 : i32
    }
    %scan3A_54 = arith.constant 40 : i32
    %mul3A_55 = arith.constant 640 : i32
    %mul3A_56 = arith.muli %arg1, %mul3A_55 : i32
    "tpu.region"() ({
      %run_scoped3A_305 = tpu.sem_alloc : memref<!tpu.dma_semaphore, #tpu.memory_space<semaphore_mem>>
      %dma_start3A_306 = tpu.memref_slice %arg4[%mul3A_56] : memref<10240xf32, #tpu.memory_space<vmem_shared>> -> memref<640xf32, #tpu.memory_space<vmem_shared>>
      %dma_start3A_307 = tpu.memref_slice %arg4[%mul3A_56] : memref<10240xf32, #tpu.memory_space<vmem_shared>> -> memref<640xf32, #tpu.memory_space<vmem_shared>>
      tpu.enqueue_dma source(%arg10 : memref<640xf32, #tpu.memory_space<vmem>>) target(%dma_start3A_307 : memref<640xf32, #tpu.memory_space<vmem_shared>>) target_semaphore(%run_scoped3A_305 : memref<!tpu.dma_semaphore, #tpu.memory_space<semaphore_mem>>)
      %dma_wait3A_308 = tpu.memref_slice %arg4[%mul3A_56] : memref<10240xf32, #tpu.memory_space<vmem_shared>> -> memref<640xf32, #tpu.memory_space<vmem_shared>>
      %dma_wait3A_309 = tpu.memref_slice %arg4[%mul3A_56] : memref<10240xf32, #tpu.memory_space<vmem_shared>> -> memref<640xf32, #tpu.memory_space<vmem_shared>>
      tpu.wait_dma2 semaphore(%run_scoped3A_305 : memref<!tpu.dma_semaphore, #tpu.memory_space<semaphore_mem>>) src(%arg10 : memref<640xf32, #tpu.memory_space<vmem>>) dst(%dma_wait3A_309 : memref<640xf32, #tpu.memory_space<vmem_shared>>)
      tpu.yield
    }) : () -> ()
    %mul3A_57 = arith.constant 640 : i32
    %mul3A_58 = arith.muli %arg1, %mul3A_57 : i32
    "tpu.region"() ({
      %run_scoped3A_305 = tpu.sem_alloc : memref<!tpu.dma_semaphore, #tpu.memory_space<semaphore_mem>>
      %dma_start3A_306 = tpu.memref_slice %arg5[%mul3A_58] : memref<10240xf32, #tpu.memory_space<vmem_shared>> -> memref<640xf32, #tpu.memory_space<vmem_shared>>
      %dma_start3A_307 = tpu.memref_slice %arg5[%mul3A_58] : memref<10240xf32, #tpu.memory_space<vmem_shared>> -> memref<640xf32, #tpu.memory_space<vmem_shared>>
      tpu.enqueue_dma source(%arg10 : memref<640xf32, #tpu.memory_space<vmem>>) target(%dma_start3A_307 : memref<640xf32, #tpu.memory_space<vmem_shared>>) target_semaphore(%run_scoped3A_305 : memref<!tpu.dma_semaphore, #tpu.memory_space<semaphore_mem>>)
      %dma_wait3A_308 = tpu.memref_slice %arg5[%mul3A_58] : memref<10240xf32, #tpu.memory_space<vmem_shared>> -> memref<640xf32, #tpu.memory_space<vmem_shared>>
      %dma_wait3A_309 = tpu.memref_slice %arg5[%mul3A_58] : memref<10240xf32, #tpu.memory_space<vmem_shared>> -> memref<640xf32, #tpu.memory_space<vmem_shared>>
      tpu.wait_dma2 semaphore(%run_scoped3A_305 : memref<!tpu.dma_semaphore, #tpu.memory_space<semaphore_mem>>) src(%arg10 : memref<640xf32, #tpu.memory_space<vmem>>) dst(%dma_wait3A_309 : memref<640xf32, #tpu.memory_space<vmem_shared>>)
      tpu.yield
    }) : () -> ()
    %mul3A_59 = arith.constant 640 : i32
    %mul3A_60 = arith.muli %arg1, %mul3A_59 : i32
    "tpu.region"() ({
      %run_scoped3A_305 = tpu.sem_alloc : memref<!tpu.dma_semaphore, #tpu.memory_space<semaphore_mem>>
      %dma_start3A_306 = tpu.memref_slice %arg6[%mul3A_60] : memref<10240xf32, #tpu.memory_space<vmem_shared>> -> memref<640xf32, #tpu.memory_space<vmem_shared>>
      %dma_start3A_307 = tpu.memref_slice %arg6[%mul3A_60] : memref<10240xf32, #tpu.memory_space<vmem_shared>> -> memref<640xf32, #tpu.memory_space<vmem_shared>>
      tpu.enqueue_dma source(%arg10 : memref<640xf32, #tpu.memory_space<vmem>>) target(%dma_start3A_307 : memref<640xf32, #tpu.memory_space<vmem_shared>>) target_semaphore(%run_scoped3A_305 : memref<!tpu.dma_semaphore, #tpu.memory_space<semaphore_mem>>)
      %dma_wait3A_308 = tpu.memref_slice %arg6[%mul3A_60] : memref<10240xf32, #tpu.memory_space<vmem_shared>> -> memref<640xf32, #tpu.memory_space<vmem_shared>>
      %dma_wait3A_309 = tpu.memref_slice %arg6[%mul3A_60] : memref<10240xf32, #tpu.memory_space<vmem_shared>> -> memref<640xf32, #tpu.memory_space<vmem_shared>>
      tpu.wait_dma2 semaphore(%run_scoped3A_305 : memref<!tpu.dma_semaphore, #tpu.memory_space<semaphore_mem>>) src(%arg10 : memref<640xf32, #tpu.memory_space<vmem>>) dst(%dma_wait3A_309 : memref<640xf32, #tpu.memory_space<vmem_shared>>)
      tpu.yield
    }) : () -> ()
    %mul3A_61 = arith.constant 640 : i32
    %mul3A_62 = arith.muli %arg1, %mul3A_61 : i32
    "tpu.region"() ({
      %run_scoped3A_305 = tpu.sem_alloc : memref<!tpu.dma_semaphore, #tpu.memory_space<semaphore_mem>>
      %dma_start3A_306 = tpu.memref_slice %arg7[%mul3A_62] : memref<10240xf32, #tpu.memory_space<vmem_shared>> -> memref<640xf32, #tpu.memory_space<vmem_shared>>
      %dma_start3A_307 = tpu.memref_slice %arg7[%mul3A_62] : memref<10240xf32, #tpu.memory_space<vmem_shared>> -> memref<640xf32, #tpu.memory_space<vmem_shared>>
      tpu.enqueue_dma source(%arg10 : memref<640xf32, #tpu.memory_space<vmem>>) target(%dma_start3A_307 : memref<640xf32, #tpu.memory_space<vmem_shared>>) target_semaphore(%run_scoped3A_305 : memref<!tpu.dma_semaphore, #tpu.memory_space<semaphore_mem>>)
      %dma_wait3A_308 = tpu.memref_slice %arg7[%mul3A_62] : memref<10240xf32, #tpu.memory_space<vmem_shared>> -> memref<640xf32, #tpu.memory_space<vmem_shared>>
      %dma_wait3A_309 = tpu.memref_slice %arg7[%mul3A_62] : memref<10240xf32, #tpu.memory_space<vmem_shared>> -> memref<640xf32, #tpu.memory_space<vmem_shared>>
      tpu.wait_dma2 semaphore(%run_scoped3A_305 : memref<!tpu.dma_semaphore, #tpu.memory_space<semaphore_mem>>) src(%arg10 : memref<640xf32, #tpu.memory_space<vmem>>) dst(%dma_wait3A_309 : memref<640xf32, #tpu.memory_space<vmem_shared>>)
      tpu.yield
    }) : () -> ()
    %barrier3A = arith.constant 0 : index
    tpu.barrier barrier_id(%barrier3A)
    %run_scoped3A = arith.constant 0 : i32
    "tpu.region"() ({
      %run_scoped3A_305 = tpu.sem_alloc : memref<!tpu.dma_semaphore, #tpu.memory_space<semaphore_mem>>
      %dma_start3A_306 = arith.constant 0 : i32
      %dma_start3A_307 = arith.constant 0 : i32
      %dma_start3A_308 = tpu.memref_slice %arg2[%run_scoped3A, %add3A, %dma_start3A_306, %dma_start3A_307] : memref<4x32x84x128xi32, #tpu.memory_space<hbm>> -> memref<1x1x84x128xi32, #tpu.memory_space<hbm>>
      %dma_start3A_309 = tpu.memref_squeeze %dma_start3A_308 : memref<1x1x84x128xi32, #tpu.memory_space<hbm>> -> memref<84x128xi32, #tpu.memory_space<hbm>>
      %dma_start3A_310 = arith.constant 0 : i32
      %dma_start3A_311 = arith.constant 0 : i32
      %dma_start3A_312 = tpu.memref_slice %arg2[%run_scoped3A, %add3A, %dma_start3A_310, %dma_start3A_311] : memref<4x32x84x128xi32, #tpu.memory_space<hbm>> -> memref<1x1x84x128xi32, #tpu.memory_space<hbm>>
      %dma_start3A_313 = tpu.memref_squeeze %dma_start3A_312 : memref<1x1x84x128xi32, #tpu.memory_space<hbm>> -> memref<84x128xi32, #tpu.memory_space<hbm>>
      tpu.enqueue_dma source(%dma_start3A_313 : memref<84x128xi32, #tpu.memory_space<hbm>>) target(%arg8 : memref<84x128xi32, #tpu.memory_space<vmem>>) target_semaphore(%run_scoped3A_305 : memref<!tpu.dma_semaphore, #tpu.memory_space<semaphore_mem>>)
      %dma_wait3A_314 = arith.constant 0 : i32
      %dma_wait3A_315 = arith.constant 0 : i32
      %dma_wait3A_316 = tpu.memref_slice %arg2[%run_scoped3A, %add3A, %dma_wait3A_314, %dma_wait3A_315] : memref<4x32x84x128xi32, #tpu.memory_space<hbm>> -> memref<1x1x84x128xi32, #tpu.memory_space<hbm>>
      %dma_wait3A_317 = tpu.memref_squeeze %dma_wait3A_316 : memref<1x1x84x128xi32, #tpu.memory_space<hbm>> -> memref<84x128xi32, #tpu.memory_space<hbm>>
      %dma_wait3A_318 = arith.constant 0 : i32
      %dma_wait3A_319 = arith.constant 0 : i32
      %dma_wait3A_320 = tpu.memref_slice %arg2[%run_scoped3A, %add3A, %dma_wait3A_318, %dma_wait3A_319] : memref<4x32x84x128xi32, #tpu.memory_space<hbm>> -> memref<1x1x84x128xi32, #tpu.memory_space<hbm>>
      %dma_wait3A_321 = tpu.memref_squeeze %dma_wait3A_320 : memref<1x1x84x128xi32, #tpu.memory_space<hbm>> -> memref<84x128xi32, #tpu.memory_space<hbm>>
      tpu.wait_dma2 semaphore(%run_scoped3A_305 : memref<!tpu.dma_semaphore, #tpu.memory_space<semaphore_mem>>) src(%dma_wait3A_321 : memref<84x128xi32, #tpu.memory_space<hbm>>) dst(%arg8 : memref<84x128xi32, #tpu.memory_space<vmem>>)
      tpu.yield
    }) : () -> ()
    %dma_start3A = arith.constant 0 : i32
    %dma_start3A_63 = arith.constant 0 : i32
    %dma_start3A_64 = tpu.memref_slice %arg8[%dma_start3A, %dma_start3A_63] : memref<84x128xi32, #tpu.memory_space<vmem>> -> memref<1x128xi32, #tpu.memory_space<vmem>>
    %dma_start3A_65 = tpu.memref_squeeze %dma_start3A_64 : memref<1x128xi32, #tpu.memory_space<vmem>> -> memref<128xi32, #tpu.memory_space<vmem>>
    %dma_start3A_66 = arith.constant 0 : i32
    %dma_start3A_67 = tpu.memref_slice %arg4[%dma_start3A_66] : memref<10240xf32, #tpu.memory_space<vmem_shared>> -> memref<10240xf32, #tpu.memory_space<vmem_shared>>
    tpu.enqueue_indirect_dma source(%arg9 : memref<128xf32, #tpu.memory_space<vmem>>) target(%dma_start3A_67 : memref<10240xf32, #tpu.memory_space<vmem_shared>>) offsets(%dma_start3A_65 : memref<128xi32, #tpu.memory_space<vmem>>) semaphore(%arg11 : memref<!tpu.dma_semaphore, #tpu.memory_space<semaphore_mem>>) {add = true}
    %dma_start3A_68 = arith.constant 1 : i32
    %dma_start3A_69 = arith.constant 0 : i32
    %dma_start3A_70 = tpu.memref_slice %arg8[%dma_start3A_68, %dma_start3A_69] : memref<84x128xi32, #tpu.memory_space<vmem>> -> memref<1x128xi32, #tpu.memory_space<vmem>>
    %dma_start3A_71 = tpu.memref_squeeze %dma_start3A_70 : memref<1x128xi32, #tpu.memory_space<vmem>> -> memref<128xi32, #tpu.memory_space<vmem>>
    %dma_start3A_72 = arith.constant 0 : i32
    %dma_start3A_73 = tpu.memref_slice %arg4[%dma_start3A_72] : memref<10240xf32, #tpu.memory_space<vmem_shared>> -> memref<10240xf32, #tpu.memory_space<vmem_shared>>
    tpu.enqueue_indirect_dma source(%arg9 : memref<128xf32, #tpu.memory_space<vmem>>) target(%dma_start3A_73 : memref<10240xf32, #tpu.memory_space<vmem_shared>>) offsets(%dma_start3A_71 : memref<128xi32, #tpu.memory_space<vmem>>) semaphore(%arg12 : memref<!tpu.dma_semaphore, #tpu.memory_space<semaphore_mem>>) {add = true}
    %dma_start3A_74 = arith.constant 2 : i32
    %dma_start3A_75 = arith.constant 0 : i32
    %dma_start3A_76 = tpu.memref_slice %arg8[%dma_start3A_74, %dma_start3A_75] : memref<84x128xi32, #tpu.memory_space<vmem>> -> memref<1x128xi32, #tpu.memory_space<vmem>>
    %dma_start3A_77 = tpu.memref_squeeze %dma_start3A_76 : memref<1x128xi32, #tpu.memory_space<vmem>> -> memref<128xi32, #tpu.memory_space<vmem>>
    %dma_start3A_78 = arith.constant 0 : i32
    %dma_start3A_79 = tpu.memref_slice %arg4[%dma_start3A_78] : memref<10240xf32, #tpu.memory_space<vmem_shared>> -> memref<10240xf32, #tpu.memory_space<vmem_shared>>
    tpu.enqueue_indirect_dma source(%arg9 : memref<128xf32, #tpu.memory_space<vmem>>) target(%dma_start3A_79 : memref<10240xf32, #tpu.memory_space<vmem_shared>>) offsets(%dma_start3A_77 : memref<128xi32, #tpu.memory_space<vmem>>) semaphore(%arg13 : memref<!tpu.dma_semaphore, #tpu.memory_space<semaphore_mem>>) {add = true}
    %dma_start3A_80 = arith.constant 3 : i32
    %dma_start3A_81 = arith.constant 0 : i32
    %dma_start3A_82 = tpu.memref_slice %arg8[%dma_start3A_80, %dma_start3A_81] : memref<84x128xi32, #tpu.memory_space<vmem>> -> memref<1x128xi32, #tpu.memory_space<vmem>>
    %dma_start3A_83 = tpu.memref_squeeze %dma_start3A_82 : memref<1x128xi32, #tpu.memory_space<vmem>> -> memref<128xi32, #tpu.memory_space<vmem>>
    %dma_start3A_84 = arith.constant 0 : i32
    %dma_start3A_85 = tpu.memref_slice %arg4[%dma_start3A_84] : memref<10240xf32, #tpu.memory_space<vmem_shared>> -> memref<10240xf32, #tpu.memory_space<vmem_shared>>
    tpu.enqueue_indirect_dma source(%arg9 : memref<128xf32, #tpu.memory_space<vmem>>) target(%dma_start3A_85 : memref<10240xf32, #tpu.memory_space<vmem_shared>>) offsets(%dma_start3A_83 : memref<128xi32, #tpu.memory_space<vmem>>) semaphore(%arg14 : memref<!tpu.dma_semaphore, #tpu.memory_space<semaphore_mem>>) {add = true}
    %scan3A_86 = arith.constant 0 : i32
    %scan3A_87 = arith.constant 1 : i32
    %scan3A_88 = arith.constant 19 : i32
    %scan3A_89 = arith.addi %scan3A_87, %scan3A_88 : i32
    %scan3A_90 = arith.constant 1 : i32
    %scan3A_91 = scf.for %scan3A_305 = %scan3A_87 to %scan3A_89 step %scan3A_90 iter_args(%scan3A_306 = %scan3A_86) -> (i32)  : i32 {
      %mul3A_307 = arith.constant 4 : i32
      %mul3A_308 = arith.muli %mul3A_307, %scan3A_305 : i32
      %add3A_309 = arith.constant 0 : i32
      %add3A_310 = arith.addi %mul3A_308, %add3A_309 : i32
      %sub3A = arith.constant 4 : i32
      %sub3A_311 = arith.subi %add3A_310, %sub3A : i32
      %dma_wait3A_312 = arith.constant 0 : i32
      %dma_wait3A_313 = tpu.memref_slice %arg8[%sub3A_311, %dma_wait3A_312] : memref<84x128xi32, #tpu.memory_space<vmem>> -> memref<1x128xi32, #tpu.memory_space<vmem>>
      %dma_wait3A_314 = tpu.memref_squeeze %dma_wait3A_313 : memref<1x128xi32, #tpu.memory_space<vmem>> -> memref<128xi32, #tpu.memory_space<vmem>>
      %dma_wait3A_315 = arith.constant 0 : i32
      %dma_wait3A_316 = tpu.memref_slice %arg4[%dma_wait3A_315] : memref<10240xf32, #tpu.memory_space<vmem_shared>> -> memref<10240xf32, #tpu.memory_space<vmem_shared>>
      tpu.wait_indirect_dma semaphore(%arg11 : memref<!tpu.dma_semaphore, #tpu.memory_space<semaphore_mem>>) src(%arg9 : memref<128xf32, #tpu.memory_space<vmem>>) dst(%dma_wait3A_316 : memref<10240xf32, #tpu.memory_space<vmem_shared>>)
      %dma_start3A_317 = arith.constant 0 : i32
      %dma_start3A_318 = tpu.memref_slice %arg8[%add3A_310, %dma_start3A_317] : memref<84x128xi32, #tpu.memory_space<vmem>> -> memref<1x128xi32, #tpu.memory_space<vmem>>
      %dma_start3A_319 = tpu.memref_squeeze %dma_start3A_318 : memref<1x128xi32, #tpu.memory_space<vmem>> -> memref<128xi32, #tpu.memory_space<vmem>>
      %dma_start3A_320 = arith.constant 0 : i32
      %dma_start3A_321 = tpu.memref_slice %arg4[%dma_start3A_320] : memref<10240xf32, #tpu.memory_space<vmem_shared>> -> memref<10240xf32, #tpu.memory_space<vmem_shared>>
      tpu.enqueue_indirect_dma source(%arg9 : memref<128xf32, #tpu.memory_space<vmem>>) target(%dma_start3A_321 : memref<10240xf32, #tpu.memory_space<vmem_shared>>) offsets(%dma_start3A_319 : memref<128xi32, #tpu.memory_space<vmem>>) semaphore(%arg11 : memref<!tpu.dma_semaphore, #tpu.memory_space<semaphore_mem>>) {add = true}
      %mul3A_322 = arith.constant 4 : i32
      %mul3A_323 = arith.muli %mul3A_322, %scan3A_305 : i32
      %add3A_324 = arith.constant 1 : i32
      %add3A_325 = arith.addi %mul3A_323, %add3A_324 : i32
      %sub3A_326 = arith.constant 4 : i32
      %sub3A_327 = arith.subi %add3A_325, %sub3A_326 : i32
      %dma_wait3A_328 = arith.constant 0 : i32
      %dma_wait3A_329 = tpu.memref_slice %arg8[%sub3A_327, %dma_wait3A_328] : memref<84x128xi32, #tpu.memory_space<vmem>> -> memref<1x128xi32, #tpu.memory_space<vmem>>
      %dma_wait3A_330 = tpu.memref_squeeze %dma_wait3A_329 : memref<1x128xi32, #tpu.memory_space<vmem>> -> memref<128xi32, #tpu.memory_space<vmem>>
      %dma_wait3A_331 = arith.constant 0 : i32
      %dma_wait3A_332 = tpu.memref_slice %arg4[%dma_wait3A_331] : memref<10240xf32, #tpu.memory_space<vmem_shared>> -> memref<10240xf32, #tpu.memory_space<vmem_shared>>
      tpu.wait_indirect_dma semaphore(%arg12 : memref<!tpu.dma_semaphore, #tpu.memory_space<semaphore_mem>>) src(%arg9 : memref<128xf32, #tpu.memory_space<vmem>>) dst(%dma_wait3A_332 : memref<10240xf32, #tpu.memory_space<vmem_shared>>)
      %dma_start3A_333 = arith.constant 0 : i32
      %dma_start3A_334 = tpu.memref_slice %arg8[%add3A_325, %dma_start3A_333] : memref<84x128xi32, #tpu.memory_space<vmem>> -> memref<1x128xi32, #tpu.memory_space<vmem>>
      %dma_start3A_335 = tpu.memref_squeeze %dma_start3A_334 : memref<1x128xi32, #tpu.memory_space<vmem>> -> memref<128xi32, #tpu.memory_space<vmem>>
      %dma_start3A_336 = arith.constant 0 : i32
      %dma_start3A_337 = tpu.memref_slice %arg4[%dma_start3A_336] : memref<10240xf32, #tpu.memory_space<vmem_shared>> -> memref<10240xf32, #tpu.memory_space<vmem_shared>>
      tpu.enqueue_indirect_dma source(%arg9 : memref<128xf32, #tpu.memory_space<vmem>>) target(%dma_start3A_337 : memref<10240xf32, #tpu.memory_space<vmem_shared>>) offsets(%dma_start3A_335 : memref<128xi32, #tpu.memory_space<vmem>>) semaphore(%arg12 : memref<!tpu.dma_semaphore, #tpu.memory_space<semaphore_mem>>) {add = true}
      %mul3A_338 = arith.constant 4 : i32
      %mul3A_339 = arith.muli %mul3A_338, %scan3A_305 : i32
      %add3A_340 = arith.constant 2 : i32
      %add3A_341 = arith.addi %mul3A_339, %add3A_340 : i32
      %sub3A_342 = arith.constant 4 : i32
      %sub3A_343 = arith.subi %add3A_341, %sub3A_342 : i32
      %dma_wait3A_344 = arith.constant 0 : i32
      %dma_wait3A_345 = tpu.memref_slice %arg8[%sub3A_343, %dma_wait3A_344] : memref<84x128xi32, #tpu.memory_space<vmem>> -> memref<1x128xi32, #tpu.memory_space<vmem>>
      %dma_wait3A_346 = tpu.memref_squeeze %dma_wait3A_345 : memref<1x128xi32, #tpu.memory_space<vmem>> -> memref<128xi32, #tpu.memory_space<vmem>>
      %dma_wait3A_347 = arith.constant 0 : i32
      %dma_wait3A_348 = tpu.memref_slice %arg4[%dma_wait3A_347] : memref<10240xf32, #tpu.memory_space<vmem_shared>> -> memref<10240xf32, #tpu.memory_space<vmem_shared>>
      tpu.wait_indirect_dma semaphore(%arg13 : memref<!tpu.dma_semaphore, #tpu.memory_space<semaphore_mem>>) src(%arg9 : memref<128xf32, #tpu.memory_space<vmem>>) dst(%dma_wait3A_348 : memref<10240xf32, #tpu.memory_space<vmem_shared>>)
      %dma_start3A_349 = arith.constant 0 : i32
      %dma_start3A_350 = tpu.memref_slice %arg8[%add3A_341, %dma_start3A_349] : memref<84x128xi32, #tpu.memory_space<vmem>> -> memref<1x128xi32, #tpu.memory_space<vmem>>
      %dma_start3A_351 = tpu.memref_squeeze %dma_start3A_350 : memref<1x128xi32, #tpu.memory_space<vmem>> -> memref<128xi32, #tpu.memory_space<vmem>>
      %dma_start3A_352 = arith.constant 0 : i32
      %dma_start3A_353 = tpu.memref_slice %arg4[%dma_start3A_352] : memref<10240xf32, #tpu.memory_space<vmem_shared>> -> memref<10240xf32, #tpu.memory_space<vmem_shared>>
      tpu.enqueue_indirect_dma source(%arg9 : memref<128xf32, #tpu.memory_space<vmem>>) target(%dma_start3A_353 : memref<10240xf32, #tpu.memory_space<vmem_shared>>) offsets(%dma_start3A_351 : memref<128xi32, #tpu.memory_space<vmem>>) semaphore(%arg13 : memref<!tpu.dma_semaphore, #tpu.memory_space<semaphore_mem>>) {add = true}
      %mul3A_354 = arith.constant 4 : i32
      %mul3A_355 = arith.muli %mul3A_354, %scan3A_305 : i32
      %add3A_356 = arith.constant 3 : i32
      %add3A_357 = arith.addi %mul3A_355, %add3A_356 : i32
      %sub3A_358 = arith.constant 4 : i32
      %sub3A_359 = arith.subi %add3A_357, %sub3A_358 : i32
      %dma_wait3A_360 = arith.constant 0 : i32
      %dma_wait3A_361 = tpu.memref_slice %arg8[%sub3A_359, %dma_wait3A_360] : memref<84x128xi32, #tpu.memory_space<vmem>> -> memref<1x128xi32, #tpu.memory_space<vmem>>
      %dma_wait3A_362 = tpu.memref_squeeze %dma_wait3A_361 : memref<1x128xi32, #tpu.memory_space<vmem>> -> memref<128xi32, #tpu.memory_space<vmem>>
      %dma_wait3A_363 = arith.constant 0 : i32
      %dma_wait3A_364 = tpu.memref_slice %arg4[%dma_wait3A_363] : memref<10240xf32, #tpu.memory_space<vmem_shared>> -> memref<10240xf32, #tpu.memory_space<vmem_shared>>
      tpu.wait_indirect_dma semaphore(%arg14 : memref<!tpu.dma_semaphore, #tpu.memory_space<semaphore_mem>>) src(%arg9 : memref<128xf32, #tpu.memory_space<vmem>>) dst(%dma_wait3A_364 : memref<10240xf32, #tpu.memory_space<vmem_shared>>)
      %dma_start3A_365 = arith.constant 0 : i32
      %dma_start3A_366 = tpu.memref_slice %arg8[%add3A_357, %dma_start3A_365] : memref<84x128xi32, #tpu.memory_space<vmem>> -> memref<1x128xi32, #tpu.memory_space<vmem>>
      %dma_start3A_367 = tpu.memref_squeeze %dma_start3A_366 : memref<1x128xi32, #tpu.memory_space<vmem>> -> memref<128xi32, #tpu.memory_space<vmem>>
      %dma_start3A_368 = arith.constant 0 : i32
      %dma_start3A_369 = tpu.memref_slice %arg4[%dma_start3A_368] : memref<10240xf32, #tpu.memory_space<vmem_shared>> -> memref<10240xf32, #tpu.memory_space<vmem_shared>>
      tpu.enqueue_indirect_dma source(%arg9 : memref<128xf32, #tpu.memory_space<vmem>>) target(%dma_start3A_369 : memref<10240xf32, #tpu.memory_space<vmem_shared>>) offsets(%dma_start3A_367 : memref<128xi32, #tpu.memory_space<vmem>>) semaphore(%arg14 : memref<!tpu.dma_semaphore, #tpu.memory_space<semaphore_mem>>) {add = true}
      %scan3A_370 = arith.constant 0 : i32
      scf.yield %scan3A_370 : i32
    }
    %scan3A_92 = arith.constant 19 : i32
    %dma_wait3A = arith.constant 0 : i32
    %dma_wait3A_93 = arith.constant 0 : i32
    %dma_wait3A_94 = tpu.memref_slice %arg8[%dma_wait3A, %dma_wait3A_93] : memref<84x128xi32, #tpu.memory_space<vmem>> -> memref<1x128xi32, #tpu.memory_space<vmem>>
    %dma_wait3A_95 = tpu.memref_squeeze %dma_wait3A_94 : memref<1x128xi32, #tpu.memory_space<vmem>> -> memref<128xi32, #tpu.memory_space<vmem>>
    %dma_wait3A_96 = arith.constant 0 : i32
    %dma_wait3A_97 = tpu.memref_slice %arg4[%dma_wait3A_96] : memref<10240xf32, #tpu.memory_space<vmem_shared>> -> memref<10240xf32, #tpu.memory_space<vmem_shared>>
    tpu.wait_indirect_dma semaphore(%arg11 : memref<!tpu.dma_semaphore, #tpu.memory_space<semaphore_mem>>) src(%arg9 : memref<128xf32, #tpu.memory_space<vmem>>) dst(%dma_wait3A_97 : memref<10240xf32, #tpu.memory_space<vmem_shared>>)
    %dma_wait3A_98 = arith.constant 1 : i32
    %dma_wait3A_99 = arith.constant 0 : i32
    %dma_wait3A_100 = tpu.memref_slice %arg8[%dma_wait3A_98, %dma_wait3A_99] : memref<84x128xi32, #tpu.memory_space<vmem>> -> memref<1x128xi32, #tpu.memory_space<vmem>>
    %dma_wait3A_101 = tpu.memref_squeeze %dma_wait3A_100 : memref<1x128xi32, #tpu.memory_space<vmem>> -> memref<128xi32, #tpu.memory_space<vmem>>
    %dma_wait3A_102 = arith.constant 0 : i32
    %dma_wait3A_103 = tpu.memref_slice %arg4[%dma_wait3A_102] : memref<10240xf32, #tpu.memory_space<vmem_shared>> -> memref<10240xf32, #tpu.memory_space<vmem_shared>>
    tpu.wait_indirect_dma semaphore(%arg12 : memref<!tpu.dma_semaphore, #tpu.memory_space<semaphore_mem>>) src(%arg9 : memref<128xf32, #tpu.memory_space<vmem>>) dst(%dma_wait3A_103 : memref<10240xf32, #tpu.memory_space<vmem_shared>>)
    %dma_wait3A_104 = arith.constant 2 : i32
    %dma_wait3A_105 = arith.constant 0 : i32
    %dma_wait3A_106 = tpu.memref_slice %arg8[%dma_wait3A_104, %dma_wait3A_105] : memref<84x128xi32, #tpu.memory_space<vmem>> -> memref<1x128xi32, #tpu.memory_space<vmem>>
    %dma_wait3A_107 = tpu.memref_squeeze %dma_wait3A_106 : memref<1x128xi32, #tpu.memory_space<vmem>> -> memref<128xi32, #tpu.memory_space<vmem>>
    %dma_wait3A_108 = arith.constant 0 : i32
    %dma_wait3A_109 = tpu.memref_slice %arg4[%dma_wait3A_108] : memref<10240xf32, #tpu.memory_space<vmem_shared>> -> memref<10240xf32, #tpu.memory_space<vmem_shared>>
    tpu.wait_indirect_dma semaphore(%arg13 : memref<!tpu.dma_semaphore, #tpu.memory_space<semaphore_mem>>) src(%arg9 : memref<128xf32, #tpu.memory_space<vmem>>) dst(%dma_wait3A_109 : memref<10240xf32, #tpu.memory_space<vmem_shared>>)
    %dma_wait3A_110 = arith.constant 3 : i32
    %dma_wait3A_111 = arith.constant 0 : i32
    %dma_wait3A_112 = tpu.memref_slice %arg8[%dma_wait3A_110, %dma_wait3A_111] : memref<84x128xi32, #tpu.memory_space<vmem>> -> memref<1x128xi32, #tpu.memory_space<vmem>>
    %dma_wait3A_113 = tpu.memref_squeeze %dma_wait3A_112 : memref<1x128xi32, #tpu.memory_space<vmem>> -> memref<128xi32, #tpu.memory_space<vmem>>
    %dma_wait3A_114 = arith.constant 0 : i32
    %dma_wait3A_115 = tpu.memref_slice %arg4[%dma_wait3A_114] : memref<10240xf32, #tpu.memory_space<vmem_shared>> -> memref<10240xf32, #tpu.memory_space<vmem_shared>>
    tpu.wait_indirect_dma semaphore(%arg14 : memref<!tpu.dma_semaphore, #tpu.memory_space<semaphore_mem>>) src(%arg9 : memref<128xf32, #tpu.memory_space<vmem>>) dst(%dma_wait3A_115 : memref<10240xf32, #tpu.memory_space<vmem_shared>>)
    %run_scoped3A_116 = arith.constant 1 : i32
    "tpu.region"() ({
      %run_scoped3A_305 = tpu.sem_alloc : memref<!tpu.dma_semaphore, #tpu.memory_space<semaphore_mem>>
      %dma_start3A_306 = arith.constant 0 : i32
      %dma_start3A_307 = arith.constant 0 : i32
      %dma_start3A_308 = tpu.memref_slice %arg2[%run_scoped3A_116, %add3A, %dma_start3A_306, %dma_start3A_307] : memref<4x32x84x128xi32, #tpu.memory_space<hbm>> -> memref<1x1x84x128xi32, #tpu.memory_space<hbm>>
      %dma_start3A_309 = tpu.memref_squeeze %dma_start3A_308 : memref<1x1x84x128xi32, #tpu.memory_space<hbm>> -> memref<84x128xi32, #tpu.memory_space<hbm>>
      %dma_start3A_310 = arith.constant 0 : i32
      %dma_start3A_311 = arith.constant 0 : i32
      %dma_start3A_312 = tpu.memref_slice %arg2[%run_scoped3A_116, %add3A, %dma_start3A_310, %dma_start3A_311] : memref<4x32x84x128xi32, #tpu.memory_space<hbm>> -> memref<1x1x84x128xi32, #tpu.memory_space<hbm>>
      %dma_start3A_313 = tpu.memref_squeeze %dma_start3A_312 : memref<1x1x84x128xi32, #tpu.memory_space<hbm>> -> memref<84x128xi32, #tpu.memory_space<hbm>>
      tpu.enqueue_dma source(%dma_start3A_313 : memref<84x128xi32, #tpu.memory_space<hbm>>) target(%arg8 : memref<84x128xi32, #tpu.memory_space<vmem>>) target_semaphore(%run_scoped3A_305 : memref<!tpu.dma_semaphore, #tpu.memory_space<semaphore_mem>>)
      %dma_wait3A_314 = arith.constant 0 : i32
      %dma_wait3A_315 = arith.constant 0 : i32
      %dma_wait3A_316 = tpu.memref_slice %arg2[%run_scoped3A_116, %add3A, %dma_wait3A_314, %dma_wait3A_315] : memref<4x32x84x128xi32, #tpu.memory_space<hbm>> -> memref<1x1x84x128xi32, #tpu.memory_space<hbm>>
      %dma_wait3A_317 = tpu.memref_squeeze %dma_wait3A_316 : memref<1x1x84x128xi32, #tpu.memory_space<hbm>> -> memref<84x128xi32, #tpu.memory_space<hbm>>
      %dma_wait3A_318 = arith.constant 0 : i32
      %dma_wait3A_319 = arith.constant 0 : i32
      %dma_wait3A_320 = tpu.memref_slice %arg2[%run_scoped3A_116, %add3A, %dma_wait3A_318, %dma_wait3A_319] : memref<4x32x84x128xi32, #tpu.memory_space<hbm>> -> memref<1x1x84x128xi32, #tpu.memory_space<hbm>>
      %dma_wait3A_321 = tpu.memref_squeeze %dma_wait3A_320 : memref<1x1x84x128xi32, #tpu.memory_space<hbm>> -> memref<84x128xi32, #tpu.memory_space<hbm>>
      tpu.wait_dma2 semaphore(%run_scoped3A_305 : memref<!tpu.dma_semaphore, #tpu.memory_space<semaphore_mem>>) src(%dma_wait3A_321 : memref<84x128xi32, #tpu.memory_space<hbm>>) dst(%arg8 : memref<84x128xi32, #tpu.memory_space<vmem>>)
      tpu.yield
    }) : () -> ()
    %dma_start3A_117 = arith.constant 0 : i32
    %dma_start3A_118 = arith.constant 0 : i32
    %dma_start3A_119 = tpu.memref_slice %arg8[%dma_start3A_117, %dma_start3A_118] : memref<84x128xi32, #tpu.memory_space<vmem>> -> memref<1x128xi32, #tpu.memory_space<vmem>>
    %dma_start3A_120 = tpu.memref_squeeze %dma_start3A_119 : memref<1x128xi32, #tpu.memory_space<vmem>> -> memref<128xi32, #tpu.memory_space<vmem>>
    %dma_start3A_121 = arith.constant 0 : i32
    %dma_start3A_122 = tpu.memref_slice %arg5[%dma_start3A_121] : memref<10240xf32, #tpu.memory_space<vmem_shared>> -> memref<10240xf32, #tpu.memory_space<vmem_shared>>
    tpu.enqueue_indirect_dma source(%arg9 : memref<128xf32, #tpu.memory_space<vmem>>) target(%dma_start3A_122 : memref<10240xf32, #tpu.memory_space<vmem_shared>>) offsets(%dma_start3A_120 : memref<128xi32, #tpu.memory_space<vmem>>) semaphore(%arg11 : memref<!tpu.dma_semaphore, #tpu.memory_space<semaphore_mem>>) {add = true}
    %dma_start3A_123 = arith.constant 1 : i32
    %dma_start3A_124 = arith.constant 0 : i32
    %dma_start3A_125 = tpu.memref_slice %arg8[%dma_start3A_123, %dma_start3A_124] : memref<84x128xi32, #tpu.memory_space<vmem>> -> memref<1x128xi32, #tpu.memory_space<vmem>>
    %dma_start3A_126 = tpu.memref_squeeze %dma_start3A_125 : memref<1x128xi32, #tpu.memory_space<vmem>> -> memref<128xi32, #tpu.memory_space<vmem>>
    %dma_start3A_127 = arith.constant 0 : i32
    %dma_start3A_128 = tpu.memref_slice %arg5[%dma_start3A_127] : memref<10240xf32, #tpu.memory_space<vmem_shared>> -> memref<10240xf32, #tpu.memory_space<vmem_shared>>
    tpu.enqueue_indirect_dma source(%arg9 : memref<128xf32, #tpu.memory_space<vmem>>) target(%dma_start3A_128 : memref<10240xf32, #tpu.memory_space<vmem_shared>>) offsets(%dma_start3A_126 : memref<128xi32, #tpu.memory_space<vmem>>) semaphore(%arg12 : memref<!tpu.dma_semaphore, #tpu.memory_space<semaphore_mem>>) {add = true}
    %dma_start3A_129 = arith.constant 2 : i32
    %dma_start3A_130 = arith.constant 0 : i32
    %dma_start3A_131 = tpu.memref_slice %arg8[%dma_start3A_129, %dma_start3A_130] : memref<84x128xi32, #tpu.memory_space<vmem>> -> memref<1x128xi32, #tpu.memory_space<vmem>>
    %dma_start3A_132 = tpu.memref_squeeze %dma_start3A_131 : memref<1x128xi32, #tpu.memory_space<vmem>> -> memref<128xi32, #tpu.memory_space<vmem>>
    %dma_start3A_133 = arith.constant 0 : i32
    %dma_start3A_134 = tpu.memref_slice %arg5[%dma_start3A_133] : memref<10240xf32, #tpu.memory_space<vmem_shared>> -> memref<10240xf32, #tpu.memory_space<vmem_shared>>
    tpu.enqueue_indirect_dma source(%arg9 : memref<128xf32, #tpu.memory_space<vmem>>) target(%dma_start3A_134 : memref<10240xf32, #tpu.memory_space<vmem_shared>>) offsets(%dma_start3A_132 : memref<128xi32, #tpu.memory_space<vmem>>) semaphore(%arg13 : memref<!tpu.dma_semaphore, #tpu.memory_space<semaphore_mem>>) {add = true}
    %dma_start3A_135 = arith.constant 3 : i32
    %dma_start3A_136 = arith.constant 0 : i32
    %dma_start3A_137 = tpu.memref_slice %arg8[%dma_start3A_135, %dma_start3A_136] : memref<84x128xi32, #tpu.memory_space<vmem>> -> memref<1x128xi32, #tpu.memory_space<vmem>>
    %dma_start3A_138 = tpu.memref_squeeze %dma_start3A_137 : memref<1x128xi32, #tpu.memory_space<vmem>> -> memref<128xi32, #tpu.memory_space<vmem>>
    %dma_start3A_139 = arith.constant 0 : i32
    %dma_start3A_140 = tpu.memref_slice %arg5[%dma_start3A_139] : memref<10240xf32, #tpu.memory_space<vmem_shared>> -> memref<10240xf32, #tpu.memory_space<vmem_shared>>
    tpu.enqueue_indirect_dma source(%arg9 : memref<128xf32, #tpu.memory_space<vmem>>) target(%dma_start3A_140 : memref<10240xf32, #tpu.memory_space<vmem_shared>>) offsets(%dma_start3A_138 : memref<128xi32, #tpu.memory_space<vmem>>) semaphore(%arg14 : memref<!tpu.dma_semaphore, #tpu.memory_space<semaphore_mem>>) {add = true}
    %scan3A_141 = arith.constant 0 : i32
    %scan3A_142 = arith.constant 1 : i32
    %scan3A_143 = arith.constant 19 : i32
    %scan3A_144 = arith.addi %scan3A_142, %scan3A_143 : i32
    %scan3A_145 = arith.constant 1 : i32
    %scan3A_146 = scf.for %scan3A_305 = %scan3A_142 to %scan3A_144 step %scan3A_145 iter_args(%scan3A_306 = %scan3A_141) -> (i32)  : i32 {
      %mul3A_307 = arith.constant 4 : i32
      %mul3A_308 = arith.muli %mul3A_307, %scan3A_305 : i32
      %add3A_309 = arith.constant 0 : i32
      %add3A_310 = arith.addi %mul3A_308, %add3A_309 : i32
      %sub3A = arith.constant 4 : i32
      %sub3A_311 = arith.subi %add3A_310, %sub3A : i32
      %dma_wait3A_312 = arith.constant 0 : i32
      %dma_wait3A_313 = tpu.memref_slice %arg8[%sub3A_311, %dma_wait3A_312] : memref<84x128xi32, #tpu.memory_space<vmem>> -> memref<1x128xi32, #tpu.memory_space<vmem>>
      %dma_wait3A_314 = tpu.memref_squeeze %dma_wait3A_313 : memref<1x128xi32, #tpu.memory_space<vmem>> -> memref<128xi32, #tpu.memory_space<vmem>>
      %dma_wait3A_315 = arith.constant 0 : i32
      %dma_wait3A_316 = tpu.memref_slice %arg5[%dma_wait3A_315] : memref<10240xf32, #tpu.memory_space<vmem_shared>> -> memref<10240xf32, #tpu.memory_space<vmem_shared>>
      tpu.wait_indirect_dma semaphore(%arg11 : memref<!tpu.dma_semaphore, #tpu.memory_space<semaphore_mem>>) src(%arg9 : memref<128xf32, #tpu.memory_space<vmem>>) dst(%dma_wait3A_316 : memref<10240xf32, #tpu.memory_space<vmem_shared>>)
      %dma_start3A_317 = arith.constant 0 : i32
      %dma_start3A_318 = tpu.memref_slice %arg8[%add3A_310, %dma_start3A_317] : memref<84x128xi32, #tpu.memory_space<vmem>> -> memref<1x128xi32, #tpu.memory_space<vmem>>
      %dma_start3A_319 = tpu.memref_squeeze %dma_start3A_318 : memref<1x128xi32, #tpu.memory_space<vmem>> -> memref<128xi32, #tpu.memory_space<vmem>>
      %dma_start3A_320 = arith.constant 0 : i32
      %dma_start3A_321 = tpu.memref_slice %arg5[%dma_start3A_320] : memref<10240xf32, #tpu.memory_space<vmem_shared>> -> memref<10240xf32, #tpu.memory_space<vmem_shared>>
      tpu.enqueue_indirect_dma source(%arg9 : memref<128xf32, #tpu.memory_space<vmem>>) target(%dma_start3A_321 : memref<10240xf32, #tpu.memory_space<vmem_shared>>) offsets(%dma_start3A_319 : memref<128xi32, #tpu.memory_space<vmem>>) semaphore(%arg11 : memref<!tpu.dma_semaphore, #tpu.memory_space<semaphore_mem>>) {add = true}
      %mul3A_322 = arith.constant 4 : i32
      %mul3A_323 = arith.muli %mul3A_322, %scan3A_305 : i32
      %add3A_324 = arith.constant 1 : i32
      %add3A_325 = arith.addi %mul3A_323, %add3A_324 : i32
      %sub3A_326 = arith.constant 4 : i32
      %sub3A_327 = arith.subi %add3A_325, %sub3A_326 : i32
      %dma_wait3A_328 = arith.constant 0 : i32
      %dma_wait3A_329 = tpu.memref_slice %arg8[%sub3A_327, %dma_wait3A_328] : memref<84x128xi32, #tpu.memory_space<vmem>> -> memref<1x128xi32, #tpu.memory_space<vmem>>
      %dma_wait3A_330 = tpu.memref_squeeze %dma_wait3A_329 : memref<1x128xi32, #tpu.memory_space<vmem>> -> memref<128xi32, #tpu.memory_space<vmem>>
      %dma_wait3A_331 = arith.constant 0 : i32
      %dma_wait3A_332 = tpu.memref_slice %arg5[%dma_wait3A_331] : memref<10240xf32, #tpu.memory_space<vmem_shared>> -> memref<10240xf32, #tpu.memory_space<vmem_shared>>
      tpu.wait_indirect_dma semaphore(%arg12 : memref<!tpu.dma_semaphore, #tpu.memory_space<semaphore_mem>>) src(%arg9 : memref<128xf32, #tpu.memory_space<vmem>>) dst(%dma_wait3A_332 : memref<10240xf32, #tpu.memory_space<vmem_shared>>)
      %dma_start3A_333 = arith.constant 0 : i32
      %dma_start3A_334 = tpu.memref_slice %arg8[%add3A_325, %dma_start3A_333] : memref<84x128xi32, #tpu.memory_space<vmem>> -> memref<1x128xi32, #tpu.memory_space<vmem>>
      %dma_start3A_335 = tpu.memref_squeeze %dma_start3A_334 : memref<1x128xi32, #tpu.memory_space<vmem>> -> memref<128xi32, #tpu.memory_space<vmem>>
      %dma_start3A_336 = arith.constant 0 : i32
      %dma_start3A_337 = tpu.memref_slice %arg5[%dma_start3A_336] : memref<10240xf32, #tpu.memory_space<vmem_shared>> -> memref<10240xf32, #tpu.memory_space<vmem_shared>>
      tpu.enqueue_indirect_dma source(%arg9 : memref<128xf32, #tpu.memory_space<vmem>>) target(%dma_start3A_337 : memref<10240xf32, #tpu.memory_space<vmem_shared>>) offsets(%dma_start3A_335 : memref<128xi32, #tpu.memory_space<vmem>>) semaphore(%arg12 : memref<!tpu.dma_semaphore, #tpu.memory_space<semaphore_mem>>) {add = true}
      %mul3A_338 = arith.constant 4 : i32
      %mul3A_339 = arith.muli %mul3A_338, %scan3A_305 : i32
      %add3A_340 = arith.constant 2 : i32
      %add3A_341 = arith.addi %mul3A_339, %add3A_340 : i32
      %sub3A_342 = arith.constant 4 : i32
      %sub3A_343 = arith.subi %add3A_341, %sub3A_342 : i32
      %dma_wait3A_344 = arith.constant 0 : i32
      %dma_wait3A_345 = tpu.memref_slice %arg8[%sub3A_343, %dma_wait3A_344] : memref<84x128xi32, #tpu.memory_space<vmem>> -> memref<1x128xi32, #tpu.memory_space<vmem>>
      %dma_wait3A_346 = tpu.memref_squeeze %dma_wait3A_345 : memref<1x128xi32, #tpu.memory_space<vmem>> -> memref<128xi32, #tpu.memory_space<vmem>>
      %dma_wait3A_347 = arith.constant 0 : i32
      %dma_wait3A_348 = tpu.memref_slice %arg5[%dma_wait3A_347] : memref<10240xf32, #tpu.memory_space<vmem_shared>> -> memref<10240xf32, #tpu.memory_space<vmem_shared>>
      tpu.wait_indirect_dma semaphore(%arg13 : memref<!tpu.dma_semaphore, #tpu.memory_space<semaphore_mem>>) src(%arg9 : memref<128xf32, #tpu.memory_space<vmem>>) dst(%dma_wait3A_348 : memref<10240xf32, #tpu.memory_space<vmem_shared>>)
      %dma_start3A_349 = arith.constant 0 : i32
      %dma_start3A_350 = tpu.memref_slice %arg8[%add3A_341, %dma_start3A_349] : memref<84x128xi32, #tpu.memory_space<vmem>> -> memref<1x128xi32, #tpu.memory_space<vmem>>
      %dma_start3A_351 = tpu.memref_squeeze %dma_start3A_350 : memref<1x128xi32, #tpu.memory_space<vmem>> -> memref<128xi32, #tpu.memory_space<vmem>>
      %dma_start3A_352 = arith.constant 0 : i32
      %dma_start3A_353 = tpu.memref_slice %arg5[%dma_start3A_352] : memref<10240xf32, #tpu.memory_space<vmem_shared>> -> memref<10240xf32, #tpu.memory_space<vmem_shared>>
      tpu.enqueue_indirect_dma source(%arg9 : memref<128xf32, #tpu.memory_space<vmem>>) target(%dma_start3A_353 : memref<10240xf32, #tpu.memory_space<vmem_shared>>) offsets(%dma_start3A_351 : memref<128xi32, #tpu.memory_space<vmem>>) semaphore(%arg13 : memref<!tpu.dma_semaphore, #tpu.memory_space<semaphore_mem>>) {add = true}
      %mul3A_354 = arith.constant 4 : i32
      %mul3A_355 = arith.muli %mul3A_354, %scan3A_305 : i32
      %add3A_356 = arith.constant 3 : i32
      %add3A_357 = arith.addi %mul3A_355, %add3A_356 : i32
      %sub3A_358 = arith.constant 4 : i32
      %sub3A_359 = arith.subi %add3A_357, %sub3A_358 : i32
      %dma_wait3A_360 = arith.constant 0 : i32
      %dma_wait3A_361 = tpu.memref_slice %arg8[%sub3A_359, %dma_wait3A_360] : memref<84x128xi32, #tpu.memory_space<vmem>> -> memref<1x128xi32, #tpu.memory_space<vmem>>
      %dma_wait3A_362 = tpu.memref_squeeze %dma_wait3A_361 : memref<1x128xi32, #tpu.memory_space<vmem>> -> memref<128xi32, #tpu.memory_space<vmem>>
      %dma_wait3A_363 = arith.constant 0 : i32
      %dma_wait3A_364 = tpu.memref_slice %arg5[%dma_wait3A_363] : memref<10240xf32, #tpu.memory_space<vmem_shared>> -> memref<10240xf32, #tpu.memory_space<vmem_shared>>
      tpu.wait_indirect_dma semaphore(%arg14 : memref<!tpu.dma_semaphore, #tpu.memory_space<semaphore_mem>>) src(%arg9 : memref<128xf32, #tpu.memory_space<vmem>>) dst(%dma_wait3A_364 : memref<10240xf32, #tpu.memory_space<vmem_shared>>)
      %dma_start3A_365 = arith.constant 0 : i32
      %dma_start3A_366 = tpu.memref_slice %arg8[%add3A_357, %dma_start3A_365] : memref<84x128xi32, #tpu.memory_space<vmem>> -> memref<1x128xi32, #tpu.memory_space<vmem>>
      %dma_start3A_367 = tpu.memref_squeeze %dma_start3A_366 : memref<1x128xi32, #tpu.memory_space<vmem>> -> memref<128xi32, #tpu.memory_space<vmem>>
      %dma_start3A_368 = arith.constant 0 : i32
      %dma_start3A_369 = tpu.memref_slice %arg5[%dma_start3A_368] : memref<10240xf32, #tpu.memory_space<vmem_shared>> -> memref<10240xf32, #tpu.memory_space<vmem_shared>>
      tpu.enqueue_indirect_dma source(%arg9 : memref<128xf32, #tpu.memory_space<vmem>>) target(%dma_start3A_369 : memref<10240xf32, #tpu.memory_space<vmem_shared>>) offsets(%dma_start3A_367 : memref<128xi32, #tpu.memory_space<vmem>>) semaphore(%arg14 : memref<!tpu.dma_semaphore, #tpu.memory_space<semaphore_mem>>) {add = true}
      %scan3A_370 = arith.constant 0 : i32
      scf.yield %scan3A_370 : i32
    }
    %scan3A_147 = arith.constant 19 : i32
    %dma_wait3A_148 = arith.constant 0 : i32
    %dma_wait3A_149 = arith.constant 0 : i32
    %dma_wait3A_150 = tpu.memref_slice %arg8[%dma_wait3A_148, %dma_wait3A_149] : memref<84x128xi32, #tpu.memory_space<vmem>> -> memref<1x128xi32, #tpu.memory_space<vmem>>
    %dma_wait3A_151 = tpu.memref_squeeze %dma_wait3A_150 : memref<1x128xi32, #tpu.memory_space<vmem>> -> memref<128xi32, #tpu.memory_space<vmem>>
    %dma_wait3A_152 = arith.constant 0 : i32
    %dma_wait3A_153 = tpu.memref_slice %arg5[%dma_wait3A_152] : memref<10240xf32, #tpu.memory_space<vmem_shared>> -> memref<10240xf32, #tpu.memory_space<vmem_shared>>
    tpu.wait_indirect_dma semaphore(%arg11 : memref<!tpu.dma_semaphore, #tpu.memory_space<semaphore_mem>>) src(%arg9 : memref<128xf32, #tpu.memory_space<vmem>>) dst(%dma_wait3A_153 : memref<10240xf32, #tpu.memory_space<vmem_shared>>)
    %dma_wait3A_154 = arith.constant 1 : i32
    %dma_wait3A_155 = arith.constant 0 : i32
    %dma_wait3A_156 = tpu.memref_slice %arg8[%dma_wait3A_154, %dma_wait3A_155] : memref<84x128xi32, #tpu.memory_space<vmem>> -> memref<1x128xi32, #tpu.memory_space<vmem>>
    %dma_wait3A_157 = tpu.memref_squeeze %dma_wait3A_156 : memref<1x128xi32, #tpu.memory_space<vmem>> -> memref<128xi32, #tpu.memory_space<vmem>>
    %dma_wait3A_158 = arith.constant 0 : i32
    %dma_wait3A_159 = tpu.memref_slice %arg5[%dma_wait3A_158] : memref<10240xf32, #tpu.memory_space<vmem_shared>> -> memref<10240xf32, #tpu.memory_space<vmem_shared>>
    tpu.wait_indirect_dma semaphore(%arg12 : memref<!tpu.dma_semaphore, #tpu.memory_space<semaphore_mem>>) src(%arg9 : memref<128xf32, #tpu.memory_space<vmem>>) dst(%dma_wait3A_159 : memref<10240xf32, #tpu.memory_space<vmem_shared>>)
    %dma_wait3A_160 = arith.constant 2 : i32
    %dma_wait3A_161 = arith.constant 0 : i32
    %dma_wait3A_162 = tpu.memref_slice %arg8[%dma_wait3A_160, %dma_wait3A_161] : memref<84x128xi32, #tpu.memory_space<vmem>> -> memref<1x128xi32, #tpu.memory_space<vmem>>
    %dma_wait3A_163 = tpu.memref_squeeze %dma_wait3A_162 : memref<1x128xi32, #tpu.memory_space<vmem>> -> memref<128xi32, #tpu.memory_space<vmem>>
    %dma_wait3A_164 = arith.constant 0 : i32
    %dma_wait3A_165 = tpu.memref_slice %arg5[%dma_wait3A_164] : memref<10240xf32, #tpu.memory_space<vmem_shared>> -> memref<10240xf32, #tpu.memory_space<vmem_shared>>
    tpu.wait_indirect_dma semaphore(%arg13 : memref<!tpu.dma_semaphore, #tpu.memory_space<semaphore_mem>>) src(%arg9 : memref<128xf32, #tpu.memory_space<vmem>>) dst(%dma_wait3A_165 : memref<10240xf32, #tpu.memory_space<vmem_shared>>)
    %dma_wait3A_166 = arith.constant 3 : i32
    %dma_wait3A_167 = arith.constant 0 : i32
    %dma_wait3A_168 = tpu.memref_slice %arg8[%dma_wait3A_166, %dma_wait3A_167] : memref<84x128xi32, #tpu.memory_space<vmem>> -> memref<1x128xi32, #tpu.memory_space<vmem>>
    %dma_wait3A_169 = tpu.memref_squeeze %dma_wait3A_168 : memref<1x128xi32, #tpu.memory_space<vmem>> -> memref<128xi32, #tpu.memory_space<vmem>>
    %dma_wait3A_170 = arith.constant 0 : i32
    %dma_wait3A_171 = tpu.memref_slice %arg5[%dma_wait3A_170] : memref<10240xf32, #tpu.memory_space<vmem_shared>> -> memref<10240xf32, #tpu.memory_space<vmem_shared>>
    tpu.wait_indirect_dma semaphore(%arg14 : memref<!tpu.dma_semaphore, #tpu.memory_space<semaphore_mem>>) src(%arg9 : memref<128xf32, #tpu.memory_space<vmem>>) dst(%dma_wait3A_171 : memref<10240xf32, #tpu.memory_space<vmem_shared>>)
    %run_scoped3A_172 = arith.constant 2 : i32
    "tpu.region"() ({
      %run_scoped3A_305 = tpu.sem_alloc : memref<!tpu.dma_semaphore, #tpu.memory_space<semaphore_mem>>
      %dma_start3A_306 = arith.constant 0 : i32
      %dma_start3A_307 = arith.constant 0 : i32
      %dma_start3A_308 = tpu.memref_slice %arg2[%run_scoped3A_172, %add3A, %dma_start3A_306, %dma_start3A_307] : memref<4x32x84x128xi32, #tpu.memory_space<hbm>> -> memref<1x1x84x128xi32, #tpu.memory_space<hbm>>
      %dma_start3A_309 = tpu.memref_squeeze %dma_start3A_308 : memref<1x1x84x128xi32, #tpu.memory_space<hbm>> -> memref<84x128xi32, #tpu.memory_space<hbm>>
      %dma_start3A_310 = arith.constant 0 : i32
      %dma_start3A_311 = arith.constant 0 : i32
      %dma_start3A_312 = tpu.memref_slice %arg2[%run_scoped3A_172, %add3A, %dma_start3A_310, %dma_start3A_311] : memref<4x32x84x128xi32, #tpu.memory_space<hbm>> -> memref<1x1x84x128xi32, #tpu.memory_space<hbm>>
      %dma_start3A_313 = tpu.memref_squeeze %dma_start3A_312 : memref<1x1x84x128xi32, #tpu.memory_space<hbm>> -> memref<84x128xi32, #tpu.memory_space<hbm>>
      tpu.enqueue_dma source(%dma_start3A_313 : memref<84x128xi32, #tpu.memory_space<hbm>>) target(%arg8 : memref<84x128xi32, #tpu.memory_space<vmem>>) target_semaphore(%run_scoped3A_305 : memref<!tpu.dma_semaphore, #tpu.memory_space<semaphore_mem>>)
      %dma_wait3A_314 = arith.constant 0 : i32
      %dma_wait3A_315 = arith.constant 0 : i32
      %dma_wait3A_316 = tpu.memref_slice %arg2[%run_scoped3A_172, %add3A, %dma_wait3A_314, %dma_wait3A_315] : memref<4x32x84x128xi32, #tpu.memory_space<hbm>> -> memref<1x1x84x128xi32, #tpu.memory_space<hbm>>
      %dma_wait3A_317 = tpu.memref_squeeze %dma_wait3A_316 : memref<1x1x84x128xi32, #tpu.memory_space<hbm>> -> memref<84x128xi32, #tpu.memory_space<hbm>>
      %dma_wait3A_318 = arith.constant 0 : i32
      %dma_wait3A_319 = arith.constant 0 : i32
      %dma_wait3A_320 = tpu.memref_slice %arg2[%run_scoped3A_172, %add3A, %dma_wait3A_318, %dma_wait3A_319] : memref<4x32x84x128xi32, #tpu.memory_space<hbm>> -> memref<1x1x84x128xi32, #tpu.memory_space<hbm>>
      %dma_wait3A_321 = tpu.memref_squeeze %dma_wait3A_320 : memref<1x1x84x128xi32, #tpu.memory_space<hbm>> -> memref<84x128xi32, #tpu.memory_space<hbm>>
      tpu.wait_dma2 semaphore(%run_scoped3A_305 : memref<!tpu.dma_semaphore, #tpu.memory_space<semaphore_mem>>) src(%dma_wait3A_321 : memref<84x128xi32, #tpu.memory_space<hbm>>) dst(%arg8 : memref<84x128xi32, #tpu.memory_space<vmem>>)
      tpu.yield
    }) : () -> ()
    %dma_start3A_173 = arith.constant 0 : i32
    %dma_start3A_174 = arith.constant 0 : i32
    %dma_start3A_175 = tpu.memref_slice %arg8[%dma_start3A_173, %dma_start3A_174] : memref<84x128xi32, #tpu.memory_space<vmem>> -> memref<1x128xi32, #tpu.memory_space<vmem>>
    %dma_start3A_176 = tpu.memref_squeeze %dma_start3A_175 : memref<1x128xi32, #tpu.memory_space<vmem>> -> memref<128xi32, #tpu.memory_space<vmem>>
    %dma_start3A_177 = arith.constant 0 : i32
    %dma_start3A_178 = tpu.memref_slice %arg6[%dma_start3A_177] : memref<10240xf32, #tpu.memory_space<vmem_shared>> -> memref<10240xf32, #tpu.memory_space<vmem_shared>>
    tpu.enqueue_indirect_dma source(%arg9 : memref<128xf32, #tpu.memory_space<vmem>>) target(%dma_start3A_178 : memref<10240xf32, #tpu.memory_space<vmem_shared>>) offsets(%dma_start3A_176 : memref<128xi32, #tpu.memory_space<vmem>>) semaphore(%arg11 : memref<!tpu.dma_semaphore, #tpu.memory_space<semaphore_mem>>) {add = true}
    %dma_start3A_179 = arith.constant 1 : i32
    %dma_start3A_180 = arith.constant 0 : i32
    %dma_start3A_181 = tpu.memref_slice %arg8[%dma_start3A_179, %dma_start3A_180] : memref<84x128xi32, #tpu.memory_space<vmem>> -> memref<1x128xi32, #tpu.memory_space<vmem>>
    %dma_start3A_182 = tpu.memref_squeeze %dma_start3A_181 : memref<1x128xi32, #tpu.memory_space<vmem>> -> memref<128xi32, #tpu.memory_space<vmem>>
    %dma_start3A_183 = arith.constant 0 : i32
    %dma_start3A_184 = tpu.memref_slice %arg6[%dma_start3A_183] : memref<10240xf32, #tpu.memory_space<vmem_shared>> -> memref<10240xf32, #tpu.memory_space<vmem_shared>>
    tpu.enqueue_indirect_dma source(%arg9 : memref<128xf32, #tpu.memory_space<vmem>>) target(%dma_start3A_184 : memref<10240xf32, #tpu.memory_space<vmem_shared>>) offsets(%dma_start3A_182 : memref<128xi32, #tpu.memory_space<vmem>>) semaphore(%arg12 : memref<!tpu.dma_semaphore, #tpu.memory_space<semaphore_mem>>) {add = true}
    %dma_start3A_185 = arith.constant 2 : i32
    %dma_start3A_186 = arith.constant 0 : i32
    %dma_start3A_187 = tpu.memref_slice %arg8[%dma_start3A_185, %dma_start3A_186] : memref<84x128xi32, #tpu.memory_space<vmem>> -> memref<1x128xi32, #tpu.memory_space<vmem>>
    %dma_start3A_188 = tpu.memref_squeeze %dma_start3A_187 : memref<1x128xi32, #tpu.memory_space<vmem>> -> memref<128xi32, #tpu.memory_space<vmem>>
    %dma_start3A_189 = arith.constant 0 : i32
    %dma_start3A_190 = tpu.memref_slice %arg6[%dma_start3A_189] : memref<10240xf32, #tpu.memory_space<vmem_shared>> -> memref<10240xf32, #tpu.memory_space<vmem_shared>>
    tpu.enqueue_indirect_dma source(%arg9 : memref<128xf32, #tpu.memory_space<vmem>>) target(%dma_start3A_190 : memref<10240xf32, #tpu.memory_space<vmem_shared>>) offsets(%dma_start3A_188 : memref<128xi32, #tpu.memory_space<vmem>>) semaphore(%arg13 : memref<!tpu.dma_semaphore, #tpu.memory_space<semaphore_mem>>) {add = true}
    %dma_start3A_191 = arith.constant 3 : i32
    %dma_start3A_192 = arith.constant 0 : i32
    %dma_start3A_193 = tpu.memref_slice %arg8[%dma_start3A_191, %dma_start3A_192] : memref<84x128xi32, #tpu.memory_space<vmem>> -> memref<1x128xi32, #tpu.memory_space<vmem>>
    %dma_start3A_194 = tpu.memref_squeeze %dma_start3A_193 : memref<1x128xi32, #tpu.memory_space<vmem>> -> memref<128xi32, #tpu.memory_space<vmem>>
    %dma_start3A_195 = arith.constant 0 : i32
    %dma_start3A_196 = tpu.memref_slice %arg6[%dma_start3A_195] : memref<10240xf32, #tpu.memory_space<vmem_shared>> -> memref<10240xf32, #tpu.memory_space<vmem_shared>>
    tpu.enqueue_indirect_dma source(%arg9 : memref<128xf32, #tpu.memory_space<vmem>>) target(%dma_start3A_196 : memref<10240xf32, #tpu.memory_space<vmem_shared>>) offsets(%dma_start3A_194 : memref<128xi32, #tpu.memory_space<vmem>>) semaphore(%arg14 : memref<!tpu.dma_semaphore, #tpu.memory_space<semaphore_mem>>) {add = true}
    %scan3A_197 = arith.constant 0 : i32
    %scan3A_198 = arith.constant 1 : i32
    %scan3A_199 = arith.constant 19 : i32
    %scan3A_200 = arith.addi %scan3A_198, %scan3A_199 : i32
    %scan3A_201 = arith.constant 1 : i32
    %scan3A_202 = scf.for %scan3A_305 = %scan3A_198 to %scan3A_200 step %scan3A_201 iter_args(%scan3A_306 = %scan3A_197) -> (i32)  : i32 {
      %mul3A_307 = arith.constant 4 : i32
      %mul3A_308 = arith.muli %mul3A_307, %scan3A_305 : i32
      %add3A_309 = arith.constant 0 : i32
      %add3A_310 = arith.addi %mul3A_308, %add3A_309 : i32
      %sub3A = arith.constant 4 : i32
      %sub3A_311 = arith.subi %add3A_310, %sub3A : i32
      %dma_wait3A_312 = arith.constant 0 : i32
      %dma_wait3A_313 = tpu.memref_slice %arg8[%sub3A_311, %dma_wait3A_312] : memref<84x128xi32, #tpu.memory_space<vmem>> -> memref<1x128xi32, #tpu.memory_space<vmem>>
      %dma_wait3A_314 = tpu.memref_squeeze %dma_wait3A_313 : memref<1x128xi32, #tpu.memory_space<vmem>> -> memref<128xi32, #tpu.memory_space<vmem>>
      %dma_wait3A_315 = arith.constant 0 : i32
      %dma_wait3A_316 = tpu.memref_slice %arg6[%dma_wait3A_315] : memref<10240xf32, #tpu.memory_space<vmem_shared>> -> memref<10240xf32, #tpu.memory_space<vmem_shared>>
      tpu.wait_indirect_dma semaphore(%arg11 : memref<!tpu.dma_semaphore, #tpu.memory_space<semaphore_mem>>) src(%arg9 : memref<128xf32, #tpu.memory_space<vmem>>) dst(%dma_wait3A_316 : memref<10240xf32, #tpu.memory_space<vmem_shared>>)
      %dma_start3A_317 = arith.constant 0 : i32
      %dma_start3A_318 = tpu.memref_slice %arg8[%add3A_310, %dma_start3A_317] : memref<84x128xi32, #tpu.memory_space<vmem>> -> memref<1x128xi32, #tpu.memory_space<vmem>>
      %dma_start3A_319 = tpu.memref_squeeze %dma_start3A_318 : memref<1x128xi32, #tpu.memory_space<vmem>> -> memref<128xi32, #tpu.memory_space<vmem>>
      %dma_start3A_320 = arith.constant 0 : i32
      %dma_start3A_321 = tpu.memref_slice %arg6[%dma_start3A_320] : memref<10240xf32, #tpu.memory_space<vmem_shared>> -> memref<10240xf32, #tpu.memory_space<vmem_shared>>
      tpu.enqueue_indirect_dma source(%arg9 : memref<128xf32, #tpu.memory_space<vmem>>) target(%dma_start3A_321 : memref<10240xf32, #tpu.memory_space<vmem_shared>>) offsets(%dma_start3A_319 : memref<128xi32, #tpu.memory_space<vmem>>) semaphore(%arg11 : memref<!tpu.dma_semaphore, #tpu.memory_space<semaphore_mem>>) {add = true}
      %mul3A_322 = arith.constant 4 : i32
      %mul3A_323 = arith.muli %mul3A_322, %scan3A_305 : i32
      %add3A_324 = arith.constant 1 : i32
      %add3A_325 = arith.addi %mul3A_323, %add3A_324 : i32
      %sub3A_326 = arith.constant 4 : i32
      %sub3A_327 = arith.subi %add3A_325, %sub3A_326 : i32
      %dma_wait3A_328 = arith.constant 0 : i32
      %dma_wait3A_329 = tpu.memref_slice %arg8[%sub3A_327, %dma_wait3A_328] : memref<84x128xi32, #tpu.memory_space<vmem>> -> memref<1x128xi32, #tpu.memory_space<vmem>>
      %dma_wait3A_330 = tpu.memref_squeeze %dma_wait3A_329 : memref<1x128xi32, #tpu.memory_space<vmem>> -> memref<128xi32, #tpu.memory_space<vmem>>
      %dma_wait3A_331 = arith.constant 0 : i32
      %dma_wait3A_332 = tpu.memref_slice %arg6[%dma_wait3A_331] : memref<10240xf32, #tpu.memory_space<vmem_shared>> -> memref<10240xf32, #tpu.memory_space<vmem_shared>>
      tpu.wait_indirect_dma semaphore(%arg12 : memref<!tpu.dma_semaphore, #tpu.memory_space<semaphore_mem>>) src(%arg9 : memref<128xf32, #tpu.memory_space<vmem>>) dst(%dma_wait3A_332 : memref<10240xf32, #tpu.memory_space<vmem_shared>>)
      %dma_start3A_333 = arith.constant 0 : i32
      %dma_start3A_334 = tpu.memref_slice %arg8[%add3A_325, %dma_start3A_333] : memref<84x128xi32, #tpu.memory_space<vmem>> -> memref<1x128xi32, #tpu.memory_space<vmem>>
      %dma_start3A_335 = tpu.memref_squeeze %dma_start3A_334 : memref<1x128xi32, #tpu.memory_space<vmem>> -> memref<128xi32, #tpu.memory_space<vmem>>
      %dma_start3A_336 = arith.constant 0 : i32
      %dma_start3A_337 = tpu.memref_slice %arg6[%dma_start3A_336] : memref<10240xf32, #tpu.memory_space<vmem_shared>> -> memref<10240xf32, #tpu.memory_space<vmem_shared>>
      tpu.enqueue_indirect_dma source(%arg9 : memref<128xf32, #tpu.memory_space<vmem>>) target(%dma_start3A_337 : memref<10240xf32, #tpu.memory_space<vmem_shared>>) offsets(%dma_start3A_335 : memref<128xi32, #tpu.memory_space<vmem>>) semaphore(%arg12 : memref<!tpu.dma_semaphore, #tpu.memory_space<semaphore_mem>>) {add = true}
      %mul3A_338 = arith.constant 4 : i32
      %mul3A_339 = arith.muli %mul3A_338, %scan3A_305 : i32
      %add3A_340 = arith.constant 2 : i32
      %add3A_341 = arith.addi %mul3A_339, %add3A_340 : i32
      %sub3A_342 = arith.constant 4 : i32
      %sub3A_343 = arith.subi %add3A_341, %sub3A_342 : i32
      %dma_wait3A_344 = arith.constant 0 : i32
      %dma_wait3A_345 = tpu.memref_slice %arg8[%sub3A_343, %dma_wait3A_344] : memref<84x128xi32, #tpu.memory_space<vmem>> -> memref<1x128xi32, #tpu.memory_space<vmem>>
      %dma_wait3A_346 = tpu.memref_squeeze %dma_wait3A_345 : memref<1x128xi32, #tpu.memory_space<vmem>> -> memref<128xi32, #tpu.memory_space<vmem>>
      %dma_wait3A_347 = arith.constant 0 : i32
      %dma_wait3A_348 = tpu.memref_slice %arg6[%dma_wait3A_347] : memref<10240xf32, #tpu.memory_space<vmem_shared>> -> memref<10240xf32, #tpu.memory_space<vmem_shared>>
      tpu.wait_indirect_dma semaphore(%arg13 : memref<!tpu.dma_semaphore, #tpu.memory_space<semaphore_mem>>) src(%arg9 : memref<128xf32, #tpu.memory_space<vmem>>) dst(%dma_wait3A_348 : memref<10240xf32, #tpu.memory_space<vmem_shared>>)
      %dma_start3A_349 = arith.constant 0 : i32
      %dma_start3A_350 = tpu.memref_slice %arg8[%add3A_341, %dma_start3A_349] : memref<84x128xi32, #tpu.memory_space<vmem>> -> memref<1x128xi32, #tpu.memory_space<vmem>>
      %dma_start3A_351 = tpu.memref_squeeze %dma_start3A_350 : memref<1x128xi32, #tpu.memory_space<vmem>> -> memref<128xi32, #tpu.memory_space<vmem>>
      %dma_start3A_352 = arith.constant 0 : i32
      %dma_start3A_353 = tpu.memref_slice %arg6[%dma_start3A_352] : memref<10240xf32, #tpu.memory_space<vmem_shared>> -> memref<10240xf32, #tpu.memory_space<vmem_shared>>
      tpu.enqueue_indirect_dma source(%arg9 : memref<128xf32, #tpu.memory_space<vmem>>) target(%dma_start3A_353 : memref<10240xf32, #tpu.memory_space<vmem_shared>>) offsets(%dma_start3A_351 : memref<128xi32, #tpu.memory_space<vmem>>) semaphore(%arg13 : memref<!tpu.dma_semaphore, #tpu.memory_space<semaphore_mem>>) {add = true}
      %mul3A_354 = arith.constant 4 : i32
      %mul3A_355 = arith.muli %mul3A_354, %scan3A_305 : i32
      %add3A_356 = arith.constant 3 : i32
      %add3A_357 = arith.addi %mul3A_355, %add3A_356 : i32
      %sub3A_358 = arith.constant 4 : i32
      %sub3A_359 = arith.subi %add3A_357, %sub3A_358 : i32
      %dma_wait3A_360 = arith.constant 0 : i32
      %dma_wait3A_361 = tpu.memref_slice %arg8[%sub3A_359, %dma_wait3A_360] : memref<84x128xi32, #tpu.memory_space<vmem>> -> memref<1x128xi32, #tpu.memory_space<vmem>>
      %dma_wait3A_362 = tpu.memref_squeeze %dma_wait3A_361 : memref<1x128xi32, #tpu.memory_space<vmem>> -> memref<128xi32, #tpu.memory_space<vmem>>
      %dma_wait3A_363 = arith.constant 0 : i32
      %dma_wait3A_364 = tpu.memref_slice %arg6[%dma_wait3A_363] : memref<10240xf32, #tpu.memory_space<vmem_shared>> -> memref<10240xf32, #tpu.memory_space<vmem_shared>>
      tpu.wait_indirect_dma semaphore(%arg14 : memref<!tpu.dma_semaphore, #tpu.memory_space<semaphore_mem>>) src(%arg9 : memref<128xf32, #tpu.memory_space<vmem>>) dst(%dma_wait3A_364 : memref<10240xf32, #tpu.memory_space<vmem_shared>>)
      %dma_start3A_365 = arith.constant 0 : i32
      %dma_start3A_366 = tpu.memref_slice %arg8[%add3A_357, %dma_start3A_365] : memref<84x128xi32, #tpu.memory_space<vmem>> -> memref<1x128xi32, #tpu.memory_space<vmem>>
      %dma_start3A_367 = tpu.memref_squeeze %dma_start3A_366 : memref<1x128xi32, #tpu.memory_space<vmem>> -> memref<128xi32, #tpu.memory_space<vmem>>
      %dma_start3A_368 = arith.constant 0 : i32
      %dma_start3A_369 = tpu.memref_slice %arg6[%dma_start3A_368] : memref<10240xf32, #tpu.memory_space<vmem_shared>> -> memref<10240xf32, #tpu.memory_space<vmem_shared>>
      tpu.enqueue_indirect_dma source(%arg9 : memref<128xf32, #tpu.memory_space<vmem>>) target(%dma_start3A_369 : memref<10240xf32, #tpu.memory_space<vmem_shared>>) offsets(%dma_start3A_367 : memref<128xi32, #tpu.memory_space<vmem>>) semaphore(%arg14 : memref<!tpu.dma_semaphore, #tpu.memory_space<semaphore_mem>>) {add = true}
      %scan3A_370 = arith.constant 0 : i32
      scf.yield %scan3A_370 : i32
    }
    %scan3A_203 = arith.constant 19 : i32
    %dma_wait3A_204 = arith.constant 0 : i32
    %dma_wait3A_205 = arith.constant 0 : i32
    %dma_wait3A_206 = tpu.memref_slice %arg8[%dma_wait3A_204, %dma_wait3A_205] : memref<84x128xi32, #tpu.memory_space<vmem>> -> memref<1x128xi32, #tpu.memory_space<vmem>>
    %dma_wait3A_207 = tpu.memref_squeeze %dma_wait3A_206 : memref<1x128xi32, #tpu.memory_space<vmem>> -> memref<128xi32, #tpu.memory_space<vmem>>
    %dma_wait3A_208 = arith.constant 0 : i32
    %dma_wait3A_209 = tpu.memref_slice %arg6[%dma_wait3A_208] : memref<10240xf32, #tpu.memory_space<vmem_shared>> -> memref<10240xf32, #tpu.memory_space<vmem_shared>>
    tpu.wait_indirect_dma semaphore(%arg11 : memref<!tpu.dma_semaphore, #tpu.memory_space<semaphore_mem>>) src(%arg9 : memref<128xf32, #tpu.memory_space<vmem>>) dst(%dma_wait3A_209 : memref<10240xf32, #tpu.memory_space<vmem_shared>>)
    %dma_wait3A_210 = arith.constant 1 : i32
    %dma_wait3A_211 = arith.constant 0 : i32
    %dma_wait3A_212 = tpu.memref_slice %arg8[%dma_wait3A_210, %dma_wait3A_211] : memref<84x128xi32, #tpu.memory_space<vmem>> -> memref<1x128xi32, #tpu.memory_space<vmem>>
    %dma_wait3A_213 = tpu.memref_squeeze %dma_wait3A_212 : memref<1x128xi32, #tpu.memory_space<vmem>> -> memref<128xi32, #tpu.memory_space<vmem>>
    %dma_wait3A_214 = arith.constant 0 : i32
    %dma_wait3A_215 = tpu.memref_slice %arg6[%dma_wait3A_214] : memref<10240xf32, #tpu.memory_space<vmem_shared>> -> memref<10240xf32, #tpu.memory_space<vmem_shared>>
    tpu.wait_indirect_dma semaphore(%arg12 : memref<!tpu.dma_semaphore, #tpu.memory_space<semaphore_mem>>) src(%arg9 : memref<128xf32, #tpu.memory_space<vmem>>) dst(%dma_wait3A_215 : memref<10240xf32, #tpu.memory_space<vmem_shared>>)
    %dma_wait3A_216 = arith.constant 2 : i32
    %dma_wait3A_217 = arith.constant 0 : i32
    %dma_wait3A_218 = tpu.memref_slice %arg8[%dma_wait3A_216, %dma_wait3A_217] : memref<84x128xi32, #tpu.memory_space<vmem>> -> memref<1x128xi32, #tpu.memory_space<vmem>>
    %dma_wait3A_219 = tpu.memref_squeeze %dma_wait3A_218 : memref<1x128xi32, #tpu.memory_space<vmem>> -> memref<128xi32, #tpu.memory_space<vmem>>
    %dma_wait3A_220 = arith.constant 0 : i32
    %dma_wait3A_221 = tpu.memref_slice %arg6[%dma_wait3A_220] : memref<10240xf32, #tpu.memory_space<vmem_shared>> -> memref<10240xf32, #tpu.memory_space<vmem_shared>>
    tpu.wait_indirect_dma semaphore(%arg13 : memref<!tpu.dma_semaphore, #tpu.memory_space<semaphore_mem>>) src(%arg9 : memref<128xf32, #tpu.memory_space<vmem>>) dst(%dma_wait3A_221 : memref<10240xf32, #tpu.memory_space<vmem_shared>>)
    %dma_wait3A_222 = arith.constant 3 : i32
    %dma_wait3A_223 = arith.constant 0 : i32
    %dma_wait3A_224 = tpu.memref_slice %arg8[%dma_wait3A_222, %dma_wait3A_223] : memref<84x128xi32, #tpu.memory_space<vmem>> -> memref<1x128xi32, #tpu.memory_space<vmem>>
    %dma_wait3A_225 = tpu.memref_squeeze %dma_wait3A_224 : memref<1x128xi32, #tpu.memory_space<vmem>> -> memref<128xi32, #tpu.memory_space<vmem>>
    %dma_wait3A_226 = arith.constant 0 : i32
    %dma_wait3A_227 = tpu.memref_slice %arg6[%dma_wait3A_226] : memref<10240xf32, #tpu.memory_space<vmem_shared>> -> memref<10240xf32, #tpu.memory_space<vmem_shared>>
    tpu.wait_indirect_dma semaphore(%arg14 : memref<!tpu.dma_semaphore, #tpu.memory_space<semaphore_mem>>) src(%arg9 : memref<128xf32, #tpu.memory_space<vmem>>) dst(%dma_wait3A_227 : memref<10240xf32, #tpu.memory_space<vmem_shared>>)
    %run_scoped3A_228 = arith.constant 3 : i32
    "tpu.region"() ({
      %run_scoped3A_305 = tpu.sem_alloc : memref<!tpu.dma_semaphore, #tpu.memory_space<semaphore_mem>>
      %dma_start3A_306 = arith.constant 0 : i32
      %dma_start3A_307 = arith.constant 0 : i32
      %dma_start3A_308 = tpu.memref_slice %arg2[%run_scoped3A_228, %add3A, %dma_start3A_306, %dma_start3A_307] : memref<4x32x84x128xi32, #tpu.memory_space<hbm>> -> memref<1x1x84x128xi32, #tpu.memory_space<hbm>>
      %dma_start3A_309 = tpu.memref_squeeze %dma_start3A_308 : memref<1x1x84x128xi32, #tpu.memory_space<hbm>> -> memref<84x128xi32, #tpu.memory_space<hbm>>
      %dma_start3A_310 = arith.constant 0 : i32
      %dma_start3A_311 = arith.constant 0 : i32
      %dma_start3A_312 = tpu.memref_slice %arg2[%run_scoped3A_228, %add3A, %dma_start3A_310, %dma_start3A_311] : memref<4x32x84x128xi32, #tpu.memory_space<hbm>> -> memref<1x1x84x128xi32, #tpu.memory_space<hbm>>
      %dma_start3A_313 = tpu.memref_squeeze %dma_start3A_312 : memref<1x1x84x128xi32, #tpu.memory_space<hbm>> -> memref<84x128xi32, #tpu.memory_space<hbm>>
      tpu.enqueue_dma source(%dma_start3A_313 : memref<84x128xi32, #tpu.memory_space<hbm>>) target(%arg8 : memref<84x128xi32, #tpu.memory_space<vmem>>) target_semaphore(%run_scoped3A_305 : memref<!tpu.dma_semaphore, #tpu.memory_space<semaphore_mem>>)
      %dma_wait3A_314 = arith.constant 0 : i32
      %dma_wait3A_315 = arith.constant 0 : i32
      %dma_wait3A_316 = tpu.memref_slice %arg2[%run_scoped3A_228, %add3A, %dma_wait3A_314, %dma_wait3A_315] : memref<4x32x84x128xi32, #tpu.memory_space<hbm>> -> memref<1x1x84x128xi32, #tpu.memory_space<hbm>>
      %dma_wait3A_317 = tpu.memref_squeeze %dma_wait3A_316 : memref<1x1x84x128xi32, #tpu.memory_space<hbm>> -> memref<84x128xi32, #tpu.memory_space<hbm>>
      %dma_wait3A_318 = arith.constant 0 : i32
      %dma_wait3A_319 = arith.constant 0 : i32
      %dma_wait3A_320 = tpu.memref_slice %arg2[%run_scoped3A_228, %add3A, %dma_wait3A_318, %dma_wait3A_319] : memref<4x32x84x128xi32, #tpu.memory_space<hbm>> -> memref<1x1x84x128xi32, #tpu.memory_space<hbm>>
      %dma_wait3A_321 = tpu.memref_squeeze %dma_wait3A_320 : memref<1x1x84x128xi32, #tpu.memory_space<hbm>> -> memref<84x128xi32, #tpu.memory_space<hbm>>
      tpu.wait_dma2 semaphore(%run_scoped3A_305 : memref<!tpu.dma_semaphore, #tpu.memory_space<semaphore_mem>>) src(%dma_wait3A_321 : memref<84x128xi32, #tpu.memory_space<hbm>>) dst(%arg8 : memref<84x128xi32, #tpu.memory_space<vmem>>)
      tpu.yield
    }) : () -> ()
    %dma_start3A_229 = arith.constant 0 : i32
    %dma_start3A_230 = arith.constant 0 : i32
    %dma_start3A_231 = tpu.memref_slice %arg8[%dma_start3A_229, %dma_start3A_230] : memref<84x128xi32, #tpu.memory_space<vmem>> -> memref<1x128xi32, #tpu.memory_space<vmem>>
    %dma_start3A_232 = tpu.memref_squeeze %dma_start3A_231 : memref<1x128xi32, #tpu.memory_space<vmem>> -> memref<128xi32, #tpu.memory_space<vmem>>
    %dma_start3A_233 = arith.constant 0 : i32
    %dma_start3A_234 = tpu.memref_slice %arg7[%dma_start3A_233] : memref<10240xf32, #tpu.memory_space<vmem_shared>> -> memref<10240xf32, #tpu.memory_space<vmem_shared>>
    tpu.enqueue_indirect_dma source(%arg9 : memref<128xf32, #tpu.memory_space<vmem>>) target(%dma_start3A_234 : memref<10240xf32, #tpu.memory_space<vmem_shared>>) offsets(%dma_start3A_232 : memref<128xi32, #tpu.memory_space<vmem>>) semaphore(%arg11 : memref<!tpu.dma_semaphore, #tpu.memory_space<semaphore_mem>>) {add = true}
    %dma_start3A_235 = arith.constant 1 : i32
    %dma_start3A_236 = arith.constant 0 : i32
    %dma_start3A_237 = tpu.memref_slice %arg8[%dma_start3A_235, %dma_start3A_236] : memref<84x128xi32, #tpu.memory_space<vmem>> -> memref<1x128xi32, #tpu.memory_space<vmem>>
    %dma_start3A_238 = tpu.memref_squeeze %dma_start3A_237 : memref<1x128xi32, #tpu.memory_space<vmem>> -> memref<128xi32, #tpu.memory_space<vmem>>
    %dma_start3A_239 = arith.constant 0 : i32
    %dma_start3A_240 = tpu.memref_slice %arg7[%dma_start3A_239] : memref<10240xf32, #tpu.memory_space<vmem_shared>> -> memref<10240xf32, #tpu.memory_space<vmem_shared>>
    tpu.enqueue_indirect_dma source(%arg9 : memref<128xf32, #tpu.memory_space<vmem>>) target(%dma_start3A_240 : memref<10240xf32, #tpu.memory_space<vmem_shared>>) offsets(%dma_start3A_238 : memref<128xi32, #tpu.memory_space<vmem>>) semaphore(%arg12 : memref<!tpu.dma_semaphore, #tpu.memory_space<semaphore_mem>>) {add = true}
    %dma_start3A_241 = arith.constant 2 : i32
    %dma_start3A_242 = arith.constant 0 : i32
    %dma_start3A_243 = tpu.memref_slice %arg8[%dma_start3A_241, %dma_start3A_242] : memref<84x128xi32, #tpu.memory_space<vmem>> -> memref<1x128xi32, #tpu.memory_space<vmem>>
    %dma_start3A_244 = tpu.memref_squeeze %dma_start3A_243 : memref<1x128xi32, #tpu.memory_space<vmem>> -> memref<128xi32, #tpu.memory_space<vmem>>
    %dma_start3A_245 = arith.constant 0 : i32
    %dma_start3A_246 = tpu.memref_slice %arg7[%dma_start3A_245] : memref<10240xf32, #tpu.memory_space<vmem_shared>> -> memref<10240xf32, #tpu.memory_space<vmem_shared>>
    tpu.enqueue_indirect_dma source(%arg9 : memref<128xf32, #tpu.memory_space<vmem>>) target(%dma_start3A_246 : memref<10240xf32, #tpu.memory_space<vmem_shared>>) offsets(%dma_start3A_244 : memref<128xi32, #tpu.memory_space<vmem>>) semaphore(%arg13 : memref<!tpu.dma_semaphore, #tpu.memory_space<semaphore_mem>>) {add = true}
    %dma_start3A_247 = arith.constant 3 : i32
    %dma_start3A_248 = arith.constant 0 : i32
    %dma_start3A_249 = tpu.memref_slice %arg8[%dma_start3A_247, %dma_start3A_248] : memref<84x128xi32, #tpu.memory_space<vmem>> -> memref<1x128xi32, #tpu.memory_space<vmem>>
    %dma_start3A_250 = tpu.memref_squeeze %dma_start3A_249 : memref<1x128xi32, #tpu.memory_space<vmem>> -> memref<128xi32, #tpu.memory_space<vmem>>
    %dma_start3A_251 = arith.constant 0 : i32
    %dma_start3A_252 = tpu.memref_slice %arg7[%dma_start3A_251] : memref<10240xf32, #tpu.memory_space<vmem_shared>> -> memref<10240xf32, #tpu.memory_space<vmem_shared>>
    tpu.enqueue_indirect_dma source(%arg9 : memref<128xf32, #tpu.memory_space<vmem>>) target(%dma_start3A_252 : memref<10240xf32, #tpu.memory_space<vmem_shared>>) offsets(%dma_start3A_250 : memref<128xi32, #tpu.memory_space<vmem>>) semaphore(%arg14 : memref<!tpu.dma_semaphore, #tpu.memory_space<semaphore_mem>>) {add = true}
    %scan3A_253 = arith.constant 0 : i32
    %scan3A_254 = arith.constant 1 : i32
    %scan3A_255 = arith.constant 19 : i32
    %scan3A_256 = arith.addi %scan3A_254, %scan3A_255 : i32
    %scan3A_257 = arith.constant 1 : i32
    %scan3A_258 = scf.for %scan3A_305 = %scan3A_254 to %scan3A_256 step %scan3A_257 iter_args(%scan3A_306 = %scan3A_253) -> (i32)  : i32 {
      %mul3A_307 = arith.constant 4 : i32
      %mul3A_308 = arith.muli %mul3A_307, %scan3A_305 : i32
      %add3A_309 = arith.constant 0 : i32
      %add3A_310 = arith.addi %mul3A_308, %add3A_309 : i32
      %sub3A = arith.constant 4 : i32
      %sub3A_311 = arith.subi %add3A_310, %sub3A : i32
      %dma_wait3A_312 = arith.constant 0 : i32
      %dma_wait3A_313 = tpu.memref_slice %arg8[%sub3A_311, %dma_wait3A_312] : memref<84x128xi32, #tpu.memory_space<vmem>> -> memref<1x128xi32, #tpu.memory_space<vmem>>
      %dma_wait3A_314 = tpu.memref_squeeze %dma_wait3A_313 : memref<1x128xi32, #tpu.memory_space<vmem>> -> memref<128xi32, #tpu.memory_space<vmem>>
      %dma_wait3A_315 = arith.constant 0 : i32
      %dma_wait3A_316 = tpu.memref_slice %arg7[%dma_wait3A_315] : memref<10240xf32, #tpu.memory_space<vmem_shared>> -> memref<10240xf32, #tpu.memory_space<vmem_shared>>
      tpu.wait_indirect_dma semaphore(%arg11 : memref<!tpu.dma_semaphore, #tpu.memory_space<semaphore_mem>>) src(%arg9 : memref<128xf32, #tpu.memory_space<vmem>>) dst(%dma_wait3A_316 : memref<10240xf32, #tpu.memory_space<vmem_shared>>)
      %dma_start3A_317 = arith.constant 0 : i32
      %dma_start3A_318 = tpu.memref_slice %arg8[%add3A_310, %dma_start3A_317] : memref<84x128xi32, #tpu.memory_space<vmem>> -> memref<1x128xi32, #tpu.memory_space<vmem>>
      %dma_start3A_319 = tpu.memref_squeeze %dma_start3A_318 : memref<1x128xi32, #tpu.memory_space<vmem>> -> memref<128xi32, #tpu.memory_space<vmem>>
      %dma_start3A_320 = arith.constant 0 : i32
      %dma_start3A_321 = tpu.memref_slice %arg7[%dma_start3A_320] : memref<10240xf32, #tpu.memory_space<vmem_shared>> -> memref<10240xf32, #tpu.memory_space<vmem_shared>>
      tpu.enqueue_indirect_dma source(%arg9 : memref<128xf32, #tpu.memory_space<vmem>>) target(%dma_start3A_321 : memref<10240xf32, #tpu.memory_space<vmem_shared>>) offsets(%dma_start3A_319 : memref<128xi32, #tpu.memory_space<vmem>>) semaphore(%arg11 : memref<!tpu.dma_semaphore, #tpu.memory_space<semaphore_mem>>) {add = true}
      %mul3A_322 = arith.constant 4 : i32
      %mul3A_323 = arith.muli %mul3A_322, %scan3A_305 : i32
      %add3A_324 = arith.constant 1 : i32
      %add3A_325 = arith.addi %mul3A_323, %add3A_324 : i32
      %sub3A_326 = arith.constant 4 : i32
      %sub3A_327 = arith.subi %add3A_325, %sub3A_326 : i32
      %dma_wait3A_328 = arith.constant 0 : i32
      %dma_wait3A_329 = tpu.memref_slice %arg8[%sub3A_327, %dma_wait3A_328] : memref<84x128xi32, #tpu.memory_space<vmem>> -> memref<1x128xi32, #tpu.memory_space<vmem>>
      %dma_wait3A_330 = tpu.memref_squeeze %dma_wait3A_329 : memref<1x128xi32, #tpu.memory_space<vmem>> -> memref<128xi32, #tpu.memory_space<vmem>>
      %dma_wait3A_331 = arith.constant 0 : i32
      %dma_wait3A_332 = tpu.memref_slice %arg7[%dma_wait3A_331] : memref<10240xf32, #tpu.memory_space<vmem_shared>> -> memref<10240xf32, #tpu.memory_space<vmem_shared>>
      tpu.wait_indirect_dma semaphore(%arg12 : memref<!tpu.dma_semaphore, #tpu.memory_space<semaphore_mem>>) src(%arg9 : memref<128xf32, #tpu.memory_space<vmem>>) dst(%dma_wait3A_332 : memref<10240xf32, #tpu.memory_space<vmem_shared>>)
      %dma_start3A_333 = arith.constant 0 : i32
      %dma_start3A_334 = tpu.memref_slice %arg8[%add3A_325, %dma_start3A_333] : memref<84x128xi32, #tpu.memory_space<vmem>> -> memref<1x128xi32, #tpu.memory_space<vmem>>
      %dma_start3A_335 = tpu.memref_squeeze %dma_start3A_334 : memref<1x128xi32, #tpu.memory_space<vmem>> -> memref<128xi32, #tpu.memory_space<vmem>>
      %dma_start3A_336 = arith.constant 0 : i32
      %dma_start3A_337 = tpu.memref_slice %arg7[%dma_start3A_336] : memref<10240xf32, #tpu.memory_space<vmem_shared>> -> memref<10240xf32, #tpu.memory_space<vmem_shared>>
      tpu.enqueue_indirect_dma source(%arg9 : memref<128xf32, #tpu.memory_space<vmem>>) target(%dma_start3A_337 : memref<10240xf32, #tpu.memory_space<vmem_shared>>) offsets(%dma_start3A_335 : memref<128xi32, #tpu.memory_space<vmem>>) semaphore(%arg12 : memref<!tpu.dma_semaphore, #tpu.memory_space<semaphore_mem>>) {add = true}
      %mul3A_338 = arith.constant 4 : i32
      %mul3A_339 = arith.muli %mul3A_338, %scan3A_305 : i32
      %add3A_340 = arith.constant 2 : i32
      %add3A_341 = arith.addi %mul3A_339, %add3A_340 : i32
      %sub3A_342 = arith.constant 4 : i32
      %sub3A_343 = arith.subi %add3A_341, %sub3A_342 : i32
      %dma_wait3A_344 = arith.constant 0 : i32
      %dma_wait3A_345 = tpu.memref_slice %arg8[%sub3A_343, %dma_wait3A_344] : memref<84x128xi32, #tpu.memory_space<vmem>> -> memref<1x128xi32, #tpu.memory_space<vmem>>
      %dma_wait3A_346 = tpu.memref_squeeze %dma_wait3A_345 : memref<1x128xi32, #tpu.memory_space<vmem>> -> memref<128xi32, #tpu.memory_space<vmem>>
      %dma_wait3A_347 = arith.constant 0 : i32
      %dma_wait3A_348 = tpu.memref_slice %arg7[%dma_wait3A_347] : memref<10240xf32, #tpu.memory_space<vmem_shared>> -> memref<10240xf32, #tpu.memory_space<vmem_shared>>
      tpu.wait_indirect_dma semaphore(%arg13 : memref<!tpu.dma_semaphore, #tpu.memory_space<semaphore_mem>>) src(%arg9 : memref<128xf32, #tpu.memory_space<vmem>>) dst(%dma_wait3A_348 : memref<10240xf32, #tpu.memory_space<vmem_shared>>)
      %dma_start3A_349 = arith.constant 0 : i32
      %dma_start3A_350 = tpu.memref_slice %arg8[%add3A_341, %dma_start3A_349] : memref<84x128xi32, #tpu.memory_space<vmem>> -> memref<1x128xi32, #tpu.memory_space<vmem>>
      %dma_start3A_351 = tpu.memref_squeeze %dma_start3A_350 : memref<1x128xi32, #tpu.memory_space<vmem>> -> memref<128xi32, #tpu.memory_space<vmem>>
      %dma_start3A_352 = arith.constant 0 : i32
      %dma_start3A_353 = tpu.memref_slice %arg7[%dma_start3A_352] : memref<10240xf32, #tpu.memory_space<vmem_shared>> -> memref<10240xf32, #tpu.memory_space<vmem_shared>>
      tpu.enqueue_indirect_dma source(%arg9 : memref<128xf32, #tpu.memory_space<vmem>>) target(%dma_start3A_353 : memref<10240xf32, #tpu.memory_space<vmem_shared>>) offsets(%dma_start3A_351 : memref<128xi32, #tpu.memory_space<vmem>>) semaphore(%arg13 : memref<!tpu.dma_semaphore, #tpu.memory_space<semaphore_mem>>) {add = true}
      %mul3A_354 = arith.constant 4 : i32
      %mul3A_355 = arith.muli %mul3A_354, %scan3A_305 : i32
      %add3A_356 = arith.constant 3 : i32
      %add3A_357 = arith.addi %mul3A_355, %add3A_356 : i32
      %sub3A_358 = arith.constant 4 : i32
      %sub3A_359 = arith.subi %add3A_357, %sub3A_358 : i32
      %dma_wait3A_360 = arith.constant 0 : i32
      %dma_wait3A_361 = tpu.memref_slice %arg8[%sub3A_359, %dma_wait3A_360] : memref<84x128xi32, #tpu.memory_space<vmem>> -> memref<1x128xi32, #tpu.memory_space<vmem>>
      %dma_wait3A_362 = tpu.memref_squeeze %dma_wait3A_361 : memref<1x128xi32, #tpu.memory_space<vmem>> -> memref<128xi32, #tpu.memory_space<vmem>>
      %dma_wait3A_363 = arith.constant 0 : i32
      %dma_wait3A_364 = tpu.memref_slice %arg7[%dma_wait3A_363] : memref<10240xf32, #tpu.memory_space<vmem_shared>> -> memref<10240xf32, #tpu.memory_space<vmem_shared>>
      tpu.wait_indirect_dma semaphore(%arg14 : memref<!tpu.dma_semaphore, #tpu.memory_space<semaphore_mem>>) src(%arg9 : memref<128xf32, #tpu.memory_space<vmem>>) dst(%dma_wait3A_364 : memref<10240xf32, #tpu.memory_space<vmem_shared>>)
      %dma_start3A_365 = arith.constant 0 : i32
      %dma_start3A_366 = tpu.memref_slice %arg8[%add3A_357, %dma_start3A_365] : memref<84x128xi32, #tpu.memory_space<vmem>> -> memref<1x128xi32, #tpu.memory_space<vmem>>
      %dma_start3A_367 = tpu.memref_squeeze %dma_start3A_366 : memref<1x128xi32, #tpu.memory_space<vmem>> -> memref<128xi32, #tpu.memory_space<vmem>>
      %dma_start3A_368 = arith.constant 0 : i32
      %dma_start3A_369 = tpu.memref_slice %arg7[%dma_start3A_368] : memref<10240xf32, #tpu.memory_space<vmem_shared>> -> memref<10240xf32, #tpu.memory_space<vmem_shared>>
      tpu.enqueue_indirect_dma source(%arg9 : memref<128xf32, #tpu.memory_space<vmem>>) target(%dma_start3A_369 : memref<10240xf32, #tpu.memory_space<vmem_shared>>) offsets(%dma_start3A_367 : memref<128xi32, #tpu.memory_space<vmem>>) semaphore(%arg14 : memref<!tpu.dma_semaphore, #tpu.memory_space<semaphore_mem>>) {add = true}
      %scan3A_370 = arith.constant 0 : i32
      scf.yield %scan3A_370 : i32
    }
    %scan3A_259 = arith.constant 19 : i32
    %dma_wait3A_260 = arith.constant 0 : i32
    %dma_wait3A_261 = arith.constant 0 : i32
    %dma_wait3A_262 = tpu.memref_slice %arg8[%dma_wait3A_260, %dma_wait3A_261] : memref<84x128xi32, #tpu.memory_space<vmem>> -> memref<1x128xi32, #tpu.memory_space<vmem>>
    %dma_wait3A_263 = tpu.memref_squeeze %dma_wait3A_262 : memref<1x128xi32, #tpu.memory_space<vmem>> -> memref<128xi32, #tpu.memory_space<vmem>>
    %dma_wait3A_264 = arith.constant 0 : i32
    %dma_wait3A_265 = tpu.memref_slice %arg7[%dma_wait3A_264] : memref<10240xf32, #tpu.memory_space<vmem_shared>> -> memref<10240xf32, #tpu.memory_space<vmem_shared>>
    tpu.wait_indirect_dma semaphore(%arg11 : memref<!tpu.dma_semaphore, #tpu.memory_space<semaphore_mem>>) src(%arg9 : memref<128xf32, #tpu.memory_space<vmem>>) dst(%dma_wait3A_265 : memref<10240xf32, #tpu.memory_space<vmem_shared>>)
    %dma_wait3A_266 = arith.constant 1 : i32
    %dma_wait3A_267 = arith.constant 0 : i32
    %dma_wait3A_268 = tpu.memref_slice %arg8[%dma_wait3A_266, %dma_wait3A_267] : memref<84x128xi32, #tpu.memory_space<vmem>> -> memref<1x128xi32, #tpu.memory_space<vmem>>
    %dma_wait3A_269 = tpu.memref_squeeze %dma_wait3A_268 : memref<1x128xi32, #tpu.memory_space<vmem>> -> memref<128xi32, #tpu.memory_space<vmem>>
    %dma_wait3A_270 = arith.constant 0 : i32
    %dma_wait3A_271 = tpu.memref_slice %arg7[%dma_wait3A_270] : memref<10240xf32, #tpu.memory_space<vmem_shared>> -> memref<10240xf32, #tpu.memory_space<vmem_shared>>
    tpu.wait_indirect_dma semaphore(%arg12 : memref<!tpu.dma_semaphore, #tpu.memory_space<semaphore_mem>>) src(%arg9 : memref<128xf32, #tpu.memory_space<vmem>>) dst(%dma_wait3A_271 : memref<10240xf32, #tpu.memory_space<vmem_shared>>)
    %dma_wait3A_272 = arith.constant 2 : i32
    %dma_wait3A_273 = arith.constant 0 : i32
    %dma_wait3A_274 = tpu.memref_slice %arg8[%dma_wait3A_272, %dma_wait3A_273] : memref<84x128xi32, #tpu.memory_space<vmem>> -> memref<1x128xi32, #tpu.memory_space<vmem>>
    %dma_wait3A_275 = tpu.memref_squeeze %dma_wait3A_274 : memref<1x128xi32, #tpu.memory_space<vmem>> -> memref<128xi32, #tpu.memory_space<vmem>>
    %dma_wait3A_276 = arith.constant 0 : i32
    %dma_wait3A_277 = tpu.memref_slice %arg7[%dma_wait3A_276] : memref<10240xf32, #tpu.memory_space<vmem_shared>> -> memref<10240xf32, #tpu.memory_space<vmem_shared>>
    tpu.wait_indirect_dma semaphore(%arg13 : memref<!tpu.dma_semaphore, #tpu.memory_space<semaphore_mem>>) src(%arg9 : memref<128xf32, #tpu.memory_space<vmem>>) dst(%dma_wait3A_277 : memref<10240xf32, #tpu.memory_space<vmem_shared>>)
    %dma_wait3A_278 = arith.constant 3 : i32
    %dma_wait3A_279 = arith.constant 0 : i32
    %dma_wait3A_280 = tpu.memref_slice %arg8[%dma_wait3A_278, %dma_wait3A_279] : memref<84x128xi32, #tpu.memory_space<vmem>> -> memref<1x128xi32, #tpu.memory_space<vmem>>
    %dma_wait3A_281 = tpu.memref_squeeze %dma_wait3A_280 : memref<1x128xi32, #tpu.memory_space<vmem>> -> memref<128xi32, #tpu.memory_space<vmem>>
    %dma_wait3A_282 = arith.constant 0 : i32
    %dma_wait3A_283 = tpu.memref_slice %arg7[%dma_wait3A_282] : memref<10240xf32, #tpu.memory_space<vmem_shared>> -> memref<10240xf32, #tpu.memory_space<vmem_shared>>
    tpu.wait_indirect_dma semaphore(%arg14 : memref<!tpu.dma_semaphore, #tpu.memory_space<semaphore_mem>>) src(%arg9 : memref<128xf32, #tpu.memory_space<vmem>>) dst(%dma_wait3A_283 : memref<10240xf32, #tpu.memory_space<vmem_shared>>)
    %barrier3A_284 = arith.constant 0 : index
    tpu.barrier barrier_id(%barrier3A_284)
    %mul3A_285 = arith.constant 640 : i32
    %mul3A_286 = arith.muli %arg1, %mul3A_285 : i32
    %mul3A_287 = arith.constant 640 : i32
    %mul3A_288 = arith.muli %arg1, %mul3A_287 : i32
    %run_scoped3A_289 = arith.constant 0 : i32
    "tpu.region"() ({
      %run_scoped3A_305 = tpu.sem_alloc : memref<!tpu.dma_semaphore, #tpu.memory_space<semaphore_mem>>
      %dma_start3A_306 = tpu.memref_slice %arg3[%arg0, %run_scoped3A_289, %mul3A_288] : memref<2x4x10240xf32, #tpu.memory_space<hbm>> -> memref<1x1x640xf32, #tpu.memory_space<hbm>>
      %dma_start3A_307 = tpu.memref_squeeze %dma_start3A_306 : memref<1x1x640xf32, #tpu.memory_space<hbm>> -> memref<640xf32, #tpu.memory_space<hbm>>
      %dma_start3A_308 = tpu.memref_slice %arg4[%mul3A_286] : memref<10240xf32, #tpu.memory_space<vmem_shared>> -> memref<640xf32, #tpu.memory_space<vmem_shared>>
      tpu.enqueue_dma source(%dma_start3A_308 : memref<640xf32, #tpu.memory_space<vmem_shared>>) target(%dma_start3A_307 : memref<640xf32, #tpu.memory_space<hbm>>) target_semaphore(%run_scoped3A_305 : memref<!tpu.dma_semaphore, #tpu.memory_space<semaphore_mem>>)
      %dma_wait3A_309 = tpu.memref_slice %arg3[%arg0, %run_scoped3A_289, %mul3A_288] : memref<2x4x10240xf32, #tpu.memory_space<hbm>> -> memref<1x1x640xf32, #tpu.memory_space<hbm>>
      %dma_wait3A_310 = tpu.memref_squeeze %dma_wait3A_309 : memref<1x1x640xf32, #tpu.memory_space<hbm>> -> memref<640xf32, #tpu.memory_space<hbm>>
      %dma_wait3A_311 = tpu.memref_slice %arg4[%mul3A_286] : memref<10240xf32, #tpu.memory_space<vmem_shared>> -> memref<640xf32, #tpu.memory_space<vmem_shared>>
      tpu.wait_dma2 semaphore(%run_scoped3A_305 : memref<!tpu.dma_semaphore, #tpu.memory_space<semaphore_mem>>) src(%dma_wait3A_311 : memref<640xf32, #tpu.memory_space<vmem_shared>>) dst(%dma_wait3A_310 : memref<640xf32, #tpu.memory_space<hbm>>)
      tpu.yield
    }) : () -> ()
    %mul3A_290 = arith.constant 640 : i32
    %mul3A_291 = arith.muli %arg1, %mul3A_290 : i32
    %mul3A_292 = arith.constant 640 : i32
    %mul3A_293 = arith.muli %arg1, %mul3A_292 : i32
    %run_scoped3A_294 = arith.constant 1 : i32
    "tpu.region"() ({
      %run_scoped3A_305 = tpu.sem_alloc : memref<!tpu.dma_semaphore, #tpu.memory_space<semaphore_mem>>
      %dma_start3A_306 = tpu.memref_slice %arg3[%arg0, %run_scoped3A_294, %mul3A_293] : memref<2x4x10240xf32, #tpu.memory_space<hbm>> -> memref<1x1x640xf32, #tpu.memory_space<hbm>>
      %dma_start3A_307 = tpu.memref_squeeze %dma_start3A_306 : memref<1x1x640xf32, #tpu.memory_space<hbm>> -> memref<640xf32, #tpu.memory_space<hbm>>
      %dma_start3A_308 = tpu.memref_slice %arg5[%mul3A_291] : memref<10240xf32, #tpu.memory_space<vmem_shared>> -> memref<640xf32, #tpu.memory_space<vmem_shared>>
      tpu.enqueue_dma source(%dma_start3A_308 : memref<640xf32, #tpu.memory_space<vmem_shared>>) target(%dma_start3A_307 : memref<640xf32, #tpu.memory_space<hbm>>) target_semaphore(%run_scoped3A_305 : memref<!tpu.dma_semaphore, #tpu.memory_space<semaphore_mem>>)
      %dma_wait3A_309 = tpu.memref_slice %arg3[%arg0, %run_scoped3A_294, %mul3A_293] : memref<2x4x10240xf32, #tpu.memory_space<hbm>> -> memref<1x1x640xf32, #tpu.memory_space<hbm>>
      %dma_wait3A_310 = tpu.memref_squeeze %dma_wait3A_309 : memref<1x1x640xf32, #tpu.memory_space<hbm>> -> memref<640xf32, #tpu.memory_space<hbm>>
      %dma_wait3A_311 = tpu.memref_slice %arg5[%mul3A_291] : memref<10240xf32, #tpu.memory_space<vmem_shared>> -> memref<640xf32, #tpu.memory_space<vmem_shared>>
      tpu.wait_dma2 semaphore(%run_scoped3A_305 : memref<!tpu.dma_semaphore, #tpu.memory_space<semaphore_mem>>) src(%dma_wait3A_311 : memref<640xf32, #tpu.memory_space<vmem_shared>>) dst(%dma_wait3A_310 : memref<640xf32, #tpu.memory_space<hbm>>)
      tpu.yield
    }) : () -> ()
    %mul3A_295 = arith.constant 640 : i32
    %mul3A_296 = arith.muli %arg1, %mul3A_295 : i32
    %mul3A_297 = arith.constant 640 : i32
    %mul3A_298 = arith.muli %arg1, %mul3A_297 : i32
    %run_scoped3A_299 = arith.constant 2 : i32
    "tpu.region"() ({
      %run_scoped3A_305 = tpu.sem_alloc : memref<!tpu.dma_semaphore, #tpu.memory_space<semaphore_mem>>
      %dma_start3A_306 = tpu.memref_slice %arg3[%arg0, %run_scoped3A_299, %mul3A_298] : memref<2x4x10240xf32, #tpu.memory_space<hbm>> -> memref<1x1x640xf32, #tpu.memory_space<hbm>>
      %dma_start3A_307 = tpu.memref_squeeze %dma_start3A_306 : memref<1x1x640xf32, #tpu.memory_space<hbm>> -> memref<640xf32, #tpu.memory_space<hbm>>
      %dma_start3A_308 = tpu.memref_slice %arg6[%mul3A_296] : memref<10240xf32, #tpu.memory_space<vmem_shared>> -> memref<640xf32, #tpu.memory_space<vmem_shared>>
      tpu.enqueue_dma source(%dma_start3A_308 : memref<640xf32, #tpu.memory_space<vmem_shared>>) target(%dma_start3A_307 : memref<640xf32, #tpu.memory_space<hbm>>) target_semaphore(%run_scoped3A_305 : memref<!tpu.dma_semaphore, #tpu.memory_space<semaphore_mem>>)
      %dma_wait3A_309 = tpu.memref_slice %arg3[%arg0, %run_scoped3A_299, %mul3A_298] : memref<2x4x10240xf32, #tpu.memory_space<hbm>> -> memref<1x1x640xf32, #tpu.memory_space<hbm>>
      %dma_wait3A_310 = tpu.memref_squeeze %dma_wait3A_309 : memref<1x1x640xf32, #tpu.memory_space<hbm>> -> memref<640xf32, #tpu.memory_space<hbm>>
      %dma_wait3A_311 = tpu.memref_slice %arg6[%mul3A_296] : memref<10240xf32, #tpu.memory_space<vmem_shared>> -> memref<640xf32, #tpu.memory_space<vmem_shared>>
      tpu.wait_dma2 semaphore(%run_scoped3A_305 : memref<!tpu.dma_semaphore, #tpu.memory_space<semaphore_mem>>) src(%dma_wait3A_311 : memref<640xf32, #tpu.memory_space<vmem_shared>>) dst(%dma_wait3A_310 : memref<640xf32, #tpu.memory_space<hbm>>)
      tpu.yield
    }) : () -> ()
    %mul3A_300 = arith.constant 640 : i32
    %mul3A_301 = arith.muli %arg1, %mul3A_300 : i32
    %mul3A_302 = arith.constant 640 : i32
    %mul3A_303 = arith.muli %arg1, %mul3A_302 : i32
    %run_scoped3A_304 = arith.constant 3 : i32
    "tpu.region"() ({
      %run_scoped3A_305 = tpu.sem_alloc : memref<!tpu.dma_semaphore, #tpu.memory_space<semaphore_mem>>
      %dma_start3A_306 = tpu.memref_slice %arg3[%arg0, %run_scoped3A_304, %mul3A_303] : memref<2x4x10240xf32, #tpu.memory_space<hbm>> -> memref<1x1x640xf32, #tpu.memory_space<hbm>>
      %dma_start3A_307 = tpu.memref_squeeze %dma_start3A_306 : memref<1x1x640xf32, #tpu.memory_space<hbm>> -> memref<640xf32, #tpu.memory_space<hbm>>
      %dma_start3A_308 = tpu.memref_slice %arg7[%mul3A_301] : memref<10240xf32, #tpu.memory_space<vmem_shared>> -> memref<640xf32, #tpu.memory_space<vmem_shared>>
      tpu.enqueue_dma source(%dma_start3A_308 : memref<640xf32, #tpu.memory_space<vmem_shared>>) target(%dma_start3A_307 : memref<640xf32, #tpu.memory_space<hbm>>) target_semaphore(%run_scoped3A_305 : memref<!tpu.dma_semaphore, #tpu.memory_space<semaphore_mem>>)
      %dma_wait3A_309 = tpu.memref_slice %arg3[%arg0, %run_scoped3A_304, %mul3A_303] : memref<2x4x10240xf32, #tpu.memory_space<hbm>> -> memref<1x1x640xf32, #tpu.memory_space<hbm>>
      %dma_wait3A_310 = tpu.memref_squeeze %dma_wait3A_309 : memref<1x1x640xf32, #tpu.memory_space<hbm>> -> memref<640xf32, #tpu.memory_space<hbm>>
      %dma_wait3A_311 = tpu.memref_slice %arg7[%mul3A_301] : memref<10240xf32, #tpu.memory_space<vmem_shared>> -> memref<640xf32, #tpu.memory_space<vmem_shared>>
      tpu.wait_dma2 semaphore(%run_scoped3A_305 : memref<!tpu.dma_semaphore, #tpu.memory_space<semaphore_mem>>) src(%dma_wait3A_311 : memref<640xf32, #tpu.memory_space<vmem_shared>>) dst(%dma_wait3A_310 : memref<640xf32, #tpu.memory_space<hbm>>)
      tpu.yield
    }) : () -> ()
    return
  }
}

#map = affine_map<(d0, d1) -> (0, 0, 0, 0)>
#map1 = affine_map<(d0, d1) -> (0, 0, 0)>
module attributes {stable_mosaic.version = 14 : i64} {
  func.func @gcn_msgpass_l1so_sc(%arg0: i32, %arg1: i32, %arg2: memref<4x32x84x128xi32, #tpu.memory_space<hbm>>, %arg3: memref<2x10240x32xf32, #tpu.memory_space<hbm>>, %arg4: memref<2x10240x32xf32, #tpu.memory_space<hbm>>, %arg5: memref<10240x32xf32, #tpu.memory_space<vmem_shared>>, %arg6: memref<10240x32xf32, #tpu.memory_space<vmem_shared>>, %arg7: memref<84x128xi32, #tpu.memory_space<vmem>>, %arg8: memref<84x128xi32, #tpu.memory_space<vmem>>, %arg9: memref<128x32xf32, #tpu.memory_space<vmem>>, %arg10: memref<128x32xf32, #tpu.memory_space<vmem>>, %arg11: memref<640x32xf32, #tpu.memory_space<vmem>>, %arg12: memref<!tpu.dma_semaphore, #tpu.memory_space<semaphore_mem>>, %arg13: memref<!tpu.dma_semaphore, #tpu.memory_space<semaphore_mem>>) attributes {dimension_semantics = [#tpu.dimension_semantics<core_parallel>, #tpu.dimension_semantics<subcore_parallel>], iteration_bounds = array<i64: 2, 16>, scalar_prefetch = 0 : i64, scratch_operands = 9 : i64, tpu.core_type = #tpu.core_type<sc_vector_subcore>, window_params = [{transform_indices = #map}, {transform_indices = #map1}, {transform_indices = #map1}]} {
    %mul3A = arith.constant 16 : i32
    %mul3A_0 = arith.muli %arg0, %mul3A : i32
    %add3A = arith.addi %mul3A_0, %arg1 : i32
    %broadcast_in_dim3A = arith.constant 0.000000e+00 : f32
    %broadcast_in_dim3A_1 = vector.broadcast %broadcast_in_dim3A : f32 to vector<16xf32>
    %scan3A = arith.constant 0 : i32
    %scan3A_2 = arith.constant 0 : i32
    %scan3A_3 = arith.constant 640 : i32
    %scan3A_4 = arith.addi %scan3A_2, %scan3A_3 : i32
    %scan3A_5 = arith.constant 1 : i32
    %scan3A_6 = scf.for %scan3A_59 = %scan3A_2 to %scan3A_4 step %scan3A_5 iter_args(%scan3A_60 = %scan3A) -> (i32)  : i32 {
      %swap3A = arith.index_cast %scan3A_59 : i32 to index
      %swap3A_61 = arith.constant 0 : index
      %swap3A_62 = tpu.vector_load %arg11[%swap3A, %swap3A_61] {strides = array<i32>} : memref<640x32xf32, #tpu.memory_space<vmem>>, vector<1x16xf32>,
      %swap3A_63 = vector.shape_cast %swap3A_62 : vector<1x16xf32> to vector<16xf32>
      %swap3A_64 = vector.shape_cast %broadcast_in_dim3A_1 : vector<16xf32> to vector<1x16xf32>
      tpu.vector_store %arg11[%swap3A, %swap3A_61], %swap3A_64 {strides = array<i32>} : memref<640x32xf32, #tpu.memory_space<vmem>>, vector<1x16xf32>,
      %swap3A_65 = arith.index_cast %scan3A_59 : i32 to index
      %swap3A_66 = arith.constant 16 : index
      %swap3A_67 = tpu.vector_load %arg11[%swap3A_65, %swap3A_66] {strides = array<i32>} : memref<640x32xf32, #tpu.memory_space<vmem>>, vector<1x16xf32>,
      %swap3A_68 = vector.shape_cast %swap3A_67 : vector<1x16xf32> to vector<16xf32>
      %swap3A_69 = vector.shape_cast %broadcast_in_dim3A_1 : vector<16xf32> to vector<1x16xf32>
      tpu.vector_store %arg11[%swap3A_65, %swap3A_66], %swap3A_69 {strides = array<i32>} : memref<640x32xf32, #tpu.memory_space<vmem>>, vector<1x16xf32>,
      %scan3A_70 = arith.constant 0 : i32
      scf.yield %scan3A_70 : i32
    }
    %scan3A_7 = arith.constant 640 : i32
    %mul3A_8 = arith.constant 640 : i32
    %mul3A_9 = arith.muli %arg1, %mul3A_8 : i32
    %mul3A_10 = arith.constant 640 : i32
    %mul3A_11 = arith.muli %arg1, %mul3A_10 : i32
    %run_scoped3A = arith.constant 1 : i32
    "tpu.region"() ({
      %run_scoped3A_59 = tpu.sem_alloc : memref<!tpu.dma_semaphore, #tpu.memory_space<semaphore_mem>>
      %dma_start3A_60 = arith.constant 0 : i32
      %dma_start3A_61 = tpu.memref_slice %arg6[%mul3A_11, %dma_start3A_60] : memref<10240x32xf32, #tpu.memory_space<vmem_shared>> -> memref<640x32xf32, #tpu.memory_space<vmem_shared>>
      %dma_start3A_62 = arith.constant 0 : i32
      %dma_start3A_63 = tpu.memref_slice %arg3[%run_scoped3A, %mul3A_9, %dma_start3A_62] : memref<2x10240x32xf32, #tpu.memory_space<hbm>> -> memref<1x640x32xf32, #tpu.memory_space<hbm>>
      %dma_start3A_64 = tpu.memref_squeeze %dma_start3A_63 : memref<1x640x32xf32, #tpu.memory_space<hbm>> -> memref<640x32xf32, #tpu.memory_space<hbm>>
      tpu.enqueue_dma source(%dma_start3A_64 : memref<640x32xf32, #tpu.memory_space<hbm>>) target(%dma_start3A_61 : memref<640x32xf32, #tpu.memory_space<vmem_shared>>) target_semaphore(%run_scoped3A_59 : memref<!tpu.dma_semaphore, #tpu.memory_space<semaphore_mem>>)
      %dma_wait3A_65 = arith.constant 0 : i32
      %dma_wait3A_66 = tpu.memref_slice %arg6[%mul3A_11, %dma_wait3A_65] : memref<10240x32xf32, #tpu.memory_space<vmem_shared>> -> memref<640x32xf32, #tpu.memory_space<vmem_shared>>
      %dma_wait3A_67 = arith.constant 0 : i32
      %dma_wait3A_68 = tpu.memref_slice %arg3[%run_scoped3A, %mul3A_9, %dma_wait3A_67] : memref<2x10240x32xf32, #tpu.memory_space<hbm>> -> memref<1x640x32xf32, #tpu.memory_space<hbm>>
      %dma_wait3A_69 = tpu.memref_squeeze %dma_wait3A_68 : memref<1x640x32xf32, #tpu.memory_space<hbm>> -> memref<640x32xf32, #tpu.memory_space<hbm>>
      tpu.wait_dma2 semaphore(%run_scoped3A_59 : memref<!tpu.dma_semaphore, #tpu.memory_space<semaphore_mem>>) src(%dma_wait3A_69 : memref<640x32xf32, #tpu.memory_space<hbm>>) dst(%dma_wait3A_66 : memref<640x32xf32, #tpu.memory_space<vmem_shared>>)
      tpu.yield
    }) : () -> ()
    %mul3A_12 = arith.constant 640 : i32
    %mul3A_13 = arith.muli %arg1, %mul3A_12 : i32
    "tpu.region"() ({
      %run_scoped3A_59 = tpu.sem_alloc : memref<!tpu.dma_semaphore, #tpu.memory_space<semaphore_mem>>
      %dma_start3A_60 = arith.constant 0 : i32
      %dma_start3A_61 = tpu.memref_slice %arg5[%mul3A_13, %dma_start3A_60] : memref<10240x32xf32, #tpu.memory_space<vmem_shared>> -> memref<640x32xf32, #tpu.memory_space<vmem_shared>>
      %dma_start3A_62 = arith.constant 0 : i32
      %dma_start3A_63 = tpu.memref_slice %arg5[%mul3A_13, %dma_start3A_62] : memref<10240x32xf32, #tpu.memory_space<vmem_shared>> -> memref<640x32xf32, #tpu.memory_space<vmem_shared>>
      tpu.enqueue_dma source(%arg11 : memref<640x32xf32, #tpu.memory_space<vmem>>) target(%dma_start3A_63 : memref<640x32xf32, #tpu.memory_space<vmem_shared>>) target_semaphore(%run_scoped3A_59 : memref<!tpu.dma_semaphore, #tpu.memory_space<semaphore_mem>>)
      %dma_wait3A_64 = arith.constant 0 : i32
      %dma_wait3A_65 = tpu.memref_slice %arg5[%mul3A_13, %dma_wait3A_64] : memref<10240x32xf32, #tpu.memory_space<vmem_shared>> -> memref<640x32xf32, #tpu.memory_space<vmem_shared>>
      %dma_wait3A_66 = arith.constant 0 : i32
      %dma_wait3A_67 = tpu.memref_slice %arg5[%mul3A_13, %dma_wait3A_66] : memref<10240x32xf32, #tpu.memory_space<vmem_shared>> -> memref<640x32xf32, #tpu.memory_space<vmem_shared>>
      tpu.wait_dma2 semaphore(%run_scoped3A_59 : memref<!tpu.dma_semaphore, #tpu.memory_space<semaphore_mem>>) src(%arg11 : memref<640x32xf32, #tpu.memory_space<vmem>>) dst(%dma_wait3A_67 : memref<640x32xf32, #tpu.memory_space<vmem_shared>>)
      tpu.yield
    }) : () -> ()
    %run_scoped3A_14 = arith.constant 2 : i32
    "tpu.region"() ({
      %run_scoped3A_59 = tpu.sem_alloc : memref<!tpu.dma_semaphore, #tpu.memory_space<semaphore_mem>>
      %dma_start3A_60 = arith.constant 0 : i32
      %dma_start3A_61 = arith.constant 0 : i32
      %dma_start3A_62 = tpu.memref_slice %arg2[%run_scoped3A_14, %add3A, %dma_start3A_60, %dma_start3A_61] : memref<4x32x84x128xi32, #tpu.memory_space<hbm>> -> memref<1x1x84x128xi32, #tpu.memory_space<hbm>>
      %dma_start3A_63 = tpu.memref_squeeze %dma_start3A_62 : memref<1x1x84x128xi32, #tpu.memory_space<hbm>> -> memref<84x128xi32, #tpu.memory_space<hbm>>
      %dma_start3A_64 = arith.constant 0 : i32
      %dma_start3A_65 = arith.constant 0 : i32
      %dma_start3A_66 = tpu.memref_slice %arg2[%run_scoped3A_14, %add3A, %dma_start3A_64, %dma_start3A_65] : memref<4x32x84x128xi32, #tpu.memory_space<hbm>> -> memref<1x1x84x128xi32, #tpu.memory_space<hbm>>
      %dma_start3A_67 = tpu.memref_squeeze %dma_start3A_66 : memref<1x1x84x128xi32, #tpu.memory_space<hbm>> -> memref<84x128xi32, #tpu.memory_space<hbm>>
      tpu.enqueue_dma source(%dma_start3A_67 : memref<84x128xi32, #tpu.memory_space<hbm>>) target(%arg7 : memref<84x128xi32, #tpu.memory_space<vmem>>) target_semaphore(%run_scoped3A_59 : memref<!tpu.dma_semaphore, #tpu.memory_space<semaphore_mem>>)
      %dma_wait3A_68 = arith.constant 0 : i32
      %dma_wait3A_69 = arith.constant 0 : i32
      %dma_wait3A_70 = tpu.memref_slice %arg2[%run_scoped3A_14, %add3A, %dma_wait3A_68, %dma_wait3A_69] : memref<4x32x84x128xi32, #tpu.memory_space<hbm>> -> memref<1x1x84x128xi32, #tpu.memory_space<hbm>>
      %dma_wait3A_71 = tpu.memref_squeeze %dma_wait3A_70 : memref<1x1x84x128xi32, #tpu.memory_space<hbm>> -> memref<84x128xi32, #tpu.memory_space<hbm>>
      %dma_wait3A_72 = arith.constant 0 : i32
      %dma_wait3A_73 = arith.constant 0 : i32
      %dma_wait3A_74 = tpu.memref_slice %arg2[%run_scoped3A_14, %add3A, %dma_wait3A_72, %dma_wait3A_73] : memref<4x32x84x128xi32, #tpu.memory_space<hbm>> -> memref<1x1x84x128xi32, #tpu.memory_space<hbm>>
      %dma_wait3A_75 = tpu.memref_squeeze %dma_wait3A_74 : memref<1x1x84x128xi32, #tpu.memory_space<hbm>> -> memref<84x128xi32, #tpu.memory_space<hbm>>
      tpu.wait_dma2 semaphore(%run_scoped3A_59 : memref<!tpu.dma_semaphore, #tpu.memory_space<semaphore_mem>>) src(%dma_wait3A_75 : memref<84x128xi32, #tpu.memory_space<hbm>>) dst(%arg7 : memref<84x128xi32, #tpu.memory_space<vmem>>)
      tpu.yield
    }) : () -> ()
    %run_scoped3A_15 = arith.constant 3 : i32
    "tpu.region"() ({
      %run_scoped3A_59 = tpu.sem_alloc : memref<!tpu.dma_semaphore, #tpu.memory_space<semaphore_mem>>
      %dma_start3A_60 = arith.constant 0 : i32
      %dma_start3A_61 = arith.constant 0 : i32
      %dma_start3A_62 = tpu.memref_slice %arg2[%run_scoped3A_15, %add3A, %dma_start3A_60, %dma_start3A_61] : memref<4x32x84x128xi32, #tpu.memory_space<hbm>> -> memref<1x1x84x128xi32, #tpu.memory_space<hbm>>
      %dma_start3A_63 = tpu.memref_squeeze %dma_start3A_62 : memref<1x1x84x128xi32, #tpu.memory_space<hbm>> -> memref<84x128xi32, #tpu.memory_space<hbm>>
      %dma_start3A_64 = arith.constant 0 : i32
      %dma_start3A_65 = arith.constant 0 : i32
      %dma_start3A_66 = tpu.memref_slice %arg2[%run_scoped3A_15, %add3A, %dma_start3A_64, %dma_start3A_65] : memref<4x32x84x128xi32, #tpu.memory_space<hbm>> -> memref<1x1x84x128xi32, #tpu.memory_space<hbm>>
      %dma_start3A_67 = tpu.memref_squeeze %dma_start3A_66 : memref<1x1x84x128xi32, #tpu.memory_space<hbm>> -> memref<84x128xi32, #tpu.memory_space<hbm>>
      tpu.enqueue_dma source(%dma_start3A_67 : memref<84x128xi32, #tpu.memory_space<hbm>>) target(%arg8 : memref<84x128xi32, #tpu.memory_space<vmem>>) target_semaphore(%run_scoped3A_59 : memref<!tpu.dma_semaphore, #tpu.memory_space<semaphore_mem>>)
      %dma_wait3A_68 = arith.constant 0 : i32
      %dma_wait3A_69 = arith.constant 0 : i32
      %dma_wait3A_70 = tpu.memref_slice %arg2[%run_scoped3A_15, %add3A, %dma_wait3A_68, %dma_wait3A_69] : memref<4x32x84x128xi32, #tpu.memory_space<hbm>> -> memref<1x1x84x128xi32, #tpu.memory_space<hbm>>
      %dma_wait3A_71 = tpu.memref_squeeze %dma_wait3A_70 : memref<1x1x84x128xi32, #tpu.memory_space<hbm>> -> memref<84x128xi32, #tpu.memory_space<hbm>>
      %dma_wait3A_72 = arith.constant 0 : i32
      %dma_wait3A_73 = arith.constant 0 : i32
      %dma_wait3A_74 = tpu.memref_slice %arg2[%run_scoped3A_15, %add3A, %dma_wait3A_72, %dma_wait3A_73] : memref<4x32x84x128xi32, #tpu.memory_space<hbm>> -> memref<1x1x84x128xi32, #tpu.memory_space<hbm>>
      %dma_wait3A_75 = tpu.memref_squeeze %dma_wait3A_74 : memref<1x1x84x128xi32, #tpu.memory_space<hbm>> -> memref<84x128xi32, #tpu.memory_space<hbm>>
      tpu.wait_dma2 semaphore(%run_scoped3A_59 : memref<!tpu.dma_semaphore, #tpu.memory_space<semaphore_mem>>) src(%dma_wait3A_75 : memref<84x128xi32, #tpu.memory_space<hbm>>) dst(%arg8 : memref<84x128xi32, #tpu.memory_space<vmem>>)
      tpu.yield
    }) : () -> ()
    %barrier3A = arith.constant 0 : index
    tpu.barrier barrier_id(%barrier3A)
    %dma_start3A = arith.constant 0 : i32
    %dma_start3A_16 = arith.constant 0 : i32
    %dma_start3A_17 = tpu.memref_slice %arg7[%dma_start3A, %dma_start3A_16] : memref<84x128xi32, #tpu.memory_space<vmem>> -> memref<1x128xi32, #tpu.memory_space<vmem>>
    %dma_start3A_18 = tpu.memref_squeeze %dma_start3A_17 : memref<1x128xi32, #tpu.memory_space<vmem>> -> memref<128xi32, #tpu.memory_space<vmem>>
    %dma_start3A_19 = arith.constant 0 : i32
    %dma_start3A_20 = arith.constant 0 : i32
    %dma_start3A_21 = tpu.memref_slice %arg6[%dma_start3A_19, %dma_start3A_20] : memref<10240x32xf32, #tpu.memory_space<vmem_shared>> -> memref<10240x32xf32, #tpu.memory_space<vmem_shared>>
    tpu.enqueue_indirect_dma source(%dma_start3A_21 : memref<10240x32xf32, #tpu.memory_space<vmem_shared>>) target(%arg9 : memref<128x32xf32, #tpu.memory_space<vmem>>) offsets(%dma_start3A_18 : memref<128xi32, #tpu.memory_space<vmem>>) semaphore(%arg12 : memref<!tpu.dma_semaphore, #tpu.memory_space<semaphore_mem>>)
    %dma_start3A_22 = arith.constant 1 : i32
    %dma_start3A_23 = arith.constant 0 : i32
    %dma_start3A_24 = tpu.memref_slice %arg7[%dma_start3A_22, %dma_start3A_23] : memref<84x128xi32, #tpu.memory_space<vmem>> -> memref<1x128xi32, #tpu.memory_space<vmem>>
    %dma_start3A_25 = tpu.memref_squeeze %dma_start3A_24 : memref<1x128xi32, #tpu.memory_space<vmem>> -> memref<128xi32, #tpu.memory_space<vmem>>
    %dma_start3A_26 = arith.constant 0 : i32
    %dma_start3A_27 = arith.constant 0 : i32
    %dma_start3A_28 = tpu.memref_slice %arg6[%dma_start3A_26, %dma_start3A_27] : memref<10240x32xf32, #tpu.memory_space<vmem_shared>> -> memref<10240x32xf32, #tpu.memory_space<vmem_shared>>
    tpu.enqueue_indirect_dma source(%dma_start3A_28 : memref<10240x32xf32, #tpu.memory_space<vmem_shared>>) target(%arg10 : memref<128x32xf32, #tpu.memory_space<vmem>>) offsets(%dma_start3A_25 : memref<128xi32, #tpu.memory_space<vmem>>) semaphore(%arg13 : memref<!tpu.dma_semaphore, #tpu.memory_space<semaphore_mem>>)
    %scan3A_29 = arith.constant 1 : i32
    %scan3A_30 = arith.constant 0 : i32
    %scan3A_31 = arith.constant 0 : i32
    %scan3A_32 = arith.constant 40 : i32
    %scan3A_33 = arith.addi %scan3A_31, %scan3A_32 : i32
    %scan3A_34 = arith.constant 1 : i32
    %scan3A_35 = scf.for %scan3A_59 = %scan3A_31 to %scan3A_33 step %scan3A_34 iter_args(%scan3A_60 = %scan3A_30) -> (i32)  : i32 {
      %mul3A_61 = arith.constant 2 : i32
      %mul3A_62 = arith.muli %mul3A_61, %scan3A_59 : i32
      %dma_wait3A_63 = arith.constant 0 : i32
      %dma_wait3A_64 = arith.constant 0 : i32
      %dma_wait3A_65 = tpu.memref_slice %arg3[%scan3A_29, %dma_wait3A_63, %dma_wait3A_64] : memref<2x10240x32xf32, #tpu.memory_space<hbm>> -> memref<1x128x32xf32, #tpu.memory_space<hbm>>
      %dma_wait3A_66 = tpu.memref_squeeze %dma_wait3A_65 : memref<1x128x32xf32, #tpu.memory_space<hbm>> -> memref<128x32xf32, #tpu.memory_space<hbm>>
      %dma_wait3A_67 = arith.constant 0 : i32
      %dma_wait3A_68 = arith.constant 0 : i32
      %dma_wait3A_69 = tpu.memref_slice %arg3[%scan3A_29, %dma_wait3A_67, %dma_wait3A_68] : memref<2x10240x32xf32, #tpu.memory_space<hbm>> -> memref<1x128x32xf32, #tpu.memory_space<hbm>>
      %dma_wait3A_70 = tpu.memref_squeeze %dma_wait3A_69 : memref<1x128x32xf32, #tpu.memory_space<hbm>> -> memref<128x32xf32, #tpu.memory_space<hbm>>
      tpu.wait_dma2 semaphore(%arg12 : memref<!tpu.dma_semaphore, #tpu.memory_space<semaphore_mem>>) src(%dma_wait3A_70 : memref<128x32xf32, #tpu.memory_space<hbm>>) dst(%arg9 : memref<128x32xf32, #tpu.memory_space<vmem>>)
      "tpu.region"() ({
        %run_scoped3A_98 = tpu.sem_alloc : memref<!tpu.dma_semaphore, #tpu.memory_space<semaphore_mem>>
        %dma_start3A_99 = arith.constant 0 : i32
        %dma_start3A_100 = tpu.memref_slice %arg8[%mul3A_62, %dma_start3A_99] : memref<84x128xi32, #tpu.memory_space<vmem>> -> memref<1x128xi32, #tpu.memory_space<vmem>>
        %dma_start3A_101 = tpu.memref_squeeze %dma_start3A_100 : memref<1x128xi32, #tpu.memory_space<vmem>> -> memref<128xi32, #tpu.memory_space<vmem>>
        %dma_start3A_102 = arith.constant 0 : i32
        %dma_start3A_103 = arith.constant 0 : i32
        %dma_start3A_104 = tpu.memref_slice %arg5[%dma_start3A_102, %dma_start3A_103] : memref<10240x32xf32, #tpu.memory_space<vmem_shared>> -> memref<10240x32xf32, #tpu.memory_space<vmem_shared>>
        tpu.enqueue_indirect_dma source(%arg9 : memref<128x32xf32, #tpu.memory_space<vmem>>) target(%dma_start3A_104 : memref<10240x32xf32, #tpu.memory_space<vmem_shared>>) offsets(%dma_start3A_101 : memref<128xi32, #tpu.memory_space<vmem>>) semaphore(%run_scoped3A_98 : memref<!tpu.dma_semaphore, #tpu.memory_space<semaphore_mem>>) {add = true}
        %dma_wait3A_105 = arith.constant 0 : i32
        %dma_wait3A_106 = tpu.memref_slice %arg8[%mul3A_62, %dma_wait3A_105] : memref<84x128xi32, #tpu.memory_space<vmem>> -> memref<1x128xi32, #tpu.memory_space<vmem>>
        %dma_wait3A_107 = tpu.memref_squeeze %dma_wait3A_106 : memref<1x128xi32, #tpu.memory_space<vmem>> -> memref<128xi32, #tpu.memory_space<vmem>>
        %dma_wait3A_108 = arith.constant 0 : i32
        %dma_wait3A_109 = arith.constant 0 : i32
        %dma_wait3A_110 = tpu.memref_slice %arg5[%dma_wait3A_108, %dma_wait3A_109] : memref<10240x32xf32, #tpu.memory_space<vmem_shared>> -> memref<10240x32xf32, #tpu.memory_space<vmem_shared>>
        tpu.wait_indirect_dma semaphore(%run_scoped3A_98 : memref<!tpu.dma_semaphore, #tpu.memory_space<semaphore_mem>>) src(%arg9 : memref<128x32xf32, #tpu.memory_space<vmem>>) dst(%dma_wait3A_110 : memref<10240x32xf32, #tpu.memory_space<vmem_shared>>)
        tpu.yield
      }) : () -> ()
      %add3A_71 = arith.constant 2 : i32
      %add3A_72 = arith.addi %mul3A_62, %add3A_71 : i32
      %dma_start3A_73 = arith.constant 0 : i32
      %dma_start3A_74 = tpu.memref_slice %arg7[%add3A_72, %dma_start3A_73] : memref<84x128xi32, #tpu.memory_space<vmem>> -> memref<1x128xi32, #tpu.memory_space<vmem>>
      %dma_start3A_75 = tpu.memref_squeeze %dma_start3A_74 : memref<1x128xi32, #tpu.memory_space<vmem>> -> memref<128xi32, #tpu.memory_space<vmem>>
      %dma_start3A_76 = arith.constant 0 : i32
      %dma_start3A_77 = arith.constant 0 : i32
      %dma_start3A_78 = tpu.memref_slice %arg6[%dma_start3A_76, %dma_start3A_77] : memref<10240x32xf32, #tpu.memory_space<vmem_shared>> -> memref<10240x32xf32, #tpu.memory_space<vmem_shared>>
      tpu.enqueue_indirect_dma source(%dma_start3A_78 : memref<10240x32xf32, #tpu.memory_space<vmem_shared>>) target(%arg9 : memref<128x32xf32, #tpu.memory_space<vmem>>) offsets(%dma_start3A_75 : memref<128xi32, #tpu.memory_space<vmem>>) semaphore(%arg12 : memref<!tpu.dma_semaphore, #tpu.memory_space<semaphore_mem>>)
      %dma_wait3A_79 = arith.constant 0 : i32
      %dma_wait3A_80 = arith.constant 0 : i32
      %dma_wait3A_81 = tpu.memref_slice %arg3[%scan3A_29, %dma_wait3A_79, %dma_wait3A_80] : memref<2x10240x32xf32, #tpu.memory_space<hbm>> -> memref<1x128x32xf32, #tpu.memory_space<hbm>>
      %dma_wait3A_82 = tpu.memref_squeeze %dma_wait3A_81 : memref<1x128x32xf32, #tpu.memory_space<hbm>> -> memref<128x32xf32, #tpu.memory_space<hbm>>
      %dma_wait3A_83 = arith.constant 0 : i32
      %dma_wait3A_84 = arith.constant 0 : i32
      %dma_wait3A_85 = tpu.memref_slice %arg3[%scan3A_29, %dma_wait3A_83, %dma_wait3A_84] : memref<2x10240x32xf32, #tpu.memory_space<hbm>> -> memref<1x128x32xf32, #tpu.memory_space<hbm>>
      %dma_wait3A_86 = tpu.memref_squeeze %dma_wait3A_85 : memref<1x128x32xf32, #tpu.memory_space<hbm>> -> memref<128x32xf32, #tpu.memory_space<hbm>>
      tpu.wait_dma2 semaphore(%arg13 : memref<!tpu.dma_semaphore, #tpu.memory_space<semaphore_mem>>) src(%dma_wait3A_86 : memref<128x32xf32, #tpu.memory_space<hbm>>) dst(%arg10 : memref<128x32xf32, #tpu.memory_space<vmem>>)
      %add3A_87 = arith.constant 1 : i32
      %add3A_88 = arith.addi %mul3A_62, %add3A_87 : i32
      "tpu.region"() ({
        %run_scoped3A_98 = tpu.sem_alloc : memref<!tpu.dma_semaphore, #tpu.memory_space<semaphore_mem>>
        %dma_start3A_99 = arith.constant 0 : i32
        %dma_start3A_100 = tpu.memref_slice %arg8[%add3A_88, %dma_start3A_99] : memref<84x128xi32, #tpu.memory_space<vmem>> -> memref<1x128xi32, #tpu.memory_space<vmem>>
        %dma_start3A_101 = tpu.memref_squeeze %dma_start3A_100 : memref<1x128xi32, #tpu.memory_space<vmem>> -> memref<128xi32, #tpu.memory_space<vmem>>
        %dma_start3A_102 = arith.constant 0 : i32
        %dma_start3A_103 = arith.constant 0 : i32
        %dma_start3A_104 = tpu.memref_slice %arg5[%dma_start3A_102, %dma_start3A_103] : memref<10240x32xf32, #tpu.memory_space<vmem_shared>> -> memref<10240x32xf32, #tpu.memory_space<vmem_shared>>
        tpu.enqueue_indirect_dma source(%arg10 : memref<128x32xf32, #tpu.memory_space<vmem>>) target(%dma_start3A_104 : memref<10240x32xf32, #tpu.memory_space<vmem_shared>>) offsets(%dma_start3A_101 : memref<128xi32, #tpu.memory_space<vmem>>) semaphore(%run_scoped3A_98 : memref<!tpu.dma_semaphore, #tpu.memory_space<semaphore_mem>>) {add = true}
        %dma_wait3A_105 = arith.constant 0 : i32
        %dma_wait3A_106 = tpu.memref_slice %arg8[%add3A_88, %dma_wait3A_105] : memref<84x128xi32, #tpu.memory_space<vmem>> -> memref<1x128xi32, #tpu.memory_space<vmem>>
        %dma_wait3A_107 = tpu.memref_squeeze %dma_wait3A_106 : memref<1x128xi32, #tpu.memory_space<vmem>> -> memref<128xi32, #tpu.memory_space<vmem>>
        %dma_wait3A_108 = arith.constant 0 : i32
        %dma_wait3A_109 = arith.constant 0 : i32
        %dma_wait3A_110 = tpu.memref_slice %arg5[%dma_wait3A_108, %dma_wait3A_109] : memref<10240x32xf32, #tpu.memory_space<vmem_shared>> -> memref<10240x32xf32, #tpu.memory_space<vmem_shared>>
        tpu.wait_indirect_dma semaphore(%run_scoped3A_98 : memref<!tpu.dma_semaphore, #tpu.memory_space<semaphore_mem>>) src(%arg10 : memref<128x32xf32, #tpu.memory_space<vmem>>) dst(%dma_wait3A_110 : memref<10240x32xf32, #tpu.memory_space<vmem_shared>>)
        tpu.yield
      }) : () -> ()
      %add3A_89 = arith.constant 3 : i32
      %add3A_90 = arith.addi %mul3A_62, %add3A_89 : i32
      %dma_start3A_91 = arith.constant 0 : i32
      %dma_start3A_92 = tpu.memref_slice %arg7[%add3A_90, %dma_start3A_91] : memref<84x128xi32, #tpu.memory_space<vmem>> -> memref<1x128xi32, #tpu.memory_space<vmem>>
      %dma_start3A_93 = tpu.memref_squeeze %dma_start3A_92 : memref<1x128xi32, #tpu.memory_space<vmem>> -> memref<128xi32, #tpu.memory_space<vmem>>
      %dma_start3A_94 = arith.constant 0 : i32
      %dma_start3A_95 = arith.constant 0 : i32
      %dma_start3A_96 = tpu.memref_slice %arg6[%dma_start3A_94, %dma_start3A_95] : memref<10240x32xf32, #tpu.memory_space<vmem_shared>> -> memref<10240x32xf32, #tpu.memory_space<vmem_shared>>
      tpu.enqueue_indirect_dma source(%dma_start3A_96 : memref<10240x32xf32, #tpu.memory_space<vmem_shared>>) target(%arg10 : memref<128x32xf32, #tpu.memory_space<vmem>>) offsets(%dma_start3A_93 : memref<128xi32, #tpu.memory_space<vmem>>) semaphore(%arg13 : memref<!tpu.dma_semaphore, #tpu.memory_space<semaphore_mem>>)
      %scan3A_97 = arith.constant 0 : i32
      scf.yield %scan3A_97 : i32
    }
    %scan3A_36 = arith.constant 40 : i32
    %dma_wait3A = arith.constant 1 : i32
    %dma_wait3A_37 = arith.constant 0 : i32
    %dma_wait3A_38 = arith.constant 0 : i32
    %dma_wait3A_39 = tpu.memref_slice %arg3[%dma_wait3A, %dma_wait3A_37, %dma_wait3A_38] : memref<2x10240x32xf32, #tpu.memory_space<hbm>> -> memref<1x128x32xf32, #tpu.memory_space<hbm>>
    %dma_wait3A_40 = tpu.memref_squeeze %dma_wait3A_39 : memref<1x128x32xf32, #tpu.memory_space<hbm>> -> memref<128x32xf32, #tpu.memory_space<hbm>>
    %dma_wait3A_41 = arith.constant 0 : i32
    %dma_wait3A_42 = arith.constant 0 : i32
    %dma_wait3A_43 = tpu.memref_slice %arg3[%dma_wait3A, %dma_wait3A_41, %dma_wait3A_42] : memref<2x10240x32xf32, #tpu.memory_space<hbm>> -> memref<1x128x32xf32, #tpu.memory_space<hbm>>
    %dma_wait3A_44 = tpu.memref_squeeze %dma_wait3A_43 : memref<1x128x32xf32, #tpu.memory_space<hbm>> -> memref<128x32xf32, #tpu.memory_space<hbm>>
    tpu.wait_dma2 semaphore(%arg12 : memref<!tpu.dma_semaphore, #tpu.memory_space<semaphore_mem>>) src(%dma_wait3A_44 : memref<128x32xf32, #tpu.memory_space<hbm>>) dst(%arg9 : memref<128x32xf32, #tpu.memory_space<vmem>>)
    %dma_wait3A_45 = arith.constant 1 : i32
    %dma_wait3A_46 = arith.constant 0 : i32
    %dma_wait3A_47 = arith.constant 0 : i32
    %dma_wait3A_48 = tpu.memref_slice %arg3[%dma_wait3A_45, %dma_wait3A_46, %dma_wait3A_47] : memref<2x10240x32xf32, #tpu.memory_space<hbm>> -> memref<1x128x32xf32, #tpu.memory_space<hbm>>
    %dma_wait3A_49 = tpu.memref_squeeze %dma_wait3A_48 : memref<1x128x32xf32, #tpu.memory_space<hbm>> -> memref<128x32xf32, #tpu.memory_space<hbm>>
    %dma_wait3A_50 = arith.constant 0 : i32
    %dma_wait3A_51 = arith.constant 0 : i32
    %dma_wait3A_52 = tpu.memref_slice %arg3[%dma_wait3A_45, %dma_wait3A_50, %dma_wait3A_51] : memref<2x10240x32xf32, #tpu.memory_space<hbm>> -> memref<1x128x32xf32, #tpu.memory_space<hbm>>
    %dma_wait3A_53 = tpu.memref_squeeze %dma_wait3A_52 : memref<1x128x32xf32, #tpu.memory_space<hbm>> -> memref<128x32xf32, #tpu.memory_space<hbm>>
    tpu.wait_dma2 semaphore(%arg13 : memref<!tpu.dma_semaphore, #tpu.memory_space<semaphore_mem>>) src(%dma_wait3A_53 : memref<128x32xf32, #tpu.memory_space<hbm>>) dst(%arg10 : memref<128x32xf32, #tpu.memory_space<vmem>>)
    %barrier3A_54 = arith.constant 0 : index
    tpu.barrier barrier_id(%barrier3A_54)
    %mul3A_55 = arith.constant 640 : i32
    %mul3A_56 = arith.muli %arg1, %mul3A_55 : i32
    %mul3A_57 = arith.constant 640 : i32
    %mul3A_58 = arith.muli %arg1, %mul3A_57 : i32
    "tpu.region"() ({
      %run_scoped3A_59 = tpu.sem_alloc : memref<!tpu.dma_semaphore, #tpu.memory_space<semaphore_mem>>
      %dma_start3A_60 = arith.constant 0 : i32
      %dma_start3A_61 = tpu.memref_slice %arg4[%arg0, %mul3A_58, %dma_start3A_60] : memref<2x10240x32xf32, #tpu.memory_space<hbm>> -> memref<1x640x32xf32, #tpu.memory_space<hbm>>
      %dma_start3A_62 = tpu.memref_squeeze %dma_start3A_61 : memref<1x640x32xf32, #tpu.memory_space<hbm>> -> memref<640x32xf32, #tpu.memory_space<hbm>>
      %dma_start3A_63 = arith.constant 0 : i32
      %dma_start3A_64 = tpu.memref_slice %arg5[%mul3A_56, %dma_start3A_63] : memref<10240x32xf32, #tpu.memory_space<vmem_shared>> -> memref<640x32xf32, #tpu.memory_space<vmem_shared>>
      tpu.enqueue_dma source(%dma_start3A_64 : memref<640x32xf32, #tpu.memory_space<vmem_shared>>) target(%dma_start3A_62 : memref<640x32xf32, #tpu.memory_space<hbm>>) target_semaphore(%run_scoped3A_59 : memref<!tpu.dma_semaphore, #tpu.memory_space<semaphore_mem>>)
      %dma_wait3A_65 = arith.constant 0 : i32
      %dma_wait3A_66 = tpu.memref_slice %arg4[%arg0, %mul3A_58, %dma_wait3A_65] : memref<2x10240x32xf32, #tpu.memory_space<hbm>> -> memref<1x640x32xf32, #tpu.memory_space<hbm>>
      %dma_wait3A_67 = tpu.memref_squeeze %dma_wait3A_66 : memref<1x640x32xf32, #tpu.memory_space<hbm>> -> memref<640x32xf32, #tpu.memory_space<hbm>>
      %dma_wait3A_68 = arith.constant 0 : i32
      %dma_wait3A_69 = tpu.memref_slice %arg5[%mul3A_56, %dma_wait3A_68] : memref<10240x32xf32, #tpu.memory_space<vmem_shared>> -> memref<640x32xf32, #tpu.memory_space<vmem_shared>>
      tpu.wait_dma2 semaphore(%run_scoped3A_59 : memref<!tpu.dma_semaphore, #tpu.memory_space<semaphore_mem>>) src(%dma_wait3A_69 : memref<640x32xf32, #tpu.memory_space<vmem_shared>>) dst(%dma_wait3A_67 : memref<640x32xf32, #tpu.memory_space<hbm>>)
      tpu.yield
    }) : () -> ()
    return
  }
}

#map = affine_map<(d0, d1) -> (0, 0, 0, 0)>
#map1 = affine_map<(d0, d1) -> (0, 0, 0)>
module attributes {stable_mosaic.version = 14 : i64} {
  func.func @gcn_msgpass_l1su_sc(%arg0: i32, %arg1: i32, %arg2: memref<4x32x84x128xi32, #tpu.memory_space<hbm>>, %arg3: memref<2x10240x32xf32, #tpu.memory_space<hbm>>, %arg4: memref<2x10240x32xf32, #tpu.memory_space<hbm>>, %arg5: memref<10240x32xf32, #tpu.memory_space<vmem_shared>>, %arg6: memref<10240x32xf32, #tpu.memory_space<vmem_shared>>, %arg7: memref<84x128xi32, #tpu.memory_space<vmem>>, %arg8: memref<84x128xi32, #tpu.memory_space<vmem>>, %arg9: memref<128x32xf32, #tpu.memory_space<vmem>>, %arg10: memref<128x32xf32, #tpu.memory_space<vmem>>, %arg11: memref<640x32xf32, #tpu.memory_space<vmem>>, %arg12: memref<!tpu.dma_semaphore, #tpu.memory_space<semaphore_mem>>, %arg13: memref<!tpu.dma_semaphore, #tpu.memory_space<semaphore_mem>>) attributes {dimension_semantics = [#tpu.dimension_semantics<core_parallel>, #tpu.dimension_semantics<subcore_parallel>], iteration_bounds = array<i64: 2, 16>, scalar_prefetch = 0 : i64, scratch_operands = 9 : i64, tpu.core_type = #tpu.core_type<sc_vector_subcore>, window_params = [{transform_indices = #map}, {transform_indices = #map1}, {transform_indices = #map1}]} {
    %mul3A = arith.constant 16 : i32
    %mul3A_0 = arith.muli %arg0, %mul3A : i32
    %add3A = arith.addi %mul3A_0, %arg1 : i32
    %broadcast_in_dim3A = arith.constant 0.000000e+00 : f32
    %broadcast_in_dim3A_1 = vector.broadcast %broadcast_in_dim3A : f32 to vector<16xf32>
    %scan3A = arith.constant 0 : i32
    %scan3A_2 = arith.constant 0 : i32
    %scan3A_3 = arith.constant 640 : i32
    %scan3A_4 = arith.addi %scan3A_2, %scan3A_3 : i32
    %scan3A_5 = arith.constant 1 : i32
    %scan3A_6 = scf.for %scan3A_59 = %scan3A_2 to %scan3A_4 step %scan3A_5 iter_args(%scan3A_60 = %scan3A) -> (i32)  : i32 {
      %swap3A = arith.index_cast %scan3A_59 : i32 to index
      %swap3A_61 = arith.constant 0 : index
      %swap3A_62 = tpu.vector_load %arg11[%swap3A, %swap3A_61] {strides = array<i32>} : memref<640x32xf32, #tpu.memory_space<vmem>>, vector<1x16xf32>,
      %swap3A_63 = vector.shape_cast %swap3A_62 : vector<1x16xf32> to vector<16xf32>
      %swap3A_64 = vector.shape_cast %broadcast_in_dim3A_1 : vector<16xf32> to vector<1x16xf32>
      tpu.vector_store %arg11[%swap3A, %swap3A_61], %swap3A_64 {strides = array<i32>} : memref<640x32xf32, #tpu.memory_space<vmem>>, vector<1x16xf32>,
      %swap3A_65 = arith.index_cast %scan3A_59 : i32 to index
      %swap3A_66 = arith.constant 16 : index
      %swap3A_67 = tpu.vector_load %arg11[%swap3A_65, %swap3A_66] {strides = array<i32>} : memref<640x32xf32, #tpu.memory_space<vmem>>, vector<1x16xf32>,
      %swap3A_68 = vector.shape_cast %swap3A_67 : vector<1x16xf32> to vector<16xf32>
      %swap3A_69 = vector.shape_cast %broadcast_in_dim3A_1 : vector<16xf32> to vector<1x16xf32>
      tpu.vector_store %arg11[%swap3A_65, %swap3A_66], %swap3A_69 {strides = array<i32>} : memref<640x32xf32, #tpu.memory_space<vmem>>, vector<1x16xf32>,
      %scan3A_70 = arith.constant 0 : i32
      scf.yield %scan3A_70 : i32
    }
    %scan3A_7 = arith.constant 640 : i32
    %mul3A_8 = arith.constant 640 : i32
    %mul3A_9 = arith.muli %arg1, %mul3A_8 : i32
    %mul3A_10 = arith.constant 640 : i32
    %mul3A_11 = arith.muli %arg1, %mul3A_10 : i32
    %run_scoped3A = arith.constant 0 : i32
    "tpu.region"() ({
      %run_scoped3A_59 = tpu.sem_alloc : memref<!tpu.dma_semaphore, #tpu.memory_space<semaphore_mem>>
      %dma_start3A_60 = arith.constant 0 : i32
      %dma_start3A_61 = tpu.memref_slice %arg6[%mul3A_11, %dma_start3A_60] : memref<10240x32xf32, #tpu.memory_space<vmem_shared>> -> memref<640x32xf32, #tpu.memory_space<vmem_shared>>
      %dma_start3A_62 = arith.constant 0 : i32
      %dma_start3A_63 = tpu.memref_slice %arg3[%run_scoped3A, %mul3A_9, %dma_start3A_62] : memref<2x10240x32xf32, #tpu.memory_space<hbm>> -> memref<1x640x32xf32, #tpu.memory_space<hbm>>
      %dma_start3A_64 = tpu.memref_squeeze %dma_start3A_63 : memref<1x640x32xf32, #tpu.memory_space<hbm>> -> memref<640x32xf32, #tpu.memory_space<hbm>>
      tpu.enqueue_dma source(%dma_start3A_64 : memref<640x32xf32, #tpu.memory_space<hbm>>) target(%dma_start3A_61 : memref<640x32xf32, #tpu.memory_space<vmem_shared>>) target_semaphore(%run_scoped3A_59 : memref<!tpu.dma_semaphore, #tpu.memory_space<semaphore_mem>>)
      %dma_wait3A_65 = arith.constant 0 : i32
      %dma_wait3A_66 = tpu.memref_slice %arg6[%mul3A_11, %dma_wait3A_65] : memref<10240x32xf32, #tpu.memory_space<vmem_shared>> -> memref<640x32xf32, #tpu.memory_space<vmem_shared>>
      %dma_wait3A_67 = arith.constant 0 : i32
      %dma_wait3A_68 = tpu.memref_slice %arg3[%run_scoped3A, %mul3A_9, %dma_wait3A_67] : memref<2x10240x32xf32, #tpu.memory_space<hbm>> -> memref<1x640x32xf32, #tpu.memory_space<hbm>>
      %dma_wait3A_69 = tpu.memref_squeeze %dma_wait3A_68 : memref<1x640x32xf32, #tpu.memory_space<hbm>> -> memref<640x32xf32, #tpu.memory_space<hbm>>
      tpu.wait_dma2 semaphore(%run_scoped3A_59 : memref<!tpu.dma_semaphore, #tpu.memory_space<semaphore_mem>>) src(%dma_wait3A_69 : memref<640x32xf32, #tpu.memory_space<hbm>>) dst(%dma_wait3A_66 : memref<640x32xf32, #tpu.memory_space<vmem_shared>>)
      tpu.yield
    }) : () -> ()
    %mul3A_12 = arith.constant 640 : i32
    %mul3A_13 = arith.muli %arg1, %mul3A_12 : i32
    "tpu.region"() ({
      %run_scoped3A_59 = tpu.sem_alloc : memref<!tpu.dma_semaphore, #tpu.memory_space<semaphore_mem>>
      %dma_start3A_60 = arith.constant 0 : i32
      %dma_start3A_61 = tpu.memref_slice %arg5[%mul3A_13, %dma_start3A_60] : memref<10240x32xf32, #tpu.memory_space<vmem_shared>> -> memref<640x32xf32, #tpu.memory_space<vmem_shared>>
      %dma_start3A_62 = arith.constant 0 : i32
      %dma_start3A_63 = tpu.memref_slice %arg5[%mul3A_13, %dma_start3A_62] : memref<10240x32xf32, #tpu.memory_space<vmem_shared>> -> memref<640x32xf32, #tpu.memory_space<vmem_shared>>
      tpu.enqueue_dma source(%arg11 : memref<640x32xf32, #tpu.memory_space<vmem>>) target(%dma_start3A_63 : memref<640x32xf32, #tpu.memory_space<vmem_shared>>) target_semaphore(%run_scoped3A_59 : memref<!tpu.dma_semaphore, #tpu.memory_space<semaphore_mem>>)
      %dma_wait3A_64 = arith.constant 0 : i32
      %dma_wait3A_65 = tpu.memref_slice %arg5[%mul3A_13, %dma_wait3A_64] : memref<10240x32xf32, #tpu.memory_space<vmem_shared>> -> memref<640x32xf32, #tpu.memory_space<vmem_shared>>
      %dma_wait3A_66 = arith.constant 0 : i32
      %dma_wait3A_67 = tpu.memref_slice %arg5[%mul3A_13, %dma_wait3A_66] : memref<10240x32xf32, #tpu.memory_space<vmem_shared>> -> memref<640x32xf32, #tpu.memory_space<vmem_shared>>
      tpu.wait_dma2 semaphore(%run_scoped3A_59 : memref<!tpu.dma_semaphore, #tpu.memory_space<semaphore_mem>>) src(%arg11 : memref<640x32xf32, #tpu.memory_space<vmem>>) dst(%dma_wait3A_67 : memref<640x32xf32, #tpu.memory_space<vmem_shared>>)
      tpu.yield
    }) : () -> ()
    %run_scoped3A_14 = arith.constant 0 : i32
    "tpu.region"() ({
      %run_scoped3A_59 = tpu.sem_alloc : memref<!tpu.dma_semaphore, #tpu.memory_space<semaphore_mem>>
      %dma_start3A_60 = arith.constant 0 : i32
      %dma_start3A_61 = arith.constant 0 : i32
      %dma_start3A_62 = tpu.memref_slice %arg2[%run_scoped3A_14, %add3A, %dma_start3A_60, %dma_start3A_61] : memref<4x32x84x128xi32, #tpu.memory_space<hbm>> -> memref<1x1x84x128xi32, #tpu.memory_space<hbm>>
      %dma_start3A_63 = tpu.memref_squeeze %dma_start3A_62 : memref<1x1x84x128xi32, #tpu.memory_space<hbm>> -> memref<84x128xi32, #tpu.memory_space<hbm>>
      %dma_start3A_64 = arith.constant 0 : i32
      %dma_start3A_65 = arith.constant 0 : i32
      %dma_start3A_66 = tpu.memref_slice %arg2[%run_scoped3A_14, %add3A, %dma_start3A_64, %dma_start3A_65] : memref<4x32x84x128xi32, #tpu.memory_space<hbm>> -> memref<1x1x84x128xi32, #tpu.memory_space<hbm>>
      %dma_start3A_67 = tpu.memref_squeeze %dma_start3A_66 : memref<1x1x84x128xi32, #tpu.memory_space<hbm>> -> memref<84x128xi32, #tpu.memory_space<hbm>>
      tpu.enqueue_dma source(%dma_start3A_67 : memref<84x128xi32, #tpu.memory_space<hbm>>) target(%arg7 : memref<84x128xi32, #tpu.memory_space<vmem>>) target_semaphore(%run_scoped3A_59 : memref<!tpu.dma_semaphore, #tpu.memory_space<semaphore_mem>>)
      %dma_wait3A_68 = arith.constant 0 : i32
      %dma_wait3A_69 = arith.constant 0 : i32
      %dma_wait3A_70 = tpu.memref_slice %arg2[%run_scoped3A_14, %add3A, %dma_wait3A_68, %dma_wait3A_69] : memref<4x32x84x128xi32, #tpu.memory_space<hbm>> -> memref<1x1x84x128xi32, #tpu.memory_space<hbm>>
      %dma_wait3A_71 = tpu.memref_squeeze %dma_wait3A_70 : memref<1x1x84x128xi32, #tpu.memory_space<hbm>> -> memref<84x128xi32, #tpu.memory_space<hbm>>
      %dma_wait3A_72 = arith.constant 0 : i32
      %dma_wait3A_73 = arith.constant 0 : i32
      %dma_wait3A_74 = tpu.memref_slice %arg2[%run_scoped3A_14, %add3A, %dma_wait3A_72, %dma_wait3A_73] : memref<4x32x84x128xi32, #tpu.memory_space<hbm>> -> memref<1x1x84x128xi32, #tpu.memory_space<hbm>>
      %dma_wait3A_75 = tpu.memref_squeeze %dma_wait3A_74 : memref<1x1x84x128xi32, #tpu.memory_space<hbm>> -> memref<84x128xi32, #tpu.memory_space<hbm>>
      tpu.wait_dma2 semaphore(%run_scoped3A_59 : memref<!tpu.dma_semaphore, #tpu.memory_space<semaphore_mem>>) src(%dma_wait3A_75 : memref<84x128xi32, #tpu.memory_space<hbm>>) dst(%arg7 : memref<84x128xi32, #tpu.memory_space<vmem>>)
      tpu.yield
    }) : () -> ()
    %run_scoped3A_15 = arith.constant 1 : i32
    "tpu.region"() ({
      %run_scoped3A_59 = tpu.sem_alloc : memref<!tpu.dma_semaphore, #tpu.memory_space<semaphore_mem>>
      %dma_start3A_60 = arith.constant 0 : i32
      %dma_start3A_61 = arith.constant 0 : i32
      %dma_start3A_62 = tpu.memref_slice %arg2[%run_scoped3A_15, %add3A, %dma_start3A_60, %dma_start3A_61] : memref<4x32x84x128xi32, #tpu.memory_space<hbm>> -> memref<1x1x84x128xi32, #tpu.memory_space<hbm>>
      %dma_start3A_63 = tpu.memref_squeeze %dma_start3A_62 : memref<1x1x84x128xi32, #tpu.memory_space<hbm>> -> memref<84x128xi32, #tpu.memory_space<hbm>>
      %dma_start3A_64 = arith.constant 0 : i32
      %dma_start3A_65 = arith.constant 0 : i32
      %dma_start3A_66 = tpu.memref_slice %arg2[%run_scoped3A_15, %add3A, %dma_start3A_64, %dma_start3A_65] : memref<4x32x84x128xi32, #tpu.memory_space<hbm>> -> memref<1x1x84x128xi32, #tpu.memory_space<hbm>>
      %dma_start3A_67 = tpu.memref_squeeze %dma_start3A_66 : memref<1x1x84x128xi32, #tpu.memory_space<hbm>> -> memref<84x128xi32, #tpu.memory_space<hbm>>
      tpu.enqueue_dma source(%dma_start3A_67 : memref<84x128xi32, #tpu.memory_space<hbm>>) target(%arg8 : memref<84x128xi32, #tpu.memory_space<vmem>>) target_semaphore(%run_scoped3A_59 : memref<!tpu.dma_semaphore, #tpu.memory_space<semaphore_mem>>)
      %dma_wait3A_68 = arith.constant 0 : i32
      %dma_wait3A_69 = arith.constant 0 : i32
      %dma_wait3A_70 = tpu.memref_slice %arg2[%run_scoped3A_15, %add3A, %dma_wait3A_68, %dma_wait3A_69] : memref<4x32x84x128xi32, #tpu.memory_space<hbm>> -> memref<1x1x84x128xi32, #tpu.memory_space<hbm>>
      %dma_wait3A_71 = tpu.memref_squeeze %dma_wait3A_70 : memref<1x1x84x128xi32, #tpu.memory_space<hbm>> -> memref<84x128xi32, #tpu.memory_space<hbm>>
      %dma_wait3A_72 = arith.constant 0 : i32
      %dma_wait3A_73 = arith.constant 0 : i32
      %dma_wait3A_74 = tpu.memref_slice %arg2[%run_scoped3A_15, %add3A, %dma_wait3A_72, %dma_wait3A_73] : memref<4x32x84x128xi32, #tpu.memory_space<hbm>> -> memref<1x1x84x128xi32, #tpu.memory_space<hbm>>
      %dma_wait3A_75 = tpu.memref_squeeze %dma_wait3A_74 : memref<1x1x84x128xi32, #tpu.memory_space<hbm>> -> memref<84x128xi32, #tpu.memory_space<hbm>>
      tpu.wait_dma2 semaphore(%run_scoped3A_59 : memref<!tpu.dma_semaphore, #tpu.memory_space<semaphore_mem>>) src(%dma_wait3A_75 : memref<84x128xi32, #tpu.memory_space<hbm>>) dst(%arg8 : memref<84x128xi32, #tpu.memory_space<vmem>>)
      tpu.yield
    }) : () -> ()
    %barrier3A = arith.constant 0 : index
    tpu.barrier barrier_id(%barrier3A)
    %dma_start3A = arith.constant 0 : i32
    %dma_start3A_16 = arith.constant 0 : i32
    %dma_start3A_17 = tpu.memref_slice %arg7[%dma_start3A, %dma_start3A_16] : memref<84x128xi32, #tpu.memory_space<vmem>> -> memref<1x128xi32, #tpu.memory_space<vmem>>
    %dma_start3A_18 = tpu.memref_squeeze %dma_start3A_17 : memref<1x128xi32, #tpu.memory_space<vmem>> -> memref<128xi32, #tpu.memory_space<vmem>>
    %dma_start3A_19 = arith.constant 0 : i32
    %dma_start3A_20 = arith.constant 0 : i32
    %dma_start3A_21 = tpu.memref_slice %arg6[%dma_start3A_19, %dma_start3A_20] : memref<10240x32xf32, #tpu.memory_space<vmem_shared>> -> memref<10240x32xf32, #tpu.memory_space<vmem_shared>>
    tpu.enqueue_indirect_dma source(%dma_start3A_21 : memref<10240x32xf32, #tpu.memory_space<vmem_shared>>) target(%arg9 : memref<128x32xf32, #tpu.memory_space<vmem>>) offsets(%dma_start3A_18 : memref<128xi32, #tpu.memory_space<vmem>>) semaphore(%arg12 : memref<!tpu.dma_semaphore, #tpu.memory_space<semaphore_mem>>)
    %dma_start3A_22 = arith.constant 1 : i32
    %dma_start3A_23 = arith.constant 0 : i32
    %dma_start3A_24 = tpu.memref_slice %arg7[%dma_start3A_22, %dma_start3A_23] : memref<84x128xi32, #tpu.memory_space<vmem>> -> memref<1x128xi32, #tpu.memory_space<vmem>>
    %dma_start3A_25 = tpu.memref_squeeze %dma_start3A_24 : memref<1x128xi32, #tpu.memory_space<vmem>> -> memref<128xi32, #tpu.memory_space<vmem>>
    %dma_start3A_26 = arith.constant 0 : i32
    %dma_start3A_27 = arith.constant 0 : i32
    %dma_start3A_28 = tpu.memref_slice %arg6[%dma_start3A_26, %dma_start3A_27] : memref<10240x32xf32, #tpu.memory_space<vmem_shared>> -> memref<10240x32xf32, #tpu.memory_space<vmem_shared>>
    tpu.enqueue_indirect_dma source(%dma_start3A_28 : memref<10240x32xf32, #tpu.memory_space<vmem_shared>>) target(%arg10 : memref<128x32xf32, #tpu.memory_space<vmem>>) offsets(%dma_start3A_25 : memref<128xi32, #tpu.memory_space<vmem>>) semaphore(%arg13 : memref<!tpu.dma_semaphore, #tpu.memory_space<semaphore_mem>>)
    %scan3A_29 = arith.constant 0 : i32
    %scan3A_30 = arith.constant 0 : i32
    %scan3A_31 = arith.constant 0 : i32
    %scan3A_32 = arith.constant 40 : i32
    %scan3A_33 = arith.addi %scan3A_31, %scan3A_32 : i32
    %scan3A_34 = arith.constant 1 : i32
    %scan3A_35 = scf.for %scan3A_59 = %scan3A_31 to %scan3A_33 step %scan3A_34 iter_args(%scan3A_60 = %scan3A_30) -> (i32)  : i32 {
      %mul3A_61 = arith.constant 2 : i32
      %mul3A_62 = arith.muli %mul3A_61, %scan3A_59 : i32
      %dma_wait3A_63 = arith.constant 0 : i32
      %dma_wait3A_64 = arith.constant 0 : i32
      %dma_wait3A_65 = tpu.memref_slice %arg3[%scan3A_29, %dma_wait3A_63, %dma_wait3A_64] : memref<2x10240x32xf32, #tpu.memory_space<hbm>> -> memref<1x128x32xf32, #tpu.memory_space<hbm>>
      %dma_wait3A_66 = tpu.memref_squeeze %dma_wait3A_65 : memref<1x128x32xf32, #tpu.memory_space<hbm>> -> memref<128x32xf32, #tpu.memory_space<hbm>>
      %dma_wait3A_67 = arith.constant 0 : i32
      %dma_wait3A_68 = arith.constant 0 : i32
      %dma_wait3A_69 = tpu.memref_slice %arg3[%scan3A_29, %dma_wait3A_67, %dma_wait3A_68] : memref<2x10240x32xf32, #tpu.memory_space<hbm>> -> memref<1x128x32xf32, #tpu.memory_space<hbm>>
      %dma_wait3A_70 = tpu.memref_squeeze %dma_wait3A_69 : memref<1x128x32xf32, #tpu.memory_space<hbm>> -> memref<128x32xf32, #tpu.memory_space<hbm>>
      tpu.wait_dma2 semaphore(%arg12 : memref<!tpu.dma_semaphore, #tpu.memory_space<semaphore_mem>>) src(%dma_wait3A_70 : memref<128x32xf32, #tpu.memory_space<hbm>>) dst(%arg9 : memref<128x32xf32, #tpu.memory_space<vmem>>)
      "tpu.region"() ({
        %run_scoped3A_98 = tpu.sem_alloc : memref<!tpu.dma_semaphore, #tpu.memory_space<semaphore_mem>>
        %dma_start3A_99 = arith.constant 0 : i32
        %dma_start3A_100 = tpu.memref_slice %arg8[%mul3A_62, %dma_start3A_99] : memref<84x128xi32, #tpu.memory_space<vmem>> -> memref<1x128xi32, #tpu.memory_space<vmem>>
        %dma_start3A_101 = tpu.memref_squeeze %dma_start3A_100 : memref<1x128xi32, #tpu.memory_space<vmem>> -> memref<128xi32, #tpu.memory_space<vmem>>
        %dma_start3A_102 = arith.constant 0 : i32
        %dma_start3A_103 = arith.constant 0 : i32
        %dma_start3A_104 = tpu.memref_slice %arg5[%dma_start3A_102, %dma_start3A_103] : memref<10240x32xf32, #tpu.memory_space<vmem_shared>> -> memref<10240x32xf32, #tpu.memory_space<vmem_shared>>
        tpu.enqueue_indirect_dma source(%arg9 : memref<128x32xf32, #tpu.memory_space<vmem>>) target(%dma_start3A_104 : memref<10240x32xf32, #tpu.memory_space<vmem_shared>>) offsets(%dma_start3A_101 : memref<128xi32, #tpu.memory_space<vmem>>) semaphore(%run_scoped3A_98 : memref<!tpu.dma_semaphore, #tpu.memory_space<semaphore_mem>>) {add = true}
        %dma_wait3A_105 = arith.constant 0 : i32
        %dma_wait3A_106 = tpu.memref_slice %arg8[%mul3A_62, %dma_wait3A_105] : memref<84x128xi32, #tpu.memory_space<vmem>> -> memref<1x128xi32, #tpu.memory_space<vmem>>
        %dma_wait3A_107 = tpu.memref_squeeze %dma_wait3A_106 : memref<1x128xi32, #tpu.memory_space<vmem>> -> memref<128xi32, #tpu.memory_space<vmem>>
        %dma_wait3A_108 = arith.constant 0 : i32
        %dma_wait3A_109 = arith.constant 0 : i32
        %dma_wait3A_110 = tpu.memref_slice %arg5[%dma_wait3A_108, %dma_wait3A_109] : memref<10240x32xf32, #tpu.memory_space<vmem_shared>> -> memref<10240x32xf32, #tpu.memory_space<vmem_shared>>
        tpu.wait_indirect_dma semaphore(%run_scoped3A_98 : memref<!tpu.dma_semaphore, #tpu.memory_space<semaphore_mem>>) src(%arg9 : memref<128x32xf32, #tpu.memory_space<vmem>>) dst(%dma_wait3A_110 : memref<10240x32xf32, #tpu.memory_space<vmem_shared>>)
        tpu.yield
      }) : () -> ()
      %add3A_71 = arith.constant 2 : i32
      %add3A_72 = arith.addi %mul3A_62, %add3A_71 : i32
      %dma_start3A_73 = arith.constant 0 : i32
      %dma_start3A_74 = tpu.memref_slice %arg7[%add3A_72, %dma_start3A_73] : memref<84x128xi32, #tpu.memory_space<vmem>> -> memref<1x128xi32, #tpu.memory_space<vmem>>
      %dma_start3A_75 = tpu.memref_squeeze %dma_start3A_74 : memref<1x128xi32, #tpu.memory_space<vmem>> -> memref<128xi32, #tpu.memory_space<vmem>>
      %dma_start3A_76 = arith.constant 0 : i32
      %dma_start3A_77 = arith.constant 0 : i32
      %dma_start3A_78 = tpu.memref_slice %arg6[%dma_start3A_76, %dma_start3A_77] : memref<10240x32xf32, #tpu.memory_space<vmem_shared>> -> memref<10240x32xf32, #tpu.memory_space<vmem_shared>>
      tpu.enqueue_indirect_dma source(%dma_start3A_78 : memref<10240x32xf32, #tpu.memory_space<vmem_shared>>) target(%arg9 : memref<128x32xf32, #tpu.memory_space<vmem>>) offsets(%dma_start3A_75 : memref<128xi32, #tpu.memory_space<vmem>>) semaphore(%arg12 : memref<!tpu.dma_semaphore, #tpu.memory_space<semaphore_mem>>)
      %dma_wait3A_79 = arith.constant 0 : i32
      %dma_wait3A_80 = arith.constant 0 : i32
      %dma_wait3A_81 = tpu.memref_slice %arg3[%scan3A_29, %dma_wait3A_79, %dma_wait3A_80] : memref<2x10240x32xf32, #tpu.memory_space<hbm>> -> memref<1x128x32xf32, #tpu.memory_space<hbm>>
      %dma_wait3A_82 = tpu.memref_squeeze %dma_wait3A_81 : memref<1x128x32xf32, #tpu.memory_space<hbm>> -> memref<128x32xf32, #tpu.memory_space<hbm>>
      %dma_wait3A_83 = arith.constant 0 : i32
      %dma_wait3A_84 = arith.constant 0 : i32
      %dma_wait3A_85 = tpu.memref_slice %arg3[%scan3A_29, %dma_wait3A_83, %dma_wait3A_84] : memref<2x10240x32xf32, #tpu.memory_space<hbm>> -> memref<1x128x32xf32, #tpu.memory_space<hbm>>
      %dma_wait3A_86 = tpu.memref_squeeze %dma_wait3A_85 : memref<1x128x32xf32, #tpu.memory_space<hbm>> -> memref<128x32xf32, #tpu.memory_space<hbm>>
      tpu.wait_dma2 semaphore(%arg13 : memref<!tpu.dma_semaphore, #tpu.memory_space<semaphore_mem>>) src(%dma_wait3A_86 : memref<128x32xf32, #tpu.memory_space<hbm>>) dst(%arg10 : memref<128x32xf32, #tpu.memory_space<vmem>>)
      %add3A_87 = arith.constant 1 : i32
      %add3A_88 = arith.addi %mul3A_62, %add3A_87 : i32
      "tpu.region"() ({
        %run_scoped3A_98 = tpu.sem_alloc : memref<!tpu.dma_semaphore, #tpu.memory_space<semaphore_mem>>
        %dma_start3A_99 = arith.constant 0 : i32
        %dma_start3A_100 = tpu.memref_slice %arg8[%add3A_88, %dma_start3A_99] : memref<84x128xi32, #tpu.memory_space<vmem>> -> memref<1x128xi32, #tpu.memory_space<vmem>>
        %dma_start3A_101 = tpu.memref_squeeze %dma_start3A_100 : memref<1x128xi32, #tpu.memory_space<vmem>> -> memref<128xi32, #tpu.memory_space<vmem>>
        %dma_start3A_102 = arith.constant 0 : i32
        %dma_start3A_103 = arith.constant 0 : i32
        %dma_start3A_104 = tpu.memref_slice %arg5[%dma_start3A_102, %dma_start3A_103] : memref<10240x32xf32, #tpu.memory_space<vmem_shared>> -> memref<10240x32xf32, #tpu.memory_space<vmem_shared>>
        tpu.enqueue_indirect_dma source(%arg10 : memref<128x32xf32, #tpu.memory_space<vmem>>) target(%dma_start3A_104 : memref<10240x32xf32, #tpu.memory_space<vmem_shared>>) offsets(%dma_start3A_101 : memref<128xi32, #tpu.memory_space<vmem>>) semaphore(%run_scoped3A_98 : memref<!tpu.dma_semaphore, #tpu.memory_space<semaphore_mem>>) {add = true}
        %dma_wait3A_105 = arith.constant 0 : i32
        %dma_wait3A_106 = tpu.memref_slice %arg8[%add3A_88, %dma_wait3A_105] : memref<84x128xi32, #tpu.memory_space<vmem>> -> memref<1x128xi32, #tpu.memory_space<vmem>>
        %dma_wait3A_107 = tpu.memref_squeeze %dma_wait3A_106 : memref<1x128xi32, #tpu.memory_space<vmem>> -> memref<128xi32, #tpu.memory_space<vmem>>
        %dma_wait3A_108 = arith.constant 0 : i32
        %dma_wait3A_109 = arith.constant 0 : i32
        %dma_wait3A_110 = tpu.memref_slice %arg5[%dma_wait3A_108, %dma_wait3A_109] : memref<10240x32xf32, #tpu.memory_space<vmem_shared>> -> memref<10240x32xf32, #tpu.memory_space<vmem_shared>>
        tpu.wait_indirect_dma semaphore(%run_scoped3A_98 : memref<!tpu.dma_semaphore, #tpu.memory_space<semaphore_mem>>) src(%arg10 : memref<128x32xf32, #tpu.memory_space<vmem>>) dst(%dma_wait3A_110 : memref<10240x32xf32, #tpu.memory_space<vmem_shared>>)
        tpu.yield
      }) : () -> ()
      %add3A_89 = arith.constant 3 : i32
      %add3A_90 = arith.addi %mul3A_62, %add3A_89 : i32
      %dma_start3A_91 = arith.constant 0 : i32
      %dma_start3A_92 = tpu.memref_slice %arg7[%add3A_90, %dma_start3A_91] : memref<84x128xi32, #tpu.memory_space<vmem>> -> memref<1x128xi32, #tpu.memory_space<vmem>>
      %dma_start3A_93 = tpu.memref_squeeze %dma_start3A_92 : memref<1x128xi32, #tpu.memory_space<vmem>> -> memref<128xi32, #tpu.memory_space<vmem>>
      %dma_start3A_94 = arith.constant 0 : i32
      %dma_start3A_95 = arith.constant 0 : i32
      %dma_start3A_96 = tpu.memref_slice %arg6[%dma_start3A_94, %dma_start3A_95] : memref<10240x32xf32, #tpu.memory_space<vmem_shared>> -> memref<10240x32xf32, #tpu.memory_space<vmem_shared>>
      tpu.enqueue_indirect_dma source(%dma_start3A_96 : memref<10240x32xf32, #tpu.memory_space<vmem_shared>>) target(%arg10 : memref<128x32xf32, #tpu.memory_space<vmem>>) offsets(%dma_start3A_93 : memref<128xi32, #tpu.memory_space<vmem>>) semaphore(%arg13 : memref<!tpu.dma_semaphore, #tpu.memory_space<semaphore_mem>>)
      %scan3A_97 = arith.constant 0 : i32
      scf.yield %scan3A_97 : i32
    }
    %scan3A_36 = arith.constant 40 : i32
    %dma_wait3A = arith.constant 0 : i32
    %dma_wait3A_37 = arith.constant 0 : i32
    %dma_wait3A_38 = arith.constant 0 : i32
    %dma_wait3A_39 = tpu.memref_slice %arg3[%dma_wait3A, %dma_wait3A_37, %dma_wait3A_38] : memref<2x10240x32xf32, #tpu.memory_space<hbm>> -> memref<1x128x32xf32, #tpu.memory_space<hbm>>
    %dma_wait3A_40 = tpu.memref_squeeze %dma_wait3A_39 : memref<1x128x32xf32, #tpu.memory_space<hbm>> -> memref<128x32xf32, #tpu.memory_space<hbm>>
    %dma_wait3A_41 = arith.constant 0 : i32
    %dma_wait3A_42 = arith.constant 0 : i32
    %dma_wait3A_43 = tpu.memref_slice %arg3[%dma_wait3A, %dma_wait3A_41, %dma_wait3A_42] : memref<2x10240x32xf32, #tpu.memory_space<hbm>> -> memref<1x128x32xf32, #tpu.memory_space<hbm>>
    %dma_wait3A_44 = tpu.memref_squeeze %dma_wait3A_43 : memref<1x128x32xf32, #tpu.memory_space<hbm>> -> memref<128x32xf32, #tpu.memory_space<hbm>>
    tpu.wait_dma2 semaphore(%arg12 : memref<!tpu.dma_semaphore, #tpu.memory_space<semaphore_mem>>) src(%dma_wait3A_44 : memref<128x32xf32, #tpu.memory_space<hbm>>) dst(%arg9 : memref<128x32xf32, #tpu.memory_space<vmem>>)
    %dma_wait3A_45 = arith.constant 0 : i32
    %dma_wait3A_46 = arith.constant 0 : i32
    %dma_wait3A_47 = arith.constant 0 : i32
    %dma_wait3A_48 = tpu.memref_slice %arg3[%dma_wait3A_45, %dma_wait3A_46, %dma_wait3A_47] : memref<2x10240x32xf32, #tpu.memory_space<hbm>> -> memref<1x128x32xf32, #tpu.memory_space<hbm>>
    %dma_wait3A_49 = tpu.memref_squeeze %dma_wait3A_48 : memref<1x128x32xf32, #tpu.memory_space<hbm>> -> memref<128x32xf32, #tpu.memory_space<hbm>>
    %dma_wait3A_50 = arith.constant 0 : i32
    %dma_wait3A_51 = arith.constant 0 : i32
    %dma_wait3A_52 = tpu.memref_slice %arg3[%dma_wait3A_45, %dma_wait3A_50, %dma_wait3A_51] : memref<2x10240x32xf32, #tpu.memory_space<hbm>> -> memref<1x128x32xf32, #tpu.memory_space<hbm>>
    %dma_wait3A_53 = tpu.memref_squeeze %dma_wait3A_52 : memref<1x128x32xf32, #tpu.memory_space<hbm>> -> memref<128x32xf32, #tpu.memory_space<hbm>>
    tpu.wait_dma2 semaphore(%arg13 : memref<!tpu.dma_semaphore, #tpu.memory_space<semaphore_mem>>) src(%dma_wait3A_53 : memref<128x32xf32, #tpu.memory_space<hbm>>) dst(%arg10 : memref<128x32xf32, #tpu.memory_space<vmem>>)
    %barrier3A_54 = arith.constant 0 : index
    tpu.barrier barrier_id(%barrier3A_54)
    %mul3A_55 = arith.constant 640 : i32
    %mul3A_56 = arith.muli %arg1, %mul3A_55 : i32
    %mul3A_57 = arith.constant 640 : i32
    %mul3A_58 = arith.muli %arg1, %mul3A_57 : i32
    "tpu.region"() ({
      %run_scoped3A_59 = tpu.sem_alloc : memref<!tpu.dma_semaphore, #tpu.memory_space<semaphore_mem>>
      %dma_start3A_60 = arith.constant 0 : i32
      %dma_start3A_61 = tpu.memref_slice %arg4[%arg0, %mul3A_58, %dma_start3A_60] : memref<2x10240x32xf32, #tpu.memory_space<hbm>> -> memref<1x640x32xf32, #tpu.memory_space<hbm>>
      %dma_start3A_62 = tpu.memref_squeeze %dma_start3A_61 : memref<1x640x32xf32, #tpu.memory_space<hbm>> -> memref<640x32xf32, #tpu.memory_space<hbm>>
      %dma_start3A_63 = arith.constant 0 : i32
      %dma_start3A_64 = tpu.memref_slice %arg5[%mul3A_56, %dma_start3A_63] : memref<10240x32xf32, #tpu.memory_space<vmem_shared>> -> memref<640x32xf32, #tpu.memory_space<vmem_shared>>
      tpu.enqueue_dma source(%dma_start3A_64 : memref<640x32xf32, #tpu.memory_space<vmem_shared>>) target(%dma_start3A_62 : memref<640x32xf32, #tpu.memory_space<hbm>>) target_semaphore(%run_scoped3A_59 : memref<!tpu.dma_semaphore, #tpu.memory_space<semaphore_mem>>)
      %dma_wait3A_65 = arith.constant 0 : i32
      %dma_wait3A_66 = tpu.memref_slice %arg4[%arg0, %mul3A_58, %dma_wait3A_65] : memref<2x10240x32xf32, #tpu.memory_space<hbm>> -> memref<1x640x32xf32, #tpu.memory_space<hbm>>
      %dma_wait3A_67 = tpu.memref_squeeze %dma_wait3A_66 : memref<1x640x32xf32, #tpu.memory_space<hbm>> -> memref<640x32xf32, #tpu.memory_space<hbm>>
      %dma_wait3A_68 = arith.constant 0 : i32
      %dma_wait3A_69 = tpu.memref_slice %arg5[%mul3A_56, %dma_wait3A_68] : memref<10240x32xf32, #tpu.memory_space<vmem_shared>> -> memref<640x32xf32, #tpu.memory_space<vmem_shared>>
      tpu.wait_dma2 semaphore(%run_scoped3A_59 : memref<!tpu.dma_semaphore, #tpu.memory_space<semaphore_mem>>) src(%dma_wait3A_69 : memref<640x32xf32, #tpu.memory_space<vmem_shared>>) dst(%dma_wait3A_67 : memref<640x32xf32, #tpu.memory_space<hbm>>)
      tpu.yield
    }) : () -> ()
    return
  }
}

#map = affine_map<(d0, d1) -> (0, 0, 0, 0)>
#map1 = affine_map<(d0, d1) -> (0, 0, 0)>
module attributes {stable_mosaic.version = 14 : i64} {
  func.func @gcn_msgpass_l2so_sc(%arg0: i32, %arg1: i32, %arg2: memref<4x32x84x128xi32, #tpu.memory_space<hbm>>, %arg3: memref<2x10240x16xf32, #tpu.memory_space<hbm>>, %arg4: memref<2x10240x16xf32, #tpu.memory_space<hbm>>, %arg5: memref<10240x16xf32, #tpu.memory_space<vmem_shared>>, %arg6: memref<10240x16xf32, #tpu.memory_space<vmem_shared>>, %arg7: memref<84x128xi32, #tpu.memory_space<vmem>>, %arg8: memref<84x128xi32, #tpu.memory_space<vmem>>, %arg9: memref<128x16xf32, #tpu.memory_space<vmem>>, %arg10: memref<128x16xf32, #tpu.memory_space<vmem>>, %arg11: memref<640x16xf32, #tpu.memory_space<vmem>>, %arg12: memref<!tpu.dma_semaphore, #tpu.memory_space<semaphore_mem>>, %arg13: memref<!tpu.dma_semaphore, #tpu.memory_space<semaphore_mem>>) attributes {dimension_semantics = [#tpu.dimension_semantics<core_parallel>, #tpu.dimension_semantics<subcore_parallel>], iteration_bounds = array<i64: 2, 16>, scalar_prefetch = 0 : i64, scratch_operands = 9 : i64, tpu.core_type = #tpu.core_type<sc_vector_subcore>, window_params = [{transform_indices = #map}, {transform_indices = #map1}, {transform_indices = #map1}]} {
    %mul3A = arith.constant 16 : i32
    %mul3A_0 = arith.muli %arg0, %mul3A : i32
    %add3A = arith.addi %mul3A_0, %arg1 : i32
    %broadcast_in_dim3A = arith.constant 0.000000e+00 : f32
    %broadcast_in_dim3A_1 = vector.broadcast %broadcast_in_dim3A : f32 to vector<16xf32>
    %scan3A = arith.constant 0 : i32
    %scan3A_2 = arith.constant 0 : i32
    %scan3A_3 = arith.constant 640 : i32
    %scan3A_4 = arith.addi %scan3A_2, %scan3A_3 : i32
    %scan3A_5 = arith.constant 1 : i32
    %scan3A_6 = scf.for %scan3A_59 = %scan3A_2 to %scan3A_4 step %scan3A_5 iter_args(%scan3A_60 = %scan3A) -> (i32)  : i32 {
      %swap3A = arith.index_cast %scan3A_59 : i32 to index
      %swap3A_61 = arith.constant 0 : index
      %swap3A_62 = tpu.vector_load %arg11[%swap3A, %swap3A_61] {strides = array<i32>} : memref<640x16xf32, #tpu.memory_space<vmem>>, vector<1x16xf32>,
      %swap3A_63 = vector.shape_cast %swap3A_62 : vector<1x16xf32> to vector<16xf32>
      %swap3A_64 = vector.shape_cast %broadcast_in_dim3A_1 : vector<16xf32> to vector<1x16xf32>
      tpu.vector_store %arg11[%swap3A, %swap3A_61], %swap3A_64 {strides = array<i32>} : memref<640x16xf32, #tpu.memory_space<vmem>>, vector<1x16xf32>,
      %scan3A_65 = arith.constant 0 : i32
      scf.yield %scan3A_65 : i32
    }
    %scan3A_7 = arith.constant 640 : i32
    %mul3A_8 = arith.constant 640 : i32
    %mul3A_9 = arith.muli %arg1, %mul3A_8 : i32
    %mul3A_10 = arith.constant 640 : i32
    %mul3A_11 = arith.muli %arg1, %mul3A_10 : i32
    %run_scoped3A = arith.constant 1 : i32
    "tpu.region"() ({
      %run_scoped3A_59 = tpu.sem_alloc : memref<!tpu.dma_semaphore, #tpu.memory_space<semaphore_mem>>
      %dma_start3A_60 = arith.constant 0 : i32
      %dma_start3A_61 = tpu.memref_slice %arg6[%mul3A_11, %dma_start3A_60] : memref<10240x16xf32, #tpu.memory_space<vmem_shared>> -> memref<640x16xf32, #tpu.memory_space<vmem_shared>>
      %dma_start3A_62 = arith.constant 0 : i32
      %dma_start3A_63 = tpu.memref_slice %arg3[%run_scoped3A, %mul3A_9, %dma_start3A_62] : memref<2x10240x16xf32, #tpu.memory_space<hbm>> -> memref<1x640x16xf32, #tpu.memory_space<hbm>>
      %dma_start3A_64 = tpu.memref_squeeze %dma_start3A_63 : memref<1x640x16xf32, #tpu.memory_space<hbm>> -> memref<640x16xf32, #tpu.memory_space<hbm>>
      tpu.enqueue_dma source(%dma_start3A_64 : memref<640x16xf32, #tpu.memory_space<hbm>>) target(%dma_start3A_61 : memref<640x16xf32, #tpu.memory_space<vmem_shared>>) target_semaphore(%run_scoped3A_59 : memref<!tpu.dma_semaphore, #tpu.memory_space<semaphore_mem>>)
      %dma_wait3A_65 = arith.constant 0 : i32
      %dma_wait3A_66 = tpu.memref_slice %arg6[%mul3A_11, %dma_wait3A_65] : memref<10240x16xf32, #tpu.memory_space<vmem_shared>> -> memref<640x16xf32, #tpu.memory_space<vmem_shared>>
      %dma_wait3A_67 = arith.constant 0 : i32
      %dma_wait3A_68 = tpu.memref_slice %arg3[%run_scoped3A, %mul3A_9, %dma_wait3A_67] : memref<2x10240x16xf32, #tpu.memory_space<hbm>> -> memref<1x640x16xf32, #tpu.memory_space<hbm>>
      %dma_wait3A_69 = tpu.memref_squeeze %dma_wait3A_68 : memref<1x640x16xf32, #tpu.memory_space<hbm>> -> memref<640x16xf32, #tpu.memory_space<hbm>>
      tpu.wait_dma2 semaphore(%run_scoped3A_59 : memref<!tpu.dma_semaphore, #tpu.memory_space<semaphore_mem>>) src(%dma_wait3A_69 : memref<640x16xf32, #tpu.memory_space<hbm>>) dst(%dma_wait3A_66 : memref<640x16xf32, #tpu.memory_space<vmem_shared>>)
      tpu.yield
    }) : () -> ()
    %mul3A_12 = arith.constant 640 : i32
    %mul3A_13 = arith.muli %arg1, %mul3A_12 : i32
    "tpu.region"() ({
      %run_scoped3A_59 = tpu.sem_alloc : memref<!tpu.dma_semaphore, #tpu.memory_space<semaphore_mem>>
      %dma_start3A_60 = arith.constant 0 : i32
      %dma_start3A_61 = tpu.memref_slice %arg5[%mul3A_13, %dma_start3A_60] : memref<10240x16xf32, #tpu.memory_space<vmem_shared>> -> memref<640x16xf32, #tpu.memory_space<vmem_shared>>
      %dma_start3A_62 = arith.constant 0 : i32
      %dma_start3A_63 = tpu.memref_slice %arg5[%mul3A_13, %dma_start3A_62] : memref<10240x16xf32, #tpu.memory_space<vmem_shared>> -> memref<640x16xf32, #tpu.memory_space<vmem_shared>>
      tpu.enqueue_dma source(%arg11 : memref<640x16xf32, #tpu.memory_space<vmem>>) target(%dma_start3A_63 : memref<640x16xf32, #tpu.memory_space<vmem_shared>>) target_semaphore(%run_scoped3A_59 : memref<!tpu.dma_semaphore, #tpu.memory_space<semaphore_mem>>)
      %dma_wait3A_64 = arith.constant 0 : i32
      %dma_wait3A_65 = tpu.memref_slice %arg5[%mul3A_13, %dma_wait3A_64] : memref<10240x16xf32, #tpu.memory_space<vmem_shared>> -> memref<640x16xf32, #tpu.memory_space<vmem_shared>>
      %dma_wait3A_66 = arith.constant 0 : i32
      %dma_wait3A_67 = tpu.memref_slice %arg5[%mul3A_13, %dma_wait3A_66] : memref<10240x16xf32, #tpu.memory_space<vmem_shared>> -> memref<640x16xf32, #tpu.memory_space<vmem_shared>>
      tpu.wait_dma2 semaphore(%run_scoped3A_59 : memref<!tpu.dma_semaphore, #tpu.memory_space<semaphore_mem>>) src(%arg11 : memref<640x16xf32, #tpu.memory_space<vmem>>) dst(%dma_wait3A_67 : memref<640x16xf32, #tpu.memory_space<vmem_shared>>)
      tpu.yield
    }) : () -> ()
    %run_scoped3A_14 = arith.constant 2 : i32
    "tpu.region"() ({
      %run_scoped3A_59 = tpu.sem_alloc : memref<!tpu.dma_semaphore, #tpu.memory_space<semaphore_mem>>
      %dma_start3A_60 = arith.constant 0 : i32
      %dma_start3A_61 = arith.constant 0 : i32
      %dma_start3A_62 = tpu.memref_slice %arg2[%run_scoped3A_14, %add3A, %dma_start3A_60, %dma_start3A_61] : memref<4x32x84x128xi32, #tpu.memory_space<hbm>> -> memref<1x1x84x128xi32, #tpu.memory_space<hbm>>
      %dma_start3A_63 = tpu.memref_squeeze %dma_start3A_62 : memref<1x1x84x128xi32, #tpu.memory_space<hbm>> -> memref<84x128xi32, #tpu.memory_space<hbm>>
      %dma_start3A_64 = arith.constant 0 : i32
      %dma_start3A_65 = arith.constant 0 : i32
      %dma_start3A_66 = tpu.memref_slice %arg2[%run_scoped3A_14, %add3A, %dma_start3A_64, %dma_start3A_65] : memref<4x32x84x128xi32, #tpu.memory_space<hbm>> -> memref<1x1x84x128xi32, #tpu.memory_space<hbm>>
      %dma_start3A_67 = tpu.memref_squeeze %dma_start3A_66 : memref<1x1x84x128xi32, #tpu.memory_space<hbm>> -> memref<84x128xi32, #tpu.memory_space<hbm>>
      tpu.enqueue_dma source(%dma_start3A_67 : memref<84x128xi32, #tpu.memory_space<hbm>>) target(%arg7 : memref<84x128xi32, #tpu.memory_space<vmem>>) target_semaphore(%run_scoped3A_59 : memref<!tpu.dma_semaphore, #tpu.memory_space<semaphore_mem>>)
      %dma_wait3A_68 = arith.constant 0 : i32
      %dma_wait3A_69 = arith.constant 0 : i32
      %dma_wait3A_70 = tpu.memref_slice %arg2[%run_scoped3A_14, %add3A, %dma_wait3A_68, %dma_wait3A_69] : memref<4x32x84x128xi32, #tpu.memory_space<hbm>> -> memref<1x1x84x128xi32, #tpu.memory_space<hbm>>
      %dma_wait3A_71 = tpu.memref_squeeze %dma_wait3A_70 : memref<1x1x84x128xi32, #tpu.memory_space<hbm>> -> memref<84x128xi32, #tpu.memory_space<hbm>>
      %dma_wait3A_72 = arith.constant 0 : i32
      %dma_wait3A_73 = arith.constant 0 : i32
      %dma_wait3A_74 = tpu.memref_slice %arg2[%run_scoped3A_14, %add3A, %dma_wait3A_72, %dma_wait3A_73] : memref<4x32x84x128xi32, #tpu.memory_space<hbm>> -> memref<1x1x84x128xi32, #tpu.memory_space<hbm>>
      %dma_wait3A_75 = tpu.memref_squeeze %dma_wait3A_74 : memref<1x1x84x128xi32, #tpu.memory_space<hbm>> -> memref<84x128xi32, #tpu.memory_space<hbm>>
      tpu.wait_dma2 semaphore(%run_scoped3A_59 : memref<!tpu.dma_semaphore, #tpu.memory_space<semaphore_mem>>) src(%dma_wait3A_75 : memref<84x128xi32, #tpu.memory_space<hbm>>) dst(%arg7 : memref<84x128xi32, #tpu.memory_space<vmem>>)
      tpu.yield
    }) : () -> ()
    %run_scoped3A_15 = arith.constant 3 : i32
    "tpu.region"() ({
      %run_scoped3A_59 = tpu.sem_alloc : memref<!tpu.dma_semaphore, #tpu.memory_space<semaphore_mem>>
      %dma_start3A_60 = arith.constant 0 : i32
      %dma_start3A_61 = arith.constant 0 : i32
      %dma_start3A_62 = tpu.memref_slice %arg2[%run_scoped3A_15, %add3A, %dma_start3A_60, %dma_start3A_61] : memref<4x32x84x128xi32, #tpu.memory_space<hbm>> -> memref<1x1x84x128xi32, #tpu.memory_space<hbm>>
      %dma_start3A_63 = tpu.memref_squeeze %dma_start3A_62 : memref<1x1x84x128xi32, #tpu.memory_space<hbm>> -> memref<84x128xi32, #tpu.memory_space<hbm>>
      %dma_start3A_64 = arith.constant 0 : i32
      %dma_start3A_65 = arith.constant 0 : i32
      %dma_start3A_66 = tpu.memref_slice %arg2[%run_scoped3A_15, %add3A, %dma_start3A_64, %dma_start3A_65] : memref<4x32x84x128xi32, #tpu.memory_space<hbm>> -> memref<1x1x84x128xi32, #tpu.memory_space<hbm>>
      %dma_start3A_67 = tpu.memref_squeeze %dma_start3A_66 : memref<1x1x84x128xi32, #tpu.memory_space<hbm>> -> memref<84x128xi32, #tpu.memory_space<hbm>>
      tpu.enqueue_dma source(%dma_start3A_67 : memref<84x128xi32, #tpu.memory_space<hbm>>) target(%arg8 : memref<84x128xi32, #tpu.memory_space<vmem>>) target_semaphore(%run_scoped3A_59 : memref<!tpu.dma_semaphore, #tpu.memory_space<semaphore_mem>>)
      %dma_wait3A_68 = arith.constant 0 : i32
      %dma_wait3A_69 = arith.constant 0 : i32
      %dma_wait3A_70 = tpu.memref_slice %arg2[%run_scoped3A_15, %add3A, %dma_wait3A_68, %dma_wait3A_69] : memref<4x32x84x128xi32, #tpu.memory_space<hbm>> -> memref<1x1x84x128xi32, #tpu.memory_space<hbm>>
      %dma_wait3A_71 = tpu.memref_squeeze %dma_wait3A_70 : memref<1x1x84x128xi32, #tpu.memory_space<hbm>> -> memref<84x128xi32, #tpu.memory_space<hbm>>
      %dma_wait3A_72 = arith.constant 0 : i32
      %dma_wait3A_73 = arith.constant 0 : i32
      %dma_wait3A_74 = tpu.memref_slice %arg2[%run_scoped3A_15, %add3A, %dma_wait3A_72, %dma_wait3A_73] : memref<4x32x84x128xi32, #tpu.memory_space<hbm>> -> memref<1x1x84x128xi32, #tpu.memory_space<hbm>>
      %dma_wait3A_75 = tpu.memref_squeeze %dma_wait3A_74 : memref<1x1x84x128xi32, #tpu.memory_space<hbm>> -> memref<84x128xi32, #tpu.memory_space<hbm>>
      tpu.wait_dma2 semaphore(%run_scoped3A_59 : memref<!tpu.dma_semaphore, #tpu.memory_space<semaphore_mem>>) src(%dma_wait3A_75 : memref<84x128xi32, #tpu.memory_space<hbm>>) dst(%arg8 : memref<84x128xi32, #tpu.memory_space<vmem>>)
      tpu.yield
    }) : () -> ()
    %barrier3A = arith.constant 0 : index
    tpu.barrier barrier_id(%barrier3A)
    %dma_start3A = arith.constant 0 : i32
    %dma_start3A_16 = arith.constant 0 : i32
    %dma_start3A_17 = tpu.memref_slice %arg7[%dma_start3A, %dma_start3A_16] : memref<84x128xi32, #tpu.memory_space<vmem>> -> memref<1x128xi32, #tpu.memory_space<vmem>>
    %dma_start3A_18 = tpu.memref_squeeze %dma_start3A_17 : memref<1x128xi32, #tpu.memory_space<vmem>> -> memref<128xi32, #tpu.memory_space<vmem>>
    %dma_start3A_19 = arith.constant 0 : i32
    %dma_start3A_20 = arith.constant 0 : i32
    %dma_start3A_21 = tpu.memref_slice %arg6[%dma_start3A_19, %dma_start3A_20] : memref<10240x16xf32, #tpu.memory_space<vmem_shared>> -> memref<10240x16xf32, #tpu.memory_space<vmem_shared>>
    tpu.enqueue_indirect_dma source(%dma_start3A_21 : memref<10240x16xf32, #tpu.memory_space<vmem_shared>>) target(%arg9 : memref<128x16xf32, #tpu.memory_space<vmem>>) offsets(%dma_start3A_18 : memref<128xi32, #tpu.memory_space<vmem>>) semaphore(%arg12 : memref<!tpu.dma_semaphore, #tpu.memory_space<semaphore_mem>>)
    %dma_start3A_22 = arith.constant 1 : i32
    %dma_start3A_23 = arith.constant 0 : i32
    %dma_start3A_24 = tpu.memref_slice %arg7[%dma_start3A_22, %dma_start3A_23] : memref<84x128xi32, #tpu.memory_space<vmem>> -> memref<1x128xi32, #tpu.memory_space<vmem>>
    %dma_start3A_25 = tpu.memref_squeeze %dma_start3A_24 : memref<1x128xi32, #tpu.memory_space<vmem>> -> memref<128xi32, #tpu.memory_space<vmem>>
    %dma_start3A_26 = arith.constant 0 : i32
    %dma_start3A_27 = arith.constant 0 : i32
    %dma_start3A_28 = tpu.memref_slice %arg6[%dma_start3A_26, %dma_start3A_27] : memref<10240x16xf32, #tpu.memory_space<vmem_shared>> -> memref<10240x16xf32, #tpu.memory_space<vmem_shared>>
    tpu.enqueue_indirect_dma source(%dma_start3A_28 : memref<10240x16xf32, #tpu.memory_space<vmem_shared>>) target(%arg10 : memref<128x16xf32, #tpu.memory_space<vmem>>) offsets(%dma_start3A_25 : memref<128xi32, #tpu.memory_space<vmem>>) semaphore(%arg13 : memref<!tpu.dma_semaphore, #tpu.memory_space<semaphore_mem>>)
    %scan3A_29 = arith.constant 1 : i32
    %scan3A_30 = arith.constant 0 : i32
    %scan3A_31 = arith.constant 0 : i32
    %scan3A_32 = arith.constant 40 : i32
    %scan3A_33 = arith.addi %scan3A_31, %scan3A_32 : i32
    %scan3A_34 = arith.constant 1 : i32
    %scan3A_35 = scf.for %scan3A_59 = %scan3A_31 to %scan3A_33 step %scan3A_34 iter_args(%scan3A_60 = %scan3A_30) -> (i32)  : i32 {
      %mul3A_61 = arith.constant 2 : i32
      %mul3A_62 = arith.muli %mul3A_61, %scan3A_59 : i32
      %dma_wait3A_63 = arith.constant 0 : i32
      %dma_wait3A_64 = arith.constant 0 : i32
      %dma_wait3A_65 = tpu.memref_slice %arg3[%scan3A_29, %dma_wait3A_63, %dma_wait3A_64] : memref<2x10240x16xf32, #tpu.memory_space<hbm>> -> memref<1x128x16xf32, #tpu.memory_space<hbm>>
      %dma_wait3A_66 = tpu.memref_squeeze %dma_wait3A_65 : memref<1x128x16xf32, #tpu.memory_space<hbm>> -> memref<128x16xf32, #tpu.memory_space<hbm>>
      %dma_wait3A_67 = arith.constant 0 : i32
      %dma_wait3A_68 = arith.constant 0 : i32
      %dma_wait3A_69 = tpu.memref_slice %arg3[%scan3A_29, %dma_wait3A_67, %dma_wait3A_68] : memref<2x10240x16xf32, #tpu.memory_space<hbm>> -> memref<1x128x16xf32, #tpu.memory_space<hbm>>
      %dma_wait3A_70 = tpu.memref_squeeze %dma_wait3A_69 : memref<1x128x16xf32, #tpu.memory_space<hbm>> -> memref<128x16xf32, #tpu.memory_space<hbm>>
      tpu.wait_dma2 semaphore(%arg12 : memref<!tpu.dma_semaphore, #tpu.memory_space<semaphore_mem>>) src(%dma_wait3A_70 : memref<128x16xf32, #tpu.memory_space<hbm>>) dst(%arg9 : memref<128x16xf32, #tpu.memory_space<vmem>>)
      "tpu.region"() ({
        %run_scoped3A_98 = tpu.sem_alloc : memref<!tpu.dma_semaphore, #tpu.memory_space<semaphore_mem>>
        %dma_start3A_99 = arith.constant 0 : i32
        %dma_start3A_100 = tpu.memref_slice %arg8[%mul3A_62, %dma_start3A_99] : memref<84x128xi32, #tpu.memory_space<vmem>> -> memref<1x128xi32, #tpu.memory_space<vmem>>
        %dma_start3A_101 = tpu.memref_squeeze %dma_start3A_100 : memref<1x128xi32, #tpu.memory_space<vmem>> -> memref<128xi32, #tpu.memory_space<vmem>>
        %dma_start3A_102 = arith.constant 0 : i32
        %dma_start3A_103 = arith.constant 0 : i32
        %dma_start3A_104 = tpu.memref_slice %arg5[%dma_start3A_102, %dma_start3A_103] : memref<10240x16xf32, #tpu.memory_space<vmem_shared>> -> memref<10240x16xf32, #tpu.memory_space<vmem_shared>>
        tpu.enqueue_indirect_dma source(%arg9 : memref<128x16xf32, #tpu.memory_space<vmem>>) target(%dma_start3A_104 : memref<10240x16xf32, #tpu.memory_space<vmem_shared>>) offsets(%dma_start3A_101 : memref<128xi32, #tpu.memory_space<vmem>>) semaphore(%run_scoped3A_98 : memref<!tpu.dma_semaphore, #tpu.memory_space<semaphore_mem>>) {add = true}
        %dma_wait3A_105 = arith.constant 0 : i32
        %dma_wait3A_106 = tpu.memref_slice %arg8[%mul3A_62, %dma_wait3A_105] : memref<84x128xi32, #tpu.memory_space<vmem>> -> memref<1x128xi32, #tpu.memory_space<vmem>>
        %dma_wait3A_107 = tpu.memref_squeeze %dma_wait3A_106 : memref<1x128xi32, #tpu.memory_space<vmem>> -> memref<128xi32, #tpu.memory_space<vmem>>
        %dma_wait3A_108 = arith.constant 0 : i32
        %dma_wait3A_109 = arith.constant 0 : i32
        %dma_wait3A_110 = tpu.memref_slice %arg5[%dma_wait3A_108, %dma_wait3A_109] : memref<10240x16xf32, #tpu.memory_space<vmem_shared>> -> memref<10240x16xf32, #tpu.memory_space<vmem_shared>>
        tpu.wait_indirect_dma semaphore(%run_scoped3A_98 : memref<!tpu.dma_semaphore, #tpu.memory_space<semaphore_mem>>) src(%arg9 : memref<128x16xf32, #tpu.memory_space<vmem>>) dst(%dma_wait3A_110 : memref<10240x16xf32, #tpu.memory_space<vmem_shared>>)
        tpu.yield
      }) : () -> ()
      %add3A_71 = arith.constant 2 : i32
      %add3A_72 = arith.addi %mul3A_62, %add3A_71 : i32
      %dma_start3A_73 = arith.constant 0 : i32
      %dma_start3A_74 = tpu.memref_slice %arg7[%add3A_72, %dma_start3A_73] : memref<84x128xi32, #tpu.memory_space<vmem>> -> memref<1x128xi32, #tpu.memory_space<vmem>>
      %dma_start3A_75 = tpu.memref_squeeze %dma_start3A_74 : memref<1x128xi32, #tpu.memory_space<vmem>> -> memref<128xi32, #tpu.memory_space<vmem>>
      %dma_start3A_76 = arith.constant 0 : i32
      %dma_start3A_77 = arith.constant 0 : i32
      %dma_start3A_78 = tpu.memref_slice %arg6[%dma_start3A_76, %dma_start3A_77] : memref<10240x16xf32, #tpu.memory_space<vmem_shared>> -> memref<10240x16xf32, #tpu.memory_space<vmem_shared>>
      tpu.enqueue_indirect_dma source(%dma_start3A_78 : memref<10240x16xf32, #tpu.memory_space<vmem_shared>>) target(%arg9 : memref<128x16xf32, #tpu.memory_space<vmem>>) offsets(%dma_start3A_75 : memref<128xi32, #tpu.memory_space<vmem>>) semaphore(%arg12 : memref<!tpu.dma_semaphore, #tpu.memory_space<semaphore_mem>>)
      %dma_wait3A_79 = arith.constant 0 : i32
      %dma_wait3A_80 = arith.constant 0 : i32
      %dma_wait3A_81 = tpu.memref_slice %arg3[%scan3A_29, %dma_wait3A_79, %dma_wait3A_80] : memref<2x10240x16xf32, #tpu.memory_space<hbm>> -> memref<1x128x16xf32, #tpu.memory_space<hbm>>
      %dma_wait3A_82 = tpu.memref_squeeze %dma_wait3A_81 : memref<1x128x16xf32, #tpu.memory_space<hbm>> -> memref<128x16xf32, #tpu.memory_space<hbm>>
      %dma_wait3A_83 = arith.constant 0 : i32
      %dma_wait3A_84 = arith.constant 0 : i32
      %dma_wait3A_85 = tpu.memref_slice %arg3[%scan3A_29, %dma_wait3A_83, %dma_wait3A_84] : memref<2x10240x16xf32, #tpu.memory_space<hbm>> -> memref<1x128x16xf32, #tpu.memory_space<hbm>>
      %dma_wait3A_86 = tpu.memref_squeeze %dma_wait3A_85 : memref<1x128x16xf32, #tpu.memory_space<hbm>> -> memref<128x16xf32, #tpu.memory_space<hbm>>
      tpu.wait_dma2 semaphore(%arg13 : memref<!tpu.dma_semaphore, #tpu.memory_space<semaphore_mem>>) src(%dma_wait3A_86 : memref<128x16xf32, #tpu.memory_space<hbm>>) dst(%arg10 : memref<128x16xf32, #tpu.memory_space<vmem>>)
      %add3A_87 = arith.constant 1 : i32
      %add3A_88 = arith.addi %mul3A_62, %add3A_87 : i32
      "tpu.region"() ({
        %run_scoped3A_98 = tpu.sem_alloc : memref<!tpu.dma_semaphore, #tpu.memory_space<semaphore_mem>>
        %dma_start3A_99 = arith.constant 0 : i32
        %dma_start3A_100 = tpu.memref_slice %arg8[%add3A_88, %dma_start3A_99] : memref<84x128xi32, #tpu.memory_space<vmem>> -> memref<1x128xi32, #tpu.memory_space<vmem>>
        %dma_start3A_101 = tpu.memref_squeeze %dma_start3A_100 : memref<1x128xi32, #tpu.memory_space<vmem>> -> memref<128xi32, #tpu.memory_space<vmem>>
        %dma_start3A_102 = arith.constant 0 : i32
        %dma_start3A_103 = arith.constant 0 : i32
        %dma_start3A_104 = tpu.memref_slice %arg5[%dma_start3A_102, %dma_start3A_103] : memref<10240x16xf32, #tpu.memory_space<vmem_shared>> -> memref<10240x16xf32, #tpu.memory_space<vmem_shared>>
        tpu.enqueue_indirect_dma source(%arg10 : memref<128x16xf32, #tpu.memory_space<vmem>>) target(%dma_start3A_104 : memref<10240x16xf32, #tpu.memory_space<vmem_shared>>) offsets(%dma_start3A_101 : memref<128xi32, #tpu.memory_space<vmem>>) semaphore(%run_scoped3A_98 : memref<!tpu.dma_semaphore, #tpu.memory_space<semaphore_mem>>) {add = true}
        %dma_wait3A_105 = arith.constant 0 : i32
        %dma_wait3A_106 = tpu.memref_slice %arg8[%add3A_88, %dma_wait3A_105] : memref<84x128xi32, #tpu.memory_space<vmem>> -> memref<1x128xi32, #tpu.memory_space<vmem>>
        %dma_wait3A_107 = tpu.memref_squeeze %dma_wait3A_106 : memref<1x128xi32, #tpu.memory_space<vmem>> -> memref<128xi32, #tpu.memory_space<vmem>>
        %dma_wait3A_108 = arith.constant 0 : i32
        %dma_wait3A_109 = arith.constant 0 : i32
        %dma_wait3A_110 = tpu.memref_slice %arg5[%dma_wait3A_108, %dma_wait3A_109] : memref<10240x16xf32, #tpu.memory_space<vmem_shared>> -> memref<10240x16xf32, #tpu.memory_space<vmem_shared>>
        tpu.wait_indirect_dma semaphore(%run_scoped3A_98 : memref<!tpu.dma_semaphore, #tpu.memory_space<semaphore_mem>>) src(%arg10 : memref<128x16xf32, #tpu.memory_space<vmem>>) dst(%dma_wait3A_110 : memref<10240x16xf32, #tpu.memory_space<vmem_shared>>)
        tpu.yield
      }) : () -> ()
      %add3A_89 = arith.constant 3 : i32
      %add3A_90 = arith.addi %mul3A_62, %add3A_89 : i32
      %dma_start3A_91 = arith.constant 0 : i32
      %dma_start3A_92 = tpu.memref_slice %arg7[%add3A_90, %dma_start3A_91] : memref<84x128xi32, #tpu.memory_space<vmem>> -> memref<1x128xi32, #tpu.memory_space<vmem>>
      %dma_start3A_93 = tpu.memref_squeeze %dma_start3A_92 : memref<1x128xi32, #tpu.memory_space<vmem>> -> memref<128xi32, #tpu.memory_space<vmem>>
      %dma_start3A_94 = arith.constant 0 : i32
      %dma_start3A_95 = arith.constant 0 : i32
      %dma_start3A_96 = tpu.memref_slice %arg6[%dma_start3A_94, %dma_start3A_95] : memref<10240x16xf32, #tpu.memory_space<vmem_shared>> -> memref<10240x16xf32, #tpu.memory_space<vmem_shared>>
      tpu.enqueue_indirect_dma source(%dma_start3A_96 : memref<10240x16xf32, #tpu.memory_space<vmem_shared>>) target(%arg10 : memref<128x16xf32, #tpu.memory_space<vmem>>) offsets(%dma_start3A_93 : memref<128xi32, #tpu.memory_space<vmem>>) semaphore(%arg13 : memref<!tpu.dma_semaphore, #tpu.memory_space<semaphore_mem>>)
      %scan3A_97 = arith.constant 0 : i32
      scf.yield %scan3A_97 : i32
    }
    %scan3A_36 = arith.constant 40 : i32
    %dma_wait3A = arith.constant 1 : i32
    %dma_wait3A_37 = arith.constant 0 : i32
    %dma_wait3A_38 = arith.constant 0 : i32
    %dma_wait3A_39 = tpu.memref_slice %arg3[%dma_wait3A, %dma_wait3A_37, %dma_wait3A_38] : memref<2x10240x16xf32, #tpu.memory_space<hbm>> -> memref<1x128x16xf32, #tpu.memory_space<hbm>>
    %dma_wait3A_40 = tpu.memref_squeeze %dma_wait3A_39 : memref<1x128x16xf32, #tpu.memory_space<hbm>> -> memref<128x16xf32, #tpu.memory_space<hbm>>
    %dma_wait3A_41 = arith.constant 0 : i32
    %dma_wait3A_42 = arith.constant 0 : i32
    %dma_wait3A_43 = tpu.memref_slice %arg3[%dma_wait3A, %dma_wait3A_41, %dma_wait3A_42] : memref<2x10240x16xf32, #tpu.memory_space<hbm>> -> memref<1x128x16xf32, #tpu.memory_space<hbm>>
    %dma_wait3A_44 = tpu.memref_squeeze %dma_wait3A_43 : memref<1x128x16xf32, #tpu.memory_space<hbm>> -> memref<128x16xf32, #tpu.memory_space<hbm>>
    tpu.wait_dma2 semaphore(%arg12 : memref<!tpu.dma_semaphore, #tpu.memory_space<semaphore_mem>>) src(%dma_wait3A_44 : memref<128x16xf32, #tpu.memory_space<hbm>>) dst(%arg9 : memref<128x16xf32, #tpu.memory_space<vmem>>)
    %dma_wait3A_45 = arith.constant 1 : i32
    %dma_wait3A_46 = arith.constant 0 : i32
    %dma_wait3A_47 = arith.constant 0 : i32
    %dma_wait3A_48 = tpu.memref_slice %arg3[%dma_wait3A_45, %dma_wait3A_46, %dma_wait3A_47] : memref<2x10240x16xf32, #tpu.memory_space<hbm>> -> memref<1x128x16xf32, #tpu.memory_space<hbm>>
    %dma_wait3A_49 = tpu.memref_squeeze %dma_wait3A_48 : memref<1x128x16xf32, #tpu.memory_space<hbm>> -> memref<128x16xf32, #tpu.memory_space<hbm>>
    %dma_wait3A_50 = arith.constant 0 : i32
    %dma_wait3A_51 = arith.constant 0 : i32
    %dma_wait3A_52 = tpu.memref_slice %arg3[%dma_wait3A_45, %dma_wait3A_50, %dma_wait3A_51] : memref<2x10240x16xf32, #tpu.memory_space<hbm>> -> memref<1x128x16xf32, #tpu.memory_space<hbm>>
    %dma_wait3A_53 = tpu.memref_squeeze %dma_wait3A_52 : memref<1x128x16xf32, #tpu.memory_space<hbm>> -> memref<128x16xf32, #tpu.memory_space<hbm>>
    tpu.wait_dma2 semaphore(%arg13 : memref<!tpu.dma_semaphore, #tpu.memory_space<semaphore_mem>>) src(%dma_wait3A_53 : memref<128x16xf32, #tpu.memory_space<hbm>>) dst(%arg10 : memref<128x16xf32, #tpu.memory_space<vmem>>)
    %barrier3A_54 = arith.constant 0 : index
    tpu.barrier barrier_id(%barrier3A_54)
    %mul3A_55 = arith.constant 640 : i32
    %mul3A_56 = arith.muli %arg1, %mul3A_55 : i32
    %mul3A_57 = arith.constant 640 : i32
    %mul3A_58 = arith.muli %arg1, %mul3A_57 : i32
    "tpu.region"() ({
      %run_scoped3A_59 = tpu.sem_alloc : memref<!tpu.dma_semaphore, #tpu.memory_space<semaphore_mem>>
      %dma_start3A_60 = arith.constant 0 : i32
      %dma_start3A_61 = tpu.memref_slice %arg4[%arg0, %mul3A_58, %dma_start3A_60] : memref<2x10240x16xf32, #tpu.memory_space<hbm>> -> memref<1x640x16xf32, #tpu.memory_space<hbm>>
      %dma_start3A_62 = tpu.memref_squeeze %dma_start3A_61 : memref<1x640x16xf32, #tpu.memory_space<hbm>> -> memref<640x16xf32, #tpu.memory_space<hbm>>
      %dma_start3A_63 = arith.constant 0 : i32
      %dma_start3A_64 = tpu.memref_slice %arg5[%mul3A_56, %dma_start3A_63] : memref<10240x16xf32, #tpu.memory_space<vmem_shared>> -> memref<640x16xf32, #tpu.memory_space<vmem_shared>>
      tpu.enqueue_dma source(%dma_start3A_64 : memref<640x16xf32, #tpu.memory_space<vmem_shared>>) target(%dma_start3A_62 : memref<640x16xf32, #tpu.memory_space<hbm>>) target_semaphore(%run_scoped3A_59 : memref<!tpu.dma_semaphore, #tpu.memory_space<semaphore_mem>>)
      %dma_wait3A_65 = arith.constant 0 : i32
      %dma_wait3A_66 = tpu.memref_slice %arg4[%arg0, %mul3A_58, %dma_wait3A_65] : memref<2x10240x16xf32, #tpu.memory_space<hbm>> -> memref<1x640x16xf32, #tpu.memory_space<hbm>>
      %dma_wait3A_67 = tpu.memref_squeeze %dma_wait3A_66 : memref<1x640x16xf32, #tpu.memory_space<hbm>> -> memref<640x16xf32, #tpu.memory_space<hbm>>
      %dma_wait3A_68 = arith.constant 0 : i32
      %dma_wait3A_69 = tpu.memref_slice %arg5[%mul3A_56, %dma_wait3A_68] : memref<10240x16xf32, #tpu.memory_space<vmem_shared>> -> memref<640x16xf32, #tpu.memory_space<vmem_shared>>
      tpu.wait_dma2 semaphore(%run_scoped3A_59 : memref<!tpu.dma_semaphore, #tpu.memory_space<semaphore_mem>>) src(%dma_wait3A_69 : memref<640x16xf32, #tpu.memory_space<vmem_shared>>) dst(%dma_wait3A_67 : memref<640x16xf32, #tpu.memory_space<hbm>>)
      tpu.yield
    }) : () -> ()
    return
  }
}

#map = affine_map<(d0, d1) -> (0, 0, 0, 0)>
#map1 = affine_map<(d0, d1) -> (0, 0, 0)>
module attributes {stable_mosaic.version = 14 : i64} {
  func.func @gcn_msgpass_l2su_sc(%arg0: i32, %arg1: i32, %arg2: memref<4x32x84x128xi32, #tpu.memory_space<hbm>>, %arg3: memref<2x10240x16xf32, #tpu.memory_space<hbm>>, %arg4: memref<2x10240x16xf32, #tpu.memory_space<hbm>>, %arg5: memref<10240x16xf32, #tpu.memory_space<vmem_shared>>, %arg6: memref<10240x16xf32, #tpu.memory_space<vmem_shared>>, %arg7: memref<84x128xi32, #tpu.memory_space<vmem>>, %arg8: memref<84x128xi32, #tpu.memory_space<vmem>>, %arg9: memref<128x16xf32, #tpu.memory_space<vmem>>, %arg10: memref<128x16xf32, #tpu.memory_space<vmem>>, %arg11: memref<640x16xf32, #tpu.memory_space<vmem>>, %arg12: memref<!tpu.dma_semaphore, #tpu.memory_space<semaphore_mem>>, %arg13: memref<!tpu.dma_semaphore, #tpu.memory_space<semaphore_mem>>) attributes {dimension_semantics = [#tpu.dimension_semantics<core_parallel>, #tpu.dimension_semantics<subcore_parallel>], iteration_bounds = array<i64: 2, 16>, scalar_prefetch = 0 : i64, scratch_operands = 9 : i64, tpu.core_type = #tpu.core_type<sc_vector_subcore>, window_params = [{transform_indices = #map}, {transform_indices = #map1}, {transform_indices = #map1}]} {
    %mul3A = arith.constant 16 : i32
    %mul3A_0 = arith.muli %arg0, %mul3A : i32
    %add3A = arith.addi %mul3A_0, %arg1 : i32
    %broadcast_in_dim3A = arith.constant 0.000000e+00 : f32
    %broadcast_in_dim3A_1 = vector.broadcast %broadcast_in_dim3A : f32 to vector<16xf32>
    %scan3A = arith.constant 0 : i32
    %scan3A_2 = arith.constant 0 : i32
    %scan3A_3 = arith.constant 640 : i32
    %scan3A_4 = arith.addi %scan3A_2, %scan3A_3 : i32
    %scan3A_5 = arith.constant 1 : i32
    %scan3A_6 = scf.for %scan3A_59 = %scan3A_2 to %scan3A_4 step %scan3A_5 iter_args(%scan3A_60 = %scan3A) -> (i32)  : i32 {
      %swap3A = arith.index_cast %scan3A_59 : i32 to index
      %swap3A_61 = arith.constant 0 : index
      %swap3A_62 = tpu.vector_load %arg11[%swap3A, %swap3A_61] {strides = array<i32>} : memref<640x16xf32, #tpu.memory_space<vmem>>, vector<1x16xf32>,
      %swap3A_63 = vector.shape_cast %swap3A_62 : vector<1x16xf32> to vector<16xf32>
      %swap3A_64 = vector.shape_cast %broadcast_in_dim3A_1 : vector<16xf32> to vector<1x16xf32>
      tpu.vector_store %arg11[%swap3A, %swap3A_61], %swap3A_64 {strides = array<i32>} : memref<640x16xf32, #tpu.memory_space<vmem>>, vector<1x16xf32>,
      %scan3A_65 = arith.constant 0 : i32
      scf.yield %scan3A_65 : i32
    }
    %scan3A_7 = arith.constant 640 : i32
    %mul3A_8 = arith.constant 640 : i32
    %mul3A_9 = arith.muli %arg1, %mul3A_8 : i32
    %mul3A_10 = arith.constant 640 : i32
    %mul3A_11 = arith.muli %arg1, %mul3A_10 : i32
    %run_scoped3A = arith.constant 0 : i32
    "tpu.region"() ({
      %run_scoped3A_59 = tpu.sem_alloc : memref<!tpu.dma_semaphore, #tpu.memory_space<semaphore_mem>>
      %dma_start3A_60 = arith.constant 0 : i32
      %dma_start3A_61 = tpu.memref_slice %arg6[%mul3A_11, %dma_start3A_60] : memref<10240x16xf32, #tpu.memory_space<vmem_shared>> -> memref<640x16xf32, #tpu.memory_space<vmem_shared>>
      %dma_start3A_62 = arith.constant 0 : i32
      %dma_start3A_63 = tpu.memref_slice %arg3[%run_scoped3A, %mul3A_9, %dma_start3A_62] : memref<2x10240x16xf32, #tpu.memory_space<hbm>> -> memref<1x640x16xf32, #tpu.memory_space<hbm>>
      %dma_start3A_64 = tpu.memref_squeeze %dma_start3A_63 : memref<1x640x16xf32, #tpu.memory_space<hbm>> -> memref<640x16xf32, #tpu.memory_space<hbm>>
      tpu.enqueue_dma source(%dma_start3A_64 : memref<640x16xf32, #tpu.memory_space<hbm>>) target(%dma_start3A_61 : memref<640x16xf32, #tpu.memory_space<vmem_shared>>) target_semaphore(%run_scoped3A_59 : memref<!tpu.dma_semaphore, #tpu.memory_space<semaphore_mem>>)
      %dma_wait3A_65 = arith.constant 0 : i32
      %dma_wait3A_66 = tpu.memref_slice %arg6[%mul3A_11, %dma_wait3A_65] : memref<10240x16xf32, #tpu.memory_space<vmem_shared>> -> memref<640x16xf32, #tpu.memory_space<vmem_shared>>
      %dma_wait3A_67 = arith.constant 0 : i32
      %dma_wait3A_68 = tpu.memref_slice %arg3[%run_scoped3A, %mul3A_9, %dma_wait3A_67] : memref<2x10240x16xf32, #tpu.memory_space<hbm>> -> memref<1x640x16xf32, #tpu.memory_space<hbm>>
      %dma_wait3A_69 = tpu.memref_squeeze %dma_wait3A_68 : memref<1x640x16xf32, #tpu.memory_space<hbm>> -> memref<640x16xf32, #tpu.memory_space<hbm>>
      tpu.wait_dma2 semaphore(%run_scoped3A_59 : memref<!tpu.dma_semaphore, #tpu.memory_space<semaphore_mem>>) src(%dma_wait3A_69 : memref<640x16xf32, #tpu.memory_space<hbm>>) dst(%dma_wait3A_66 : memref<640x16xf32, #tpu.memory_space<vmem_shared>>)
      tpu.yield
    }) : () -> ()
    %mul3A_12 = arith.constant 640 : i32
    %mul3A_13 = arith.muli %arg1, %mul3A_12 : i32
    "tpu.region"() ({
      %run_scoped3A_59 = tpu.sem_alloc : memref<!tpu.dma_semaphore, #tpu.memory_space<semaphore_mem>>
      %dma_start3A_60 = arith.constant 0 : i32
      %dma_start3A_61 = tpu.memref_slice %arg5[%mul3A_13, %dma_start3A_60] : memref<10240x16xf32, #tpu.memory_space<vmem_shared>> -> memref<640x16xf32, #tpu.memory_space<vmem_shared>>
      %dma_start3A_62 = arith.constant 0 : i32
      %dma_start3A_63 = tpu.memref_slice %arg5[%mul3A_13, %dma_start3A_62] : memref<10240x16xf32, #tpu.memory_space<vmem_shared>> -> memref<640x16xf32, #tpu.memory_space<vmem_shared>>
      tpu.enqueue_dma source(%arg11 : memref<640x16xf32, #tpu.memory_space<vmem>>) target(%dma_start3A_63 : memref<640x16xf32, #tpu.memory_space<vmem_shared>>) target_semaphore(%run_scoped3A_59 : memref<!tpu.dma_semaphore, #tpu.memory_space<semaphore_mem>>)
      %dma_wait3A_64 = arith.constant 0 : i32
      %dma_wait3A_65 = tpu.memref_slice %arg5[%mul3A_13, %dma_wait3A_64] : memref<10240x16xf32, #tpu.memory_space<vmem_shared>> -> memref<640x16xf32, #tpu.memory_space<vmem_shared>>
      %dma_wait3A_66 = arith.constant 0 : i32
      %dma_wait3A_67 = tpu.memref_slice %arg5[%mul3A_13, %dma_wait3A_66] : memref<10240x16xf32, #tpu.memory_space<vmem_shared>> -> memref<640x16xf32, #tpu.memory_space<vmem_shared>>
      tpu.wait_dma2 semaphore(%run_scoped3A_59 : memref<!tpu.dma_semaphore, #tpu.memory_space<semaphore_mem>>) src(%arg11 : memref<640x16xf32, #tpu.memory_space<vmem>>) dst(%dma_wait3A_67 : memref<640x16xf32, #tpu.memory_space<vmem_shared>>)
      tpu.yield
    }) : () -> ()
    %run_scoped3A_14 = arith.constant 0 : i32
    "tpu.region"() ({
      %run_scoped3A_59 = tpu.sem_alloc : memref<!tpu.dma_semaphore, #tpu.memory_space<semaphore_mem>>
      %dma_start3A_60 = arith.constant 0 : i32
      %dma_start3A_61 = arith.constant 0 : i32
      %dma_start3A_62 = tpu.memref_slice %arg2[%run_scoped3A_14, %add3A, %dma_start3A_60, %dma_start3A_61] : memref<4x32x84x128xi32, #tpu.memory_space<hbm>> -> memref<1x1x84x128xi32, #tpu.memory_space<hbm>>
      %dma_start3A_63 = tpu.memref_squeeze %dma_start3A_62 : memref<1x1x84x128xi32, #tpu.memory_space<hbm>> -> memref<84x128xi32, #tpu.memory_space<hbm>>
      %dma_start3A_64 = arith.constant 0 : i32
      %dma_start3A_65 = arith.constant 0 : i32
      %dma_start3A_66 = tpu.memref_slice %arg2[%run_scoped3A_14, %add3A, %dma_start3A_64, %dma_start3A_65] : memref<4x32x84x128xi32, #tpu.memory_space<hbm>> -> memref<1x1x84x128xi32, #tpu.memory_space<hbm>>
      %dma_start3A_67 = tpu.memref_squeeze %dma_start3A_66 : memref<1x1x84x128xi32, #tpu.memory_space<hbm>> -> memref<84x128xi32, #tpu.memory_space<hbm>>
      tpu.enqueue_dma source(%dma_start3A_67 : memref<84x128xi32, #tpu.memory_space<hbm>>) target(%arg7 : memref<84x128xi32, #tpu.memory_space<vmem>>) target_semaphore(%run_scoped3A_59 : memref<!tpu.dma_semaphore, #tpu.memory_space<semaphore_mem>>)
      %dma_wait3A_68 = arith.constant 0 : i32
      %dma_wait3A_69 = arith.constant 0 : i32
      %dma_wait3A_70 = tpu.memref_slice %arg2[%run_scoped3A_14, %add3A, %dma_wait3A_68, %dma_wait3A_69] : memref<4x32x84x128xi32, #tpu.memory_space<hbm>> -> memref<1x1x84x128xi32, #tpu.memory_space<hbm>>
      %dma_wait3A_71 = tpu.memref_squeeze %dma_wait3A_70 : memref<1x1x84x128xi32, #tpu.memory_space<hbm>> -> memref<84x128xi32, #tpu.memory_space<hbm>>
      %dma_wait3A_72 = arith.constant 0 : i32
      %dma_wait3A_73 = arith.constant 0 : i32
      %dma_wait3A_74 = tpu.memref_slice %arg2[%run_scoped3A_14, %add3A, %dma_wait3A_72, %dma_wait3A_73] : memref<4x32x84x128xi32, #tpu.memory_space<hbm>> -> memref<1x1x84x128xi32, #tpu.memory_space<hbm>>
      %dma_wait3A_75 = tpu.memref_squeeze %dma_wait3A_74 : memref<1x1x84x128xi32, #tpu.memory_space<hbm>> -> memref<84x128xi32, #tpu.memory_space<hbm>>
      tpu.wait_dma2 semaphore(%run_scoped3A_59 : memref<!tpu.dma_semaphore, #tpu.memory_space<semaphore_mem>>) src(%dma_wait3A_75 : memref<84x128xi32, #tpu.memory_space<hbm>>) dst(%arg7 : memref<84x128xi32, #tpu.memory_space<vmem>>)
      tpu.yield
    }) : () -> ()
    %run_scoped3A_15 = arith.constant 1 : i32
    "tpu.region"() ({
      %run_scoped3A_59 = tpu.sem_alloc : memref<!tpu.dma_semaphore, #tpu.memory_space<semaphore_mem>>
      %dma_start3A_60 = arith.constant 0 : i32
      %dma_start3A_61 = arith.constant 0 : i32
      %dma_start3A_62 = tpu.memref_slice %arg2[%run_scoped3A_15, %add3A, %dma_start3A_60, %dma_start3A_61] : memref<4x32x84x128xi32, #tpu.memory_space<hbm>> -> memref<1x1x84x128xi32, #tpu.memory_space<hbm>>
      %dma_start3A_63 = tpu.memref_squeeze %dma_start3A_62 : memref<1x1x84x128xi32, #tpu.memory_space<hbm>> -> memref<84x128xi32, #tpu.memory_space<hbm>>
      %dma_start3A_64 = arith.constant 0 : i32
      %dma_start3A_65 = arith.constant 0 : i32
      %dma_start3A_66 = tpu.memref_slice %arg2[%run_scoped3A_15, %add3A, %dma_start3A_64, %dma_start3A_65] : memref<4x32x84x128xi32, #tpu.memory_space<hbm>> -> memref<1x1x84x128xi32, #tpu.memory_space<hbm>>
      %dma_start3A_67 = tpu.memref_squeeze %dma_start3A_66 : memref<1x1x84x128xi32, #tpu.memory_space<hbm>> -> memref<84x128xi32, #tpu.memory_space<hbm>>
      tpu.enqueue_dma source(%dma_start3A_67 : memref<84x128xi32, #tpu.memory_space<hbm>>) target(%arg8 : memref<84x128xi32, #tpu.memory_space<vmem>>) target_semaphore(%run_scoped3A_59 : memref<!tpu.dma_semaphore, #tpu.memory_space<semaphore_mem>>)
      %dma_wait3A_68 = arith.constant 0 : i32
      %dma_wait3A_69 = arith.constant 0 : i32
      %dma_wait3A_70 = tpu.memref_slice %arg2[%run_scoped3A_15, %add3A, %dma_wait3A_68, %dma_wait3A_69] : memref<4x32x84x128xi32, #tpu.memory_space<hbm>> -> memref<1x1x84x128xi32, #tpu.memory_space<hbm>>
      %dma_wait3A_71 = tpu.memref_squeeze %dma_wait3A_70 : memref<1x1x84x128xi32, #tpu.memory_space<hbm>> -> memref<84x128xi32, #tpu.memory_space<hbm>>
      %dma_wait3A_72 = arith.constant 0 : i32
      %dma_wait3A_73 = arith.constant 0 : i32
      %dma_wait3A_74 = tpu.memref_slice %arg2[%run_scoped3A_15, %add3A, %dma_wait3A_72, %dma_wait3A_73] : memref<4x32x84x128xi32, #tpu.memory_space<hbm>> -> memref<1x1x84x128xi32, #tpu.memory_space<hbm>>
      %dma_wait3A_75 = tpu.memref_squeeze %dma_wait3A_74 : memref<1x1x84x128xi32, #tpu.memory_space<hbm>> -> memref<84x128xi32, #tpu.memory_space<hbm>>
      tpu.wait_dma2 semaphore(%run_scoped3A_59 : memref<!tpu.dma_semaphore, #tpu.memory_space<semaphore_mem>>) src(%dma_wait3A_75 : memref<84x128xi32, #tpu.memory_space<hbm>>) dst(%arg8 : memref<84x128xi32, #tpu.memory_space<vmem>>)
      tpu.yield
    }) : () -> ()
    %barrier3A = arith.constant 0 : index
    tpu.barrier barrier_id(%barrier3A)
    %dma_start3A = arith.constant 0 : i32
    %dma_start3A_16 = arith.constant 0 : i32
    %dma_start3A_17 = tpu.memref_slice %arg7[%dma_start3A, %dma_start3A_16] : memref<84x128xi32, #tpu.memory_space<vmem>> -> memref<1x128xi32, #tpu.memory_space<vmem>>
    %dma_start3A_18 = tpu.memref_squeeze %dma_start3A_17 : memref<1x128xi32, #tpu.memory_space<vmem>> -> memref<128xi32, #tpu.memory_space<vmem>>
    %dma_start3A_19 = arith.constant 0 : i32
    %dma_start3A_20 = arith.constant 0 : i32
    %dma_start3A_21 = tpu.memref_slice %arg6[%dma_start3A_19, %dma_start3A_20] : memref<10240x16xf32, #tpu.memory_space<vmem_shared>> -> memref<10240x16xf32, #tpu.memory_space<vmem_shared>>
    tpu.enqueue_indirect_dma source(%dma_start3A_21 : memref<10240x16xf32, #tpu.memory_space<vmem_shared>>) target(%arg9 : memref<128x16xf32, #tpu.memory_space<vmem>>) offsets(%dma_start3A_18 : memref<128xi32, #tpu.memory_space<vmem>>) semaphore(%arg12 : memref<!tpu.dma_semaphore, #tpu.memory_space<semaphore_mem>>)
    %dma_start3A_22 = arith.constant 1 : i32
    %dma_start3A_23 = arith.constant 0 : i32
    %dma_start3A_24 = tpu.memref_slice %arg7[%dma_start3A_22, %dma_start3A_23] : memref<84x128xi32, #tpu.memory_space<vmem>> -> memref<1x128xi32, #tpu.memory_space<vmem>>
    %dma_start3A_25 = tpu.memref_squeeze %dma_start3A_24 : memref<1x128xi32, #tpu.memory_space<vmem>> -> memref<128xi32, #tpu.memory_space<vmem>>
    %dma_start3A_26 = arith.constant 0 : i32
    %dma_start3A_27 = arith.constant 0 : i32
    %dma_start3A_28 = tpu.memref_slice %arg6[%dma_start3A_26, %dma_start3A_27] : memref<10240x16xf32, #tpu.memory_space<vmem_shared>> -> memref<10240x16xf32, #tpu.memory_space<vmem_shared>>
    tpu.enqueue_indirect_dma source(%dma_start3A_28 : memref<10240x16xf32, #tpu.memory_space<vmem_shared>>) target(%arg10 : memref<128x16xf32, #tpu.memory_space<vmem>>) offsets(%dma_start3A_25 : memref<128xi32, #tpu.memory_space<vmem>>) semaphore(%arg13 : memref<!tpu.dma_semaphore, #tpu.memory_space<semaphore_mem>>)
    %scan3A_29 = arith.constant 0 : i32
    %scan3A_30 = arith.constant 0 : i32
    %scan3A_31 = arith.constant 0 : i32
    %scan3A_32 = arith.constant 40 : i32
    %scan3A_33 = arith.addi %scan3A_31, %scan3A_32 : i32
    %scan3A_34 = arith.constant 1 : i32
    %scan3A_35 = scf.for %scan3A_59 = %scan3A_31 to %scan3A_33 step %scan3A_34 iter_args(%scan3A_60 = %scan3A_30) -> (i32)  : i32 {
      %mul3A_61 = arith.constant 2 : i32
      %mul3A_62 = arith.muli %mul3A_61, %scan3A_59 : i32
      %dma_wait3A_63 = arith.constant 0 : i32
      %dma_wait3A_64 = arith.constant 0 : i32
      %dma_wait3A_65 = tpu.memref_slice %arg3[%scan3A_29, %dma_wait3A_63, %dma_wait3A_64] : memref<2x10240x16xf32, #tpu.memory_space<hbm>> -> memref<1x128x16xf32, #tpu.memory_space<hbm>>
      %dma_wait3A_66 = tpu.memref_squeeze %dma_wait3A_65 : memref<1x128x16xf32, #tpu.memory_space<hbm>> -> memref<128x16xf32, #tpu.memory_space<hbm>>
      %dma_wait3A_67 = arith.constant 0 : i32
      %dma_wait3A_68 = arith.constant 0 : i32
      %dma_wait3A_69 = tpu.memref_slice %arg3[%scan3A_29, %dma_wait3A_67, %dma_wait3A_68] : memref<2x10240x16xf32, #tpu.memory_space<hbm>> -> memref<1x128x16xf32, #tpu.memory_space<hbm>>
      %dma_wait3A_70 = tpu.memref_squeeze %dma_wait3A_69 : memref<1x128x16xf32, #tpu.memory_space<hbm>> -> memref<128x16xf32, #tpu.memory_space<hbm>>
      tpu.wait_dma2 semaphore(%arg12 : memref<!tpu.dma_semaphore, #tpu.memory_space<semaphore_mem>>) src(%dma_wait3A_70 : memref<128x16xf32, #tpu.memory_space<hbm>>) dst(%arg9 : memref<128x16xf32, #tpu.memory_space<vmem>>)
      "tpu.region"() ({
        %run_scoped3A_98 = tpu.sem_alloc : memref<!tpu.dma_semaphore, #tpu.memory_space<semaphore_mem>>
        %dma_start3A_99 = arith.constant 0 : i32
        %dma_start3A_100 = tpu.memref_slice %arg8[%mul3A_62, %dma_start3A_99] : memref<84x128xi32, #tpu.memory_space<vmem>> -> memref<1x128xi32, #tpu.memory_space<vmem>>
        %dma_start3A_101 = tpu.memref_squeeze %dma_start3A_100 : memref<1x128xi32, #tpu.memory_space<vmem>> -> memref<128xi32, #tpu.memory_space<vmem>>
        %dma_start3A_102 = arith.constant 0 : i32
        %dma_start3A_103 = arith.constant 0 : i32
        %dma_start3A_104 = tpu.memref_slice %arg5[%dma_start3A_102, %dma_start3A_103] : memref<10240x16xf32, #tpu.memory_space<vmem_shared>> -> memref<10240x16xf32, #tpu.memory_space<vmem_shared>>
        tpu.enqueue_indirect_dma source(%arg9 : memref<128x16xf32, #tpu.memory_space<vmem>>) target(%dma_start3A_104 : memref<10240x16xf32, #tpu.memory_space<vmem_shared>>) offsets(%dma_start3A_101 : memref<128xi32, #tpu.memory_space<vmem>>) semaphore(%run_scoped3A_98 : memref<!tpu.dma_semaphore, #tpu.memory_space<semaphore_mem>>) {add = true}
        %dma_wait3A_105 = arith.constant 0 : i32
        %dma_wait3A_106 = tpu.memref_slice %arg8[%mul3A_62, %dma_wait3A_105] : memref<84x128xi32, #tpu.memory_space<vmem>> -> memref<1x128xi32, #tpu.memory_space<vmem>>
        %dma_wait3A_107 = tpu.memref_squeeze %dma_wait3A_106 : memref<1x128xi32, #tpu.memory_space<vmem>> -> memref<128xi32, #tpu.memory_space<vmem>>
        %dma_wait3A_108 = arith.constant 0 : i32
        %dma_wait3A_109 = arith.constant 0 : i32
        %dma_wait3A_110 = tpu.memref_slice %arg5[%dma_wait3A_108, %dma_wait3A_109] : memref<10240x16xf32, #tpu.memory_space<vmem_shared>> -> memref<10240x16xf32, #tpu.memory_space<vmem_shared>>
        tpu.wait_indirect_dma semaphore(%run_scoped3A_98 : memref<!tpu.dma_semaphore, #tpu.memory_space<semaphore_mem>>) src(%arg9 : memref<128x16xf32, #tpu.memory_space<vmem>>) dst(%dma_wait3A_110 : memref<10240x16xf32, #tpu.memory_space<vmem_shared>>)
        tpu.yield
      }) : () -> ()
      %add3A_71 = arith.constant 2 : i32
      %add3A_72 = arith.addi %mul3A_62, %add3A_71 : i32
      %dma_start3A_73 = arith.constant 0 : i32
      %dma_start3A_74 = tpu.memref_slice %arg7[%add3A_72, %dma_start3A_73] : memref<84x128xi32, #tpu.memory_space<vmem>> -> memref<1x128xi32, #tpu.memory_space<vmem>>
      %dma_start3A_75 = tpu.memref_squeeze %dma_start3A_74 : memref<1x128xi32, #tpu.memory_space<vmem>> -> memref<128xi32, #tpu.memory_space<vmem>>
      %dma_start3A_76 = arith.constant 0 : i32
      %dma_start3A_77 = arith.constant 0 : i32
      %dma_start3A_78 = tpu.memref_slice %arg6[%dma_start3A_76, %dma_start3A_77] : memref<10240x16xf32, #tpu.memory_space<vmem_shared>> -> memref<10240x16xf32, #tpu.memory_space<vmem_shared>>
      tpu.enqueue_indirect_dma source(%dma_start3A_78 : memref<10240x16xf32, #tpu.memory_space<vmem_shared>>) target(%arg9 : memref<128x16xf32, #tpu.memory_space<vmem>>) offsets(%dma_start3A_75 : memref<128xi32, #tpu.memory_space<vmem>>) semaphore(%arg12 : memref<!tpu.dma_semaphore, #tpu.memory_space<semaphore_mem>>)
      %dma_wait3A_79 = arith.constant 0 : i32
      %dma_wait3A_80 = arith.constant 0 : i32
      %dma_wait3A_81 = tpu.memref_slice %arg3[%scan3A_29, %dma_wait3A_79, %dma_wait3A_80] : memref<2x10240x16xf32, #tpu.memory_space<hbm>> -> memref<1x128x16xf32, #tpu.memory_space<hbm>>
      %dma_wait3A_82 = tpu.memref_squeeze %dma_wait3A_81 : memref<1x128x16xf32, #tpu.memory_space<hbm>> -> memref<128x16xf32, #tpu.memory_space<hbm>>
      %dma_wait3A_83 = arith.constant 0 : i32
      %dma_wait3A_84 = arith.constant 0 : i32
      %dma_wait3A_85 = tpu.memref_slice %arg3[%scan3A_29, %dma_wait3A_83, %dma_wait3A_84] : memref<2x10240x16xf32, #tpu.memory_space<hbm>> -> memref<1x128x16xf32, #tpu.memory_space<hbm>>
      %dma_wait3A_86 = tpu.memref_squeeze %dma_wait3A_85 : memref<1x128x16xf32, #tpu.memory_space<hbm>> -> memref<128x16xf32, #tpu.memory_space<hbm>>
      tpu.wait_dma2 semaphore(%arg13 : memref<!tpu.dma_semaphore, #tpu.memory_space<semaphore_mem>>) src(%dma_wait3A_86 : memref<128x16xf32, #tpu.memory_space<hbm>>) dst(%arg10 : memref<128x16xf32, #tpu.memory_space<vmem>>)
      %add3A_87 = arith.constant 1 : i32
      %add3A_88 = arith.addi %mul3A_62, %add3A_87 : i32
      "tpu.region"() ({
        %run_scoped3A_98 = tpu.sem_alloc : memref<!tpu.dma_semaphore, #tpu.memory_space<semaphore_mem>>
        %dma_start3A_99 = arith.constant 0 : i32
        %dma_start3A_100 = tpu.memref_slice %arg8[%add3A_88, %dma_start3A_99] : memref<84x128xi32, #tpu.memory_space<vmem>> -> memref<1x128xi32, #tpu.memory_space<vmem>>
        %dma_start3A_101 = tpu.memref_squeeze %dma_start3A_100 : memref<1x128xi32, #tpu.memory_space<vmem>> -> memref<128xi32, #tpu.memory_space<vmem>>
        %dma_start3A_102 = arith.constant 0 : i32
        %dma_start3A_103 = arith.constant 0 : i32
        %dma_start3A_104 = tpu.memref_slice %arg5[%dma_start3A_102, %dma_start3A_103] : memref<10240x16xf32, #tpu.memory_space<vmem_shared>> -> memref<10240x16xf32, #tpu.memory_space<vmem_shared>>
        tpu.enqueue_indirect_dma source(%arg10 : memref<128x16xf32, #tpu.memory_space<vmem>>) target(%dma_start3A_104 : memref<10240x16xf32, #tpu.memory_space<vmem_shared>>) offsets(%dma_start3A_101 : memref<128xi32, #tpu.memory_space<vmem>>) semaphore(%run_scoped3A_98 : memref<!tpu.dma_semaphore, #tpu.memory_space<semaphore_mem>>) {add = true}
        %dma_wait3A_105 = arith.constant 0 : i32
        %dma_wait3A_106 = tpu.memref_slice %arg8[%add3A_88, %dma_wait3A_105] : memref<84x128xi32, #tpu.memory_space<vmem>> -> memref<1x128xi32, #tpu.memory_space<vmem>>
        %dma_wait3A_107 = tpu.memref_squeeze %dma_wait3A_106 : memref<1x128xi32, #tpu.memory_space<vmem>> -> memref<128xi32, #tpu.memory_space<vmem>>
        %dma_wait3A_108 = arith.constant 0 : i32
        %dma_wait3A_109 = arith.constant 0 : i32
        %dma_wait3A_110 = tpu.memref_slice %arg5[%dma_wait3A_108, %dma_wait3A_109] : memref<10240x16xf32, #tpu.memory_space<vmem_shared>> -> memref<10240x16xf32, #tpu.memory_space<vmem_shared>>
        tpu.wait_indirect_dma semaphore(%run_scoped3A_98 : memref<!tpu.dma_semaphore, #tpu.memory_space<semaphore_mem>>) src(%arg10 : memref<128x16xf32, #tpu.memory_space<vmem>>) dst(%dma_wait3A_110 : memref<10240x16xf32, #tpu.memory_space<vmem_shared>>)
        tpu.yield
      }) : () -> ()
      %add3A_89 = arith.constant 3 : i32
      %add3A_90 = arith.addi %mul3A_62, %add3A_89 : i32
      %dma_start3A_91 = arith.constant 0 : i32
      %dma_start3A_92 = tpu.memref_slice %arg7[%add3A_90, %dma_start3A_91] : memref<84x128xi32, #tpu.memory_space<vmem>> -> memref<1x128xi32, #tpu.memory_space<vmem>>
      %dma_start3A_93 = tpu.memref_squeeze %dma_start3A_92 : memref<1x128xi32, #tpu.memory_space<vmem>> -> memref<128xi32, #tpu.memory_space<vmem>>
      %dma_start3A_94 = arith.constant 0 : i32
      %dma_start3A_95 = arith.constant 0 : i32
      %dma_start3A_96 = tpu.memref_slice %arg6[%dma_start3A_94, %dma_start3A_95] : memref<10240x16xf32, #tpu.memory_space<vmem_shared>> -> memref<10240x16xf32, #tpu.memory_space<vmem_shared>>
      tpu.enqueue_indirect_dma source(%dma_start3A_96 : memref<10240x16xf32, #tpu.memory_space<vmem_shared>>) target(%arg10 : memref<128x16xf32, #tpu.memory_space<vmem>>) offsets(%dma_start3A_93 : memref<128xi32, #tpu.memory_space<vmem>>) semaphore(%arg13 : memref<!tpu.dma_semaphore, #tpu.memory_space<semaphore_mem>>)
      %scan3A_97 = arith.constant 0 : i32
      scf.yield %scan3A_97 : i32
    }
    %scan3A_36 = arith.constant 40 : i32
    %dma_wait3A = arith.constant 0 : i32
    %dma_wait3A_37 = arith.constant 0 : i32
    %dma_wait3A_38 = arith.constant 0 : i32
    %dma_wait3A_39 = tpu.memref_slice %arg3[%dma_wait3A, %dma_wait3A_37, %dma_wait3A_38] : memref<2x10240x16xf32, #tpu.memory_space<hbm>> -> memref<1x128x16xf32, #tpu.memory_space<hbm>>
    %dma_wait3A_40 = tpu.memref_squeeze %dma_wait3A_39 : memref<1x128x16xf32, #tpu.memory_space<hbm>> -> memref<128x16xf32, #tpu.memory_space<hbm>>
    %dma_wait3A_41 = arith.constant 0 : i32
    %dma_wait3A_42 = arith.constant 0 : i32
    %dma_wait3A_43 = tpu.memref_slice %arg3[%dma_wait3A, %dma_wait3A_41, %dma_wait3A_42] : memref<2x10240x16xf32, #tpu.memory_space<hbm>> -> memref<1x128x16xf32, #tpu.memory_space<hbm>>
    %dma_wait3A_44 = tpu.memref_squeeze %dma_wait3A_43 : memref<1x128x16xf32, #tpu.memory_space<hbm>> -> memref<128x16xf32, #tpu.memory_space<hbm>>
    tpu.wait_dma2 semaphore(%arg12 : memref<!tpu.dma_semaphore, #tpu.memory_space<semaphore_mem>>) src(%dma_wait3A_44 : memref<128x16xf32, #tpu.memory_space<hbm>>) dst(%arg9 : memref<128x16xf32, #tpu.memory_space<vmem>>)
    %dma_wait3A_45 = arith.constant 0 : i32
    %dma_wait3A_46 = arith.constant 0 : i32
    %dma_wait3A_47 = arith.constant 0 : i32
    %dma_wait3A_48 = tpu.memref_slice %arg3[%dma_wait3A_45, %dma_wait3A_46, %dma_wait3A_47] : memref<2x10240x16xf32, #tpu.memory_space<hbm>> -> memref<1x128x16xf32, #tpu.memory_space<hbm>>
    %dma_wait3A_49 = tpu.memref_squeeze %dma_wait3A_48 : memref<1x128x16xf32, #tpu.memory_space<hbm>> -> memref<128x16xf32, #tpu.memory_space<hbm>>
    %dma_wait3A_50 = arith.constant 0 : i32
    %dma_wait3A_51 = arith.constant 0 : i32
    %dma_wait3A_52 = tpu.memref_slice %arg3[%dma_wait3A_45, %dma_wait3A_50, %dma_wait3A_51] : memref<2x10240x16xf32, #tpu.memory_space<hbm>> -> memref<1x128x16xf32, #tpu.memory_space<hbm>>
    %dma_wait3A_53 = tpu.memref_squeeze %dma_wait3A_52 : memref<1x128x16xf32, #tpu.memory_space<hbm>> -> memref<128x16xf32, #tpu.memory_space<hbm>>
    tpu.wait_dma2 semaphore(%arg13 : memref<!tpu.dma_semaphore, #tpu.memory_space<semaphore_mem>>) src(%dma_wait3A_53 : memref<128x16xf32, #tpu.memory_space<hbm>>) dst(%arg10 : memref<128x16xf32, #tpu.memory_space<vmem>>)
    %barrier3A_54 = arith.constant 0 : index
    tpu.barrier barrier_id(%barrier3A_54)
    %mul3A_55 = arith.constant 640 : i32
    %mul3A_56 = arith.muli %arg1, %mul3A_55 : i32
    %mul3A_57 = arith.constant 640 : i32
    %mul3A_58 = arith.muli %arg1, %mul3A_57 : i32
    "tpu.region"() ({
      %run_scoped3A_59 = tpu.sem_alloc : memref<!tpu.dma_semaphore, #tpu.memory_space<semaphore_mem>>
      %dma_start3A_60 = arith.constant 0 : i32
      %dma_start3A_61 = tpu.memref_slice %arg4[%arg0, %mul3A_58, %dma_start3A_60] : memref<2x10240x16xf32, #tpu.memory_space<hbm>> -> memref<1x640x16xf32, #tpu.memory_space<hbm>>
      %dma_start3A_62 = tpu.memref_squeeze %dma_start3A_61 : memref<1x640x16xf32, #tpu.memory_space<hbm>> -> memref<640x16xf32, #tpu.memory_space<hbm>>
      %dma_start3A_63 = arith.constant 0 : i32
      %dma_start3A_64 = tpu.memref_slice %arg5[%mul3A_56, %dma_start3A_63] : memref<10240x16xf32, #tpu.memory_space<vmem_shared>> -> memref<640x16xf32, #tpu.memory_space<vmem_shared>>
      tpu.enqueue_dma source(%dma_start3A_64 : memref<640x16xf32, #tpu.memory_space<vmem_shared>>) target(%dma_start3A_62 : memref<640x16xf32, #tpu.memory_space<hbm>>) target_semaphore(%run_scoped3A_59 : memref<!tpu.dma_semaphore, #tpu.memory_space<semaphore_mem>>)
      %dma_wait3A_65 = arith.constant 0 : i32
      %dma_wait3A_66 = tpu.memref_slice %arg4[%arg0, %mul3A_58, %dma_wait3A_65] : memref<2x10240x16xf32, #tpu.memory_space<hbm>> -> memref<1x640x16xf32, #tpu.memory_space<hbm>>
      %dma_wait3A_67 = tpu.memref_squeeze %dma_wait3A_66 : memref<1x640x16xf32, #tpu.memory_space<hbm>> -> memref<640x16xf32, #tpu.memory_space<hbm>>
      %dma_wait3A_68 = arith.constant 0 : i32
      %dma_wait3A_69 = tpu.memref_slice %arg5[%mul3A_56, %dma_wait3A_68] : memref<10240x16xf32, #tpu.memory_space<vmem_shared>> -> memref<640x16xf32, #tpu.memory_space<vmem_shared>>
      tpu.wait_dma2 semaphore(%run_scoped3A_59 : memref<!tpu.dma_semaphore, #tpu.memory_space<semaphore_mem>>) src(%dma_wait3A_69 : memref<640x16xf32, #tpu.memory_space<vmem_shared>>) dst(%dma_wait3A_67 : memref<640x16xf32, #tpu.memory_space<hbm>>)
      tpu.yield
    }) : () -> ()
    return
  }
}

module attributes {stable_mosaic.version = 14 : i64} {
  func.func @gcn_h1_tc(%arg0: memref<10240x128xf32, #tpu.memory_space<vmem>>, %arg1: memref<10240x128xf32, #tpu.memory_space<vmem>>, %arg2: memref<128x32xf32, #tpu.memory_space<vmem>>, %arg3: memref<2x10240x32xf32, #tpu.memory_space<vmem>>) attributes {dimension_semantics = [], scalar_prefetch = 0 : i64, scratch_operands = 0 : i64, tpu.core_type = #tpu.core_type<tc>} {
    %get3A = arith.constant 0 : index
    %get3A_0 = arith.constant 0 : index
    %get3A_1 = vector.load %arg0[%get3A, %get3A_0] : memref<10240x128xf32, #tpu.memory_space<vmem>>, vector<10240x128xf32>
    %get3A_2 = arith.constant 0 : index
    %get3A_3 = arith.constant 0 : index
    %get3A_4 = vector.load %arg2[%get3A_2, %get3A_3] : memref<128x32xf32, #tpu.memory_space<vmem>>, vector<128x32xf32>
    %dot_general3A = arith.constant dense<0.000000e+00> : vector<10240x32xf32>
    %dot_general3A_5 = tpu.matmul %get3A_1, %get3A_4, %dot_general3A {dimension_numbers = #tpu.dot_dimension_numbers<[1], [0], [0], [1], [0, 0, 1, 1], [], []>, transpose_lhs_hint = false} : vector<10240x128xf32>, vector<128x32xf32>, vector<10240x32xf32> -> vector<10240x32xf32>
    %swap3A = arith.constant 0 : index
    %swap3A_6 = arith.constant 0 : index
    %swap3A_7 = arith.constant 0 : index
    %swap3A_8 = vector.load %arg3[%swap3A, %swap3A_6, %swap3A_7] : memref<2x10240x32xf32, #tpu.memory_space<vmem>>, vector<1x10240x32xf32>
    %swap3A_9 = vector.shape_cast %swap3A_8 : vector<1x10240x32xf32> to vector<10240x32xf32>
    %swap3A_10 = vector.shape_cast %dot_general3A_5 : vector<10240x32xf32> to vector<1x10240x32xf32>
    tpu.vector_store %arg3[%swap3A, %swap3A_6, %swap3A_7], %swap3A_10 {strides = array<i32>} : memref<2x10240x32xf32, #tpu.memory_space<vmem>>, vector<1x10240x32xf32>,
    %get3A_11 = arith.constant 0 : index
    %get3A_12 = arith.constant 0 : index
    %get3A_13 = vector.load %arg1[%get3A_11, %get3A_12] : memref<10240x128xf32, #tpu.memory_space<vmem>>, vector<10240x128xf32>
    %get3A_14 = arith.constant 0 : index
    %get3A_15 = arith.constant 0 : index
    %get3A_16 = vector.load %arg2[%get3A_14, %get3A_15] : memref<128x32xf32, #tpu.memory_space<vmem>>, vector<128x32xf32>
    %dot_general3A_17 = arith.constant dense<0.000000e+00> : vector<10240x32xf32>
    %dot_general3A_18 = tpu.matmul %get3A_13, %get3A_16, %dot_general3A_17 {dimension_numbers = #tpu.dot_dimension_numbers<[1], [0], [0], [1], [0, 0, 1, 1], [], []>, transpose_lhs_hint = false} : vector<10240x128xf32>, vector<128x32xf32>, vector<10240x32xf32> -> vector<10240x32xf32>
    %swap3A_19 = arith.constant 1 : index
    %swap3A_20 = arith.constant 0 : index
    %swap3A_21 = arith.constant 0 : index
    %swap3A_22 = vector.load %arg3[%swap3A_19, %swap3A_20, %swap3A_21] : memref<2x10240x32xf32, #tpu.memory_space<vmem>>, vector<1x10240x32xf32>
    %swap3A_23 = vector.shape_cast %swap3A_22 : vector<1x10240x32xf32> to vector<10240x32xf32>
    %swap3A_24 = vector.shape_cast %dot_general3A_18 : vector<10240x32xf32> to vector<1x10240x32xf32>
    tpu.vector_store %arg3[%swap3A_19, %swap3A_20, %swap3A_21], %swap3A_24 {strides = array<i32>} : memref<2x10240x32xf32, #tpu.memory_space<vmem>>, vector<1x10240x32xf32>,
    return
  }
}

module attributes {stable_mosaic.version = 14 : i64} {
  func.func @gcn_scale1_tc(%arg0: memref<2x10240x32xf32, #tpu.memory_space<vmem>>, %arg1: memref<2x4x10240xf32, #tpu.memory_space<vmem>>, %arg2: memref<2x10240x32xf32, #tpu.memory_space<vmem>>, %arg3: memref<4x10240xf32, #tpu.memory_space<vmem>>) attributes {dimension_semantics = [], scalar_prefetch = 0 : i64, scratch_operands = 0 : i64, tpu.core_type = #tpu.core_type<tc>} {
    %get3A = arith.constant 0 : index
    %get3A_0 = arith.constant 0 : index
    %get3A_1 = arith.constant 0 : index
    %get3A_2 = vector.load %arg1[%get3A, %get3A_0, %get3A_1] : memref<2x4x10240xf32, #tpu.memory_space<vmem>>, vector<1x4x10240xf32>
    %get3A_3 = vector.shape_cast %get3A_2 : vector<1x4x10240xf32> to vector<4x10240xf32>
    %get3A_4 = arith.constant 1 : index
    %get3A_5 = arith.constant 0 : index
    %get3A_6 = arith.constant 0 : index
    %get3A_7 = vector.load %arg1[%get3A_4, %get3A_5, %get3A_6] : memref<2x4x10240xf32, #tpu.memory_space<vmem>>, vector<1x4x10240xf32>
    %get3A_8 = vector.shape_cast %get3A_7 : vector<1x4x10240xf32> to vector<4x10240xf32>
    %add3A = arith.addf %get3A_3, %get3A_8 : vector<4x10240xf32>
    %gt3A = arith.constant 0.000000e+00 : f32
    %gt3A_9 = vector.broadcast %gt3A : f32 to vector<4x10240xf32>
    %gt3A_10 = arith.cmpf ogt, %add3A, %gt3A_9 : vector<4x10240xf32>
    %max3A = arith.constant 1.000000e-30 : f32
    %max3A_11 = vector.broadcast %max3A : f32 to vector<4x10240xf32>
    %max3A_12 = arith.maximumf %add3A, %max3A_11 : vector<4x10240xf32>
    %rsqrt3A = math.rsqrt %max3A_12 : vector<4x10240xf32>
    %jit3A = arith.constant 0.000000e+00 : f32
    %broadcast_in_dim3A = vector.broadcast %jit3A : f32 to vector<4x10240xf32>
    %select_n3A = arith.select %gt3A_10, %rsqrt3A, %broadcast_in_dim3A : vector<4x10240xi1>, vector<4x10240xf32>
    %swap3A = arith.constant 0 : index
    %swap3A_13 = arith.constant 0 : index
    %swap3A_14 = vector.load %arg3[%swap3A, %swap3A_13] : memref<4x10240xf32, #tpu.memory_space<vmem>>, vector<4x10240xf32>
    tpu.vector_store %arg3[%swap3A, %swap3A_13], %select_n3A {strides = array<i32>} : memref<4x10240xf32, #tpu.memory_space<vmem>>, vector<4x10240xf32>,
    %get3A_15 = arith.constant 0 : index
    %get3A_16 = arith.constant 0 : index
    %get3A_17 = arith.constant 0 : index
    %get3A_18 = vector.load %arg0[%get3A_15, %get3A_16, %get3A_17] : memref<2x10240x32xf32, #tpu.memory_space<vmem>>, vector<1x10240x32xf32>
    %get3A_19 = vector.shape_cast %get3A_18 : vector<1x10240x32xf32> to vector<10240x32xf32>
    %slice3A = vector.extract_strided_slice %select_n3A {offsets = [0, 0], sizes = [1, 10240], strides = [1, 1]} : vector<4x10240xf32> to vector<1x10240xf32>
    %squeeze3A = vector.shape_cast %slice3A : vector<1x10240xf32> to vector<10240xf32>
    %broadcast_in_dim3A_20 = vector.shape_cast %squeeze3A : vector<10240xf32> to vector<10240x1xf32>
    %mul3A = vector.broadcast %broadcast_in_dim3A_20 : vector<10240x1xf32> to vector<10240x32xf32>
    %mul3A_21 = arith.mulf %get3A_19, %mul3A : vector<10240x32xf32>
    %swap3A_22 = arith.constant 0 : index
    %swap3A_23 = arith.constant 0 : index
    %swap3A_24 = arith.constant 0 : index
    %swap3A_25 = vector.load %arg2[%swap3A_22, %swap3A_23, %swap3A_24] : memref<2x10240x32xf32, #tpu.memory_space<vmem>>, vector<1x10240x32xf32>
    %swap3A_26 = vector.shape_cast %swap3A_25 : vector<1x10240x32xf32> to vector<10240x32xf32>
    %swap3A_27 = vector.shape_cast %mul3A_21 : vector<10240x32xf32> to vector<1x10240x32xf32>
    tpu.vector_store %arg2[%swap3A_22, %swap3A_23, %swap3A_24], %swap3A_27 {strides = array<i32>} : memref<2x10240x32xf32, #tpu.memory_space<vmem>>, vector<1x10240x32xf32>,
    %get3A_28 = arith.constant 1 : index
    %get3A_29 = arith.constant 0 : index
    %get3A_30 = arith.constant 0 : index
    %get3A_31 = vector.load %arg0[%get3A_28, %get3A_29, %get3A_30] : memref<2x10240x32xf32, #tpu.memory_space<vmem>>, vector<1x10240x32xf32>
    %get3A_32 = vector.shape_cast %get3A_31 : vector<1x10240x32xf32> to vector<10240x32xf32>
    %slice3A_33 = vector.extract_strided_slice %select_n3A {offsets = [2, 0], sizes = [1, 10240], strides = [1, 1]} : vector<4x10240xf32> to vector<1x10240xf32>
    %squeeze3A_34 = vector.shape_cast %slice3A_33 : vector<1x10240xf32> to vector<10240xf32>
    %broadcast_in_dim3A_35 = vector.shape_cast %squeeze3A_34 : vector<10240xf32> to vector<10240x1xf32>
    %mul3A_36 = vector.broadcast %broadcast_in_dim3A_35 : vector<10240x1xf32> to vector<10240x32xf32>
    %mul3A_37 = arith.mulf %get3A_32, %mul3A_36 : vector<10240x32xf32>
    %swap3A_38 = arith.constant 1 : index
    %swap3A_39 = arith.constant 0 : index
    %swap3A_40 = arith.constant 0 : index
    %swap3A_41 = vector.load %arg2[%swap3A_38, %swap3A_39, %swap3A_40] : memref<2x10240x32xf32, #tpu.memory_space<vmem>>, vector<1x10240x32xf32>
    %swap3A_42 = vector.shape_cast %swap3A_41 : vector<1x10240x32xf32> to vector<10240x32xf32>
    %swap3A_43 = vector.shape_cast %mul3A_37 : vector<10240x32xf32> to vector<1x10240x32xf32>
    tpu.vector_store %arg2[%swap3A_38, %swap3A_39, %swap3A_40], %swap3A_43 {strides = array<i32>} : memref<2x10240x32xf32, #tpu.memory_space<vmem>>, vector<1x10240x32xf32>,
    return
  }
}

module attributes {stable_mosaic.version = 14 : i64} {
  func.func @gcn_proj2_so_tc(%arg0: memref<2x10240x32xf32, #tpu.memory_space<vmem>>, %arg1: memref<4x10240xf32, #tpu.memory_space<vmem>>, %arg2: memref<32xf32, #tpu.memory_space<vmem>>, %arg3: memref<32x16xf32, #tpu.memory_space<vmem>>, %arg4: memref<10240x32xf32, #tpu.memory_space<vmem>>, %arg5: memref<2x10240x16xf32, #tpu.memory_space<vmem>>) attributes {dimension_semantics = [], scalar_prefetch = 0 : i64, scratch_operands = 0 : i64, tpu.core_type = #tpu.core_type<tc>} {
    %get3A = arith.constant 0 : index
    %get3A_0 = arith.constant 0 : index
    %get3A_1 = arith.constant 0 : index
    %get3A_2 = vector.load %arg0[%get3A, %get3A_0, %get3A_1] : memref<2x10240x32xf32, #tpu.memory_space<vmem>>, vector<1x10240x32xf32>
    %get3A_3 = vector.shape_cast %get3A_2 : vector<1x10240x32xf32> to vector<10240x32xf32>
    %get3A_4 = arith.constant 1 : index
    %get3A_5 = arith.constant 0 : index
    %get3A_6 = arith.constant 0 : index
    %get3A_7 = vector.load %arg0[%get3A_4, %get3A_5, %get3A_6] : memref<2x10240x32xf32, #tpu.memory_space<vmem>>, vector<1x10240x32xf32>
    %get3A_8 = vector.shape_cast %get3A_7 : vector<1x10240x32xf32> to vector<10240x32xf32>
    %add3A = arith.addf %get3A_3, %get3A_8 : vector<10240x32xf32>
    %get3A_9 = arith.constant 3 : index
    %get3A_10 = arith.constant 0 : index
    %get3A_11 = vector.load %arg1[%get3A_9, %get3A_10] : memref<4x10240xf32, #tpu.memory_space<vmem>>, vector<1x10240xf32>
    %get3A_12 = vector.shape_cast %get3A_11 : vector<1x10240xf32> to vector<10240xf32>
    %broadcast_in_dim3A = vector.shape_cast %get3A_12 : vector<10240xf32> to vector<10240x1xf32>
    %mul3A = vector.broadcast %broadcast_in_dim3A : vector<10240x1xf32> to vector<10240x32xf32>
    %mul3A_13 = arith.mulf %add3A, %mul3A : vector<10240x32xf32>
    %get3A_14 = arith.constant 0 : index
    %get3A_15 = vector.load %arg2[%get3A_14] : memref<32xf32, #tpu.memory_space<vmem>>, vector<32xf32>
    %broadcast_in_dim3A_16 = vector.shape_cast %get3A_15 : vector<32xf32> to vector<1x32xf32>
    %add3A_17 = vector.broadcast %broadcast_in_dim3A_16 : vector<1x32xf32> to vector<10240x32xf32>
    %add3A_18 = arith.addf %mul3A_13, %add3A_17 : vector<10240x32xf32>
    %max3A = arith.constant 0.000000e+00 : f32
    %max3A_19 = vector.broadcast %max3A : f32 to vector<10240x32xf32>
    %max3A_20 = arith.maximumf %add3A_18, %max3A_19 : vector<10240x32xf32>
    %swap3A = arith.constant 0 : index
    %swap3A_21 = arith.constant 0 : index
    %swap3A_22 = vector.load %arg4[%swap3A, %swap3A_21] : memref<10240x32xf32, #tpu.memory_space<vmem>>, vector<10240x32xf32>
    tpu.vector_store %arg4[%swap3A, %swap3A_21], %max3A_20 {strides = array<i32>} : memref<10240x32xf32, #tpu.memory_space<vmem>>, vector<10240x32xf32>,
    %get3A_23 = arith.constant 0 : index
    %get3A_24 = arith.constant 0 : index
    %get3A_25 = vector.load %arg3[%get3A_23, %get3A_24] : memref<32x16xf32, #tpu.memory_space<vmem>>, vector<32x16xf32>
    %dot_general3A = arith.constant dense<0.000000e+00> : vector<10240x16xf32>
    %dot_general3A_26 = tpu.matmul %max3A_20, %get3A_25, %dot_general3A {dimension_numbers = #tpu.dot_dimension_numbers<[1], [0], [0], [1], [0, 0, 1, 1], [], []>, transpose_lhs_hint = false} : vector<10240x32xf32>, vector<32x16xf32>, vector<10240x16xf32> -> vector<10240x16xf32>
    %get3A_27 = arith.constant 2 : index
    %get3A_28 = arith.constant 0 : index
    %get3A_29 = vector.load %arg1[%get3A_27, %get3A_28] : memref<4x10240xf32, #tpu.memory_space<vmem>>, vector<1x10240xf32>
    %get3A_30 = vector.shape_cast %get3A_29 : vector<1x10240xf32> to vector<10240xf32>
    %broadcast_in_dim3A_31 = vector.shape_cast %get3A_30 : vector<10240xf32> to vector<10240x1xf32>
    %mul3A_32 = vector.broadcast %broadcast_in_dim3A_31 : vector<10240x1xf32> to vector<10240x16xf32>
    %mul3A_33 = arith.mulf %dot_general3A_26, %mul3A_32 : vector<10240x16xf32>
    %swap3A_34 = arith.constant 1 : index
    %swap3A_35 = arith.constant 0 : index
    %swap3A_36 = arith.constant 0 : index
    %swap3A_37 = vector.load %arg5[%swap3A_34, %swap3A_35, %swap3A_36] : memref<2x10240x16xf32, #tpu.memory_space<vmem>>, vector<1x10240x16xf32>
    %swap3A_38 = vector.shape_cast %swap3A_37 : vector<1x10240x16xf32> to vector<10240x16xf32>
    %swap3A_39 = vector.shape_cast %mul3A_33 : vector<10240x16xf32> to vector<1x10240x16xf32>
    tpu.vector_store %arg5[%swap3A_34, %swap3A_35, %swap3A_36], %swap3A_39 {strides = array<i32>} : memref<2x10240x16xf32, #tpu.memory_space<vmem>>, vector<1x10240x16xf32>,
    %broadcast_in_dim3A_40 = arith.constant 0.000000e+00 : f32
    %broadcast_in_dim3A_41 = vector.broadcast %broadcast_in_dim3A_40 : f32 to vector<10240x16xf32>
    %swap3A_42 = arith.constant 0 : index
    %swap3A_43 = arith.constant 0 : index
    %swap3A_44 = arith.constant 0 : index
    %swap3A_45 = vector.load %arg5[%swap3A_42, %swap3A_43, %swap3A_44] : memref<2x10240x16xf32, #tpu.memory_space<vmem>>, vector<1x10240x16xf32>
    %swap3A_46 = vector.shape_cast %swap3A_45 : vector<1x10240x16xf32> to vector<10240x16xf32>
    %swap3A_47 = vector.shape_cast %broadcast_in_dim3A_41 : vector<10240x16xf32> to vector<1x10240x16xf32>
    tpu.vector_store %arg5[%swap3A_42, %swap3A_43, %swap3A_44], %swap3A_47 {strides = array<i32>} : memref<2x10240x16xf32, #tpu.memory_space<vmem>>, vector<1x10240x16xf32>,
    return
  }
}

module attributes {stable_mosaic.version = 14 : i64} {
  func.func @gcn_proj2_su_tc(%arg0: memref<2x10240x32xf32, #tpu.memory_space<vmem>>, %arg1: memref<4x10240xf32, #tpu.memory_space<vmem>>, %arg2: memref<32xf32, #tpu.memory_space<vmem>>, %arg3: memref<32x16xf32, #tpu.memory_space<vmem>>, %arg4: memref<10240x32xf32, #tpu.memory_space<vmem>>, %arg5: memref<2x10240x16xf32, #tpu.memory_space<vmem>>) attributes {dimension_semantics = [], scalar_prefetch = 0 : i64, scratch_operands = 0 : i64, tpu.core_type = #tpu.core_type<tc>} {
    %get3A = arith.constant 0 : index
    %get3A_0 = arith.constant 0 : index
    %get3A_1 = arith.constant 0 : index
    %get3A_2 = vector.load %arg0[%get3A, %get3A_0, %get3A_1] : memref<2x10240x32xf32, #tpu.memory_space<vmem>>, vector<1x10240x32xf32>
    %get3A_3 = vector.shape_cast %get3A_2 : vector<1x10240x32xf32> to vector<10240x32xf32>
    %get3A_4 = arith.constant 1 : index
    %get3A_5 = arith.constant 0 : index
    %get3A_6 = arith.constant 0 : index
    %get3A_7 = vector.load %arg0[%get3A_4, %get3A_5, %get3A_6] : memref<2x10240x32xf32, #tpu.memory_space<vmem>>, vector<1x10240x32xf32>
    %get3A_8 = vector.shape_cast %get3A_7 : vector<1x10240x32xf32> to vector<10240x32xf32>
    %add3A = arith.addf %get3A_3, %get3A_8 : vector<10240x32xf32>
    %get3A_9 = arith.constant 1 : index
    %get3A_10 = arith.constant 0 : index
    %get3A_11 = vector.load %arg1[%get3A_9, %get3A_10] : memref<4x10240xf32, #tpu.memory_space<vmem>>, vector<1x10240xf32>
    %get3A_12 = vector.shape_cast %get3A_11 : vector<1x10240xf32> to vector<10240xf32>
    %broadcast_in_dim3A = vector.shape_cast %get3A_12 : vector<10240xf32> to vector<10240x1xf32>
    %mul3A = vector.broadcast %broadcast_in_dim3A : vector<10240x1xf32> to vector<10240x32xf32>
    %mul3A_13 = arith.mulf %add3A, %mul3A : vector<10240x32xf32>
    %get3A_14 = arith.constant 0 : index
    %get3A_15 = vector.load %arg2[%get3A_14] : memref<32xf32, #tpu.memory_space<vmem>>, vector<32xf32>
    %broadcast_in_dim3A_16 = vector.shape_cast %get3A_15 : vector<32xf32> to vector<1x32xf32>
    %add3A_17 = vector.broadcast %broadcast_in_dim3A_16 : vector<1x32xf32> to vector<10240x32xf32>
    %add3A_18 = arith.addf %mul3A_13, %add3A_17 : vector<10240x32xf32>
    %max3A = arith.constant 0.000000e+00 : f32
    %max3A_19 = vector.broadcast %max3A : f32 to vector<10240x32xf32>
    %max3A_20 = arith.maximumf %add3A_18, %max3A_19 : vector<10240x32xf32>
    %swap3A = arith.constant 0 : index
    %swap3A_21 = arith.constant 0 : index
    %swap3A_22 = vector.load %arg4[%swap3A, %swap3A_21] : memref<10240x32xf32, #tpu.memory_space<vmem>>, vector<10240x32xf32>
    tpu.vector_store %arg4[%swap3A, %swap3A_21], %max3A_20 {strides = array<i32>} : memref<10240x32xf32, #tpu.memory_space<vmem>>, vector<10240x32xf32>,
    %get3A_23 = arith.constant 0 : index
    %get3A_24 = arith.constant 0 : index
    %get3A_25 = vector.load %arg3[%get3A_23, %get3A_24] : memref<32x16xf32, #tpu.memory_space<vmem>>, vector<32x16xf32>
    %dot_general3A = arith.constant dense<0.000000e+00> : vector<10240x16xf32>
    %dot_general3A_26 = tpu.matmul %max3A_20, %get3A_25, %dot_general3A {dimension_numbers = #tpu.dot_dimension_numbers<[1], [0], [0], [1], [0, 0, 1, 1], [], []>, transpose_lhs_hint = false} : vector<10240x32xf32>, vector<32x16xf32>, vector<10240x16xf32> -> vector<10240x16xf32>
    %get3A_27 = arith.constant 0 : index
    %get3A_28 = arith.constant 0 : index
    %get3A_29 = vector.load %arg1[%get3A_27, %get3A_28] : memref<4x10240xf32, #tpu.memory_space<vmem>>, vector<1x10240xf32>
    %get3A_30 = vector.shape_cast %get3A_29 : vector<1x10240xf32> to vector<10240xf32>
    %broadcast_in_dim3A_31 = vector.shape_cast %get3A_30 : vector<10240xf32> to vector<10240x1xf32>
    %mul3A_32 = vector.broadcast %broadcast_in_dim3A_31 : vector<10240x1xf32> to vector<10240x16xf32>
    %mul3A_33 = arith.mulf %dot_general3A_26, %mul3A_32 : vector<10240x16xf32>
    %swap3A_34 = arith.constant 0 : index
    %swap3A_35 = arith.constant 0 : index
    %swap3A_36 = arith.constant 0 : index
    %swap3A_37 = vector.load %arg5[%swap3A_34, %swap3A_35, %swap3A_36] : memref<2x10240x16xf32, #tpu.memory_space<vmem>>, vector<1x10240x16xf32>
    %swap3A_38 = vector.shape_cast %swap3A_37 : vector<1x10240x16xf32> to vector<10240x16xf32>
    %swap3A_39 = vector.shape_cast %mul3A_33 : vector<10240x16xf32> to vector<1x10240x16xf32>
    tpu.vector_store %arg5[%swap3A_34, %swap3A_35, %swap3A_36], %swap3A_39 {strides = array<i32>} : memref<2x10240x16xf32, #tpu.memory_space<vmem>>, vector<1x10240x16xf32>,
    %broadcast_in_dim3A_40 = arith.constant 0.000000e+00 : f32
    %broadcast_in_dim3A_41 = vector.broadcast %broadcast_in_dim3A_40 : f32 to vector<10240x16xf32>
    %swap3A_42 = arith.constant 1 : index
    %swap3A_43 = arith.constant 0 : index
    %swap3A_44 = arith.constant 0 : index
    %swap3A_45 = vector.load %arg5[%swap3A_42, %swap3A_43, %swap3A_44] : memref<2x10240x16xf32, #tpu.memory_space<vmem>>, vector<1x10240x16xf32>
    %swap3A_46 = vector.shape_cast %swap3A_45 : vector<1x10240x16xf32> to vector<10240x16xf32>
    %swap3A_47 = vector.shape_cast %broadcast_in_dim3A_41 : vector<10240x16xf32> to vector<1x10240x16xf32>
    tpu.vector_store %arg5[%swap3A_42, %swap3A_43, %swap3A_44], %swap3A_47 {strides = array<i32>} : memref<2x10240x16xf32, #tpu.memory_space<vmem>>, vector<1x10240x16xf32>,
    return
  }
}

module attributes {stable_mosaic.version = 14 : i64} {
  func.func @gcn_finish2_tc(%arg0: i32, %arg1: memref<2048x32xf32, #tpu.memory_space<vmem>>, %arg2: memref<2048x32xf32, #tpu.memory_space<vmem>>, %arg3: memref<2x2048x16xf32, #tpu.memory_space<vmem>>, %arg4: memref<2x2048x16xf32, #tpu.memory_space<vmem>>, %arg5: memref<4x2048xf32, #tpu.memory_space<vmem>>, %arg6: memref<16xf32, #tpu.memory_space<vmem>>, %arg7: memref<2x2048x48xf32, #tpu.memory_space<vmem>>) attributes {dimension_semantics = [#tpu.dimension_semantics<arbitrary>], iteration_bounds = array<i64: 5>, scalar_prefetch = 0 : i64, scratch_operands = 0 : i64, tpu.core_type = #tpu.core_type<tc>, window_params = [{transform_indices = @transform_0, window_bounds = array<i64: 2048, 32>}, {transform_indices = @transform_1, window_bounds = array<i64: 2048, 32>}, {transform_indices = @transform_2, window_bounds = array<i64: 2, 2048, 16>}, {transform_indices = @transform_3, window_bounds = array<i64: 2, 2048, 16>}, {transform_indices = @transform_4, window_bounds = array<i64: 4, 2048>}, {pipeline_mode = #tpu.pipeline_mode<synchronous>, transform_indices = @transform_5, window_bounds = array<i64: 16>}, {transform_indices = @transform_6, window_bounds = array<i64: 2, 2048, 48>}]} {
    %get3A = arith.constant 0 : index
    %get3A_0 = vector.load %arg6[%get3A] : memref<16xf32, #tpu.memory_space<vmem>>, vector<16xf32>
    %get3A_1 = arith.constant 0 : index
    %get3A_2 = arith.constant 0 : index
    %get3A_3 = arith.constant 0 : index
    %get3A_4 = vector.load %arg3[%get3A_1, %get3A_2, %get3A_3] : memref<2x2048x16xf32, #tpu.memory_space<vmem>>, vector<1x2048x16xf32>
    %get3A_5 = vector.shape_cast %get3A_4 : vector<1x2048x16xf32> to vector<2048x16xf32>
    %get3A_6 = arith.constant 1 : index
    %get3A_7 = arith.constant 0 : index
    %get3A_8 = arith.constant 0 : index
    %get3A_9 = vector.load %arg3[%get3A_6, %get3A_7, %get3A_8] : memref<2x2048x16xf32, #tpu.memory_space<vmem>>, vector<1x2048x16xf32>
    %get3A_10 = vector.shape_cast %get3A_9 : vector<1x2048x16xf32> to vector<2048x16xf32>
    %add3A = arith.addf %get3A_5, %get3A_10 : vector<2048x16xf32>
    %get3A_11 = arith.constant 1 : index
    %get3A_12 = arith.constant 0 : index
    %get3A_13 = vector.load %arg5[%get3A_11, %get3A_12] : memref<4x2048xf32, #tpu.memory_space<vmem>>, vector<1x2048xf32>
    %get3A_14 = vector.shape_cast %get3A_13 : vector<1x2048xf32> to vector<2048xf32>
    %broadcast_in_dim3A = vector.shape_cast %get3A_14 : vector<2048xf32> to vector<2048x1xf32>
    %mul3A = vector.broadcast %broadcast_in_dim3A : vector<2048x1xf32> to vector<2048x16xf32>
    %mul3A_15 = arith.mulf %add3A, %mul3A : vector<2048x16xf32>
    %broadcast_in_dim3A_16 = vector.shape_cast %get3A_0 : vector<16xf32> to vector<1x16xf32>
    %add3A_17 = vector.broadcast %broadcast_in_dim3A_16 : vector<1x16xf32> to vector<2048x16xf32>
    %add3A_18 = arith.addf %mul3A_15, %add3A_17 : vector<2048x16xf32>
    %get3A_19 = arith.constant 0 : index
    %get3A_20 = arith.constant 0 : index
    %get3A_21 = arith.constant 0 : index
    %get3A_22 = vector.load %arg4[%get3A_19, %get3A_20, %get3A_21] : memref<2x2048x16xf32, #tpu.memory_space<vmem>>, vector<1x2048x16xf32>
    %get3A_23 = vector.shape_cast %get3A_22 : vector<1x2048x16xf32> to vector<2048x16xf32>
    %get3A_24 = arith.constant 1 : index
    %get3A_25 = arith.constant 0 : index
    %get3A_26 = arith.constant 0 : index
    %get3A_27 = vector.load %arg4[%get3A_24, %get3A_25, %get3A_26] : memref<2x2048x16xf32, #tpu.memory_space<vmem>>, vector<1x2048x16xf32>
    %get3A_28 = vector.shape_cast %get3A_27 : vector<1x2048x16xf32> to vector<2048x16xf32>
    %add3A_29 = arith.addf %get3A_23, %get3A_28 : vector<2048x16xf32>
    %get3A_30 = arith.constant 3 : index
    %get3A_31 = arith.constant 0 : index
    %get3A_32 = vector.load %arg5[%get3A_30, %get3A_31] : memref<4x2048xf32, #tpu.memory_space<vmem>>, vector<1x2048xf32>
    %get3A_33 = vector.shape_cast %get3A_32 : vector<1x2048xf32> to vector<2048xf32>
    %broadcast_in_dim3A_34 = vector.shape_cast %get3A_33 : vector<2048xf32> to vector<2048x1xf32>
    %mul3A_35 = vector.broadcast %broadcast_in_dim3A_34 : vector<2048x1xf32> to vector<2048x16xf32>
    %mul3A_36 = arith.mulf %add3A_29, %mul3A_35 : vector<2048x16xf32>
    %broadcast_in_dim3A_37 = vector.shape_cast %get3A_0 : vector<16xf32> to vector<1x16xf32>
    %add3A_38 = vector.broadcast %broadcast_in_dim3A_37 : vector<1x16xf32> to vector<2048x16xf32>
    %add3A_39 = arith.addf %mul3A_36, %add3A_38 : vector<2048x16xf32>
    %get3A_40 = arith.constant 0 : index
    %get3A_41 = arith.constant 0 : index
    %get3A_42 = vector.load %arg1[%get3A_40, %get3A_41] : memref<2048x32xf32, #tpu.memory_space<vmem>>, vector<2048x32xf32>
    %concatenate3A = tpu.concatenate %get3A_42, %add3A_18 in 1 : vector<2048x32xf32>, vector<2048x16xf32> -> vector<2048x48xf32>
    %swap3A = arith.constant 0 : index
    %swap3A_43 = arith.constant 0 : index
    %swap3A_44 = arith.constant 0 : index
    %swap3A_45 = vector.load %arg7[%swap3A, %swap3A_43, %swap3A_44] : memref<2x2048x48xf32, #tpu.memory_space<vmem>>, vector<1x2048x48xf32>
    %swap3A_46 = vector.shape_cast %swap3A_45 : vector<1x2048x48xf32> to vector<2048x48xf32>
    %swap3A_47 = vector.shape_cast %concatenate3A : vector<2048x48xf32> to vector<1x2048x48xf32>
    tpu.vector_store %arg7[%swap3A, %swap3A_43, %swap3A_44], %swap3A_47 {strides = array<i32>} : memref<2x2048x48xf32, #tpu.memory_space<vmem>>, vector<1x2048x48xf32>,
    %get3A_48 = arith.constant 0 : index
    %get3A_49 = arith.constant 0 : index
    %get3A_50 = vector.load %arg2[%get3A_48, %get3A_49] : memref<2048x32xf32, #tpu.memory_space<vmem>>, vector<2048x32xf32>
    %concatenate3A_51 = tpu.concatenate %get3A_50, %add3A_39 in 1 : vector<2048x32xf32>, vector<2048x16xf32> -> vector<2048x48xf32>
    %swap3A_52 = arith.constant 1 : index
    %swap3A_53 = arith.constant 0 : index
    %swap3A_54 = arith.constant 0 : index
    %swap3A_55 = vector.load %arg7[%swap3A_52, %swap3A_53, %swap3A_54] : memref<2x2048x48xf32, #tpu.memory_space<vmem>>, vector<1x2048x48xf32>
    %swap3A_56 = vector.shape_cast %swap3A_55 : vector<1x2048x48xf32> to vector<2048x48xf32>
    %swap3A_57 = vector.shape_cast %concatenate3A_51 : vector<2048x48xf32> to vector<1x2048x48xf32>
    tpu.vector_store %arg7[%swap3A_52, %swap3A_53, %swap3A_54], %swap3A_57 {strides = array<i32>} : memref<2x2048x48xf32, #tpu.memory_space<vmem>>, vector<1x2048x48xf32>,
    return
  }
  func.func @transform_0(%arg0: i32) -> (i32, i32) {
    %c0_i32 = arith.constant 0 : i32
    %c0_i32_0 = arith.constant 0 : i32
    return %arg0, %c0_i32 : i32, i32
  }
  func.func @transform_1(%arg0: i32) -> (i32, i32) {
    %c0_i32 = arith.constant 0 : i32
    %c0_i32_0 = arith.constant 0 : i32
    return %arg0, %c0_i32 : i32, i32
  }
  func.func @transform_2(%arg0: i32) -> (i32, i32, i32) {
    %c0_i32 = arith.constant 0 : i32
    %c0_i32_0 = arith.constant 0 : i32
    %c0_i32_1 = arith.constant 0 : i32
    return %c0_i32, %arg0, %c0_i32_0 : i32, i32, i32
  }
  func.func @transform_3(%arg0: i32) -> (i32, i32, i32) {
    %c0_i32 = arith.constant 0 : i32
    %c0_i32_0 = arith.constant 0 : i32
    %c0_i32_1 = arith.constant 0 : i32
    return %c0_i32, %arg0, %c0_i32_0 : i32, i32, i32
  }
  func.func @transform_4(%arg0: i32) -> (i32, i32) {
    %c0_i32 = arith.constant 0 : i32
    %c0_i32_0 = arith.constant 0 : i32
    return %c0_i32, %arg0 : i32, i32
  }
  func.func @transform_5(%arg0: i32) -> i32 {
    %c0_i32 = arith.constant 0 : i32
    %c0_i32_0 = arith.constant 0 : i32
    return %c0_i32 : i32
  }
  func.func @transform_6(%arg0: i32) -> (i32, i32, i32) {
    %c0_i32 = arith.constant 0 : i32
    %c0_i32_0 = arith.constant 0 : i32
    %c0_i32_1 = arith.constant 0 : i32
    return %c0_i32, %arg0, %c0_i32_0 : i32, i32, i32
  }
}

module attributes {stable_mosaic.version = 14 : i64} {
  func.func @gcn_pool_mlp_tc(%arg0: i32, %arg1: memref<10000x128xf32, #tpu.memory_space<vmem>>, %arg2: memref<10000x128xf32, #tpu.memory_space<vmem>>, %arg3: memref<2x10240x48xf32, #tpu.memory_space<vmem>>, %arg4: memref<96x64xf32, #tpu.memory_space<vmem>>, %arg5: memref<64xf32, #tpu.memory_space<vmem>>, %arg6: memref<64x16xf32, #tpu.memory_space<vmem>>, %arg7: memref<16xf32, #tpu.memory_space<vmem>>, %arg8: memref<16x1xf32, #tpu.memory_space<vmem>>, %arg9: memref<1xf32, #tpu.memory_space<vmem>>, %arg10: memref<128x1xf32, #tpu.memory_space<vmem>>) attributes {dimension_semantics = [#tpu.dimension_semantics<arbitrary>], iteration_bounds = array<i64: 8>, scalar_prefetch = 0 : i64, scratch_operands = 0 : i64, tpu.core_type = #tpu.core_type<tc>, window_params = [{transform_indices = @transform_0, window_bounds = array<i64: 10000, 128>}, {transform_indices = @transform_1, window_bounds = array<i64: 10000, 128>}, {pipeline_mode = #tpu.pipeline_mode<synchronous>, transform_indices = @transform_2, window_bounds = array<i64: 2, 10240, 48>}, {pipeline_mode = #tpu.pipeline_mode<synchronous>, transform_indices = @transform_3, window_bounds = array<i64: 96, 64>}, {pipeline_mode = #tpu.pipeline_mode<synchronous>, transform_indices = @transform_4, window_bounds = array<i64: 64>}, {pipeline_mode = #tpu.pipeline_mode<synchronous>, transform_indices = @transform_5, window_bounds = array<i64: 64, 16>}, {pipeline_mode = #tpu.pipeline_mode<synchronous>, transform_indices = @transform_6, window_bounds = array<i64: 16>}, {pipeline_mode = #tpu.pipeline_mode<synchronous>, transform_indices = @transform_7, window_bounds = array<i64: 16, 1>}, {pipeline_mode = #tpu.pipeline_mode<synchronous>, transform_indices = @transform_8, window_bounds = array<i64: 1>}, {transform_indices = @transform_9, window_bounds = array<i64: 128, 1>}]} {
    %get3A = arith.constant 0 : index
    %get3A_0 = arith.constant 0 : index
    %get3A_1 = vector.load %arg1[%get3A, %get3A_0] : memref<10000x128xf32, #tpu.memory_space<vmem>>, vector<10000x128xf32>
    %get3A_2 = arith.constant 0 : index
    %get3A_3 = arith.constant 0 : index
    %get3A_4 = arith.constant 0 : index
    %get3A_5 = vector.load %arg3[%get3A_2, %get3A_3, %get3A_4] : memref<2x10240x48xf32, #tpu.memory_space<vmem>>, vector<1x10000x48xf32>
    %get3A_6 = vector.shape_cast %get3A_5 : vector<1x10000x48xf32> to vector<10000x48xf32>
    %dot_general3A = arith.constant dense<0.000000e+00> : vector<128x48xf32>
    %dot_general3A_7 = tpu.matmul %get3A_1, %get3A_6, %dot_general3A {dimension_numbers = #tpu.dot_dimension_numbers<[0], [0], [1], [1], [0, 1, 1, 1], [], []>, transpose_lhs_hint = false} : vector<10000x128xf32>, vector<10000x48xf32>, vector<128x48xf32> -> vector<128x48xf32>
    %get3A_8 = arith.constant 0 : index
    %get3A_9 = arith.constant 0 : index
    %get3A_10 = vector.load %arg2[%get3A_8, %get3A_9] : memref<10000x128xf32, #tpu.memory_space<vmem>>, vector<10000x128xf32>
    %get3A_11 = arith.constant 1 : index
    %get3A_12 = arith.constant 0 : index
    %get3A_13 = arith.constant 0 : index
    %get3A_14 = vector.load %arg3[%get3A_11, %get3A_12, %get3A_13] : memref<2x10240x48xf32, #tpu.memory_space<vmem>>, vector<1x10000x48xf32>
    %get3A_15 = vector.shape_cast %get3A_14 : vector<1x10000x48xf32> to vector<10000x48xf32>
    %dot_general3A_16 = arith.constant dense<0.000000e+00> : vector<128x48xf32>
    %dot_general3A_17 = tpu.matmul %get3A_10, %get3A_15, %dot_general3A_16 {dimension_numbers = #tpu.dot_dimension_numbers<[0], [0], [1], [1], [0, 1, 1, 1], [], []>, transpose_lhs_hint = false} : vector<10000x128xf32>, vector<10000x48xf32>, vector<128x48xf32> -> vector<128x48xf32>
    %concatenate3A = tpu.concatenate %dot_general3A_7, %dot_general3A_17 in 1 : vector<128x48xf32>, vector<128x48xf32> -> vector<128x96xf32>
    %get3A_18 = arith.constant 0 : index
    %get3A_19 = arith.constant 0 : index
    %get3A_20 = vector.load %arg4[%get3A_18, %get3A_19] : memref<96x64xf32, #tpu.memory_space<vmem>>, vector<96x64xf32>
    %dot_general3A_21 = arith.constant dense<0.000000e+00> : vector<128x64xf32>
    %dot_general3A_22 = tpu.matmul %concatenate3A, %get3A_20, %dot_general3A_21 {dimension_numbers = #tpu.dot_dimension_numbers<[1], [0], [0], [1], [0, 0, 1, 1], [], []>, transpose_lhs_hint = false} : vector<128x96xf32>, vector<96x64xf32>, vector<128x64xf32> -> vector<128x64xf32>
    %get3A_23 = arith.constant 0 : index
    %get3A_24 = vector.load %arg5[%get3A_23] : memref<64xf32, #tpu.memory_space<vmem>>, vector<64xf32>
    %broadcast_in_dim3A = vector.shape_cast %get3A_24 : vector<64xf32> to vector<1x64xf32>
    %add3A = vector.broadcast %broadcast_in_dim3A : vector<1x64xf32> to vector<128x64xf32>
    %add3A_25 = arith.addf %dot_general3A_22, %add3A : vector<128x64xf32>
    %max3A = arith.constant 0.000000e+00 : f32
    %max3A_26 = vector.broadcast %max3A : f32 to vector<128x64xf32>
    %max3A_27 = arith.maximumf %add3A_25, %max3A_26 : vector<128x64xf32>
    %get3A_28 = arith.constant 0 : index
    %get3A_29 = arith.constant 0 : index
    %get3A_30 = vector.load %arg6[%get3A_28, %get3A_29] : memref<64x16xf32, #tpu.memory_space<vmem>>, vector<64x16xf32>
    %dot_general3A_31 = arith.constant dense<0.000000e+00> : vector<128x16xf32>
    %dot_general3A_32 = tpu.matmul %max3A_27, %get3A_30, %dot_general3A_31 {dimension_numbers = #tpu.dot_dimension_numbers<[1], [0], [0], [1], [0, 0, 1, 1], [], []>, transpose_lhs_hint = false} : vector<128x64xf32>, vector<64x16xf32>, vector<128x16xf32> -> vector<128x16xf32>
    %get3A_33 = arith.constant 0 : index
    %get3A_34 = vector.load %arg7[%get3A_33] : memref<16xf32, #tpu.memory_space<vmem>>, vector<16xf32>
    %broadcast_in_dim3A_35 = vector.shape_cast %get3A_34 : vector<16xf32> to vector<1x16xf32>
    %add3A_36 = vector.broadcast %broadcast_in_dim3A_35 : vector<1x16xf32> to vector<128x16xf32>
    %add3A_37 = arith.addf %dot_general3A_32, %add3A_36 : vector<128x16xf32>
    %max3A_38 = arith.constant 0.000000e+00 : f32
    %max3A_39 = vector.broadcast %max3A_38 : f32 to vector<128x16xf32>
    %max3A_40 = arith.maximumf %add3A_37, %max3A_39 : vector<128x16xf32>
    %get3A_41 = arith.constant 0 : index
    %get3A_42 = arith.constant 0 : index
    %get3A_43 = vector.load %arg8[%get3A_41, %get3A_42] : memref<16x1xf32, #tpu.memory_space<vmem>>, vector<16x1xf32>
    %dot_general3A_44 = arith.constant dense<0.000000e+00> : vector<128x1xf32>
    %dot_general3A_45 = tpu.matmul %max3A_40, %get3A_43, %dot_general3A_44 {dimension_numbers = #tpu.dot_dimension_numbers<[1], [0], [0], [1], [0, 0, 1, 1], [], []>, transpose_lhs_hint = false} : vector<128x16xf32>, vector<16x1xf32>, vector<128x1xf32> -> vector<128x1xf32>
    %get3A_46 = arith.constant 0 : index
    %get3A_47 = vector.load %arg9[%get3A_46] : memref<1xf32, #tpu.memory_space<vmem>>, vector<1xf32>
    %broadcast_in_dim3A_48 = vector.shape_cast %get3A_47 : vector<1xf32> to vector<1x1xf32>
    %add3A_49 = vector.broadcast %broadcast_in_dim3A_48 : vector<1x1xf32> to vector<128x1xf32>
    %add3A_50 = arith.addf %dot_general3A_45, %add3A_49 : vector<128x1xf32>
    %swap3A = arith.constant 0 : index
    %swap3A_51 = arith.constant 0 : index
    %swap3A_52 = vector.load %arg10[%swap3A, %swap3A_51] : memref<128x1xf32, #tpu.memory_space<vmem>>, vector<128x1xf32>
    tpu.vector_store %arg10[%swap3A, %swap3A_51], %add3A_50 {strides = array<i32>} : memref<128x1xf32, #tpu.memory_space<vmem>>, vector<128x1xf32>,
    return
  }
  func.func @transform_0(%arg0: i32) -> (i32, i32) {
    %c0_i32 = arith.constant 0 : i32
    %c0_i32_0 = arith.constant 0 : i32
    return %c0_i32, %arg0 : i32, i32
  }
  func.func @transform_1(%arg0: i32) -> (i32, i32) {
    %c0_i32 = arith.constant 0 : i32
    %c0_i32_0 = arith.constant 0 : i32
    return %c0_i32, %arg0 : i32, i32
  }
  func.func @transform_2(%arg0: i32) -> (i32, i32, i32) {
    %c0_i32 = arith.constant 0 : i32
    %c0_i32_0 = arith.constant 0 : i32
    %c0_i32_1 = arith.constant 0 : i32
    %c0_i32_2 = arith.constant 0 : i32
    return %c0_i32, %c0_i32_0, %c0_i32_1 : i32, i32, i32
  }
  func.func @transform_3(%arg0: i32) -> (i32, i32) {
    %c0_i32 = arith.constant 0 : i32
    %c0_i32_0 = arith.constant 0 : i32
    %c0_i32_1 = arith.constant 0 : i32
    return %c0_i32, %c0_i32_0 : i32, i32
  }
  func.func @transform_4(%arg0: i32) -> i32 {
    %c0_i32 = arith.constant 0 : i32
    %c0_i32_0 = arith.constant 0 : i32
    return %c0_i32 : i32
  }
  func.func @transform_5(%arg0: i32) -> (i32, i32) {
    %c0_i32 = arith.constant 0 : i32
    %c0_i32_0 = arith.constant 0 : i32
    %c0_i32_1 = arith.constant 0 : i32
    return %c0_i32, %c0_i32_0 : i32, i32
  }
  func.func @transform_6(%arg0: i32) -> i32 {
    %c0_i32 = arith.constant 0 : i32
    %c0_i32_0 = arith.constant 0 : i32
    return %c0_i32 : i32
  }
  func.func @transform_7(%arg0: i32) -> (i32, i32) {
    %c0_i32 = arith.constant 0 : i32
    %c0_i32_0 = arith.constant 0 : i32
    %c0_i32_1 = arith.constant 0 : i32
    return %c0_i32, %c0_i32_0 : i32, i32
  }
  func.func @transform_8(%arg0: i32) -> i32 {
    %c0_i32 = arith.constant 0 : i32
    %c0_i32_0 = arith.constant 0 : i32
    return %c0_i32 : i32
  }
  func.func @transform_9(%arg0: i32) -> (i32, i32) {
    %c0_i32 = arith.constant 0 : i32
    %c0_i32_0 = arith.constant 0 : i32
    return %arg0, %c0_i32 : i32, i32
  }
}

</mosaic_0001>

<sc_bundles>
// kernel: gcn_degrees_sc.3.cloned.1.call-start
scs
__scs_entry_jumppad:
0x0: {  	(pc) =	sbr.rel $0x88, $3  }
0x1: {  	(tag) =	ssettag $0x0;
	lr =	simm.s32 $0x1  }
0x2: {  	[smem:$0x3F91] =	sst lr;
	_ =	strace $0xD0000000  }
0x3: {  	_ = 	snop  }
0x4: {  	_ = 	snop  }
0x5: {  	_ = 	snop  }
0x6: {  	_ = 	snop  }
0x7: {  	_ = 	snop  }
__scs_overlays_trampoline_lowered:
0x8: {  	[smem:$0x3FA0] =	sst s0  }
0x9: {  	[smem:$0x3FA1] =	sst s1  }
0xa: {  	[smem:$0x3FA2] =	sst s2  }
0xb: {  	[smem:$0x3FA3] =	sst s3  }
0xc: {  	[smem:$0x3FA4] =	sst s4  }
0xd: {  	[smem:$0x3FA5] =	sst s5  }
0xe: {  	[smem:$0x3FA6] =	sst s6  }
0xf: {  	[smem:$0x3FA7] =	sst s7  }
0x10: {  	[smem:$0x3FA8] =	sst s8  }
0x11: {  	[smem:$0x3FA9] =	sst s9;
	s0 =	simm.s32 @!p0 $0x0  }
0x12: {  	s1 =	sld [smem:$0x3F8F];
	s0 =	simm.s32 @p0 $0x1  }
0x13: {  	[smem:$0x3FAA] =	sst s0;
	s0 =	simm.s32 @!p1 $0x0  }
0x14: {  	s2 =	sld [smem:$0x3F8E];
	s0 =	simm.s32 @p1 $0x1  }
0x15: {  	[smem:$0x3FAB] =	sst s0;
	s0 =	simm.s32 @!p2 $0x0  }
0x16: {  	s3 =	sld [smem:$0x3FDB];
	s0 =	simm.s32 @p2 $0x1  }
0x17: {  	s4 =	simm.s32 $0x1BF5;
	[smem:$0x3FAD] =	sst s0  }
0x18: {  	s0 =	sld [smem:$0x3F90];
	_ =	swait.ge [sflag:s4], $0x0  }
0x19: {  	s7 =	sld [smem:$0x3F91]  }
0x1a: {  	s8 =	sadd.s32 $0xFFFFE003, lr  }
0x1b: {  	s9 =	sadd.s32 $0xFFFFFEF7, lr;
	s5 =	simm.s32 $0xFFFFFFFF;
	p2 =	slt.u32 s8, $0xFFFFF086  }
0x1c: {  	p1 =	slt.u32 s9, $0xF7A;
	s5 =	simm.s32 @!p2 $0x0  }
0x1d: {  	s5 =	simm.s32 @p1 $0x1;
	p0 =	seq.s32 s7, s2  }
0x1e: {  	s7 =	smul.u32 @!p0 $0xF7A, s2;
	p2 =	seq.s32 @!p0 s5, $0x0  }
0x1f: {  	s9 =	smul.u32 $0xF7A, s1;
	s8 =	simm.s32 @!p0 $0x1BF5;
	p2 =	por !p2, p0  }
0x20: {  	[sflag:s8] =	ssyncset.s32 @!p0 $0xFFFFF086;
	s6 =	sadd.s32 @!p0 s3, s7;
	s7 =	simm.s32 @!p0 $0x108  }
0x21: {  	s3 =	sadd.s32 s3, s9;
	s6 =	sadd.s32 @!p0 $0x88, s6;
	s7 =	simm.s32 @p2 $0x1082  }
0x22: {  	[simem:s7], [sflag:s8] =	dma.local @!p0 [hbm:s6], $0xF7A  }
0x23: {  	s9 =	sor.u32 $0xD0000000, s2;
	s6 =	simm.s32 $0x108;
	_ =	swait.ge @!p0 [sflag:s8], $0x0  }
0x24: {  	s3 =	sadd.s32 $0x88, s3;
	s6 =	simm.s32 @!p1 $0x1082;
	[sflag:s4] =	ssyncset.s32 $0xFFFFF086  }
0x25: {  	[simem:s6], [sflag:s4] =	dma.local [hbm:s3], $0xF7A  }
0x26: {  	[smem:$0x3F91] =	sst s1;
	(tag) =	ssettag s2;
	_ =	strace s9  }
0x27: {  	s1 =	sld [smem:$0x3FA1]  }
0x28: {  	s2 =	sld [smem:$0x3FA2]  }
0x29: {  	s4 =	sld [smem:$0x3FA4]  }
0x2a: {  	p0 =	seq.s32 s5, $0x0;
	s5 =	sld [smem:$0x3FA5]  }
0x2b: {  	s6 =	sld [smem:$0x3FA6]  }
0x2c: {  	s7 =	sld [smem:$0x3FA7]  }
0x2d: {  	s3 =	simm.s32 $0x108;
	s8 =	sld [smem:$0x3FA8]  }
0x2e: {  	s3 =	simm.s32 @!p0 $0x1082;
	s9 =	sld [smem:$0x3FA9]  }
0x2f: {  	lr =	sadd.s32 s0, s3;
	s0 =	sld [smem:$0x3FA0]  }
0x30: {  	s3 =	sld [smem:$0x3FA3]  }
0x31: {  	[smem:$0x3FAC] =	sst s10  }
0x32: {  	s10 =	sld [smem:$0x3FAA];
	_ =	sdelay $0x3  }
0x33: {  	p0 =	seq.s32 s10, $0x1;
	s10 =	sld [smem:$0x3FAC];
	_ =	sdelay $0x3  }
0x34: {  	[smem:$0x3FAC] =	sst s10  }
0x35: {  	s10 =	sld [smem:$0x3FAB];
	_ =	sdelay $0x3  }
0x36: {  	p1 =	seq.s32 s10, $0x1;
	s10 =	sld [smem:$0x3FAC];
	_ =	sdelay $0x3  }
0x37: {  	[smem:$0x3FAC] =	sst s10  }
0x38: {  	s10 =	sld [smem:$0x3FAD]  }
0x39: {  	_ = 	snop;
	(pc) =	sbr.ind lr, $3  }
0x3a: {  	_ = 	snop  }
0x3b: {  	_ = 	snop  }
0x3c: {  	p2 =	seq.s32 s10, $0x1;
	s10 =	sld [smem:$0x3FAC]  }
0x3d: {  	_ =	shalt  }
0x3e: {  	_ =	shalt  }
0x3f: {  	_ =	shalt  }
0x40: {  	_ =	shalt  }
0x41: {  	_ =	shalt  }
0x42: {  	_ =	shalt  }
0x43: {  	_ =	shalt  }
0x44: {  	_ =	shalt  }
0x45: {  	_ =	shalt  }
0x46: {  	_ =	shalt  }
0x47: {  	_ =	shalt  }
0x48: {  	_ =	shalt  }
0x49: {  	_ =	shalt  }
0x4a: {  	_ =	shalt  }
0x4b: {  	_ =	shalt  }
0x4c: {  	_ =	shalt  }
0x4d: {  	_ =	shalt  }
0x4e: {  	_ =	shalt  }
0x4f: {  	_ =	shalt  }
0x50: {  	_ =	shalt  }
0x51: {  	_ =	shalt  }
0x52: {  	_ =	shalt  }
0x53: {  	_ =	shalt  }
0x54: {  	_ =	shalt  }
0x55: {  	_ =	shalt  }
0x56: {  	_ =	shalt  }
0x57: {  	_ =	shalt  }
0x58: {  	_ =	shalt  }
0x59: {  	_ =	shalt  }
0x5a: {  	_ =	shalt  }
0x5b: {  	_ =	shalt  }
0x5c: {  	_ =	shalt  }
0x5d: {  	_ =	shalt  }
0x5e: {  	_ =	shalt  }
0x5f: {  	_ =	shalt  }
0x60: {  	_ =	shalt  }
0x61: {  	_ =	shalt  }
0x62: {  	_ =	shalt  }
0x63: {  	_ =	shalt  }
0x64: {  	_ =	shalt  }
0x65: {  	_ =	shalt  }
0x66: {  	_ =	shalt  }
0x67: {  	_ =	shalt  }
0x68: {  	_ =	shalt  }
0x69: {  	_ =	shalt  }
0x6a: {  	_ =	shalt  }
0x6b: {  	_ =	shalt  }
0x6c: {  	_ =	shalt  }
0x6d: {  	_ =	shalt  }
0x6e: {  	_ =	shalt  }
0x6f: {  	_ =	shalt  }
0x70: {  	_ =	shalt  }
0x71: {  	_ =	shalt  }
0x72: {  	_ =	shalt  }
0x73: {  	_ =	shalt  }
0x74: {  	_ =	shalt  }
0x75: {  	_ =	shalt  }
0x76: {  	_ =	shalt  }
0x77: {  	_ =	shalt  }
0x78: {  	_ =	shalt  }
0x79: {  	_ =	shalt  }
0x7a: {  	_ =	shalt  }
0x7b: {  	_ =	shalt  }
0x7c: {  	_ =	shalt  }
0x7d: {  	_ =	shalt  }
0x7e: {  	_ =	shalt  }
0x7f: {  	_ =	shalt  }
0x80: {  	_ =	shalt  }
0x81: {  	_ =	shalt  }
0x82: {  	_ =	shalt  }
0x83: {  	_ =	shalt  }
0x84: {  	_ =	shalt  }
0x85: {  	_ =	shalt  }
0x86: {  	_ =	shalt  }
0x87: {  	_ =	shalt  }
.Lfunc_end0:
.L_simem_size_0:
called_computation_lowered:
.L_overlay_start_0:
0x88: {  	s2 =	sld [smem:$0x3FD9]  }
0x89: {  	s3 =	sld [smem:$0x3FFE];
	_ =	sdelay $0x1  }
0x8a: {  	s1 =	srdreg.scid  }
0x8b: {  	s0 =	sand.u32 $0x1, s1  }
0x8c: {  	s16 =	sshll.u32 s0, $0xA;
	s2 =	sadd.s32 s3, s2  }
0x8d: {  	s2 =	sadd.s32 s2, s16  }
0x8e: {  	[smem:$0x3FB8] =	sst s2  }
0x8f: {  	_ = 	snop  }
0x90: {  	(tm) =	ssettm $0x1  }
0x91: {  	s17 =	sld [smem:$0x3FFB];
	_ =	sdelay $0x3  }
0x92: {  	_ =	strace s17  }
0x93: {  	s2 =	sld [smem:$0x3FFC];
	_ =	sdelay $0x3  }
0x94: {  	_ =	strace s2  }
0x95: {  	s2 =	sld [smem:$0x3FFD];
	_ =	sdelay $0x3  }
0x96: {  	_ =	strace s2  }
0x97: {  	_ =	strace $0x8FFFFFFF  }
0x98: {  	s18 =	sld [smem:$0x3FDB];
	_ =	sdelay $0x1  }
0x99: {  	s19 =	simm.s32 $_scs_section_size  }
0x9a: {  	s4 =	simm.s32 $_size__tile_overlayer_lowered;
	s5 =	simm.s32 $_tile_overlayer_lowered  }
0x9b: {  	s22 =	simm.s32 $0x1BFF;
	s21 =	sshll.u32 s5, $0x1;
	s2 =	sadd.s32 s19, s18  }
0x9c: {  	s6 =	simm.s32 $0x0;
	s20 =	sshll.u32 s4, $0x1;
	s4 =	sadd.s32 s21, s2  }
0x9d: {  	[timem:s6], [sflag:s22] =	dma.local [hbm:s4], s20  }
0x9e: {  	_ =	swait.ge [sflag:s22], s20  }
0x9f: {  	s3 =	ssub.s32 $0x0, s20;
	[sflag:s22] =	ssyncset.done $0x0  }
0xa0: {  	[sflag:s22] =	ssyncadd.s32 s3;
	_ =	sdelay $0x1  }
0xa1: {  	s23 =	simm.s32 $0x1B8B  }
0xa2: {  	_ =	swait.ge [sflag:s23], $0x1  }
0xa3: {  	[sflag:s23] =	ssyncset.done $0x0  }
0xa4: {  	s25 =	simm.s32 $0x1B8E;
	s24 =	sld [smem:$0x3FFE];
	[sflag:s23] =	ssyncadd.s32 $0xFFFFFFFF  }
0xa5: {  	s26 =	simm.s32 $execute0_lowered;
	[smem:$0x3FD2] =	sst s25  }
0xa6: {  	s4 =	sshll.u32 s26, $0x1;
	_ =	strace $0x80000046;
	[dreg:$0x1] =	wrdreg $0xFFFFFFFF  }
0xa7: {  	s28 =	simm.s32 $_size_execute0_lowered;
	s2 =	sadd.s32 s2, s4;
	[dreg:$0x0] =	wrdreg $0x0  }
0xa8: {  	s4 =	sshll.u32 s28, $0x1;
	[dreg:$0x2] =	wrdreg s2  }
0xa9: {  	[dreg:$0x3] =	wrdreg s4  }
0xaa: {  	[dreg:$0x4] =	wrdreg $0xC0  }
0xab: {  	_ =	task [dreg:s6], $0x5FFFF  }
0xac: {  	[dreg:$0x1] =	wrdreg $0xFFFFFFFF  }
0xad: {  	[dreg:$0x0] =	wrdreg $0x60  }
0xae: {  	[dreg:$0x2] =	wrdreg s24  }
0xaf: {  	[dreg:$0x3] =	wrdreg $0x0  }
0xb0: {  	[dreg:$0x4] =	wrdreg $0x2800  }
0xb1: {  	[dreg:$0x5] =	wrdreg $0x5000  }
0xb2: {  	[dreg:$0x6] =	wrdreg $0x7800  }
0xb3: {  	[dreg:$0x7] =	wrdreg $0x9  }
0xb4: {  	_ =	task.clear_ibuf [dreg:s6], $0x8FFFF;
	_ =	strace $0x90000046  }
0xb5: {  	s29 =	simm.s32 $0x9;
	_ =	strace $0x80000048  }
0xb6: {  	_ =	swait.ge [sflag:s29], $0x1  }
0xb7: {  	[sflag:s29] =	ssyncadd.s32 $0xFFFFFFFF  }
0xb8: {  	_ =	strace $0x90000048  }
0xb9: {  	_ =	sfence  }
0xba: {  	s30 =	sld [smem:$0x0];
	_ =	sdelay $0x2  }
0xbb: {  	s31 =	sshll.u32 s1, $0xD;
	s1 =	sshrl.u32 s1, $0x2  }
0xbc: {  	s3 =	sand.u32 $0x4000, s31;
	s1 =	sadd.s32 s1, s30  }
0xbd: {  	s0 =	sor.u32 s3, s0;
	s1 =	sshll.u32 s1, $0x11  }
0xbe: {  	s0 =	sor.u32 s1, s0  }
0xbf: {  	s0 =	sadd.s32 $0x8F2B, s0  }
0xc0: {  	[sflag:s0] =	ssyncadd.remote.s32 $0x1  }
0xc1: {  	_ =	sfence.sel $0xFFFF  }
0xc2: {  	[dreg:$0x0] =	wrdreg $0xFFFFFFFF;
	(pc) =	sbr.abs _section_cstart, $3  }
0xc3: {  	[dreg:$0x1] =	wrdreg $0xFFFFFFFF  }
0xc4: {  	_ =	task.clear_ibuf [dreg:s6], $0x2FFFF;
	_ =	strace $0x9FFFFFFF  }
0xc5: {  	(tm) =	ssettm $0x7FFFFFFF  }
tec
execute0_lowered:
.L_overlay_start_1:
0x0: {  	(tag) =	ssettag $0x1  }
0x1: {  	s1 =	rddreg [dreg:$0x0]  }
0x2: {  	s0 =	rddreg [dreg:$0x1]  }
0x3: {  	s3 =	rddreg [dreg:$0x2]  }
0x4: {  	s4 =	rddreg [dreg:$0x3];
	s2 =	srdreg.scid  }
0x5: {  	s5 =	rddreg [dreg:$0x4];
	s8 =	stileid.u32;
	s6 =	simm.s32 $0x0  }
0x6: {  	s20 =	simm.s32 $0x3480;
	s21 =	simm.s32 $0x5;
	s22 =	simm.s32 $0xA00  }
0x7: {  	s28 =	simm.s32 $0xB80;
	s29 =	simm.s32 $0x1;
	s30 =	simm.s32 $0x2  }
0x8: {  	s31 =	simm.s32 $0x3;
	s2 =	sand.u32 $0x1, s2;
	s10 =	smul.u32 $0x280, s8  }
0x9: {  	[smem:$0x7FF] =	sst s6;
	s7 =	sshll.u32 s2, $0x4;
	s23 =	smul.u32 $0xA000, s2  }
0xa: {  	_ =	strace $0x80000047;
	s2 =	ssub.s32 $0x2, s2;
	s7 =	sor.u32 s8, s7  }
0xb: {  	s24 =	sshrl.u32 s2, $0x1;
	s9 =	sadd.s32 s10, s4;
	s7 =	smul.u32 $0x2A00, s7  }
0xc: {  	s8 =	sadd.s32 s10, s23;
	s2 =	ssub.s32 s2, s24;
	s23 =	simm.s32 $0x80  }
0xd: {  	s24 =	simm.s32 $0x3400;
	s8 =	sshrl.u32 s8, $0x3;
	s7 =	sshrl.u32 s7, $0x3  }
0xe: {  	s19 =	smax.u32 s2, $0x1;
	s2 =	simm.s32 $0x0;
	s11 =	sadd.s32 s7, s1  }
0xf: {  	s1 =	sadd.s32 s8, s1;
	s7 =	sadd.s32 s10, s0;
	s8 =	sadd.s32 s10, s3  }
0x10: {  	s10 =	sadd.s32 s10, s5;
	s12 =	sadd.s32 $0x3E00, s11;
	s25 =	sadd.s32 $0xE600, s11  }
0x11: {  	s26 =	sadd.s32 $0x18E00, s11;
	s14 =	sadd.s32 $0x23600, s11;
	s15 =	sadd.s32 $0x2DE00, s1  }
0x12: {  	s16 =	sadd.s32 $0x2E300, s1;
	s17 =	sadd.s32 $0x2E800, s1;
	[dreg:$0x6] =	wrdreg s12  }
0x13: {  	s18 =	sadd.s32 $0x2ED00, s1;
	s1 =	simm.s32 $0x4;
	[dreg:$0x7] =	wrdreg s25  }
0x14: {  	v0 =	vimm.f32 $1.000000000e+00;
	v1 =	vimm.f32 $0.0e+00;
	[dreg:$0x8] =	wrdreg s26;
	s25 =	simm.s32 $0xA80;
	s26 =	simm.s32 $0xB00  }
.LBB2_1:
0x15: {  	[tilespmem:$0x3400] =	vst v0  }
0x16: {  	[tilespmem:$0x3410] =	vst v0  }
0x17: {  	[tilespmem:$0x3420] =	vst v0  }
0x18: {  	[tilespmem:$0x3430] =	vst v0  }
0x19: {  	[tilespmem:$0x3440] =	vst v0  }
0x1a: {  	[tilespmem:$0x3450] =	vst v0  }
0x1b: {  	[tilespmem:$0x3460] =	vst v0  }
0x1c: {  	[tilespmem:$0x3470] =	vst v0  }
0x1d: {  	[tilespmem:$0x3480] =	vst v1  }
0x1e: {  	[tilespmem:$0x3490] =	vst v1  }
0x1f: {  	[tilespmem:$0x34A0] =	vst v1  }
0x20: {  	[tilespmem:$0x34B0] =	vst v1  }
0x21: {  	[tilespmem:$0x34C0] =	vst v1  }
0x22: {  	[tilespmem:$0x34D0] =	vst v1  }
0x23: {  	[tilespmem:$0x34E0] =	vst v1  }
0x24: {  	[tilespmem:$0x34F0] =	vst v1  }
0x25: {  	[tilespmem:$0x3500] =	vst v1  }
0x26: {  	[tilespmem:$0x3510] =	vst v1  }
0x27: {  	[tilespmem:$0x3520] =	vst v1  }
0x28: {  	[tilespmem:$0x3530] =	vst v1  }
0x29: {  	[tilespmem:$0x3540] =	vst v1  }
0x2a: {  	[tilespmem:$0x3550] =	vst v1  }
0x2b: {  	[tilespmem:$0x3560] =	vst v1  }
0x2c: {  	[tilespmem:$0x3570] =	vst v1  }
0x2d: {  	[tilespmem:$0x3580] =	vst v1  }
0x2e: {  	[tilespmem:$0x3590] =	vst v1  }
0x2f: {  	[tilespmem:$0x35A0] =	vst v1  }
0x30: {  	[tilespmem:$0x35B0] =	vst v1  }
0x31: {  	[tilespmem:$0x35C0] =	vst v1  }
0x32: {  	[tilespmem:$0x35D0] =	vst v1  }
0x33: {  	[tilespmem:$0x35E0] =	vst v1  }
0x34: {  	[tilespmem:$0x35F0] =	vst v1  }
0x35: {  	[tilespmem:$0x3600] =	vst v1  }
0x36: {  	[tilespmem:$0x3610] =	vst v1  }
0x37: {  	[tilespmem:$0x3620] =	vst v1  }
0x38: {  	[tilespmem:$0x3630] =	vst v1  }
0x39: {  	[tilespmem:$0x3640] =	vst v1  }
0x3a: {  	[tilespmem:$0x3650] =	vst v1  }
0x3b: {  	[tilespmem:$0x3660] =	vst v1  }
0x3c: {  	[tilespmem:$0x3670] =	vst v1  }
0x3d: {  	[tilespmem:$0x3680] =	vst v1  }
0x3e: {  	[tilespmem:$0x3690] =	vst v1  }
0x3f: {  	[tilespmem:$0x36A0] =	vst v1  }
0x40: {  	[tilespmem:$0x36B0] =	vst v1  }
0x41: {  	[tilespmem:$0x36C0] =	vst v1  }
0x42: {  	[tilespmem:$0x36D0] =	vst v1  }
0x43: {  	[tilespmem:$0x36E0] =	vst v1  }
0x44: {  	[tilespmem:$0x36F0] =	vst v1  }
0x45: {  	[spmem:s7] =	stream.linear.scatter [tilespmem:s20], [sflag:$0x5], $0x280, $0x38;
	[tilespmem:$0x3700] =	vst v63  }
0x46: {  	_ =	swait.ge [sflag:s21], $0x280  }
0x47: {  	[sflag:s21] =	ssyncset.done $0x0  }
0x48: {  	[sflag:s21] =	ssyncadd.s32 $0xFFFFFD80  }
0x49: {  	[spmem:s8] =	stream.linear.scatter [tilespmem:s20], [sflag:$0x5], $0x280, $0x38;
	[tilespmem:$0x3700] =	vst v63  }
0x4a: {  	_ =	swait.ge [sflag:s21], $0x280  }
0x4b: {  	[sflag:s21] =	ssyncset.done $0x0  }
0x4c: {  	[sflag:s21] =	ssyncadd.s32 $0xFFFFFD80  }
0x4d: {  	[spmem:s9] =	stream.linear.scatter [tilespmem:s20], [sflag:$0x5], $0x280, $0x38;
	[tilespmem:$0x3700] =	vst v63  }
0x4e: {  	_ =	swait.ge [sflag:s21], $0x280  }
0x4f: {  	[sflag:s21] =	ssyncset.done $0x0  }
0x50: {  	[sflag:s21] =	ssyncadd.s32 $0xFFFFFD80  }
0x51: {  	[spmem:s10] =	stream.linear.scatter [tilespmem:s20], [sflag:$0x5], $0x280, $0x38;
	[tilespmem:$0x3700] =	vst v63  }
0x52: {  	_ =	swait.ge [sflag:s21], $0x280  }
0x53: {  	[sflag:s21] =	ssyncset.done $0x0  }
0x54: {  	[sflag:s21] =	ssyncadd.s32 $0xFFFFFD80  }
0x55: {  	[bflag:$0x0] =	sbarrier.arrive $0xFFFF  }
0x56: {  	s11 =	rddreg [dreg:$0x6]  }
0x57: {  	[tilespmem:s22], [sflag:$0x5] =	stream.linear.gather [hbm4b:s11+s6], $0x2A00, $0x38;
	[tilespmem:$0x3700] =	vst v63  }
0x58: {  	_ =	swait.ge [sflag:s21], $0x2A00  }
0x59: {  	[sflag:s21] =	ssyncset.done $0x0  }
0x5a: {  	[sflag:s21] =	ssyncadd.s32 $0xFFFFD600  }
0x5b: {  	[spmem:s0] =	stream.indirect.scatter.add.f32 [tilespmem:s24], [sflag:$0x1], $0x1, s22, s23, $0xb8;
	[tilespmem:$0x3700] =	vst v63  }
0x5c: {  	_ = 	snop  }
0x5d: {  	[spmem:s0] =	stream.indirect.scatter.add.f32 [tilespmem:s24], [sflag:$0x2], $0x1, s25, s23, $0xb8;
	[tilespmem:$0x3700] =	vst v63  }
0x5e: {  	_ = 	snop  }
0x5f: {  	[spmem:s0] =	stream.indirect.scatter.add.f32 [tilespmem:s24], [sflag:$0x3], $0x1, s26, s23, $0xb8;
	[tilespmem:$0x3700] =	vst v63  }
0x60: {  	_ = 	snop  }
0x61: {  	[spmem:s0] =	stream.indirect.scatter.add.f32 [tilespmem:s24], [sflag:$0x4], $0x1, s28, s23, $0xb8;
	[tilespmem:$0x3700] =	vst v63  }
0x62: {  	_ =	swait.ge [sflag:s29], $0x80  }
0x63: {  	[sflag:s29] =	ssyncset.done $0x0  }
0x64: {  	s13 =	simm.s32 $0xC00;
	[sflag:s29] =	ssyncadd.s32 $0xFFFFFF80  }
0x65: {  	[spmem:s0] =	stream.indirect.scatter.add.f32 [tilespmem:s24], [sflag:$0x1], $0x1, s13, s23, $0xb8;
	[tilespmem:$0x3700] =	vst v63  }
0x66: {  	_ =	swait.ge [sflag:s30], $0x80  }
0x67: {  	[sflag:s30] =	ssyncset.done $0x0  }
0x68: {  	s12 =	simm.s32 $0xC80;
	[sflag:s30] =	ssyncadd.s32 $0xFFFFFF80  }
0x69: {  	[spmem:s0] =	stream.indirect.scatter.add.f32 [tilespmem:s24], [sflag:$0x2], $0x1, s12, s23, $0xb8;
	[tilespmem:$0x3700] =	vst v63  }
0x6a: {  	_ =	swait.ge [sflag:s31], $0x80  }
0x6b: {  	[sflag:s31] =	ssyncset.done $0x0  }
0x6c: {  	s13 =	simm.s32 $0xD00;
	[sflag:s31] =	ssyncadd.s32 $0xFFFFFF80  }
0x6d: {  	[spmem:s0] =	stream.indirect.scatter.add.f32 [tilespmem:s24], [sflag:$0x3], $0x1, s13, s23, $0xb8;
	[tilespmem:$0x3700] =	vst v63  }
0x6e: {  	_ =	swait.ge [sflag:s1], $0x80  }
0x6f: {  	[sflag:s1] =	ssyncset.done $0x0  }
0x70: {  	s11 =	simm.s32 $0xFFFF7000;
	s12 =	simm.s32 $0xD80;
	[sflag:s1] =	ssyncadd.s32 $0xFFFFFF80  }
.LBB2_2:
0x71: {  	[spmem:s0] =	stream.indirect.scatter.add.f32 [tilespmem:s24], [sflag:$0x4], $0x1, s12, s23, $0xb8;
	[tilespmem:$0x3700] =	vst v63  }
0x72: {  	s12 =	smov.u32 s11  }
0x73: {  	p0 =	sne.s32 s11, $0xFFFFF800;
	s11 =	sadd.s32 $0x800, s11;
	_ =	swait.ge [sflag:s29], $0x80  }
0x74: {  	s12 =	sshra.s32 s12, $0x2;
	[sflag:s29] =	ssyncset.done $0x0  }
0x75: {  	s13 =	sadd.s32 $0x3200, s12;
	[sflag:s29] =	ssyncadd.s32 $0xFFFFFF80  }
0x76: {  	[spmem:s0] =	stream.indirect.scatter.add.f32 [tilespmem:s24], [sflag:$0x1], $0x1, s13, s23, $0xb8;
	[tilespmem:$0x3700] =	vst v63  }
0x77: {  	_ =	swait.ge [sflag:s30], $0x80  }
0x78: {  	[sflag:s30] =	ssyncset.done $0x0  }
0x79: {  	s13 =	sadd.s32 $0x3280, s12;
	[sflag:s30] =	ssyncadd.s32 $0xFFFFFF80  }
0x7a: {  	[spmem:s0] =	stream.indirect.scatter.add.f32 [tilespmem:s24], [sflag:$0x2], $0x1, s13, s23, $0xb8;
	[tilespmem:$0x3700] =	vst v63  }
0x7b: {  	_ =	swait.ge [sflag:s31], $0x80  }
0x7c: {  	[sflag:s31] =	ssyncset.done $0x0  }
.Ltmp0:
0x7d: {  	s13 =	sadd.s32 $0x3300, s12;
	[sflag:s31] =	ssyncadd.s32 $0xFFFFFF80;
	(pc) =	sbr.rel @p0 .LBB2_2-.Ltmp0, $4  }
0x7e: {  	[spmem:s0] =	stream.indirect.scatter.add.f32 [tilespmem:s24], [sflag:$0x3], $0x1, s13, s23, $0xb8;
	[tilespmem:$0x3700] =	vst v63  }
0x7f: {  	_ =	swait.ge [sflag:s1], $0x80  }
0x80: {  	[sflag:s1] =	ssyncset.done $0x0  }
0x81: {  	s12 =	sadd.s32 $0x3380, s12;
	[sflag:s1] =	ssyncadd.s32 $0xFFFFFF80  }
0x82: {  	[spmem:s0] =	stream.indirect.scatter.add.f32 [tilespmem:s24], [sflag:$0x4], $0x1, s12, s23, $0xb8;
	[tilespmem:$0x3700] =	vst v63  }
0x83: {  	_ =	swait.ge [sflag:s29], $0x80  }
0x84: {  	[sflag:s29] =	ssyncset.done $0x0  }
0x85: {  	[sflag:s29] =	ssyncadd.s32 $0xFFFFFF80  }
0x86: {  	_ =	swait.ge [sflag:s30], $0x80  }
0x87: {  	[sflag:s30] =	ssyncset.done $0x0  }
0x88: {  	[sflag:s30] =	ssyncadd.s32 $0xFFFFFF80  }
0x89: {  	_ =	swait.ge [sflag:s31], $0x80  }
0x8a: {  	[sflag:s31] =	ssyncset.done $0x0  }
0x8b: {  	[sflag:s31] =	ssyncadd.s32 $0xFFFFFF80  }
0x8c: {  	_ =	swait.ge [sflag:s1], $0x80  }
0x8d: {  	[sflag:s1] =	ssyncset.done $0x0  }
0x8e: {  	s11 =	rddreg [dreg:$0x7];
	[sflag:s1] =	ssyncadd.s32 $0xFFFFFF80  }
0x8f: {  	[tilespmem:s22], [sflag:$0x5] =	stream.linear.gather [hbm4b:s11+s6], $0x2A00, $0x38;
	[tilespmem:$0x3700] =	vst v63  }
0x90: {  	_ =	swait.ge [sflag:s21], $0x2A00  }
0x91: {  	[sflag:s21] =	ssyncset.done $0x0  }
0x92: {  	[sflag:s21] =	ssyncadd.s32 $0xFFFFD600  }
0x93: {  	[spmem:s3] =	stream.indirect.scatter.add.f32 [tilespmem:s24], [sflag:$0x1], $0x1, s22, s23, $0xb8;
	[tilespmem:$0x3700] =	vst v63  }
0x94: {  	_ = 	snop  }
0x95: {  	[spmem:s3] =	stream.indirect.scatter.add.f32 [tilespmem:s24], [sflag:$0x2], $0x1, s25, s23, $0xb8;
	[tilespmem:$0x3700] =	vst v63  }
0x96: {  	_ = 	snop  }
0x97: {  	[spmem:s3] =	stream.indirect.scatter.add.f32 [tilespmem:s24], [sflag:$0x3], $0x1, s26, s23, $0xb8;
	[tilespmem:$0x3700] =	vst v63  }
0x98: {  	_ = 	snop  }
0x99: {  	[spmem:s3] =	stream.indirect.scatter.add.f32 [tilespmem:s24], [sflag:$0x4], $0x1, s28, s23, $0xb8;
	[tilespmem:$0x3700] =	vst v63  }
0x9a: {  	_ =	swait.ge [sflag:s29], $0x80  }
0x9b: {  	[sflag:s29] =	ssyncset.done $0x0  }
0x9c: {  	s13 =	simm.s32 $0xC00;
	[sflag:s29] =	ssyncadd.s32 $0xFFFFFF80  }
0x9d: {  	[spmem:s3] =	stream.indirect.scatter.add.f32 [tilespmem:s24], [sflag:$0x1], $0x1, s13, s23, $0xb8;
	[tilespmem:$0x3700] =	vst v63  }
0x9e: {  	_ =	swait.ge [sflag:s30], $0x80  }
0x9f: {  	[sflag:s30] =	ssyncset.done $0x0  }
0xa0: {  	s12 =	simm.s32 $0xC80;
	[sflag:s30] =	ssyncadd.s32 $0xFFFFFF80  }
0xa1: {  	[spmem:s3] =	stream.indirect.scatter.add.f32 [tilespmem:s24], [sflag:$0x2], $0x1, s12, s23, $0xb8;
	[tilespmem:$0x3700] =	vst v63  }
0xa2: {  	_ =	swait.ge [sflag:s31], $0x80  }
0xa3: {  	[sflag:s31] =	ssyncset.done $0x0  }
0xa4: {  	s13 =	simm.s32 $0xD00;
	[sflag:s31] =	ssyncadd.s32 $0xFFFFFF80  }
0xa5: {  	[spmem:s3] =	stream.indirect.scatter.add.f32 [tilespmem:s24], [sflag:$0x3], $0x1, s13, s23, $0xb8;
	[tilespmem:$0x3700] =	vst v63  }
0xa6: {  	_ =	swait.ge [sflag:s1], $0x80  }
0xa7: {  	[sflag:s1] =	ssyncset.done $0x0  }
0xa8: {  	s11 =	simm.s32 $0xFFFF7000;
	s12 =	simm.s32 $0xD80;
	[sflag:s1] =	ssyncadd.s32 $0xFFFFFF80  }
.LBB2_4:
0xa9: {  	[spmem:s3] =	stream.indirect.scatter.add.f32 [tilespmem:s24], [sflag:$0x4], $0x1, s12, s23, $0xb8;
	[tilespmem:$0x3700] =	vst v63  }
0xaa: {  	s12 =	smov.u32 s11  }
0xab: {  	p0 =	sne.s32 s11, $0xFFFFF800;
	s11 =	sadd.s32 $0x800, s11;
	_ =	swait.ge [sflag:s29], $0x80  }
0xac: {  	s12 =	sshra.s32 s12, $0x2;
	[sflag:s29] =	ssyncset.done $0x0  }
0xad: {  	s13 =	sadd.s32 $0x3200, s12;
	[sflag:s29] =	ssyncadd.s32 $0xFFFFFF80  }
0xae: {  	[spmem:s3] =	stream.indirect.scatter.add.f32 [tilespmem:s24], [sflag:$0x1], $0x1, s13, s23, $0xb8;
	[tilespmem:$0x3700] =	vst v63  }
0xaf: {  	_ =	swait.ge [sflag:s30], $0x80  }
0xb0: {  	[sflag:s30] =	ssyncset.done $0x0  }
0xb1: {  	s13 =	sadd.s32 $0x3280, s12;
	[sflag:s30] =	ssyncadd.s32 $0xFFFFFF80  }
0xb2: {  	[spmem:s3] =	stream.indirect.scatter.add.f32 [tilespmem:s24], [sflag:$0x2], $0x1, s13, s23, $0xb8;
	[tilespmem:$0x3700] =	vst v63  }
0xb3: {  	_ =	swait.ge [sflag:s31], $0x80  }
0xb4: {  	[sflag:s31] =	ssyncset.done $0x0  }
.Ltmp1:
0xb5: {  	s13 =	sadd.s32 $0x3300, s12;
	[sflag:s31] =	ssyncadd.s32 $0xFFFFFF80;
	(pc) =	sbr.rel @p0 .LBB2_4-.Ltmp1, $4  }
0xb6: {  	[spmem:s3] =	stream.indirect.scatter.add.f32 [tilespmem:s24], [sflag:$0x3], $0x1, s13, s23, $0xb8;
	[tilespmem:$0x3700] =	vst v63  }
0xb7: {  	_ =	swait.ge [sflag:s1], $0x80  }
0xb8: {  	[sflag:s1] =	ssyncset.done $0x0  }
0xb9: {  	s12 =	sadd.s32 $0x3380, s12;
	[sflag:s1] =	ssyncadd.s32 $0xFFFFFF80  }
0xba: {  	[spmem:s3] =	stream.indirect.scatter.add.f32 [tilespmem:s24], [sflag:$0x4], $0x1, s12, s23, $0xb8;
	[tilespmem:$0x3700] =	vst v63  }
0xbb: {  	_ =	swait.ge [sflag:s29], $0x80  }
0xbc: {  	[sflag:s29] =	ssyncset.done $0x0  }
0xbd: {  	[sflag:s29] =	ssyncadd.s32 $0xFFFFFF80  }
0xbe: {  	_ =	swait.ge [sflag:s30], $0x80  }
0xbf: {  	[sflag:s30] =	ssyncset.done $0x0  }
0xc0: {  	[sflag:s30] =	ssyncadd.s32 $0xFFFFFF80  }
0xc1: {  	_ =	swait.ge [sflag:s31], $0x80  }
0xc2: {  	[sflag:s31] =	ssyncset.done $0x0  }
0xc3: {  	[sflag:s31] =	ssyncadd.s32 $0xFFFFFF80  }
0xc4: {  	_ =	swait.ge [sflag:s1], $0x80  }
0xc5: {  	[sflag:s1] =	ssyncset.done $0x0  }
0xc6: {  	s11 =	rddreg [dreg:$0x8];
	[sflag:s1] =	ssyncadd.s32 $0xFFFFFF80  }
0xc7: {  	[tilespmem:s22], [sflag:$0x5] =	stream.linear.gather [hbm4b:s11+s6], $0x2A00, $0x38;
	[tilespmem:$0x3700] =	vst v63  }
0xc8: {  	_ =	swait.ge [sflag:s21], $0x2A00  }
0xc9: {  	[sflag:s21] =	ssyncset.done $0x0  }
0xca: {  	[sflag:s21] =	ssyncadd.s32 $0xFFFFD600  }
0xcb: {  	[spmem:s4] =	stream.indirect.scatter.add.f32 [tilespmem:s24], [sflag:$0x1], $0x1, s22, s23, $0xb8;
	[tilespmem:$0x3700] =	vst v63  }
0xcc: {  	_ = 	snop  }
0xcd: {  	[spmem:s4] =	stream.indirect.scatter.add.f32 [tilespmem:s24], [sflag:$0x2], $0x1, s25, s23, $0xb8;
	[tilespmem:$0x3700] =	vst v63  }
0xce: {  	_ = 	snop  }
0xcf: {  	[spmem:s4] =	stream.indirect.scatter.add.f32 [tilespmem:s24], [sflag:$0x3], $0x1, s26, s23, $0xb8;
	[tilespmem:$0x3700] =	vst v63  }
0xd0: {  	_ = 	snop  }
0xd1: {  	[spmem:s4] =	stream.indirect.scatter.add.f32 [tilespmem:s24], [sflag:$0x4], $0x1, s28, s23, $0xb8;
	[tilespmem:$0x3700] =	vst v63  }
0xd2: {  	_ =	swait.ge [sflag:s29], $0x80  }
0xd3: {  	[sflag:s29] =	ssyncset.done $0x0  }
0xd4: {  	s13 =	simm.s32 $0xC00;
	[sflag:s29] =	ssyncadd.s32 $0xFFFFFF80  }
0xd5: {  	[spmem:s4] =	stream.indirect.scatter.add.f32 [tilespmem:s24], [sflag:$0x1], $0x1, s13, s23, $0xb8;
	[tilespmem:$0x3700] =	vst v63  }
0xd6: {  	_ =	swait.ge [sflag:s30], $0x80  }
0xd7: {  	[sflag:s30] =	ssyncset.done $0x0  }
0xd8: {  	s12 =	simm.s32 $0xC80;
	[sflag:s30] =	ssyncadd.s32 $0xFFFFFF80  }
0xd9: {  	[spmem:s4] =	stream.indirect.scatter.add.f32 [tilespmem:s24], [sflag:$0x2], $0x1, s12, s23, $0xb8;
	[tilespmem:$0x3700] =	vst v63  }
0xda: {  	_ =	swait.ge [sflag:s31], $0x80  }
0xdb: {  	[sflag:s31] =	ssyncset.done $0x0  }
0xdc: {  	s13 =	simm.s32 $0xD00;
	[sflag:s31] =	ssyncadd.s32 $0xFFFFFF80  }
0xdd: {  	[spmem:s4] =	stream.indirect.scatter.add.f32 [tilespmem:s24], [sflag:$0x3], $0x1, s13, s23, $0xb8;
	[tilespmem:$0x3700] =	vst v63  }
0xde: {  	_ =	swait.ge [sflag:s1], $0x80  }
0xdf: {  	[sflag:s1] =	ssyncset.done $0x0  }
0xe0: {  	s11 =	simm.s32 $0xFFFF7000;
	s12 =	simm.s32 $0xD80;
	[sflag:s1] =	ssyncadd.s32 $0xFFFFFF80  }
.LBB2_6:
0xe1: {  	[spmem:s4] =	stream.indirect.scatter.add.f32 [tilespmem:s24], [sflag:$0x4], $0x1, s12, s23, $0xb8;
	[tilespmem:$0x3700] =	vst v63  }
0xe2: {  	s12 =	smov.u32 s11  }
0xe3: {  	p0 =	sne.s32 s11, $0xFFFFF800;
	s11 =	sadd.s32 $0x800, s11;
	_ =	swait.ge [sflag:s29], $0x80  }
0xe4: {  	s12 =	sshra.s32 s12, $0x2;
	[sflag:s29] =	ssyncset.done $0x0  }
0xe5: {  	s13 =	sadd.s32 $0x3200, s12;
	[sflag:s29] =	ssyncadd.s32 $0xFFFFFF80  }
0xe6: {  	[spmem:s4] =	stream.indirect.scatter.add.f32 [tilespmem:s24], [sflag:$0x1], $0x1, s13, s23, $0xb8;
	[tilespmem:$0x3700] =	vst v63  }
0xe7: {  	_ =	swait.ge [sflag:s30], $0x80  }
0xe8: {  	[sflag:s30] =	ssyncset.done $0x0  }
0xe9: {  	s13 =	sadd.s32 $0x3280, s12;
	[sflag:s30] =	ssyncadd.s32 $0xFFFFFF80  }
0xea: {  	[spmem:s4] =	stream.indirect.scatter.add.f32 [tilespmem:s24], [sflag:$0x2], $0x1, s13, s23, $0xb8;
	[tilespmem:$0x3700] =	vst v63  }
0xeb: {  	_ =	swait.ge [sflag:s31], $0x80  }
0xec: {  	[sflag:s31] =	ssyncset.done $0x0  }
.Ltmp2:
0xed: {  	s13 =	sadd.s32 $0x3300, s12;
	[sflag:s31] =	ssyncadd.s32 $0xFFFFFF80;
	(pc) =	sbr.rel @p0 .LBB2_6-.Ltmp2, $4  }
0xee: {  	[spmem:s4] =	stream.indirect.scatter.add.f32 [tilespmem:s24], [sflag:$0x3], $0x1, s13, s23, $0xb8;
	[tilespmem:$0x3700] =	vst v63  }
0xef: {  	_ =	swait.ge [sflag:s1], $0x80  }
0xf0: {  	[sflag:s1] =	ssyncset.done $0x0  }
0xf1: {  	s12 =	sadd.s32 $0x3380, s12;
	[sflag:s1] =	ssyncadd.s32 $0xFFFFFF80  }
0xf2: {  	[spmem:s4] =	stream.indirect.scatter.add.f32 [tilespmem:s24], [sflag:$0x4], $0x1, s12, s23, $0xb8;
	[tilespmem:$0x3700] =	vst v63  }
0xf3: {  	_ =	swait.ge [sflag:s29], $0x80  }
0xf4: {  	[sflag:s29] =	ssyncset.done $0x0  }
0xf5: {  	[sflag:s29] =	ssyncadd.s32 $0xFFFFFF80  }
0xf6: {  	_ =	swait.ge [sflag:s30], $0x80  }
0xf7: {  	[sflag:s30] =	ssyncset.done $0x0  }
0xf8: {  	[sflag:s30] =	ssyncadd.s32 $0xFFFFFF80  }
0xf9: {  	_ =	swait.ge [sflag:s31], $0x80  }
0xfa: {  	[sflag:s31] =	ssyncset.done $0x0  }
0xfb: {  	[sflag:s31] =	ssyncadd.s32 $0xFFFFFF80  }
0xfc: {  	_ =	swait.ge [sflag:s1], $0x80  }
0xfd: {  	[sflag:s1] =	ssyncset.done $0x0  }
0xfe: {  	[sflag:s1] =	ssyncadd.s32 $0xFFFFFF80  }
0xff: {  	[tilespmem:s22], [sflag:$0x5] =	stream.linear.gather [hbm4b:s14+s6], $0x2A00, $0x38;
	[tilespmem:$0x3700] =	vst v63  }
0x100: {  	_ =	swait.ge [sflag:s21], $0x2A00  }
0x101: {  	[sflag:s21] =	ssyncset.done $0x0  }
0x102: {  	[sflag:s21] =	ssyncadd.s32 $0xFFFFD600  }
0x103: {  	[spmem:s5] =	stream.indirect.scatter.add.f32 [tilespmem:s24], [sflag:$0x1], $0x1, s22, s23, $0xb8;
	[tilespmem:$0x3700] =	vst v63  }
0x104: {  	_ = 	snop  }
0x105: {  	[spmem:s5] =	stream.indirect.scatter.add.f32 [tilespmem:s24], [sflag:$0x2], $0x1, s25, s23, $0xb8;
	[tilespmem:$0x3700] =	vst v63  }
0x106: {  	_ = 	snop  }
0x107: {  	[spmem:s5] =	stream.indirect.scatter.add.f32 [tilespmem:s24], [sflag:$0x3], $0x1, s26, s23, $0xb8;
	[tilespmem:$0x3700] =	vst v63  }
0x108: {  	_ = 	snop  }
0x109: {  	[spmem:s5] =	stream.indirect.scatter.add.f32 [tilespmem:s24], [sflag:$0x4], $0x1, s28, s23, $0xb8;
	[tilespmem:$0x3700] =	vst v63  }
0x10a: {  	_ =	swait.ge [sflag:s29], $0x80  }
0x10b: {  	[sflag:s29] =	ssyncset.done $0x0  }
0x10c: {  	s11 =	simm.s32 $0xC00;
	[sflag:s29] =	ssyncadd.s32 $0xFFFFFF80  }
0x10d: {  	[spmem:s5] =	stream.indirect.scatter.add.f32 [tilespmem:s24], [sflag:$0x1], $0x1, s11, s23, $0xb8;
	[tilespmem:$0x3700] =	vst v63  }
0x10e: {  	_ =	swait.ge [sflag:s30], $0x80  }
0x10f: {  	[sflag:s30] =	ssyncset.done $0x0  }
0x110: {  	s12 =	simm.s32 $0xC80;
	[sflag:s30] =	ssyncadd.s32 $0xFFFFFF80  }
0x111: {  	[spmem:s5] =	stream.indirect.scatter.add.f32 [tilespmem:s24], [sflag:$0x2], $0x1, s12, s23, $0xb8;
	[tilespmem:$0x3700] =	vst v63  }
0x112: {  	_ =	swait.ge [sflag:s31], $0x80  }
0x113: {  	[sflag:s31] =	ssyncset.done $0x0  }
0x114: {  	s13 =	simm.s32 $0xD00;
	[sflag:s31] =	ssyncadd.s32 $0xFFFFFF80  }
0x115: {  	[spmem:s5] =	stream.indirect.scatter.add.f32 [tilespmem:s24], [sflag:$0x3], $0x1, s13, s23, $0xb8;
	[tilespmem:$0x3700] =	vst v63  }
0x116: {  	_ =	swait.ge [sflag:s1], $0x80  }
0x117: {  	[sflag:s1] =	ssyncset.done $0x0  }
0x118: {  	s11 =	simm.s32 $0xFFFF7000;
	s12 =	simm.s32 $0xD80;
	[sflag:s1] =	ssyncadd.s32 $0xFFFFFF80  }
.LBB2_8:
0x119: {  	[spmem:s5] =	stream.indirect.scatter.add.f32 [tilespmem:s24], [sflag:$0x4], $0x1, s12, s23, $0xb8;
	[tilespmem:$0x3700] =	vst v63  }
0x11a: {  	s12 =	smov.u32 s11  }
0x11b: {  	p0 =	sne.s32 s11, $0xFFFFF800;
	s11 =	sadd.s32 $0x800, s11;
	_ =	swait.ge [sflag:s29], $0x80  }
0x11c: {  	s12 =	sshra.s32 s12, $0x2;
	[sflag:s29] =	ssyncset.done $0x0  }
0x11d: {  	s13 =	sadd.s32 $0x3200, s12;
	[sflag:s29] =	ssyncadd.s32 $0xFFFFFF80  }
0x11e: {  	[spmem:s5] =	stream.indirect.scatter.add.f32 [tilespmem:s24], [sflag:$0x1], $0x1, s13, s23, $0xb8;
	[tilespmem:$0x3700] =	vst v63  }
0x11f: {  	_ =	swait.ge [sflag:s30], $0x80  }
0x120: {  	[sflag:s30] =	ssyncset.done $0x0  }
0x121: {  	s13 =	sadd.s32 $0x3280, s12;
	[sflag:s30] =	ssyncadd.s32 $0xFFFFFF80  }
0x122: {  	[spmem:s5] =	stream.indirect.scatter.add.f32 [tilespmem:s24], [sflag:$0x2], $0x1, s13, s23, $0xb8;
	[tilespmem:$0x3700] =	vst v63  }
0x123: {  	_ =	swait.ge [sflag:s31], $0x80  }
0x124: {  	[sflag:s31] =	ssyncset.done $0x0  }
.Ltmp3:
0x125: {  	s13 =	sadd.s32 $0x3300, s12;
	[sflag:s31] =	ssyncadd.s32 $0xFFFFFF80;
	(pc) =	sbr.rel @p0 .LBB2_8-.Ltmp3, $4  }
0x126: {  	[spmem:s5] =	stream.indirect.scatter.add.f32 [tilespmem:s24], [sflag:$0x3], $0x1, s13, s23, $0xb8;
	[tilespmem:$0x3700] =	vst v63  }
0x127: {  	_ =	swait.ge [sflag:s1], $0x80  }
0x128: {  	[sflag:s1] =	ssyncset.done $0x0  }
0x129: {  	s12 =	sadd.s32 $0x3380, s12;
	[sflag:s1] =	ssyncadd.s32 $0xFFFFFF80  }
0x12a: {  	[spmem:s5] =	stream.indirect.scatter.add.f32 [tilespmem:s24], [sflag:$0x4], $0x1, s12, s23, $0xb8;
	[tilespmem:$0x3700] =	vst v63  }
0x12b: {  	_ =	swait.ge [sflag:s29], $0x80  }
0x12c: {  	[sflag:s29] =	ssyncset.done $0x0  }
0x12d: {  	[sflag:s29] =	ssyncadd.s32 $0xFFFFFF80  }
0x12e: {  	_ =	swait.ge [sflag:s30], $0x80  }
0x12f: {  	[sflag:s30] =	ssyncset.done $0x0  }
0x130: {  	[sflag:s30] =	ssyncadd.s32 $0xFFFFFF80  }
0x131: {  	_ =	swait.ge [sflag:s31], $0x80  }
0x132: {  	[sflag:s31] =	ssyncset.done $0x0  }
0x133: {  	[sflag:s31] =	ssyncadd.s32 $0xFFFFFF80  }
0x134: {  	_ =	swait.ge [sflag:s1], $0x80  }
0x135: {  	s11 =	stileid.u32;
	[sflag:s1] =	ssyncset.done $0x0  }
0x136: {  	s11 =	sshll.u32 s11, $0x6;
	[sflag:s1] =	ssyncadd.s32 $0xFFFFFF80  }
0x137: {  	s13 =	sshrl.u32 s7, $0x3;
	s11 =	sor.u32 $0x1C05, s11;
	[bflag:$0x0] =	sbarrier.arrive $0xFFFF  }
0x138: {  	[hbm:s15], [sflag:s11] =	dma.local [spmem:s13], $0x50  }
0x139: {  	_ =	swait.ge [sflag:s21], $0x50  }
0x13a: {  	[sflag:s21] =	ssyncset.done $0x0  }
0x13b: {  	s13 =	sshrl.u32 s8, $0x3;
	[sflag:s21] =	ssyncadd.s32 $0xFFFFFFB0  }
0x13c: {  	[hbm:s16], [sflag:s11] =	dma.local [spmem:s13], $0x50  }
0x13d: {  	_ =	swait.ge [sflag:s21], $0x50  }
0x13e: {  	[sflag:s21] =	ssyncset.done $0x0  }
0x13f: {  	s13 =	sshrl.u32 s9, $0x3;
	[sflag:s21] =	ssyncadd.s32 $0xFFFFFFB0  }
0x140: {  	[hbm:s17], [sflag:s11] =	dma.local [spmem:s13], $0x50  }
0x141: {  	s2 =	sadd.s32 $0x1, s2;
	_ =	swait.ge [sflag:s21], $0x50  }
0x142: {  	p0 =	sne.s32 s2, s19;
	[sflag:s21] =	ssyncset.done $0x0  }
.Ltmp4:
0x143: {  	s13 =	sshrl.u32 s10, $0x3;
	[sflag:s21] =	ssyncadd.s32 $0xFFFFFFB0;
	(pc) =	sbr.rel @p0 .LBB2_1-.Ltmp4, $4  }
0x144: {  	[hbm:s18], [sflag:s11] =	dma.local [spmem:s13], $0x50  }
0x145: {  	_ =	swait.ge [sflag:s21], $0x50  }
0x146: {  	[sflag:s21] =	ssyncset.done $0x0  }
0x147: {  	[sflag:s21] =	ssyncadd.s32 $0xFFFFFFB0  }
0x148: {  	_ =	sfence.sel $0x180000  }
0x149: {  	[bflag:$0x0] =	sbarrier.arrive $0xFFFF  }
0x14a: {  	_ =	strace $0x90000047  }
0x14b: {  	s0 =	stileid.u32;
	[bflag:$0x2] =	sbarrier.arrive $0xFFFF  }
0x14c: {  	p0 =	sne.s32 s0, $0x0;
	s0 =	rddreg [dreg:$0x5]  }
0x14d: {  	s0 =	sadd.s32 @!p0 $0x100000, s0  }
0x14e: {  	[sflag:s0] =	ssyncadd.tile.s32 @!p0 $0x1;
	_ =	shalt  }
.Lfunc_end2:
_tile_overlayer_lowered:
.L_overlay_start_2:
0x14f: {  	(tag) =	ssettag $0x2  }
0x150: {  	s0 =	rddreg [dreg:$0x0];
	s2 =	stileid.u32  }
0x151: {  	s1 =	rddreg [dreg:$0x1];
	p0 =	sne.s32 s2, $0x0  }
0x152: {  	s3 =	rddreg [dreg:$0x2];
	[bflag:$0x3] =	sbarrier.arrive $0xFFFF;
	s2 =	simm.s32 @!p0 $0x1C05  }
0x153: {  	[timem:s3], [sflag:s2] =	dma.local @!p0 [hbm:s0], s1  }
0x154: {  	s0 =	simm.s32 @!p0 $0x5  }
0x155: {  	_ =	swait.ge @!p0 [sflag:s0], s1  }
0x156: {  	s1 =	ssub.s32 @!p0 $0x0, s1;
	[sflag:s0] =	ssyncset.done @!p0 $0x0  }
0x157: {  	[sflag:s0] =	ssyncadd.s32 @!p0 s1  }
0x158: {  	[bflag:$0x3] =	sbarrier.arrive $0xFFFF  }
0x159: {  	_ =	shalt  }

// kernel: gcn_msgpass_l1so_sc.3.cloned.1.call-start
scs
__scs_entry_jumppad:
0x0: {  	(pc) =	sbr.rel $0x88, $3  }
0x1: {  	(tag) =	ssettag $0x0;
	lr =	simm.s32 $0x1  }
0x2: {  	[smem:$0x3F91] =	sst lr;
	_ =	strace $0xD0000000  }
0x3: {  	_ = 	snop  }
0x4: {  	_ = 	snop  }
0x5: {  	_ = 	snop  }
0x6: {  	_ = 	snop  }
0x7: {  	_ = 	snop  }
__scs_overlays_trampoline_lowered:
0x8: {  	[smem:$0x3FA0] =	sst s0  }
0x9: {  	[smem:$0x3FA1] =	sst s1  }
0xa: {  	[smem:$0x3FA2] =	sst s2  }
0xb: {  	[smem:$0x3FA3] =	sst s3  }
0xc: {  	[smem:$0x3FA4] =	sst s4  }
0xd: {  	[smem:$0x3FA5] =	sst s5  }
0xe: {  	[smem:$0x3FA6] =	sst s6  }
0xf: {  	[smem:$0x3FA7] =	sst s7  }
0x10: {  	[smem:$0x3FA8] =	sst s8  }
0x11: {  	[smem:$0x3FA9] =	sst s9;
	s0 =	simm.s32 @!p0 $0x0  }
0x12: {  	s1 =	sld [smem:$0x3F8F];
	s0 =	simm.s32 @p0 $0x1  }
0x13: {  	[smem:$0x3FAA] =	sst s0;
	s0 =	simm.s32 @!p1 $0x0  }
0x14: {  	s2 =	sld [smem:$0x3F8E];
	s0 =	simm.s32 @p1 $0x1  }
0x15: {  	[smem:$0x3FAB] =	sst s0;
	s0 =	simm.s32 @!p2 $0x0  }
0x16: {  	s3 =	sld [smem:$0x3FDB];
	s0 =	simm.s32 @p2 $0x1  }
0x17: {  	s4 =	simm.s32 $0x1BF5;
	[smem:$0x3FAD] =	sst s0  }
0x18: {  	s0 =	sld [smem:$0x3F90];
	_ =	swait.ge [sflag:s4], $0x0  }
0x19: {  	s7 =	sld [smem:$0x3F91]  }
0x1a: {  	s8 =	sadd.s32 $0xFFFFE003, lr  }
0x1b: {  	s9 =	sadd.s32 $0xFFFFFEF7, lr;
	s5 =	simm.s32 $0xFFFFFFFF;
	p2 =	slt.u32 s8, $0xFFFFF086  }
0x1c: {  	p1 =	slt.u32 s9, $0xF7A;
	s5 =	simm.s32 @!p2 $0x0  }
0x1d: {  	s5 =	simm.s32 @p1 $0x1;
	p0 =	seq.s32 s7, s2  }
0x1e: {  	s7 =	smul.u32 @!p0 $0xF7A, s2;
	p2 =	seq.s32 @!p0 s5, $0x0  }
0x1f: {  	s9 =	smul.u32 $0xF7A, s1;
	s8 =	simm.s32 @!p0 $0x1BF5;
	p2 =	por !p2, p0  }
0x20: {  	[sflag:s8] =	ssyncset.s32 @!p0 $0xFFFFF086;
	s6 =	sadd.s32 @!p0 s3, s7;
	s7 =	simm.s32 @!p0 $0x108  }
0x21: {  	s3 =	sadd.s32 s3, s9;
	s6 =	sadd.s32 @!p0 $0x88, s6;
	s7 =	simm.s32 @p2 $0x1082  }
0x22: {  	[simem:s7], [sflag:s8] =	dma.local @!p0 [hbm:s6], $0xF7A  }
0x23: {  	s9 =	sor.u32 $0xD0000000, s2;
	s6 =	simm.s32 $0x108;
	_ =	swait.ge @!p0 [sflag:s8], $0x0  }
0x24: {  	s3 =	sadd.s32 $0x88, s3;
	s6 =	simm.s32 @!p1 $0x1082;
	[sflag:s4] =	ssyncset.s32 $0xFFFFF086  }
0x25: {  	[simem:s6], [sflag:s4] =	dma.local [hbm:s3], $0xF7A  }
0x26: {  	[smem:$0x3F91] =	sst s1;
	(tag) =	ssettag s2;
	_ =	strace s9  }
0x27: {  	s1 =	sld [smem:$0x3FA1]  }
0x28: {  	s2 =	sld [smem:$0x3FA2]  }
0x29: {  	s4 =	sld [smem:$0x3FA4]  }
0x2a: {  	p0 =	seq.s32 s5, $0x0;
	s5 =	sld [smem:$0x3FA5]  }
0x2b: {  	s6 =	sld [smem:$0x3FA6]  }
0x2c: {  	s7 =	sld [smem:$0x3FA7]  }
0x2d: {  	s3 =	simm.s32 $0x108;
	s8 =	sld [smem:$0x3FA8]  }
0x2e: {  	s3 =	simm.s32 @!p0 $0x1082;
	s9 =	sld [smem:$0x3FA9]  }
0x2f: {  	lr =	sadd.s32 s0, s3;
	s0 =	sld [smem:$0x3FA0]  }
0x30: {  	s3 =	sld [smem:$0x3FA3]  }
0x31: {  	[smem:$0x3FAC] =	sst s10  }
0x32: {  	s10 =	sld [smem:$0x3FAA];
	_ =	sdelay $0x3  }
0x33: {  	p0 =	seq.s32 s10, $0x1;
	s10 =	sld [smem:$0x3FAC];
	_ =	sdelay $0x3  }
0x34: {  	[smem:$0x3FAC] =	sst s10  }
0x35: {  	s10 =	sld [smem:$0x3FAB];
	_ =	sdelay $0x3  }
0x36: {  	p1 =	seq.s32 s10, $0x1;
	s10 =	sld [smem:$0x3FAC];
	_ =	sdelay $0x3  }
0x37: {  	[smem:$0x3FAC] =	sst s10  }
0x38: {  	s10 =	sld [smem:$0x3FAD]  }
0x39: {  	_ = 	snop;
	(pc) =	sbr.ind lr, $3  }
0x3a: {  	_ = 	snop  }
0x3b: {  	_ = 	snop  }
0x3c: {  	p2 =	seq.s32 s10, $0x1;
	s10 =	sld [smem:$0x3FAC]  }
0x3d: {  	_ =	shalt  }
0x3e: {  	_ =	shalt  }
0x3f: {  	_ =	shalt  }
0x40: {  	_ =	shalt  }
0x41: {  	_ =	shalt  }
0x42: {  	_ =	shalt  }
0x43: {  	_ =	shalt  }
0x44: {  	_ =	shalt  }
0x45: {  	_ =	shalt  }
0x46: {  	_ =	shalt  }
0x47: {  	_ =	shalt  }
0x48: {  	_ =	shalt  }
0x49: {  	_ =	shalt  }
0x4a: {  	_ =	shalt  }
0x4b: {  	_ =	shalt  }
0x4c: {  	_ =	shalt  }
0x4d: {  	_ =	shalt  }
0x4e: {  	_ =	shalt  }
0x4f: {  	_ =	shalt  }
0x50: {  	_ =	shalt  }
0x51: {  	_ =	shalt  }
0x52: {  	_ =	shalt  }
0x53: {  	_ =	shalt  }
0x54: {  	_ =	shalt  }
0x55: {  	_ =	shalt  }
0x56: {  	_ =	shalt  }
0x57: {  	_ =	shalt  }
0x58: {  	_ =	shalt  }
0x59: {  	_ =	shalt  }
0x5a: {  	_ =	shalt  }
0x5b: {  	_ =	shalt  }
0x5c: {  	_ =	shalt  }
0x5d: {  	_ =	shalt  }
0x5e: {  	_ =	shalt  }
0x5f: {  	_ =	shalt  }
0x60: {  	_ =	shalt  }
0x61: {  	_ =	shalt  }
0x62: {  	_ =	shalt  }
0x63: {  	_ =	shalt  }
0x64: {  	_ =	shalt  }
0x65: {  	_ =	shalt  }
0x66: {  	_ =	shalt  }
0x67: {  	_ =	shalt  }
0x68: {  	_ =	shalt  }
0x69: {  	_ =	shalt  }
0x6a: {  	_ =	shalt  }
0x6b: {  	_ =	shalt  }
0x6c: {  	_ =	shalt  }
0x6d: {  	_ =	shalt  }
0x6e: {  	_ =	shalt  }
0x6f: {  	_ =	shalt  }
0x70: {  	_ =	shalt  }
0x71: {  	_ =	shalt  }
0x72: {  	_ =	shalt  }
0x73: {  	_ =	shalt  }
0x74: {  	_ =	shalt  }
0x75: {  	_ =	shalt  }
0x76: {  	_ =	shalt  }
0x77: {  	_ =	shalt  }
0x78: {  	_ =	shalt  }
0x79: {  	_ =	shalt  }
0x7a: {  	_ =	shalt  }
0x7b: {  	_ =	shalt  }
0x7c: {  	_ =	shalt  }
0x7d: {  	_ =	shalt  }
0x7e: {  	_ =	shalt  }
0x7f: {  	_ =	shalt  }
0x80: {  	_ =	shalt  }
0x81: {  	_ =	shalt  }
0x82: {  	_ =	shalt  }
0x83: {  	_ =	shalt  }
0x84: {  	_ =	shalt  }
0x85: {  	_ =	shalt  }
0x86: {  	_ =	shalt  }
0x87: {  	_ =	shalt  }
.Lfunc_end0:
.L_simem_size_0:
called_computation.2_lowered:
.L_overlay_start_0:
0x88: {  	s2 =	sld [smem:$0x3FD9]  }
0x89: {  	s3 =	sld [smem:$0x3FFE];
	_ =	sdelay $0x1  }
0x8a: {  	s1 =	srdreg.scid  }
0x8b: {  	s0 =	sand.u32 $0x1, s1  }
0x8c: {  	s16 =	sshll.u32 s0, $0xA;
	s2 =	sadd.s32 s3, s2  }
0x8d: {  	s2 =	sadd.s32 s2, s16  }
0x8e: {  	[smem:$0x3FB8] =	sst s2  }
0x8f: {  	_ = 	snop  }
0x90: {  	(tm) =	ssettm $0x1  }
0x91: {  	s17 =	sld [smem:$0x3FFB];
	_ =	sdelay $0x3  }
0x92: {  	_ =	strace s17  }
0x93: {  	s2 =	sld [smem:$0x3FFC];
	_ =	sdelay $0x3  }
0x94: {  	_ =	strace s2  }
0x95: {  	s2 =	sld [smem:$0x3FFD];
	_ =	sdelay $0x3  }
0x96: {  	_ =	strace s2  }
0x97: {  	_ =	strace $0x8FFFFFFF  }
0x98: {  	s18 =	sld [smem:$0x3FDB];
	_ =	sdelay $0x1  }
0x99: {  	s19 =	simm.s32 $_scs_section_size  }
0x9a: {  	s4 =	simm.s32 $_size__tile_overlayer_lowered;
	s5 =	simm.s32 $_tile_overlayer_lowered  }
0x9b: {  	s22 =	simm.s32 $0x1BFF;
	s21 =	sshll.u32 s5, $0x1;
	s2 =	sadd.s32 s19, s18  }
0x9c: {  	s6 =	simm.s32 $0x0;
	s20 =	sshll.u32 s4, $0x1;
	s4 =	sadd.s32 s21, s2  }
0x9d: {  	[timem:s6], [sflag:s22] =	dma.local [hbm:s4], s20  }
0x9e: {  	_ =	swait.ge [sflag:s22], s20  }
0x9f: {  	s3 =	ssub.s32 $0x0, s20;
	[sflag:s22] =	ssyncset.done $0x0  }
0xa0: {  	[sflag:s22] =	ssyncadd.s32 s3;
	_ =	sdelay $0x1  }
0xa1: {  	s23 =	simm.s32 $0x1B8B  }
0xa2: {  	_ =	swait.ge [sflag:s23], $0x1  }
0xa3: {  	[sflag:s23] =	ssyncset.done $0x0  }
0xa4: {  	s25 =	simm.s32 $0x1B8E;
	s24 =	sld [smem:$0x3FFE];
	[sflag:s23] =	ssyncadd.s32 $0xFFFFFFFF  }
0xa5: {  	s26 =	simm.s32 $execute0_lowered;
	[smem:$0x3FD2] =	sst s25  }
0xa6: {  	s4 =	sshll.u32 s26, $0x1;
	_ =	strace $0x80000049;
	[dreg:$0x1] =	wrdreg $0xFFFFFFFF  }
0xa7: {  	s28 =	simm.s32 $_size_execute0_lowered;
	s2 =	sadd.s32 s2, s4;
	[dreg:$0x0] =	wrdreg $0x0  }
0xa8: {  	s4 =	sshll.u32 s28, $0x1;
	[dreg:$0x2] =	wrdreg s2  }
0xa9: {  	[dreg:$0x3] =	wrdreg s4  }
0xaa: {  	[dreg:$0x4] =	wrdreg $0xC0  }
0xab: {  	_ =	task [dreg:s6], $0x5FFFF  }
0xac: {  	[dreg:$0x1] =	wrdreg $0xFFFFFFFF  }
0xad: {  	[dreg:$0x0] =	wrdreg $0x60  }
0xae: {  	[dreg:$0x2] =	wrdreg s24  }
0xaf: {  	[dreg:$0x3] =	wrdreg $0x50000  }
0xb0: {  	[dreg:$0x4] =	wrdreg $0x0  }
0xb1: {  	[dreg:$0x5] =	wrdreg $0xA  }
0xb2: {  	_ =	task.clear_ibuf [dreg:s6], $0x6FFFF;
	_ =	strace $0x90000049  }
0xb3: {  	s29 =	simm.s32 $0xA;
	_ =	strace $0x8000004B  }
0xb4: {  	_ =	swait.ge [sflag:s29], $0x1  }
0xb5: {  	[sflag:s29] =	ssyncadd.s32 $0xFFFFFFFF  }
0xb6: {  	_ =	strace $0x9000004B  }
0xb7: {  	_ =	sfence  }
0xb8: {  	s30 =	sld [smem:$0x0];
	_ =	sdelay $0x2  }
0xb9: {  	s31 =	sshll.u32 s1, $0xD;
	s1 =	sshrl.u32 s1, $0x2  }
0xba: {  	s3 =	sand.u32 $0x4000, s31;
	s1 =	sadd.s32 s1, s30  }
0xbb: {  	s0 =	sor.u32 s3, s0;
	s1 =	sshll.u32 s1, $0x11  }
0xbc: {  	s0 =	sor.u32 s1, s0  }
0xbd: {  	s0 =	sadd.s32 $0x8F2B, s0  }
0xbe: {  	[sflag:s0] =	ssyncadd.remote.s32 $0x1  }
0xbf: {  	_ =	sfence.sel $0xFFFF  }
0xc0: {  	[dreg:$0x0] =	wrdreg $0xFFFFFFFF;
	(pc) =	sbr.abs _section_cstart, $3  }
0xc1: {  	[dreg:$0x1] =	wrdreg $0xFFFFFFFF  }
0xc2: {  	_ =	task.clear_ibuf [dreg:s6], $0x2FFFF;
	_ =	strace $0x9FFFFFFF  }
0xc3: {  	(tm) =	ssettm $0x7FFFFFFF  }
tec
execute0_lowered:
.L_overlay_start_1:
0x0: {  	(tag) =	ssettag $0x1  }
0x1: {  	s6 =	rddreg [dreg:$0x0]  }
0x2: {  	s0 =	srdreg.scid;
	s2 =	rddreg [dreg:$0x1]  }
0x3: {  	s3 =	rddreg [dreg:$0x2];
	s4 =	simm.s32 $0x0;
	s14 =	simm.s32 $0x11400  }
0x4: {  	s15 =	simm.s32 $0xA000;
	s16 =	simm.s32 $0xCA00;
	s17 =	simm.s32 $0x80  }
0x5: {  	s18 =	simm.s32 $0xF400;
	s19 =	simm.s32 $0xA080;
	s20 =	simm.s32 $0x10400  }
0x6: {  	s21 =	simm.s32 $0x1;
	s5 =	sand.u32 $0x1, s0;
	s0 =	stileid.u32  }
0x7: {  	s22 =	simm.s32 $0x2;
	[smem:$0x7FF] =	sst s4;
	s8 =	smul.u32 $0x5000, s0  }
0x8: {  	s1 =	sshll.u32 s5, $0x4;
	s9 =	smul.u32 $0x50000, s5;
	s5 =	ssub.s32 $0x2, s5  }
0x9: {  	s31 =	sshll.u32 s0, $0x6;
	s1 =	sor.u32 s0, s1;
	s29 =	sshrl.u32 s5, $0x1  }
0xa: {  	s7 =	smul.u32 $0x2A00, s1;
	s1 =	rddreg [dreg:$0x3];
	_ =	strace $0x8000004A  }
0xb: {  	s9 =	sadd.s32 s8, s9;
	s12 =	ssub.s32 s5, s29;
	s30 =	sshrl.u32 s8, $0x3  }
0xc: {  	s13 =	sadd.s32 s8, s2;
	s28 =	sshrl.u32 s9, $0x3;
	s5 =	sadd.s32 s6, s30  }
0xd: {  	s7 =	sshrl.u32 s7, $0x3;
	s11 =	sadd.s32 s28, s6;
	s5 =	sadd.s32 $0x37E00, s5  }
0xe: {  	s10 =	sadd.s32 s7, s6;
	s6 =	sor.u32 $0x1C03, s31;
	s7 =	sadd.s32 s8, s3  }
0xf: {  	s8 =	sadd.s32 $0x18E00, s10;
	s9 =	sadd.s32 $0x23600, s10;
	s10 =	sadd.s32 $0x41E00, s11  }
0x10: {  	v0 =	vimm.f32 $0.0e+00;
	s11 =	smax.u32 s12, $0x1;
	s12 =	sshrl.u32 s13, $0x3;
	s13 =	simm.s32 $0x3  }
.LBB2_1:
0x11: {  	s23 =	simm.s32 $0x80;
	s24 =	simm.s32 $0x0  }
.LBB2_2:
0x12: {  	p0 =	sne.s32 s23, $0x13F80;
	[tilespmem:s24+$0x11400] =	vst v0;
	s25 =	smov.u32 s23;
	s23 =	sadd.s32 $0x80, s23  }
.Ltmp0:
0x13: {  	[tilespmem:s24+$0x11410] =	vst v0;
	(pc) =	sbr.rel @p0 .LBB2_2-.Ltmp0, $2  }
0x14: {  	_ =	sdelay $0x2  }
0x15: {  	s24 =	sshra.s32 s25, $0x2  }
0x16: {  	[tilespmem:s24+$0x11400] =	vst v0  }
0x17: {  	[tilespmem:s24+$0x11410] =	vst v0  }
0x18: {  	[spmem:s12], [sflag:s6] =	dma.local [hbm:s5], $0xA00  }
0x19: {  	_ =	swait.ge [sflag:s13], $0xA00  }
0x1a: {  	[sflag:s13] =	ssyncset.done $0x0  }
0x1b: {  	[sflag:s13] =	ssyncadd.s32 $0xFFFFF600  }
0x1c: {  	[spmem:s7] =	stream.linear.scatter [tilespmem:s14], [sflag:$0x3], $0x5000, $0x38;
	[tilespmem:$0x16400] =	vst v63  }
0x1d: {  	_ =	swait.ge [sflag:s13], $0x5000  }
0x1e: {  	[sflag:s13] =	ssyncset.done $0x0  }
0x1f: {  	s23 =	simm.s32 $0x0;
	[sflag:s13] =	ssyncadd.s32 $0xFFFFB000  }
0x20: {  	[tilespmem:s15], [sflag:$0x3] =	stream.linear.gather [hbm4b:s8+s23], $0x2A00, $0x38;
	[tilespmem:$0x16400] =	vst v63  }
0x21: {  	_ =	swait.ge [sflag:s13], $0x2A00  }
0x22: {  	[sflag:s13] =	ssyncset.done $0x0  }
0x23: {  	[sflag:s13] =	ssyncadd.s32 $0xFFFFD600  }
0x24: {  	[tilespmem:s16], [sflag:$0x3] =	stream.linear.gather [hbm4b:s9+s23], $0x2A00, $0x38;
	[tilespmem:$0x16400] =	vst v63  }
0x25: {  	_ =	swait.ge [sflag:s13], $0x2A00  }
0x26: {  	[sflag:s13] =	ssyncset.done $0x0  }
0x27: {  	[sflag:s13] =	ssyncadd.s32 $0xFFFFD600  }
0x28: {  	[bflag:$0x0] =	sbarrier.arrive $0xFFFF  }
0x29: {  	[tilespmem:s18], [sflag:$0x1] =	stream.indirect.gather [spmem:s2], $0x20, s15, s17, $0xb8;
	[tilespmem:$0x16400] =	vst v63  }
0x2a: {  	_ = 	snop  }
0x2b: {  	[tilespmem:s20], [sflag:$0x2] =	stream.indirect.gather [spmem:s2], $0x20, s19, s17, $0xb8;
	[tilespmem:$0x16400] =	vst v63  }
0x2c: {  	_ =	swait.ge [sflag:s21], $0x1000  }
0x2d: {  	[sflag:s21] =	ssyncset.done $0x0  }
0x2e: {  	s29 =	simm.s32 $0xCA00;
	[sflag:s21] =	ssyncadd.s32 $0xFFFFF000  }
0x2f: {  	[spmem:s3] =	stream.indirect.scatter.add.f32 [tilespmem:s18], [sflag:$0x3], $0x20, s29, s17, $0xb8;
	[tilespmem:$0x16400] =	vst v63  }
0x30: {  	_ =	swait.ge [sflag:s13], $0x1000  }
0x31: {  	[sflag:s13] =	ssyncset.done $0x0  }
0x32: {  	s30 =	simm.s32 $0xA100;
	[sflag:s13] =	ssyncadd.s32 $0xFFFFF000  }
0x33: {  	[tilespmem:s18], [sflag:$0x1] =	stream.indirect.gather [spmem:s2], $0x20, s30, s17, $0xb8;
	[tilespmem:$0x16400] =	vst v63  }
0x34: {  	_ =	swait.ge [sflag:s22], $0x1000  }
0x35: {  	[sflag:s22] =	ssyncset.done $0x0  }
0x36: {  	s31 =	simm.s32 $0xCA80;
	[sflag:s22] =	ssyncadd.s32 $0xFFFFF000  }
0x37: {  	[spmem:s3] =	stream.indirect.scatter.add.f32 [tilespmem:s20], [sflag:$0x3], $0x20, s31, s17, $0xb8;
	[tilespmem:$0x16400] =	vst v63  }
0x38: {  	_ =	swait.ge [sflag:s13], $0x1000  }
0x39: {  	[sflag:s13] =	ssyncset.done $0x0  }
0x3a: {  	s24 =	simm.s32 $0xA180;
	s23 =	simm.s32 $0x400;
	[sflag:s13] =	ssyncadd.s32 $0xFFFFF000  }
.LBB2_4:
0x3b: {  	[tilespmem:s20], [sflag:$0x2] =	stream.indirect.gather [spmem:s2], $0x20, s24, s17, $0xb8;
	[tilespmem:$0x16400] =	vst v63  }
0x3c: {  	s24 =	smov.u32 s23  }
0x3d: {  	p0 =	sne.s32 s23, $0x9C00;
	s23 =	sadd.s32 $0x400, s23;
	_ =	swait.ge [sflag:s21], $0x1000  }
0x3e: {  	s24 =	sshra.s32 s24, $0x2;
	[sflag:s21] =	ssyncset.done $0x0  }
0x3f: {  	s25 =	sadd.s32 $0xCA00, s24;
	[sflag:s21] =	ssyncadd.s32 $0xFFFFF000  }
0x40: {  	[spmem:s3] =	stream.indirect.scatter.add.f32 [tilespmem:s18], [sflag:$0x3], $0x20, s25, s17, $0xb8;
	[tilespmem:$0x16400] =	vst v63  }
0x41: {  	_ =	swait.ge [sflag:s13], $0x1000  }
0x42: {  	[sflag:s13] =	ssyncset.done $0x0  }
0x43: {  	s25 =	sadd.s32 $0xA100, s24;
	[sflag:s13] =	ssyncadd.s32 $0xFFFFF000  }
0x44: {  	[tilespmem:s18], [sflag:$0x1] =	stream.indirect.gather [spmem:s2], $0x20, s25, s17, $0xb8;
	[tilespmem:$0x16400] =	vst v63  }
0x45: {  	_ =	swait.ge [sflag:s22], $0x1000  }
0x46: {  	[sflag:s22] =	ssyncset.done $0x0  }
.Ltmp1:
0x47: {  	s25 =	sadd.s32 $0xCA80, s24;
	[sflag:s22] =	ssyncadd.s32 $0xFFFFF000;
	(pc) =	sbr.rel @p0 .LBB2_4-.Ltmp1, $4  }
0x48: {  	[spmem:s3] =	stream.indirect.scatter.add.f32 [tilespmem:s20], [sflag:$0x3], $0x20, s25, s17, $0xb8;
	[tilespmem:$0x16400] =	vst v63  }
0x49: {  	_ =	swait.ge [sflag:s13], $0x1000  }
0x4a: {  	[sflag:s13] =	ssyncset.done $0x0  }
0x4b: {  	s24 =	sadd.s32 $0xA180, s24;
	[sflag:s13] =	ssyncadd.s32 $0xFFFFF000  }
0x4c: {  	[tilespmem:s20], [sflag:$0x2] =	stream.indirect.gather [spmem:s2], $0x20, s24, s17, $0xb8;
	[tilespmem:$0x16400] =	vst v63  }
0x4d: {  	_ =	swait.ge [sflag:s21], $0x1000  }
0x4e: {  	[sflag:s21] =	ssyncset.done $0x0  }
0x4f: {  	[sflag:s21] =	ssyncadd.s32 $0xFFFFF000  }
0x50: {  	_ =	swait.ge [sflag:s22], $0x1000  }
0x51: {  	s4 =	sadd.s32 $0x1, s4;
	[sflag:s22] =	ssyncset.done $0x0  }
0x52: {  	p0 =	sne.s32 s4, s11;
	[sflag:s22] =	ssyncadd.s32 $0xFFFFF000  }
.Ltmp2:
0x53: {  	s23 =	sshrl.u32 s7, $0x3;
	[bflag:$0x0] =	sbarrier.arrive $0xFFFF;
	(pc) =	sbr.rel @p0 .LBB2_1-.Ltmp2, $4  }
0x54: {  	[hbm:s10], [sflag:s6] =	dma.local [spmem:s23], $0xA00  }
0x55: {  	_ =	swait.ge [sflag:s13], $0xA00  }
0x56: {  	[sflag:s13] =	ssyncset.done $0x0  }
0x57: {  	[sflag:s13] =	ssyncadd.s32 $0xFFFFF600  }
0x58: {  	_ =	sfence.sel $0x180000  }
0x59: {  	[bflag:$0x0] =	sbarrier.arrive $0xFFFF  }
0x5a: {  	p0 =	sne.s32 s0, $0x0;
	_ =	strace $0x9000004A  }
0x5b: {  	s0 =	sadd.s32 @!p0 $0x100000, s1;
	[bflag:$0x2] =	sbarrier.arrive $0xFFFF  }
0x5c: {  	[sflag:s0] =	ssyncadd.tile.s32 @!p0 $0x1;
	_ =	shalt  }
.Lfunc_end2:
_tile_overlayer_lowered:
.L_overlay_start_2:
0x5d: {  	(tag) =	ssettag $0x2  }
0x5e: {  	s0 =	rddreg [dreg:$0x0];
	s2 =	stileid.u32  }
0x5f: {  	s1 =	rddreg [dreg:$0x1];
	p0 =	sne.s32 s2, $0x0  }
0x60: {  	s3 =	rddreg [dreg:$0x2];
	[bflag:$0x3] =	sbarrier.arrive $0xFFFF;
	s2 =	simm.s32 @!p0 $0x1C03  }
0x61: {  	[timem:s3], [sflag:s2] =	dma.local @!p0 [hbm:s0], s1  }
0x62: {  	s0 =	simm.s32 @!p0 $0x3  }
0x63: {  	_ =	swait.ge @!p0 [sflag:s0], s1  }
0x64: {  	s1 =	ssub.s32 @!p0 $0x0, s1;
	[sflag:s0] =	ssyncset.done @!p0 $0x0  }
0x65: {  	[sflag:s0] =	ssyncadd.s32 @!p0 s1  }
0x66: {  	[bflag:$0x3] =	sbarrier.arrive $0xFFFF  }
0x67: {  	_ =	shalt  }

// kernel: gcn_msgpass_l1su_sc.3.cloned.1.call-start
scs
__scs_entry_jumppad:
0x0: {  	(pc) =	sbr.rel $0x88, $3  }
0x1: {  	(tag) =	ssettag $0x0;
	lr =	simm.s32 $0x1  }
0x2: {  	[smem:$0x3F91] =	sst lr;
	_ =	strace $0xD0000000  }
0x3: {  	_ = 	snop  }
0x4: {  	_ = 	snop  }
0x5: {  	_ = 	snop  }
0x6: {  	_ = 	snop  }
0x7: {  	_ = 	snop  }
__scs_overlays_trampoline_lowered:
0x8: {  	[smem:$0x3FA0] =	sst s0  }
0x9: {  	[smem:$0x3FA1] =	sst s1  }
0xa: {  	[smem:$0x3FA2] =	sst s2  }
0xb: {  	[smem:$0x3FA3] =	sst s3  }
0xc: {  	[smem:$0x3FA4] =	sst s4  }
0xd: {  	[smem:$0x3FA5] =	sst s5  }
0xe: {  	[smem:$0x3FA6] =	sst s6  }
0xf: {  	[smem:$0x3FA7] =	sst s7  }
0x10: {  	[smem:$0x3FA8] =	sst s8  }
0x11: {  	[smem:$0x3FA9] =	sst s9;
	s0 =	simm.s32 @!p0 $0x0  }
0x12: {  	s1 =	sld [smem:$0x3F8F];
	s0 =	simm.s32 @p0 $0x1  }
0x13: {  	[smem:$0x3FAA] =	sst s0;
	s0 =	simm.s32 @!p1 $0x0  }
0x14: {  	s2 =	sld [smem:$0x3F8E];
	s0 =	simm.s32 @p1 $0x1  }
0x15: {  	[smem:$0x3FAB] =	sst s0;
	s0 =	simm.s32 @!p2 $0x0  }
0x16: {  	s3 =	sld [smem:$0x3FDB];
	s0 =	simm.s32 @p2 $0x1  }
0x17: {  	s4 =	simm.s32 $0x1BF5;
	[smem:$0x3FAD] =	sst s0  }
0x18: {  	s0 =	sld [smem:$0x3F90];
	_ =	swait.ge [sflag:s4], $0x0  }
0x19: {  	s7 =	sld [smem:$0x3F91]  }
0x1a: {  	s8 =	sadd.s32 $0xFFFFE003, lr  }
0x1b: {  	s9 =	sadd.s32 $0xFFFFFEF7, lr;
	s5 =	simm.s32 $0xFFFFFFFF;
	p2 =	slt.u32 s8, $0xFFFFF086  }
0x1c: {  	p1 =	slt.u32 s9, $0xF7A;
	s5 =	simm.s32 @!p2 $0x0  }
0x1d: {  	s5 =	simm.s32 @p1 $0x1;
	p0 =	seq.s32 s7, s2  }
0x1e: {  	s7 =	smul.u32 @!p0 $0xF7A, s2;
	p2 =	seq.s32 @!p0 s5, $0x0  }
0x1f: {  	s9 =	smul.u32 $0xF7A, s1;
	s8 =	simm.s32 @!p0 $0x1BF5;
	p2 =	por !p2, p0  }
0x20: {  	[sflag:s8] =	ssyncset.s32 @!p0 $0xFFFFF086;
	s6 =	sadd.s32 @!p0 s3, s7;
	s7 =	simm.s32 @!p0 $0x108  }
0x21: {  	s3 =	sadd.s32 s3, s9;
	s6 =	sadd.s32 @!p0 $0x88, s6;
	s7 =	simm.s32 @p2 $0x1082  }
0x22: {  	[simem:s7], [sflag:s8] =	dma.local @!p0 [hbm:s6], $0xF7A  }
0x23: {  	s9 =	sor.u32 $0xD0000000, s2;
	s6 =	simm.s32 $0x108;
	_ =	swait.ge @!p0 [sflag:s8], $0x0  }
0x24: {  	s3 =	sadd.s32 $0x88, s3;
	s6 =	simm.s32 @!p1 $0x1082;
	[sflag:s4] =	ssyncset.s32 $0xFFFFF086  }
0x25: {  	[simem:s6], [sflag:s4] =	dma.local [hbm:s3], $0xF7A  }
0x26: {  	[smem:$0x3F91] =	sst s1;
	(tag) =	ssettag s2;
	_ =	strace s9  }
0x27: {  	s1 =	sld [smem:$0x3FA1]  }
0x28: {  	s2 =	sld [smem:$0x3FA2]  }
0x29: {  	s4 =	sld [smem:$0x3FA4]  }
0x2a: {  	p0 =	seq.s32 s5, $0x0;
	s5 =	sld [smem:$0x3FA5]  }
0x2b: {  	s6 =	sld [smem:$0x3FA6]  }
0x2c: {  	s7 =	sld [smem:$0x3FA7]  }
0x2d: {  	s3 =	simm.s32 $0x108;
	s8 =	sld [smem:$0x3FA8]  }
0x2e: {  	s3 =	simm.s32 @!p0 $0x1082;
	s9 =	sld [smem:$0x3FA9]  }
0x2f: {  	lr =	sadd.s32 s0, s3;
	s0 =	sld [smem:$0x3FA0]  }
0x30: {  	s3 =	sld [smem:$0x3FA3]  }
0x31: {  	[smem:$0x3FAC] =	sst s10  }
0x32: {  	s10 =	sld [smem:$0x3FAA];
	_ =	sdelay $0x3  }
0x33: {  	p0 =	seq.s32 s10, $0x1;
	s10 =	sld [smem:$0x3FAC];
	_ =	sdelay $0x3  }
0x34: {  	[smem:$0x3FAC] =	sst s10  }
0x35: {  	s10 =	sld [smem:$0x3FAB];
	_ =	sdelay $0x3  }
0x36: {  	p1 =	seq.s32 s10, $0x1;
	s10 =	sld [smem:$0x3FAC];
	_ =	sdelay $0x3  }
0x37: {  	[smem:$0x3FAC] =	sst s10  }
0x38: {  	s10 =	sld [smem:$0x3FAD]  }
0x39: {  	_ = 	snop;
	(pc) =	sbr.ind lr, $3  }
0x3a: {  	_ = 	snop  }
0x3b: {  	_ = 	snop  }
0x3c: {  	p2 =	seq.s32 s10, $0x1;
	s10 =	sld [smem:$0x3FAC]  }
0x3d: {  	_ =	shalt  }
0x3e: {  	_ =	shalt  }
0x3f: {  	_ =	shalt  }
0x40: {  	_ =	shalt  }
0x41: {  	_ =	shalt  }
0x42: {  	_ =	shalt  }
0x43: {  	_ =	shalt  }
0x44: {  	_ =	shalt  }
0x45: {  	_ =	shalt  }
0x46: {  	_ =	shalt  }
0x47: {  	_ =	shalt  }
0x48: {  	_ =	shalt  }
0x49: {  	_ =	shalt  }
0x4a: {  	_ =	shalt  }
0x4b: {  	_ =	shalt  }
0x4c: {  	_ =	shalt  }
0x4d: {  	_ =	shalt  }
0x4e: {  	_ =	shalt  }
0x4f: {  	_ =	shalt  }
0x50: {  	_ =	shalt  }
0x51: {  	_ =	shalt  }
0x52: {  	_ =	shalt  }
0x53: {  	_ =	shalt  }
0x54: {  	_ =	shalt  }
0x55: {  	_ =	shalt  }
0x56: {  	_ =	shalt  }
0x57: {  	_ =	shalt  }
0x58: {  	_ =	shalt  }
0x59: {  	_ =	shalt  }
0x5a: {  	_ =	shalt  }
0x5b: {  	_ =	shalt  }
0x5c: {  	_ =	shalt  }
0x5d: {  	_ =	shalt  }
0x5e: {  	_ =	shalt  }
0x5f: {  	_ =	shalt  }
0x60: {  	_ =	shalt  }
0x61: {  	_ =	shalt  }
0x62: {  	_ =	shalt  }
0x63: {  	_ =	shalt  }
0x64: {  	_ =	shalt  }
0x65: {  	_ =	shalt  }
0x66: {  	_ =	shalt  }
0x67: {  	_ =	shalt  }
0x68: {  	_ =	shalt  }
0x69: {  	_ =	shalt  }
0x6a: {  	_ =	shalt  }
0x6b: {  	_ =	shalt  }
0x6c: {  	_ =	shalt  }
0x6d: {  	_ =	shalt  }
0x6e: {  	_ =	shalt  }
0x6f: {  	_ =	shalt  }
0x70: {  	_ =	shalt  }
0x71: {  	_ =	shalt  }
0x72: {  	_ =	shalt  }
0x73: {  	_ =	shalt  }
0x74: {  	_ =	shalt  }
0x75: {  	_ =	shalt  }
0x76: {  	_ =	shalt  }
0x77: {  	_ =	shalt  }
0x78: {  	_ =	shalt  }
0x79: {  	_ =	shalt  }
0x7a: {  	_ =	shalt  }
0x7b: {  	_ =	shalt  }
0x7c: {  	_ =	shalt  }
0x7d: {  	_ =	shalt  }
0x7e: {  	_ =	shalt  }
0x7f: {  	_ =	shalt  }
0x80: {  	_ =	shalt  }
0x81: {  	_ =	shalt  }
0x82: {  	_ =	shalt  }
0x83: {  	_ =	shalt  }
0x84: {  	_ =	shalt  }
0x85: {  	_ =	shalt  }
0x86: {  	_ =	shalt  }
0x87: {  	_ =	shalt  }
.Lfunc_end0:
.L_simem_size_0:
called_computation.1_lowered:
.L_overlay_start_0:
0x88: {  	s2 =	sld [smem:$0x3FD9]  }
0x89: {  	s3 =	sld [smem:$0x3FFE];
	_ =	sdelay $0x1  }
0x8a: {  	s1 =	srdreg.scid  }
0x8b: {  	s0 =	sand.u32 $0x1, s1  }
0x8c: {  	s17 =	sshll.u32 s0, $0xA;
	s2 =	sadd.s32 s3, s2  }
0x8d: {  	s2 =	sadd.s32 s2, s17  }
0x8e: {  	[smem:$0x3FB8] =	sst s2  }
0x8f: {  	_ = 	snop  }
0x90: {  	(tm) =	ssettm $0x1  }
0x91: {  	s18 =	sld [smem:$0x3FFB];
	_ =	sdelay $0x3  }
0x92: {  	_ =	strace s18  }
0x93: {  	s2 =	sld [smem:$0x3FFC];
	_ =	sdelay $0x3  }
0x94: {  	_ =	strace s2  }
0x95: {  	s2 =	sld [smem:$0x3FFD];
	_ =	sdelay $0x3  }
0x96: {  	_ =	strace s2  }
0x97: {  	_ =	strace $0x8FFFFFFF  }
0x98: {  	s19 =	sld [smem:$0x3FDB];
	_ =	sdelay $0x1  }
0x99: {  	s20 =	simm.s32 $_scs_section_size  }
0x9a: {  	s4 =	simm.s32 $_size__tile_overlayer_lowered;
	s5 =	simm.s32 $_tile_overlayer_lowered  }
0x9b: {  	s6 =	simm.s32 $0x1BFF;
	s21 =	sshll.u32 s5, $0x1;
	s3 =	sadd.s32 s20, s19  }
0x9c: {  	s22 =	simm.s32 $0x0;
	s4 =	sshll.u32 s4, $0x1;
	s5 =	sadd.s32 s21, s3  }
0x9d: {  	[timem:s22], [sflag:s6] =	dma.local [hbm:s5], s4  }
0x9e: {  	_ =	swait.ge [sflag:s6], s4  }
0x9f: {  	s4 =	ssub.s32 $0x0, s4;
	[sflag:s6] =	ssyncset.done $0x0  }
0xa0: {  	[sflag:s6] =	ssyncadd.s32 s4;
	_ =	sdelay $0x1  }
0xa1: {  	s23 =	simm.s32 $0x1B8B  }
0xa2: {  	_ =	swait.ge [sflag:s23], $0x1  }
0xa3: {  	[sflag:s23] =	ssyncset.done $0x0  }
0xa4: {  	[sflag:s23] =	ssyncadd.s32 $0xFFFFFFFF  }
0xa5: {  	s4 =	sld [smem:$0x0]  }
0xa6: {  	s5 =	sand.u32 $0xFFFFFFFE, s1  }
0xa7: {  	p0 =	sne.s32 s1, s5  }
0xa8: {  	s5 =	sshll.u32 @p0 s5, $0xE  }
0xa9: {  	s5 =	sadd.s32 @p0 $0x11B8D, s5;
	s6 =	sshll.u32 @p0 s4, $0x11  }
0xaa: {  	s5 =	sor.u32 @p0 s6, s5  }
0xab: {  	[sflag:s5] =	ssyncadd.remote.s32 @p0 $0x1;
	_ =	sdelay $0x1  }
0xac: {  	s5 =	simm.s32 @p0 $0x1B8D  }
0xad: {  	_ =	swait.eq @p0 [sflag:s5], $0x1  }
0xae: {  	[sflag:s5] =	ssyncadd.s32 @p0 $0xFFFFFFFF  }
0xaf: {  	s6 =	sshll.u32 @!p0 s1, $0xE  }
0xb0: {  	s6 =	sor.u32 @!p0 $0x4000, s6;
	s5 =	simm.s32 @!p0 $0x1B8D  }
0xb1: {  	s4 =	sshll.u32 @!p0 s4, $0x11;
	s6 =	sadd.s32 @!p0 $0x11B8D, s6;
	_ =	swait.eq @!p0 [sflag:s5], $0x1  }
0xb2: {  	s4 =	sor.u32 @!p0 s4, s6;
	[sflag:s5] =	ssyncadd.s32 @!p0 $0xFFFFFFFF  }
0xb3: {  	s25 =	simm.s32 $0x1B8E;
	s24 =	sld [smem:$0x3FFE];
	[sflag:s4] =	ssyncadd.remote.s32 @!p0 $0x1  }
0xb4: {  	s26 =	simm.s32 $execute0_lowered;
	[smem:$0x3FD2] =	sst s25  }
0xb5: {  	s5 =	sshll.u32 s26, $0x1;
	_ =	strace $0x8000004C;
	[dreg:$0x1] =	wrdreg $0xFFFFFFFF  }
0xb6: {  	s28 =	simm.s32 $_size_execute0_lowered;
	s3 =	sadd.s32 s3, s5;
	[dreg:$0x0] =	wrdreg $0x0  }
0xb7: {  	s5 =	sshll.u32 s28, $0x1;
	[dreg:$0x2] =	wrdreg s3  }
0xb8: {  	[dreg:$0x3] =	wrdreg s5  }
0xb9: {  	[dreg:$0x4] =	wrdreg $0xC0  }
0xba: {  	_ =	task [dreg:s22], $0x5FFFF  }
0xbb: {  	[dreg:$0x1] =	wrdreg $0xFFFFFFFF  }
0xbc: {  	[dreg:$0x0] =	wrdreg $0x60  }
0xbd: {  	[dreg:$0x2] =	wrdreg s24  }
0xbe: {  	[dreg:$0x3] =	wrdreg $0x50000  }
0xbf: {  	[dreg:$0x4] =	wrdreg $0x0  }
0xc0: {  	[dreg:$0x5] =	wrdreg $0x9  }
0xc1: {  	_ =	task.clear_ibuf [dreg:s22], $0x6FFFF;
	_ =	strace $0x9000004C  }
0xc2: {  	s29 =	simm.s32 $0x9;
	_ =	strace $0x8000004E  }
0xc3: {  	_ =	swait.ge [sflag:s29], $0x1  }
0xc4: {  	[sflag:s29] =	ssyncadd.s32 $0xFFFFFFFF  }
0xc5: {  	_ =	strace $0x9000004E  }
0xc6: {  	_ =	sfence  }
0xc7: {  	s30 =	sld [smem:$0x0];
	_ =	sdelay $0x2  }
0xc8: {  	s31 =	sshll.u32 s1, $0xD;
	s1 =	sshrl.u32 s1, $0x2  }
0xc9: {  	s4 =	sand.u32 $0x4000, s31;
	s1 =	sadd.s32 s1, s30  }
0xca: {  	s0 =	sor.u32 s4, s0;
	s1 =	sshll.u32 s1, $0x11  }
0xcb: {  	s0 =	sor.u32 s1, s0  }
0xcc: {  	s0 =	sadd.s32 $0x8F2B, s0  }
0xcd: {  	[sflag:s0] =	ssyncadd.remote.s32 $0x1  }
0xce: {  	_ =	sfence.sel $0xFFFF  }
0xcf: {  	[dreg:$0x0] =	wrdreg $0xFFFFFFFF;
	(pc) =	sbr.abs _section_cstart, $3  }
0xd0: {  	[dreg:$0x1] =	wrdreg $0xFFFFFFFF  }
0xd1: {  	_ =	task.clear_ibuf [dreg:s22], $0x2FFFF;
	_ =	strace $0x9FFFFFFF  }
0xd2: {  	(tm) =	ssettm $0x7FFFFFFF  }
0xd3: {  	_ =	shalt  }
tec
execute0_lowered:
.L_overlay_start_1:
0x0: {  	(tag) =	ssettag $0x1  }
0x1: {  	s6 =	rddreg [dreg:$0x0]  }
0x2: {  	s0 =	srdreg.scid;
	s2 =	rddreg [dreg:$0x1]  }
0x3: {  	s3 =	rddreg [dreg:$0x2];
	s4 =	simm.s32 $0x0;
	s14 =	simm.s32 $0x11400  }
0x4: {  	s15 =	simm.s32 $0xA000;
	s16 =	simm.s32 $0xCA00;
	s17 =	simm.s32 $0x80  }
0x5: {  	s18 =	simm.s32 $0xF400;
	s19 =	simm.s32 $0xA080;
	s20 =	simm.s32 $0x10400  }
0x6: {  	s21 =	simm.s32 $0x1;
	s5 =	sand.u32 $0x1, s0;
	s0 =	stileid.u32  }
0x7: {  	s22 =	simm.s32 $0x2;
	[smem:$0x7FF] =	sst s4;
	s8 =	smul.u32 $0x5000, s0  }
0x8: {  	s1 =	sshll.u32 s5, $0x4;
	s9 =	smul.u32 $0x50000, s5;
	s5 =	ssub.s32 $0x2, s5  }
0x9: {  	s31 =	sshll.u32 s0, $0x6;
	s1 =	sor.u32 s0, s1;
	s30 =	sshrl.u32 s5, $0x1  }
0xa: {  	s7 =	smul.u32 $0x2A00, s1;
	s1 =	rddreg [dreg:$0x3];
	_ =	strace $0x8000004D  }
0xb: {  	s28 =	sadd.s32 s8, s9;
	s29 =	sshrl.u32 s8, $0x3;
	s12 =	ssub.s32 s5, s30  }
0xc: {  	s13 =	sadd.s32 s8, s2;
	s9 =	sadd.s32 s29, s6;
	s7 =	sshrl.u32 s7, $0x3  }
0xd: {  	s5 =	sadd.s32 $0x2DE00, s9;
	s10 =	sadd.s32 s7, s6;
	s7 =	sshrl.u32 s28, $0x3  }
0xe: {  	s11 =	sadd.s32 s7, s6;
	s6 =	sor.u32 $0x1C03, s31;
	s7 =	sadd.s32 s8, s3  }
0xf: {  	s8 =	sadd.s32 $0x3E00, s10;
	s9 =	sadd.s32 $0xE600, s10;
	s10 =	sadd.s32 $0x55E00, s11  }
0x10: {  	v0 =	vimm.f32 $0.0e+00;
	s11 =	smax.u32 s12, $0x1;
	s12 =	sshrl.u32 s13, $0x3;
	s13 =	simm.s32 $0x3  }
.LBB2_1:
0x11: {  	s23 =	simm.s32 $0x80;
	s24 =	simm.s32 $0x0  }
.LBB2_2:
0x12: {  	p0 =	sne.s32 s23, $0x13F80;
	[tilespmem:s24+$0x11400] =	vst v0;
	s25 =	smov.u32 s23;
	s23 =	sadd.s32 $0x80, s23  }
.Ltmp0:
0x13: {  	[tilespmem:s24+$0x11410] =	vst v0;
	(pc) =	sbr.rel @p0 .LBB2_2-.Ltmp0, $2  }
0x14: {  	_ =	sdelay $0x2  }
0x15: {  	s24 =	sshra.s32 s25, $0x2  }
0x16: {  	[tilespmem:s24+$0x11400] =	vst v0  }
0x17: {  	[tilespmem:s24+$0x11410] =	vst v0  }
0x18: {  	[spmem:s12], [sflag:s6] =	dma.local [hbm:s5], $0xA00  }
0x19: {  	_ =	swait.ge [sflag:s13], $0xA00  }
0x1a: {  	[sflag:s13] =	ssyncset.done $0x0  }
0x1b: {  	[sflag:s13] =	ssyncadd.s32 $0xFFFFF600  }
0x1c: {  	[spmem:s7] =	stream.linear.scatter [tilespmem:s14], [sflag:$0x3], $0x5000, $0x38;
	[tilespmem:$0x16400] =	vst v63  }
0x1d: {  	_ =	swait.ge [sflag:s13], $0x5000  }
0x1e: {  	[sflag:s13] =	ssyncset.done $0x0  }
0x1f: {  	s23 =	simm.s32 $0x0;
	[sflag:s13] =	ssyncadd.s32 $0xFFFFB000  }
0x20: {  	[tilespmem:s15], [sflag:$0x3] =	stream.linear.gather [hbm4b:s8+s23], $0x2A00, $0x38;
	[tilespmem:$0x16400] =	vst v63  }
0x21: {  	_ =	swait.ge [sflag:s13], $0x2A00  }
0x22: {  	[sflag:s13] =	ssyncset.done $0x0  }
0x23: {  	[sflag:s13] =	ssyncadd.s32 $0xFFFFD600  }
0x24: {  	[tilespmem:s16], [sflag:$0x3] =	stream.linear.gather [hbm4b:s9+s23], $0x2A00, $0x38;
	[tilespmem:$0x16400] =	vst v63  }
0x25: {  	_ =	swait.ge [sflag:s13], $0x2A00  }
0x26: {  	[sflag:s13] =	ssyncset.done $0x0  }
0x27: {  	[sflag:s13] =	ssyncadd.s32 $0xFFFFD600  }
0x28: {  	[bflag:$0x0] =	sbarrier.arrive $0xFFFF  }
0x29: {  	[tilespmem:s18], [sflag:$0x1] =	stream.indirect.gather [spmem:s2], $0x20, s15, s17, $0xb8;
	[tilespmem:$0x16400] =	vst v63  }
0x2a: {  	_ = 	snop  }
0x2b: {  	[tilespmem:s20], [sflag:$0x2] =	stream.indirect.gather [spmem:s2], $0x20, s19, s17, $0xb8;
	[tilespmem:$0x16400] =	vst v63  }
0x2c: {  	_ =	swait.ge [sflag:s21], $0x1000  }
0x2d: {  	[sflag:s21] =	ssyncset.done $0x0  }
0x2e: {  	s29 =	simm.s32 $0xCA00;
	[sflag:s21] =	ssyncadd.s32 $0xFFFFF000  }
0x2f: {  	[spmem:s3] =	stream.indirect.scatter.add.f32 [tilespmem:s18], [sflag:$0x3], $0x20, s29, s17, $0xb8;
	[tilespmem:$0x16400] =	vst v63  }
0x30: {  	_ =	swait.ge [sflag:s13], $0x1000  }
0x31: {  	[sflag:s13] =	ssyncset.done $0x0  }
0x32: {  	s30 =	simm.s32 $0xA100;
	[sflag:s13] =	ssyncadd.s32 $0xFFFFF000  }
0x33: {  	[tilespmem:s18], [sflag:$0x1] =	stream.indirect.gather [spmem:s2], $0x20, s30, s17, $0xb8;
	[tilespmem:$0x16400] =	vst v63  }
0x34: {  	_ =	swait.ge [sflag:s22], $0x1000  }
0x35: {  	[sflag:s22] =	ssyncset.done $0x0  }
0x36: {  	s31 =	simm.s32 $0xCA80;
	[sflag:s22] =	ssyncadd.s32 $0xFFFFF000  }
0x37: {  	[spmem:s3] =	stream.indirect.scatter.add.f32 [tilespmem:s20], [sflag:$0x3], $0x20, s31, s17, $0xb8;
	[tilespmem:$0x16400] =	vst v63  }
0x38: {  	_ =	swait.ge [sflag:s13], $0x1000  }
0x39: {  	[sflag:s13] =	ssyncset.done $0x0  }
0x3a: {  	s24 =	simm.s32 $0xA180;
	s23 =	simm.s32 $0x400;
	[sflag:s13] =	ssyncadd.s32 $0xFFFFF000  }
.LBB2_4:
0x3b: {  	[tilespmem:s20], [sflag:$0x2] =	stream.indirect.gather [spmem:s2], $0x20, s24, s17, $0xb8;
	[tilespmem:$0x16400] =	vst v63  }
0x3c: {  	s24 =	smov.u32 s23  }
0x3d: {  	p0 =	sne.s32 s23, $0x9C00;
	s23 =	sadd.s32 $0x400, s23;
	_ =	swait.ge [sflag:s21], $0x1000  }
0x3e: {  	s24 =	sshra.s32 s24, $0x2;
	[sflag:s21] =	ssyncset.done $0x0  }
0x3f: {  	s25 =	sadd.s32 $0xCA00, s24;
	[sflag:s21] =	ssyncadd.s32 $0xFFFFF000  }
0x40: {  	[spmem:s3] =	stream.indirect.scatter.add.f32 [tilespmem:s18], [sflag:$0x3], $0x20, s25, s17, $0xb8;
	[tilespmem:$0x16400] =	vst v63  }
0x41: {  	_ =	swait.ge [sflag:s13], $0x1000  }
0x42: {  	[sflag:s13] =	ssyncset.done $0x0  }
0x43: {  	s25 =	sadd.s32 $0xA100, s24;
	[sflag:s13] =	ssyncadd.s32 $0xFFFFF000  }
0x44: {  	[tilespmem:s18], [sflag:$0x1] =	stream.indirect.gather [spmem:s2], $0x20, s25, s17, $0xb8;
	[tilespmem:$0x16400] =	vst v63  }
0x45: {  	_ =	swait.ge [sflag:s22], $0x1000  }
0x46: {  	[sflag:s22] =	ssyncset.done $0x0  }
.Ltmp1:
0x47: {  	s25 =	sadd.s32 $0xCA80, s24;
	[sflag:s22] =	ssyncadd.s32 $0xFFFFF000;
	(pc) =	sbr.rel @p0 .LBB2_4-.Ltmp1, $4  }
0x48: {  	[spmem:s3] =	stream.indirect.scatter.add.f32 [tilespmem:s20], [sflag:$0x3], $0x20, s25, s17, $0xb8;
	[tilespmem:$0x16400] =	vst v63  }
0x49: {  	_ =	swait.ge [sflag:s13], $0x1000  }
0x4a: {  	[sflag:s13] =	ssyncset.done $0x0  }
0x4b: {  	s24 =	sadd.s32 $0xA180, s24;
	[sflag:s13] =	ssyncadd.s32 $0xFFFFF000  }
0x4c: {  	[tilespmem:s20], [sflag:$0x2] =	stream.indirect.gather [spmem:s2], $0x20, s24, s17, $0xb8;
	[tilespmem:$0x16400] =	vst v63  }
0x4d: {  	_ =	swait.ge [sflag:s21], $0x1000  }
0x4e: {  	[sflag:s21] =	ssyncset.done $0x0  }
0x4f: {  	[sflag:s21] =	ssyncadd.s32 $0xFFFFF000  }
0x50: {  	_ =	swait.ge [sflag:s22], $0x1000  }
0x51: {  	s4 =	sadd.s32 $0x1, s4;
	[sflag:s22] =	ssyncset.done $0x0  }
0x52: {  	p0 =	sne.s32 s4, s11;
	[sflag:s22] =	ssyncadd.s32 $0xFFFFF000  }
.Ltmp2:
0x53: {  	s23 =	sshrl.u32 s7, $0x3;
	[bflag:$0x0] =	sbarrier.arrive $0xFFFF;
	(pc) =	sbr.rel @p0 .LBB2_1-.Ltmp2, $4  }
0x54: {  	[hbm:s10], [sflag:s6] =	dma.local [spmem:s23], $0xA00  }
0x55: {  	_ =	swait.ge [sflag:s13], $0xA00  }
0x56: {  	[sflag:s13] =	ssyncset.done $0x0  }
0x57: {  	[sflag:s13] =	ssyncadd.s32 $0xFFFFF600  }
0x58: {  	_ =	sfence.sel $0x180000  }
0x59: {  	[bflag:$0x0] =	sbarrier.arrive $0xFFFF  }
0x5a: {  	p0 =	sne.s32 s0, $0x0;
	_ =	strace $0x9000004D  }
0x5b: {  	s0 =	sadd.s32 @!p0 $0x100000, s1;
	[bflag:$0x2] =	sbarrier.arrive $0xFFFF  }
0x5c: {  	[sflag:s0] =	ssyncadd.tile.s32 @!p0 $0x1;
	_ =	shalt  }
.Lfunc_end2:
_tile_overlayer_lowered:
.L_overlay_start_2:
0x5d: {  	(tag) =	ssettag $0x2  }
0x5e: {  	s0 =	rddreg [dreg:$0x0];
	s2 =	stileid.u32  }
0x5f: {  	s1 =	rddreg [dreg:$0x1];
	p0 =	sne.s32 s2, $0x0  }
0x60: {  	s3 =	rddreg [dreg:$0x2];
	[bflag:$0x3] =	sbarrier.arrive $0xFFFF;
	s2 =	simm.s32 @!p0 $0x1C03  }
0x61: {  	[timem:s3], [sflag:s2] =	dma.local @!p0 [hbm:s0], s1  }
0x62: {  	s0 =	simm.s32 @!p0 $0x3  }
0x63: {  	_ =	swait.ge @!p0 [sflag:s0], s1  }
0x64: {  	s1 =	ssub.s32 @!p0 $0x0, s1;
	[sflag:s0] =	ssyncset.done @!p0 $0x0  }
0x65: {  	[sflag:s0] =	ssyncadd.s32 @!p0 s1  }
0x66: {  	[bflag:$0x3] =	sbarrier.arrive $0xFFFF  }
0x67: {  	_ =	shalt  }

// kernel: gcn_msgpass_l2so_sc.3.cloned.1.call-start
scs
__scs_entry_jumppad:
0x0: {  	(pc) =	sbr.rel $0x88, $3  }
0x1: {  	(tag) =	ssettag $0x0;
	lr =	simm.s32 $0x1  }
0x2: {  	[smem:$0x3F91] =	sst lr;
	_ =	strace $0xD0000000  }
0x3: {  	_ = 	snop  }
0x4: {  	_ = 	snop  }
0x5: {  	_ = 	snop  }
0x6: {  	_ = 	snop  }
0x7: {  	_ = 	snop  }
__scs_overlays_trampoline_lowered:
0x8: {  	[smem:$0x3FA0] =	sst s0  }
0x9: {  	[smem:$0x3FA1] =	sst s1  }
0xa: {  	[smem:$0x3FA2] =	sst s2  }
0xb: {  	[smem:$0x3FA3] =	sst s3  }
0xc: {  	[smem:$0x3FA4] =	sst s4  }
0xd: {  	[smem:$0x3FA5] =	sst s5  }
0xe: {  	[smem:$0x3FA6] =	sst s6  }
0xf: {  	[smem:$0x3FA7] =	sst s7  }
0x10: {  	[smem:$0x3FA8] =	sst s8  }
0x11: {  	[smem:$0x3FA9] =	sst s9;
	s0 =	simm.s32 @!p0 $0x0  }
0x12: {  	s1 =	sld [smem:$0x3F8F];
	s0 =	simm.s32 @p0 $0x1  }
0x13: {  	[smem:$0x3FAA] =	sst s0;
	s0 =	simm.s32 @!p1 $0x0  }
0x14: {  	s2 =	sld [smem:$0x3F8E];
	s0 =	simm.s32 @p1 $0x1  }
0x15: {  	[smem:$0x3FAB] =	sst s0;
	s0 =	simm.s32 @!p2 $0x0  }
0x16: {  	s3 =	sld [smem:$0x3FDB];
	s0 =	simm.s32 @p2 $0x1  }
0x17: {  	s4 =	simm.s32 $0x1BF5;
	[smem:$0x3FAD] =	sst s0  }
0x18: {  	s0 =	sld [smem:$0x3F90];
	_ =	swait.ge [sflag:s4], $0x0  }
0x19: {  	s7 =	sld [smem:$0x3F91]  }
0x1a: {  	s8 =	sadd.s32 $0xFFFFE003, lr  }
0x1b: {  	s9 =	sadd.s32 $0xFFFFFEF7, lr;
	s5 =	simm.s32 $0xFFFFFFFF;
	p2 =	slt.u32 s8, $0xFFFFF086  }
0x1c: {  	p1 =	slt.u32 s9, $0xF7A;
	s5 =	simm.s32 @!p2 $0x0  }
0x1d: {  	s5 =	simm.s32 @p1 $0x1;
	p0 =	seq.s32 s7, s2  }
0x1e: {  	s7 =	smul.u32 @!p0 $0xF7A, s2;
	p2 =	seq.s32 @!p0 s5, $0x0  }
0x1f: {  	s9 =	smul.u32 $0xF7A, s1;
	s8 =	simm.s32 @!p0 $0x1BF5;
	p2 =	por !p2, p0  }
0x20: {  	[sflag:s8] =	ssyncset.s32 @!p0 $0xFFFFF086;
	s6 =	sadd.s32 @!p0 s3, s7;
	s7 =	simm.s32 @!p0 $0x108  }
0x21: {  	s3 =	sadd.s32 s3, s9;
	s6 =	sadd.s32 @!p0 $0x88, s6;
	s7 =	simm.s32 @p2 $0x1082  }
0x22: {  	[simem:s7], [sflag:s8] =	dma.local @!p0 [hbm:s6], $0xF7A  }
0x23: {  	s9 =	sor.u32 $0xD0000000, s2;
	s6 =	simm.s32 $0x108;
	_ =	swait.ge @!p0 [sflag:s8], $0x0  }
0x24: {  	s3 =	sadd.s32 $0x88, s3;
	s6 =	simm.s32 @!p1 $0x1082;
	[sflag:s4] =	ssyncset.s32 $0xFFFFF086  }
0x25: {  	[simem:s6], [sflag:s4] =	dma.local [hbm:s3], $0xF7A  }
0x26: {  	[smem:$0x3F91] =	sst s1;
	(tag) =	ssettag s2;
	_ =	strace s9  }
0x27: {  	s1 =	sld [smem:$0x3FA1]  }
0x28: {  	s2 =	sld [smem:$0x3FA2]  }
0x29: {  	s4 =	sld [smem:$0x3FA4]  }
0x2a: {  	p0 =	seq.s32 s5, $0x0;
	s5 =	sld [smem:$0x3FA5]  }
0x2b: {  	s6 =	sld [smem:$0x3FA6]  }
0x2c: {  	s7 =	sld [smem:$0x3FA7]  }
0x2d: {  	s3 =	simm.s32 $0x108;
	s8 =	sld [smem:$0x3FA8]  }
0x2e: {  	s3 =	simm.s32 @!p0 $0x1082;
	s9 =	sld [smem:$0x3FA9]  }
0x2f: {  	lr =	sadd.s32 s0, s3;
	s0 =	sld [smem:$0x3FA0]  }
0x30: {  	s3 =	sld [smem:$0x3FA3]  }
0x31: {  	[smem:$0x3FAC] =	sst s10  }
0x32: {  	s10 =	sld [smem:$0x3FAA];
	_ =	sdelay $0x3  }
0x33: {  	p0 =	seq.s32 s10, $0x1;
	s10 =	sld [smem:$0x3FAC];
	_ =	sdelay $0x3  }
0x34: {  	[smem:$0x3FAC] =	sst s10  }
0x35: {  	s10 =	sld [smem:$0x3FAB];
	_ =	sdelay $0x3  }
0x36: {  	p1 =	seq.s32 s10, $0x1;
	s10 =	sld [smem:$0x3FAC];
	_ =	sdelay $0x3  }
0x37: {  	[smem:$0x3FAC] =	sst s10  }
0x38: {  	s10 =	sld [smem:$0x3FAD]  }
0x39: {  	_ = 	snop;
	(pc) =	sbr.ind lr, $3  }
0x3a: {  	_ = 	snop  }
0x3b: {  	_ = 	snop  }
0x3c: {  	p2 =	seq.s32 s10, $0x1;
	s10 =	sld [smem:$0x3FAC]  }
0x3d: {  	_ =	shalt  }
0x3e: {  	_ =	shalt  }
0x3f: {  	_ =	shalt  }
0x40: {  	_ =	shalt  }
0x41: {  	_ =	shalt  }
0x42: {  	_ =	shalt  }
0x43: {  	_ =	shalt  }
0x44: {  	_ =	shalt  }
0x45: {  	_ =	shalt  }
0x46: {  	_ =	shalt  }
0x47: {  	_ =	shalt  }
0x48: {  	_ =	shalt  }
0x49: {  	_ =	shalt  }
0x4a: {  	_ =	shalt  }
0x4b: {  	_ =	shalt  }
0x4c: {  	_ =	shalt  }
0x4d: {  	_ =	shalt  }
0x4e: {  	_ =	shalt  }
0x4f: {  	_ =	shalt  }
0x50: {  	_ =	shalt  }
0x51: {  	_ =	shalt  }
0x52: {  	_ =	shalt  }
0x53: {  	_ =	shalt  }
0x54: {  	_ =	shalt  }
0x55: {  	_ =	shalt  }
0x56: {  	_ =	shalt  }
0x57: {  	_ =	shalt  }
0x58: {  	_ =	shalt  }
0x59: {  	_ =	shalt  }
0x5a: {  	_ =	shalt  }
0x5b: {  	_ =	shalt  }
0x5c: {  	_ =	shalt  }
0x5d: {  	_ =	shalt  }
0x5e: {  	_ =	shalt  }
0x5f: {  	_ =	shalt  }
0x60: {  	_ =	shalt  }
0x61: {  	_ =	shalt  }
0x62: {  	_ =	shalt  }
0x63: {  	_ =	shalt  }
0x64: {  	_ =	shalt  }
0x65: {  	_ =	shalt  }
0x66: {  	_ =	shalt  }
0x67: {  	_ =	shalt  }
0x68: {  	_ =	shalt  }
0x69: {  	_ =	shalt  }
0x6a: {  	_ =	shalt  }
0x6b: {  	_ =	shalt  }
0x6c: {  	_ =	shalt  }
0x6d: {  	_ =	shalt  }
0x6e: {  	_ =	shalt  }
0x6f: {  	_ =	shalt  }
0x70: {  	_ =	shalt  }
0x71: {  	_ =	shalt  }
0x72: {  	_ =	shalt  }
0x73: {  	_ =	shalt  }
0x74: {  	_ =	shalt  }
0x75: {  	_ =	shalt  }
0x76: {  	_ =	shalt  }
0x77: {  	_ =	shalt  }
0x78: {  	_ =	shalt  }
0x79: {  	_ =	shalt  }
0x7a: {  	_ =	shalt  }
0x7b: {  	_ =	shalt  }
0x7c: {  	_ =	shalt  }
0x7d: {  	_ =	shalt  }
0x7e: {  	_ =	shalt  }
0x7f: {  	_ =	shalt  }
0x80: {  	_ =	shalt  }
0x81: {  	_ =	shalt  }
0x82: {  	_ =	shalt  }
0x83: {  	_ =	shalt  }
0x84: {  	_ =	shalt  }
0x85: {  	_ =	shalt  }
0x86: {  	_ =	shalt  }
0x87: {  	_ =	shalt  }
.Lfunc_end0:
.L_simem_size_0:
called_computation.4_lowered:
.L_overlay_start_0:
0x88: {  	s2 =	sld [smem:$0x3FD9]  }
0x89: {  	s3 =	sld [smem:$0x3FFE];
	_ =	sdelay $0x1  }
0x8a: {  	s1 =	srdreg.scid  }
0x8b: {  	s0 =	sand.u32 $0x1, s1  }
0x8c: {  	s17 =	sshll.u32 s0, $0xA;
	s2 =	sadd.s32 s3, s2  }
0x8d: {  	s2 =	sadd.s32 s2, s17  }
0x8e: {  	[smem:$0x3FB8] =	sst s2  }
0x8f: {  	_ = 	snop  }
0x90: {  	(tm) =	ssettm $0x1  }
0x91: {  	s18 =	sld [smem:$0x3FFB];
	_ =	sdelay $0x3  }
0x92: {  	_ =	strace s18  }
0x93: {  	s2 =	sld [smem:$0x3FFC];
	_ =	sdelay $0x3  }
0x94: {  	_ =	strace s2  }
0x95: {  	s2 =	sld [smem:$0x3FFD];
	_ =	sdelay $0x3  }
0x96: {  	_ =	strace s2  }
0x97: {  	_ =	strace $0x8FFFFFFF  }
0x98: {  	s19 =	sld [smem:$0x3FDB];
	_ =	sdelay $0x1  }
0x99: {  	s20 =	simm.s32 $_scs_section_size  }
0x9a: {  	s4 =	simm.s32 $_size__tile_overlayer_lowered;
	s5 =	simm.s32 $_tile_overlayer_lowered  }
0x9b: {  	s6 =	simm.s32 $0x1BFF;
	s21 =	sshll.u32 s5, $0x1;
	s3 =	sadd.s32 s20, s19  }
0x9c: {  	s22 =	simm.s32 $0x0;
	s4 =	sshll.u32 s4, $0x1;
	s5 =	sadd.s32 s21, s3  }
0x9d: {  	[timem:s22], [sflag:s6] =	dma.local [hbm:s5], s4  }
0x9e: {  	_ =	swait.ge [sflag:s6], s4  }
0x9f: {  	s4 =	ssub.s32 $0x0, s4;
	[sflag:s6] =	ssyncset.done $0x0  }
0xa0: {  	[sflag:s6] =	ssyncadd.s32 s4;
	_ =	sdelay $0x1  }
0xa1: {  	s23 =	simm.s32 $0x1B8B  }
0xa2: {  	_ =	swait.ge [sflag:s23], $0x1  }
0xa3: {  	[sflag:s23] =	ssyncset.done $0x0  }
0xa4: {  	[sflag:s23] =	ssyncadd.s32 $0xFFFFFFFF  }
0xa5: {  	s4 =	sld [smem:$0x0]  }
0xa6: {  	s5 =	sand.u32 $0xFFFFFFFE, s1  }
0xa7: {  	p0 =	sne.s32 s1, s5  }
0xa8: {  	s5 =	sshll.u32 @p0 s5, $0xE  }
0xa9: {  	s5 =	sadd.s32 @p0 $0x11B8D, s5;
	s6 =	sshll.u32 @p0 s4, $0x11  }
0xaa: {  	s5 =	sor.u32 @p0 s6, s5  }
0xab: {  	[sflag:s5] =	ssyncadd.remote.s32 @p0 $0x1;
	_ =	sdelay $0x1  }
0xac: {  	s5 =	simm.s32 @p0 $0x1B8D  }
0xad: {  	_ =	swait.eq @p0 [sflag:s5], $0x1  }
0xae: {  	[sflag:s5] =	ssyncadd.s32 @p0 $0xFFFFFFFF  }
0xaf: {  	s6 =	sshll.u32 @!p0 s1, $0xE  }
0xb0: {  	s6 =	sor.u32 @!p0 $0x4000, s6;
	s5 =	simm.s32 @!p0 $0x1B8D  }
0xb1: {  	s4 =	sshll.u32 @!p0 s4, $0x11;
	s6 =	sadd.s32 @!p0 $0x11B8D, s6;
	_ =	swait.eq @!p0 [sflag:s5], $0x1  }
0xb2: {  	s4 =	sor.u32 @!p0 s4, s6;
	[sflag:s5] =	ssyncadd.s32 @!p0 $0xFFFFFFFF  }
0xb3: {  	s25 =	simm.s32 $0x1B8E;
	s24 =	sld [smem:$0x3FFE];
	[sflag:s4] =	ssyncadd.remote.s32 @!p0 $0x1  }
0xb4: {  	s26 =	simm.s32 $execute0_lowered;
	[smem:$0x3FD2] =	sst s25  }
0xb5: {  	s5 =	sshll.u32 s26, $0x1;
	_ =	strace $0x8000004F;
	[dreg:$0x1] =	wrdreg $0xFFFFFFFF  }
0xb6: {  	s28 =	simm.s32 $_size_execute0_lowered;
	s3 =	sadd.s32 s3, s5;
	[dreg:$0x0] =	wrdreg $0x0  }
0xb7: {  	s5 =	sshll.u32 s28, $0x1;
	[dreg:$0x2] =	wrdreg s3  }
0xb8: {  	[dreg:$0x3] =	wrdreg s5  }
0xb9: {  	[dreg:$0x4] =	wrdreg $0xC0  }
0xba: {  	_ =	task [dreg:s22], $0x5FFFF  }
0xbb: {  	[dreg:$0x1] =	wrdreg $0xFFFFFFFF  }
0xbc: {  	[dreg:$0x0] =	wrdreg $0x60  }
0xbd: {  	[dreg:$0x2] =	wrdreg s24  }
0xbe: {  	[dreg:$0x3] =	wrdreg $0x28000  }
0xbf: {  	[dreg:$0x4] =	wrdreg $0x0  }
0xc0: {  	[dreg:$0x5] =	wrdreg $0xA  }
0xc1: {  	_ =	task.clear_ibuf [dreg:s22], $0x6FFFF;
	_ =	strace $0x9000004F  }
0xc2: {  	s29 =	simm.s32 $0xA;
	_ =	strace $0x80000051  }
0xc3: {  	_ =	swait.ge [sflag:s29], $0x1  }
0xc4: {  	[sflag:s29] =	ssyncadd.s32 $0xFFFFFFFF  }
0xc5: {  	_ =	strace $0x90000051  }
0xc6: {  	_ =	sfence  }
0xc7: {  	s30 =	sld [smem:$0x0];
	_ =	sdelay $0x2  }
0xc8: {  	s31 =	sshll.u32 s1, $0xD;
	s1 =	sshrl.u32 s1, $0x2  }
0xc9: {  	s4 =	sand.u32 $0x4000, s31;
	s1 =	sadd.s32 s1, s30  }
0xca: {  	s0 =	sor.u32 s4, s0;
	s1 =	sshll.u32 s1, $0x11  }
0xcb: {  	s0 =	sor.u32 s1, s0  }
0xcc: {  	s0 =	sadd.s32 $0x8F2B, s0  }
0xcd: {  	[sflag:s0] =	ssyncadd.remote.s32 $0x1  }
0xce: {  	_ =	sfence.sel $0xFFFF  }
0xcf: {  	[dreg:$0x0] =	wrdreg $0xFFFFFFFF;
	(pc) =	sbr.abs _section_cstart, $3  }
0xd0: {  	[dreg:$0x1] =	wrdreg $0xFFFFFFFF  }
0xd1: {  	_ =	task.clear_ibuf [dreg:s22], $0x2FFFF;
	_ =	strace $0x9FFFFFFF  }
0xd2: {  	(tm) =	ssettm $0x7FFFFFFF  }
0xd3: {  	_ =	shalt  }
tec
execute0_lowered:
.L_overlay_start_1:
0x0: {  	(tag) =	ssettag $0x1  }
0x1: {  	s6 =	rddreg [dreg:$0x0]  }
0x2: {  	s0 =	srdreg.scid;
	s2 =	rddreg [dreg:$0x1]  }
0x3: {  	s3 =	rddreg [dreg:$0x2];
	s4 =	simm.s32 $0x0;
	s14 =	simm.s32 $0xB400  }
0x4: {  	s15 =	simm.s32 $0x5000;
	s16 =	simm.s32 $0x7A00;
	s17 =	simm.s32 $0x80  }
0x5: {  	s18 =	simm.s32 $0xA400;
	s19 =	simm.s32 $0x5080;
	s20 =	simm.s32 $0xAC00  }
0x6: {  	s21 =	simm.s32 $0x1;
	s5 =	sand.u32 $0x1, s0;
	s0 =	stileid.u32  }
0x7: {  	s22 =	simm.s32 $0x2;
	[smem:$0x7FF] =	sst s4;
	s8 =	smul.u32 $0x2800, s0  }
0x8: {  	s1 =	sshll.u32 s5, $0x4;
	s9 =	smul.u32 $0x28000, s5;
	s5 =	ssub.s32 $0x2, s5  }
0x9: {  	s31 =	sshll.u32 s0, $0x6;
	s1 =	sor.u32 s0, s1;
	s29 =	sshrl.u32 s5, $0x1  }
0xa: {  	s7 =	smul.u32 $0x2A00, s1;
	s1 =	rddreg [dreg:$0x3];
	_ =	strace $0x80000050  }
0xb: {  	s9 =	sadd.s32 s8, s9;
	s12 =	ssub.s32 s5, s29;
	s30 =	sshrl.u32 s8, $0x3  }
0xc: {  	s13 =	sadd.s32 s8, s2;
	s28 =	sshrl.u32 s9, $0x3;
	s5 =	sadd.s32 s6, s30  }
0xd: {  	s7 =	sshrl.u32 s7, $0x3;
	s11 =	sadd.s32 s28, s6;
	s5 =	sadd.s32 $0x46E00, s5  }
0xe: {  	s10 =	sadd.s32 s7, s6;
	s6 =	sor.u32 $0x1C03, s31;
	s7 =	sadd.s32 s8, s3  }
0xf: {  	s8 =	sadd.s32 $0x18E00, s10;
	s9 =	sadd.s32 $0x23600, s10;
	s10 =	sadd.s32 $0x4BE00, s11  }
0x10: {  	v0 =	vimm.f32 $0.0e+00;
	s11 =	smax.u32 s12, $0x1;
	s12 =	sshrl.u32 s13, $0x3;
	s13 =	simm.s32 $0x3  }
.LBB2_1:
0x11: {  	s23 =	simm.s32 $0x40;
	s24 =	simm.s32 $0x0  }
.LBB2_2:
0x12: {  	p0 =	sne.s32 s23, $0x9FC0;
	[tilespmem:s24+$0xB400] =	vst v0;
	s24 =	smov.u32 s23;
	s23 =	sadd.s32 $0x40, s23  }
.Ltmp0:
0x13: {  	(pc) =	sbr.rel @p0 .LBB2_2-.Ltmp0, $2  }
0x14: {  	_ =	sdelay $0x2  }
0x15: {  	s24 =	sshra.s32 s24, $0x2  }
0x16: {  	[tilespmem:s24+$0xB400] =	vst v0  }
0x17: {  	[spmem:s12], [sflag:s6] =	dma.local [hbm:s5], $0x500  }
0x18: {  	_ =	swait.ge [sflag:s13], $0x500  }
0x19: {  	[sflag:s13] =	ssyncset.done $0x0  }
0x1a: {  	[sflag:s13] =	ssyncadd.s32 $0xFFFFFB00  }
0x1b: {  	[spmem:s7] =	stream.linear.scatter [tilespmem:s14], [sflag:$0x3], $0x2800, $0x38;
	[tilespmem:$0xDC00] =	vst v63  }
0x1c: {  	_ =	swait.ge [sflag:s13], $0x2800  }
0x1d: {  	[sflag:s13] =	ssyncset.done $0x0  }
0x1e: {  	s23 =	simm.s32 $0x0;
	[sflag:s13] =	ssyncadd.s32 $0xFFFFD800  }
0x1f: {  	[tilespmem:s15], [sflag:$0x3] =	stream.linear.gather [hbm4b:s8+s23], $0x2A00, $0x38;
	[tilespmem:$0xDC00] =	vst v63  }
0x20: {  	_ =	swait.ge [sflag:s13], $0x2A00  }
0x21: {  	[sflag:s13] =	ssyncset.done $0x0  }
0x22: {  	[sflag:s13] =	ssyncadd.s32 $0xFFFFD600  }
0x23: {  	[tilespmem:s16], [sflag:$0x3] =	stream.linear.gather [hbm4b:s9+s23], $0x2A00, $0x38;
	[tilespmem:$0xDC00] =	vst v63  }
0x24: {  	_ =	swait.ge [sflag:s13], $0x2A00  }
0x25: {  	[sflag:s13] =	ssyncset.done $0x0  }
0x26: {  	[sflag:s13] =	ssyncadd.s32 $0xFFFFD600  }
0x27: {  	[bflag:$0x0] =	sbarrier.arrive $0xFFFF  }
0x28: {  	[tilespmem:s18], [sflag:$0x1] =	stream.indirect.gather [spmem:s2], $0x10, s15, s17, $0xb8;
	[tilespmem:$0xDC00] =	vst v63  }
0x29: {  	_ = 	snop  }
0x2a: {  	[tilespmem:s20], [sflag:$0x2] =	stream.indirect.gather [spmem:s2], $0x10, s19, s17, $0xb8;
	[tilespmem:$0xDC00] =	vst v63  }
0x2b: {  	_ =	swait.ge [sflag:s21], $0x800  }
0x2c: {  	[sflag:s21] =	ssyncset.done $0x0  }
0x2d: {  	s29 =	simm.s32 $0x7A00;
	[sflag:s21] =	ssyncadd.s32 $0xFFFFF800  }
0x2e: {  	[spmem:s3] =	stream.indirect.scatter.add.f32 [tilespmem:s18], [sflag:$0x3], $0x10, s29, s17, $0xb8;
	[tilespmem:$0xDC00] =	vst v63  }
0x2f: {  	_ =	swait.ge [sflag:s13], $0x800  }
0x30: {  	[sflag:s13] =	ssyncset.done $0x0  }
0x31: {  	s30 =	simm.s32 $0x5100;
	[sflag:s13] =	ssyncadd.s32 $0xFFFFF800  }
0x32: {  	[tilespmem:s18], [sflag:$0x1] =	stream.indirect.gather [spmem:s2], $0x10, s30, s17, $0xb8;
	[tilespmem:$0xDC00] =	vst v63  }
0x33: {  	_ =	swait.ge [sflag:s22], $0x800  }
0x34: {  	[sflag:s22] =	ssyncset.done $0x0  }
0x35: {  	s31 =	simm.s32 $0x7A80;
	[sflag:s22] =	ssyncadd.s32 $0xFFFFF800  }
0x36: {  	[spmem:s3] =	stream.indirect.scatter.add.f32 [tilespmem:s20], [sflag:$0x3], $0x10, s31, s17, $0xb8;
	[tilespmem:$0xDC00] =	vst v63  }
0x37: {  	_ =	swait.ge [sflag:s13], $0x800  }
0x38: {  	[sflag:s13] =	ssyncset.done $0x0  }
0x39: {  	s24 =	simm.s32 $0x5180;
	s23 =	simm.s32 $0x400;
	[sflag:s13] =	ssyncadd.s32 $0xFFFFF800  }
.LBB2_4:
0x3a: {  	[tilespmem:s20], [sflag:$0x2] =	stream.indirect.gather [spmem:s2], $0x10, s24, s17, $0xb8;
	[tilespmem:$0xDC00] =	vst v63  }
0x3b: {  	s24 =	smov.u32 s23  }
0x3c: {  	p0 =	sne.s32 s23, $0x9C00;
	s23 =	sadd.s32 $0x400, s23;
	_ =	swait.ge [sflag:s21], $0x800  }
0x3d: {  	s24 =	sshra.s32 s24, $0x2;
	[sflag:s21] =	ssyncset.done $0x0  }
0x3e: {  	s25 =	sadd.s32 $0x7A00, s24;
	[sflag:s21] =	ssyncadd.s32 $0xFFFFF800  }
0x3f: {  	[spmem:s3] =	stream.indirect.scatter.add.f32 [tilespmem:s18], [sflag:$0x3], $0x10, s25, s17, $0xb8;
	[tilespmem:$0xDC00] =	vst v63  }
0x40: {  	_ =	swait.ge [sflag:s13], $0x800  }
0x41: {  	[sflag:s13] =	ssyncset.done $0x0  }
0x42: {  	s25 =	sadd.s32 $0x5100, s24;
	[sflag:s13] =	ssyncadd.s32 $0xFFFFF800  }
0x43: {  	[tilespmem:s18], [sflag:$0x1] =	stream.indirect.gather [spmem:s2], $0x10, s25, s17, $0xb8;
	[tilespmem:$0xDC00] =	vst v63  }
0x44: {  	_ =	swait.ge [sflag:s22], $0x800  }
0x45: {  	[sflag:s22] =	ssyncset.done $0x0  }
.Ltmp1:
0x46: {  	s25 =	sadd.s32 $0x7A80, s24;
	[sflag:s22] =	ssyncadd.s32 $0xFFFFF800;
	(pc) =	sbr.rel @p0 .LBB2_4-.Ltmp1, $4  }
0x47: {  	[spmem:s3] =	stream.indirect.scatter.add.f32 [tilespmem:s20], [sflag:$0x3], $0x10, s25, s17, $0xb8;
	[tilespmem:$0xDC00] =	vst v63  }
0x48: {  	_ =	swait.ge [sflag:s13], $0x800  }
0x49: {  	[sflag:s13] =	ssyncset.done $0x0  }
0x4a: {  	s24 =	sadd.s32 $0x5180, s24;
	[sflag:s13] =	ssyncadd.s32 $0xFFFFF800  }
0x4b: {  	[tilespmem:s20], [sflag:$0x2] =	stream.indirect.gather [spmem:s2], $0x10, s24, s17, $0xb8;
	[tilespmem:$0xDC00] =	vst v63  }
0x4c: {  	_ =	swait.ge [sflag:s21], $0x800  }
0x4d: {  	[sflag:s21] =	ssyncset.done $0x0  }
0x4e: {  	[sflag:s21] =	ssyncadd.s32 $0xFFFFF800  }
0x4f: {  	_ =	swait.ge [sflag:s22], $0x800  }
0x50: {  	s4 =	sadd.s32 $0x1, s4;
	[sflag:s22] =	ssyncset.done $0x0  }
0x51: {  	p0 =	sne.s32 s4, s11;
	[sflag:s22] =	ssyncadd.s32 $0xFFFFF800  }
.Ltmp2:
0x52: {  	s23 =	sshrl.u32 s7, $0x3;
	[bflag:$0x0] =	sbarrier.arrive $0xFFFF;
	(pc) =	sbr.rel @p0 .LBB2_1-.Ltmp2, $4  }
0x53: {  	[hbm:s10], [sflag:s6] =	dma.local [spmem:s23], $0x500  }
0x54: {  	_ =	swait.ge [sflag:s13], $0x500  }
0x55: {  	[sflag:s13] =	ssyncset.done $0x0  }
0x56: {  	[sflag:s13] =	ssyncadd.s32 $0xFFFFFB00  }
0x57: {  	_ =	sfence.sel $0x180000  }
0x58: {  	[bflag:$0x0] =	sbarrier.arrive $0xFFFF  }
0x59: {  	p0 =	sne.s32 s0, $0x0;
	_ =	strace $0x90000050  }
0x5a: {  	s0 =	sadd.s32 @!p0 $0x100000, s1;
	[bflag:$0x2] =	sbarrier.arrive $0xFFFF  }
0x5b: {  	[sflag:s0] =	ssyncadd.tile.s32 @!p0 $0x1;
	_ =	shalt  }
.Lfunc_end2:
_tile_overlayer_lowered:
.L_overlay_start_2:
0x5c: {  	(tag) =	ssettag $0x2  }
0x5d: {  	s0 =	rddreg [dreg:$0x0];
	s2 =	stileid.u32  }
0x5e: {  	s1 =	rddreg [dreg:$0x1];
	p0 =	sne.s32 s2, $0x0  }
0x5f: {  	s3 =	rddreg [dreg:$0x2];
	[bflag:$0x3] =	sbarrier.arrive $0xFFFF;
	s2 =	simm.s32 @!p0 $0x1C03  }
0x60: {  	[timem:s3], [sflag:s2] =	dma.local @!p0 [hbm:s0], s1  }
0x61: {  	s0 =	simm.s32 @!p0 $0x3  }
0x62: {  	_ =	swait.ge @!p0 [sflag:s0], s1  }
0x63: {  	s1 =	ssub.s32 @!p0 $0x0, s1;
	[sflag:s0] =	ssyncset.done @!p0 $0x0  }
0x64: {  	[sflag:s0] =	ssyncadd.s32 @!p0 s1  }
0x65: {  	[bflag:$0x3] =	sbarrier.arrive $0xFFFF  }
0x66: {  	_ =	shalt  }

// kernel: gcn_msgpass_l2su_sc.3.cloned.1.call-start
scs
__scs_entry_jumppad:
0x0: {  	(pc) =	sbr.rel $0x88, $3  }
0x1: {  	(tag) =	ssettag $0x0;
	lr =	simm.s32 $0x1  }
0x2: {  	[smem:$0x3F91] =	sst lr;
	_ =	strace $0xD0000000  }
0x3: {  	_ = 	snop  }
0x4: {  	_ = 	snop  }
0x5: {  	_ = 	snop  }
0x6: {  	_ = 	snop  }
0x7: {  	_ = 	snop  }
__scs_overlays_trampoline_lowered:
0x8: {  	[smem:$0x3FA0] =	sst s0  }
0x9: {  	[smem:$0x3FA1] =	sst s1  }
0xa: {  	[smem:$0x3FA2] =	sst s2  }
0xb: {  	[smem:$0x3FA3] =	sst s3  }
0xc: {  	[smem:$0x3FA4] =	sst s4  }
0xd: {  	[smem:$0x3FA5] =	sst s5  }
0xe: {  	[smem:$0x3FA6] =	sst s6  }
0xf: {  	[smem:$0x3FA7] =	sst s7  }
0x10: {  	[smem:$0x3FA8] =	sst s8  }
0x11: {  	[smem:$0x3FA9] =	sst s9;
	s0 =	simm.s32 @!p0 $0x0  }
0x12: {  	s1 =	sld [smem:$0x3F8F];
	s0 =	simm.s32 @p0 $0x1  }
0x13: {  	[smem:$0x3FAA] =	sst s0;
	s0 =	simm.s32 @!p1 $0x0  }
0x14: {  	s2 =	sld [smem:$0x3F8E];
	s0 =	simm.s32 @p1 $0x1  }
0x15: {  	[smem:$0x3FAB] =	sst s0;
	s0 =	simm.s32 @!p2 $0x0  }
0x16: {  	s3 =	sld [smem:$0x3FDB];
	s0 =	simm.s32 @p2 $0x1  }
0x17: {  	s4 =	simm.s32 $0x1BF5;
	[smem:$0x3FAD] =	sst s0  }
0x18: {  	s0 =	sld [smem:$0x3F90];
	_ =	swait.ge [sflag:s4], $0x0  }
0x19: {  	s7 =	sld [smem:$0x3F91]  }
0x1a: {  	s8 =	sadd.s32 $0xFFFFE003, lr  }
0x1b: {  	s9 =	sadd.s32 $0xFFFFFEF7, lr;
	s5 =	simm.s32 $0xFFFFFFFF;
	p2 =	slt.u32 s8, $0xFFFFF086  }
0x1c: {  	p1 =	slt.u32 s9, $0xF7A;
	s5 =	simm.s32 @!p2 $0x0  }
0x1d: {  	s5 =	simm.s32 @p1 $0x1;
	p0 =	seq.s32 s7, s2  }
0x1e: {  	s7 =	smul.u32 @!p0 $0xF7A, s2;
	p2 =	seq.s32 @!p0 s5, $0x0  }
0x1f: {  	s9 =	smul.u32 $0xF7A, s1;
	s8 =	simm.s32 @!p0 $0x1BF5;
	p2 =	por !p2, p0  }
0x20: {  	[sflag:s8] =	ssyncset.s32 @!p0 $0xFFFFF086;
	s6 =	sadd.s32 @!p0 s3, s7;
	s7 =	simm.s32 @!p0 $0x108  }
0x21: {  	s3 =	sadd.s32 s3, s9;
	s6 =	sadd.s32 @!p0 $0x88, s6;
	s7 =	simm.s32 @p2 $0x1082  }
0x22: {  	[simem:s7], [sflag:s8] =	dma.local @!p0 [hbm:s6], $0xF7A  }
0x23: {  	s9 =	sor.u32 $0xD0000000, s2;
	s6 =	simm.s32 $0x108;
	_ =	swait.ge @!p0 [sflag:s8], $0x0  }
0x24: {  	s3 =	sadd.s32 $0x88, s3;
	s6 =	simm.s32 @!p1 $0x1082;
	[sflag:s4] =	ssyncset.s32 $0xFFFFF086  }
0x25: {  	[simem:s6], [sflag:s4] =	dma.local [hbm:s3], $0xF7A  }
0x26: {  	[smem:$0x3F91] =	sst s1;
	(tag) =	ssettag s2;
	_ =	strace s9  }
0x27: {  	s1 =	sld [smem:$0x3FA1]  }
0x28: {  	s2 =	sld [smem:$0x3FA2]  }
0x29: {  	s4 =	sld [smem:$0x3FA4]  }
0x2a: {  	p0 =	seq.s32 s5, $0x0;
	s5 =	sld [smem:$0x3FA5]  }
0x2b: {  	s6 =	sld [smem:$0x3FA6]  }
0x2c: {  	s7 =	sld [smem:$0x3FA7]  }
0x2d: {  	s3 =	simm.s32 $0x108;
	s8 =	sld [smem:$0x3FA8]  }
0x2e: {  	s3 =	simm.s32 @!p0 $0x1082;
	s9 =	sld [smem:$0x3FA9]  }
0x2f: {  	lr =	sadd.s32 s0, s3;
	s0 =	sld [smem:$0x3FA0]  }
0x30: {  	s3 =	sld [smem:$0x3FA3]  }
0x31: {  	[smem:$0x3FAC] =	sst s10  }
0x32: {  	s10 =	sld [smem:$0x3FAA];
	_ =	sdelay $0x3  }
0x33: {  	p0 =	seq.s32 s10, $0x1;
	s10 =	sld [smem:$0x3FAC];
	_ =	sdelay $0x3  }
0x34: {  	[smem:$0x3FAC] =	sst s10  }
0x35: {  	s10 =	sld [smem:$0x3FAB];
	_ =	sdelay $0x3  }
0x36: {  	p1 =	seq.s32 s10, $0x1;
	s10 =	sld [smem:$0x3FAC];
	_ =	sdelay $0x3  }
0x37: {  	[smem:$0x3FAC] =	sst s10  }
0x38: {  	s10 =	sld [smem:$0x3FAD]  }
0x39: {  	_ = 	snop;
	(pc) =	sbr.ind lr, $3  }
0x3a: {  	_ = 	snop  }
0x3b: {  	_ = 	snop  }
0x3c: {  	p2 =	seq.s32 s10, $0x1;
	s10 =	sld [smem:$0x3FAC]  }
0x3d: {  	_ =	shalt  }
0x3e: {  	_ =	shalt  }
0x3f: {  	_ =	shalt  }
0x40: {  	_ =	shalt  }
0x41: {  	_ =	shalt  }
0x42: {  	_ =	shalt  }
0x43: {  	_ =	shalt  }
0x44: {  	_ =	shalt  }
0x45: {  	_ =	shalt  }
0x46: {  	_ =	shalt  }
0x47: {  	_ =	shalt  }
0x48: {  	_ =	shalt  }
0x49: {  	_ =	shalt  }
0x4a: {  	_ =	shalt  }
0x4b: {  	_ =	shalt  }
0x4c: {  	_ =	shalt  }
0x4d: {  	_ =	shalt  }
0x4e: {  	_ =	shalt  }
0x4f: {  	_ =	shalt  }
0x50: {  	_ =	shalt  }
0x51: {  	_ =	shalt  }
0x52: {  	_ =	shalt  }
0x53: {  	_ =	shalt  }
0x54: {  	_ =	shalt  }
0x55: {  	_ =	shalt  }
0x56: {  	_ =	shalt  }
0x57: {  	_ =	shalt  }
0x58: {  	_ =	shalt  }
0x59: {  	_ =	shalt  }
0x5a: {  	_ =	shalt  }
0x5b: {  	_ =	shalt  }
0x5c: {  	_ =	shalt  }
0x5d: {  	_ =	shalt  }
0x5e: {  	_ =	shalt  }
0x5f: {  	_ =	shalt  }
0x60: {  	_ =	shalt  }
0x61: {  	_ =	shalt  }
0x62: {  	_ =	shalt  }
0x63: {  	_ =	shalt  }
0x64: {  	_ =	shalt  }
0x65: {  	_ =	shalt  }
0x66: {  	_ =	shalt  }
0x67: {  	_ =	shalt  }
0x68: {  	_ =	shalt  }
0x69: {  	_ =	shalt  }
0x6a: {  	_ =	shalt  }
0x6b: {  	_ =	shalt  }
0x6c: {  	_ =	shalt  }
0x6d: {  	_ =	shalt  }
0x6e: {  	_ =	shalt  }
0x6f: {  	_ =	shalt  }
0x70: {  	_ =	shalt  }
0x71: {  	_ =	shalt  }
0x72: {  	_ =	shalt  }
0x73: {  	_ =	shalt  }
0x74: {  	_ =	shalt  }
0x75: {  	_ =	shalt  }
0x76: {  	_ =	shalt  }
0x77: {  	_ =	shalt  }
0x78: {  	_ =	shalt  }
0x79: {  	_ =	shalt  }
0x7a: {  	_ =	shalt  }
0x7b: {  	_ =	shalt  }
0x7c: {  	_ =	shalt  }
0x7d: {  	_ =	shalt  }
0x7e: {  	_ =	shalt  }
0x7f: {  	_ =	shalt  }
0x80: {  	_ =	shalt  }
0x81: {  	_ =	shalt  }
0x82: {  	_ =	shalt  }
0x83: {  	_ =	shalt  }
0x84: {  	_ =	shalt  }
0x85: {  	_ =	shalt  }
0x86: {  	_ =	shalt  }
0x87: {  	_ =	shalt  }
.Lfunc_end0:
.L_simem_size_0:
called_computation.3_lowered:
.L_overlay_start_0:
0x88: {  	s2 =	sld [smem:$0x3FD9]  }
0x89: {  	s3 =	sld [smem:$0x3FFE];
	_ =	sdelay $0x1  }
0x8a: {  	s1 =	srdreg.scid  }
0x8b: {  	s0 =	sand.u32 $0x1, s1  }
0x8c: {  	s17 =	sshll.u32 s0, $0xA;
	s2 =	sadd.s32 s3, s2  }
0x8d: {  	s2 =	sadd.s32 s2, s17  }
0x8e: {  	[smem:$0x3FB8] =	sst s2  }
0x8f: {  	_ = 	snop  }
0x90: {  	(tm) =	ssettm $0x1  }
0x91: {  	s18 =	sld [smem:$0x3FFB];
	_ =	sdelay $0x3  }
0x92: {  	_ =	strace s18  }
0x93: {  	s2 =	sld [smem:$0x3FFC];
	_ =	sdelay $0x3  }
0x94: {  	_ =	strace s2  }
0x95: {  	s2 =	sld [smem:$0x3FFD];
	_ =	sdelay $0x3  }
0x96: {  	_ =	strace s2  }
0x97: {  	_ =	strace $0x8FFFFFFF  }
0x98: {  	s19 =	sld [smem:$0x3FDB];
	_ =	sdelay $0x1  }
0x99: {  	s20 =	simm.s32 $_scs_section_size  }
0x9a: {  	s4 =	simm.s32 $_size__tile_overlayer_lowered;
	s5 =	simm.s32 $_tile_overlayer_lowered  }
0x9b: {  	s6 =	simm.s32 $0x1BFF;
	s21 =	sshll.u32 s5, $0x1;
	s3 =	sadd.s32 s20, s19  }
0x9c: {  	s22 =	simm.s32 $0x0;
	s4 =	sshll.u32 s4, $0x1;
	s5 =	sadd.s32 s21, s3  }
0x9d: {  	[timem:s22], [sflag:s6] =	dma.local [hbm:s5], s4  }
0x9e: {  	_ =	swait.ge [sflag:s6], s4  }
0x9f: {  	s4 =	ssub.s32 $0x0, s4;
	[sflag:s6] =	ssyncset.done $0x0  }
0xa0: {  	[sflag:s6] =	ssyncadd.s32 s4;
	_ =	sdelay $0x1  }
0xa1: {  	s23 =	simm.s32 $0x1B8B  }
0xa2: {  	_ =	swait.ge [sflag:s23], $0x1  }
0xa3: {  	[sflag:s23] =	ssyncset.done $0x0  }
0xa4: {  	[sflag:s23] =	ssyncadd.s32 $0xFFFFFFFF  }
0xa5: {  	s4 =	sld [smem:$0x0]  }
0xa6: {  	s5 =	sand.u32 $0xFFFFFFFE, s1  }
0xa7: {  	p0 =	sne.s32 s1, s5  }
0xa8: {  	s5 =	sshll.u32 @p0 s5, $0xE  }
0xa9: {  	s5 =	sadd.s32 @p0 $0x11B8D, s5;
	s6 =	sshll.u32 @p0 s4, $0x11  }
0xaa: {  	s5 =	sor.u32 @p0 s6, s5  }
0xab: {  	[sflag:s5] =	ssyncadd.remote.s32 @p0 $0x1;
	_ =	sdelay $0x1  }
0xac: {  	s5 =	simm.s32 @p0 $0x1B8D  }
0xad: {  	_ =	swait.eq @p0 [sflag:s5], $0x1  }
0xae: {  	[sflag:s5] =	ssyncadd.s32 @p0 $0xFFFFFFFF  }
0xaf: {  	s6 =	sshll.u32 @!p0 s1, $0xE  }
0xb0: {  	s6 =	sor.u32 @!p0 $0x4000, s6;
	s5 =	simm.s32 @!p0 $0x1B8D  }
0xb1: {  	s4 =	sshll.u32 @!p0 s4, $0x11;
	s6 =	sadd.s32 @!p0 $0x11B8D, s6;
	_ =	swait.eq @!p0 [sflag:s5], $0x1  }
0xb2: {  	s4 =	sor.u32 @!p0 s4, s6;
	[sflag:s5] =	ssyncadd.s32 @!p0 $0xFFFFFFFF  }
0xb3: {  	s25 =	simm.s32 $0x1B8E;
	s24 =	sld [smem:$0x3FFE];
	[sflag:s4] =	ssyncadd.remote.s32 @!p0 $0x1  }
0xb4: {  	s26 =	simm.s32 $execute0_lowered;
	[smem:$0x3FD2] =	sst s25  }
0xb5: {  	s5 =	sshll.u32 s26, $0x1;
	_ =	strace $0x80000052;
	[dreg:$0x1] =	wrdreg $0xFFFFFFFF  }
0xb6: {  	s28 =	simm.s32 $_size_execute0_lowered;
	s3 =	sadd.s32 s3, s5;
	[dreg:$0x0] =	wrdreg $0x0  }
0xb7: {  	s5 =	sshll.u32 s28, $0x1;
	[dreg:$0x2] =	wrdreg s3  }
0xb8: {  	[dreg:$0x3] =	wrdreg s5  }
0xb9: {  	[dreg:$0x4] =	wrdreg $0xC0  }
0xba: {  	_ =	task [dreg:s22], $0x5FFFF  }
0xbb: {  	[dreg:$0x1] =	wrdreg $0xFFFFFFFF  }
0xbc: {  	[dreg:$0x0] =	wrdreg $0x60  }
0xbd: {  	[dreg:$0x2] =	wrdreg s24  }
0xbe: {  	[dreg:$0x3] =	wrdreg $0x28000  }
0xbf: {  	[dreg:$0x4] =	wrdreg $0x0  }
0xc0: {  	[dreg:$0x5] =	wrdreg $0x9  }
0xc1: {  	_ =	task.clear_ibuf [dreg:s22], $0x6FFFF;
	_ =	strace $0x90000052  }
0xc2: {  	s29 =	simm.s32 $0x9;
	_ =	strace $0x80000054  }
0xc3: {  	_ =	swait.ge [sflag:s29], $0x1  }
0xc4: {  	[sflag:s29] =	ssyncadd.s32 $0xFFFFFFFF  }
0xc5: {  	_ =	strace $0x90000054  }
0xc6: {  	_ =	sfence  }
0xc7: {  	s30 =	sld [smem:$0x0];
	_ =	sdelay $0x2  }
0xc8: {  	s31 =	sshll.u32 s1, $0xD;
	s1 =	sshrl.u32 s1, $0x2  }
0xc9: {  	s4 =	sand.u32 $0x4000, s31;
	s1 =	sadd.s32 s1, s30  }
0xca: {  	s0 =	sor.u32 s4, s0;
	s1 =	sshll.u32 s1, $0x11  }
0xcb: {  	s0 =	sor.u32 s1, s0  }
0xcc: {  	s0 =	sadd.s32 $0x8F2B, s0  }
0xcd: {  	[sflag:s0] =	ssyncadd.remote.s32 $0x1  }
0xce: {  	_ =	sfence.sel $0xFFFF  }
0xcf: {  	[dreg:$0x0] =	wrdreg $0xFFFFFFFF;
	(pc) =	sbr.abs _section_cstart, $3  }
0xd0: {  	[dreg:$0x1] =	wrdreg $0xFFFFFFFF  }
0xd1: {  	_ =	task.clear_ibuf [dreg:s22], $0x2FFFF;
	_ =	strace $0x9FFFFFFF  }
0xd2: {  	(tm) =	ssettm $0x7FFFFFFF  }
0xd3: {  	_ =	shalt  }
tec
execute0_lowered:
.L_overlay_start_1:
0x0: {  	(tag) =	ssettag $0x1  }
0x1: {  	s6 =	rddreg [dreg:$0x0]  }
0x2: {  	s0 =	srdreg.scid;
	s2 =	rddreg [dreg:$0x1]  }
0x3: {  	s3 =	rddreg [dreg:$0x2];
	s4 =	simm.s32 $0x0;
	s14 =	simm.s32 $0xB400  }
0x4: {  	s15 =	simm.s32 $0x5000;
	s16 =	simm.s32 $0x7A00;
	s17 =	simm.s32 $0x80  }
0x5: {  	s18 =	simm.s32 $0xA400;
	s19 =	simm.s32 $0x5080;
	s20 =	simm.s32 $0xAC00  }
0x6: {  	s21 =	simm.s32 $0x1;
	s5 =	sand.u32 $0x1, s0;
	s0 =	stileid.u32  }
0x7: {  	s22 =	simm.s32 $0x2;
	[smem:$0x7FF] =	sst s4;
	s8 =	smul.u32 $0x2800, s0  }
0x8: {  	s1 =	sshll.u32 s5, $0x4;
	s9 =	smul.u32 $0x28000, s5;
	s5 =	ssub.s32 $0x2, s5  }
0x9: {  	s31 =	sshll.u32 s0, $0x6;
	s1 =	sor.u32 s0, s1;
	s30 =	sshrl.u32 s5, $0x1  }
0xa: {  	s7 =	smul.u32 $0x2A00, s1;
	s1 =	rddreg [dreg:$0x3];
	_ =	strace $0x80000053  }
0xb: {  	s28 =	sadd.s32 s8, s9;
	s29 =	sshrl.u32 s8, $0x3;
	s12 =	ssub.s32 s5, s30  }
0xc: {  	s13 =	sadd.s32 s8, s2;
	s9 =	sadd.s32 s29, s6;
	s7 =	sshrl.u32 s7, $0x3  }
0xd: {  	s5 =	sadd.s32 $0x2DE00, s9;
	s10 =	sadd.s32 s7, s6;
	s7 =	sshrl.u32 s28, $0x3  }
0xe: {  	s11 =	sadd.s32 s7, s6;
	s6 =	sor.u32 $0x1C03, s31;
	s7 =	sadd.s32 s8, s3  }
0xf: {  	s8 =	sadd.s32 $0x3E00, s10;
	s9 =	sadd.s32 $0xE600, s10;
	s10 =	sadd.s32 $0x37E00, s11  }
0x10: {  	v0 =	vimm.f32 $0.0e+00;
	s11 =	smax.u32 s12, $0x1;
	s12 =	sshrl.u32 s13, $0x3;
	s13 =	simm.s32 $0x3  }
.LBB2_1:
0x11: {  	s23 =	simm.s32 $0x40;
	s24 =	simm.s32 $0x0  }
.LBB2_2:
0x12: {  	p0 =	sne.s32 s23, $0x9FC0;
	[tilespmem:s24+$0xB400] =	vst v0;
	s24 =	smov.u32 s23;
	s23 =	sadd.s32 $0x40, s23  }
.Ltmp0:
0x13: {  	(pc) =	sbr.rel @p0 .LBB2_2-.Ltmp0, $2  }
0x14: {  	_ =	sdelay $0x2  }
0x15: {  	s24 =	sshra.s32 s24, $0x2  }
0x16: {  	[tilespmem:s24+$0xB400] =	vst v0  }
0x17: {  	[spmem:s12], [sflag:s6] =	dma.local [hbm:s5], $0x500  }
0x18: {  	_ =	swait.ge [sflag:s13], $0x500  }
0x19: {  	[sflag:s13] =	ssyncset.done $0x0  }
0x1a: {  	[sflag:s13] =	ssyncadd.s32 $0xFFFFFB00  }
0x1b: {  	[spmem:s7] =	stream.linear.scatter [tilespmem:s14], [sflag:$0x3], $0x2800, $0x38;
	[tilespmem:$0xDC00] =	vst v63  }
0x1c: {  	_ =	swait.ge [sflag:s13], $0x2800  }
0x1d: {  	[sflag:s13] =	ssyncset.done $0x0  }
0x1e: {  	s23 =	simm.s32 $0x0;
	[sflag:s13] =	ssyncadd.s32 $0xFFFFD800  }
0x1f: {  	[tilespmem:s15], [sflag:$0x3] =	stream.linear.gather [hbm4b:s8+s23], $0x2A00, $0x38;
	[tilespmem:$0xDC00] =	vst v63  }
0x20: {  	_ =	swait.ge [sflag:s13], $0x2A00  }
0x21: {  	[sflag:s13] =	ssyncset.done $0x0  }
0x22: {  	[sflag:s13] =	ssyncadd.s32 $0xFFFFD600  }
0x23: {  	[tilespmem:s16], [sflag:$0x3] =	stream.linear.gather [hbm4b:s9+s23], $0x2A00, $0x38;
	[tilespmem:$0xDC00] =	vst v63  }
0x24: {  	_ =	swait.ge [sflag:s13], $0x2A00  }
0x25: {  	[sflag:s13] =	ssyncset.done $0x0  }
0x26: {  	[sflag:s13] =	ssyncadd.s32 $0xFFFFD600  }
0x27: {  	[bflag:$0x0] =	sbarrier.arrive $0xFFFF  }
0x28: {  	[tilespmem:s18], [sflag:$0x1] =	stream.indirect.gather [spmem:s2], $0x10, s15, s17, $0xb8;
	[tilespmem:$0xDC00] =	vst v63  }
0x29: {  	_ = 	snop  }
0x2a: {  	[tilespmem:s20], [sflag:$0x2] =	stream.indirect.gather [spmem:s2], $0x10, s19, s17, $0xb8;
	[tilespmem:$0xDC00] =	vst v63  }
0x2b: {  	_ =	swait.ge [sflag:s21], $0x800  }
0x2c: {  	[sflag:s21] =	ssyncset.done $0x0  }
0x2d: {  	s29 =	simm.s32 $0x7A00;
	[sflag:s21] =	ssyncadd.s32 $0xFFFFF800  }
0x2e: {  	[spmem:s3] =	stream.indirect.scatter.add.f32 [tilespmem:s18], [sflag:$0x3], $0x10, s29, s17, $0xb8;
	[tilespmem:$0xDC00] =	vst v63  }
0x2f: {  	_ =	swait.ge [sflag:s13], $0x800  }
0x30: {  	[sflag:s13] =	ssyncset.done $0x0  }
0x31: {  	s30 =	simm.s32 $0x5100;
	[sflag:s13] =	ssyncadd.s32 $0xFFFFF800  }
0x32: {  	[tilespmem:s18], [sflag:$0x1] =	stream.indirect.gather [spmem:s2], $0x10, s30, s17, $0xb8;
	[tilespmem:$0xDC00] =	vst v63  }
0x33: {  	_ =	swait.ge [sflag:s22], $0x800  }
0x34: {  	[sflag:s22] =	ssyncset.done $0x0  }
0x35: {  	s31 =	simm.s32 $0x7A80;
	[sflag:s22] =	ssyncadd.s32 $0xFFFFF800  }
0x36: {  	[spmem:s3] =	stream.indirect.scatter.add.f32 [tilespmem:s20], [sflag:$0x3], $0x10, s31, s17, $0xb8;
	[tilespmem:$0xDC00] =	vst v63  }
0x37: {  	_ =	swait.ge [sflag:s13], $0x800  }
0x38: {  	[sflag:s13] =	ssyncset.done $0x0  }
0x39: {  	s24 =	simm.s32 $0x5180;
	s23 =	simm.s32 $0x400;
	[sflag:s13] =	ssyncadd.s32 $0xFFFFF800  }
.LBB2_4:
0x3a: {  	[tilespmem:s20], [sflag:$0x2] =	stream.indirect.gather [spmem:s2], $0x10, s24, s17, $0xb8;
	[tilespmem:$0xDC00] =	vst v63  }
0x3b: {  	s24 =	smov.u32 s23  }
0x3c: {  	p0 =	sne.s32 s23, $0x9C00;
	s23 =	sadd.s32 $0x400, s23;
	_ =	swait.ge [sflag:s21], $0x800  }
0x3d: {  	s24 =	sshra.s32 s24, $0x2;
	[sflag:s21] =	ssyncset.done $0x0  }
0x3e: {  	s25 =	sadd.s32 $0x7A00, s24;
	[sflag:s21] =	ssyncadd.s32 $0xFFFFF800  }
0x3f: {  	[spmem:s3] =	stream.indirect.scatter.add.f32 [tilespmem:s18], [sflag:$0x3], $0x10, s25, s17, $0xb8;
	[tilespmem:$0xDC00] =	vst v63  }
0x40: {  	_ =	swait.ge [sflag:s13], $0x800  }
0x41: {  	[sflag:s13] =	ssyncset.done $0x0  }
0x42: {  	s25 =	sadd.s32 $0x5100, s24;
	[sflag:s13] =	ssyncadd.s32 $0xFFFFF800  }
0x43: {  	[tilespmem:s18], [sflag:$0x1] =	stream.indirect.gather [spmem:s2], $0x10, s25, s17, $0xb8;
	[tilespmem:$0xDC00] =	vst v63  }
0x44: {  	_ =	swait.ge [sflag:s22], $0x800  }
0x45: {  	[sflag:s22] =	ssyncset.done $0x0  }
.Ltmp1:
0x46: {  	s25 =	sadd.s32 $0x7A80, s24;
	[sflag:s22] =	ssyncadd.s32 $0xFFFFF800;
	(pc) =	sbr.rel @p0 .LBB2_4-.Ltmp1, $4  }
0x47: {  	[spmem:s3] =	stream.indirect.scatter.add.f32 [tilespmem:s20], [sflag:$0x3], $0x10, s25, s17, $0xb8;
	[tilespmem:$0xDC00] =	vst v63  }
0x48: {  	_ =	swait.ge [sflag:s13], $0x800  }
0x49: {  	[sflag:s13] =	ssyncset.done $0x0  }
0x4a: {  	s24 =	sadd.s32 $0x5180, s24;
	[sflag:s13] =	ssyncadd.s32 $0xFFFFF800  }
0x4b: {  	[tilespmem:s20], [sflag:$0x2] =	stream.indirect.gather [spmem:s2], $0x10, s24, s17, $0xb8;
	[tilespmem:$0xDC00] =	vst v63  }
0x4c: {  	_ =	swait.ge [sflag:s21], $0x800  }
0x4d: {  	[sflag:s21] =	ssyncset.done $0x0  }
0x4e: {  	[sflag:s21] =	ssyncadd.s32 $0xFFFFF800  }
0x4f: {  	_ =	swait.ge [sflag:s22], $0x800  }
0x50: {  	s4 =	sadd.s32 $0x1, s4;
	[sflag:s22] =	ssyncset.done $0x0  }
0x51: {  	p0 =	sne.s32 s4, s11;
	[sflag:s22] =	ssyncadd.s32 $0xFFFFF800  }
.Ltmp2:
0x52: {  	s23 =	sshrl.u32 s7, $0x3;
	[bflag:$0x0] =	sbarrier.arrive $0xFFFF;
	(pc) =	sbr.rel @p0 .LBB2_1-.Ltmp2, $4  }
0x53: {  	[hbm:s10], [sflag:s6] =	dma.local [spmem:s23], $0x500  }
0x54: {  	_ =	swait.ge [sflag:s13], $0x500  }
0x55: {  	[sflag:s13] =	ssyncset.done $0x0  }
0x56: {  	[sflag:s13] =	ssyncadd.s32 $0xFFFFFB00  }
0x57: {  	_ =	sfence.sel $0x180000  }
0x58: {  	[bflag:$0x0] =	sbarrier.arrive $0xFFFF  }
0x59: {  	p0 =	sne.s32 s0, $0x0;
	_ =	strace $0x90000053  }
0x5a: {  	s0 =	sadd.s32 @!p0 $0x100000, s1;
	[bflag:$0x2] =	sbarrier.arrive $0xFFFF  }
0x5b: {  	[sflag:s0] =	ssyncadd.tile.s32 @!p0 $0x1;
	_ =	shalt  }
.Lfunc_end2:
_tile_overlayer_lowered:
.L_overlay_start_2:
0x5c: {  	(tag) =	ssettag $0x2  }
0x5d: {  	s0 =	rddreg [dreg:$0x0];
	s2 =	stileid.u32  }
0x5e: {  	s1 =	rddreg [dreg:$0x1];
	p0 =	sne.s32 s2, $0x0  }
0x5f: {  	s3 =	rddreg [dreg:$0x2];
	[bflag:$0x3] =	sbarrier.arrive $0xFFFF;
	s2 =	simm.s32 @!p0 $0x1C03  }
0x60: {  	[timem:s3], [sflag:s2] =	dma.local @!p0 [hbm:s0], s1  }
0x61: {  	s0 =	simm.s32 @!p0 $0x3  }
0x62: {  	_ =	swait.ge @!p0 [sflag:s0], s1  }
0x63: {  	s1 =	ssub.s32 @!p0 $0x0, s1;
	[sflag:s0] =	ssyncset.done @!p0 $0x0  }
0x64: {  	[sflag:s0] =	ssyncadd.s32 @!p0 s1  }
0x65: {  	[bflag:$0x3] =	sbarrier.arrive $0xFFFF  }
0x66: {  	_ =	shalt  }

</sc_bundles>
